<compile_context>
chip_gen: v7x
topology: tpu7x:2x2x1
jax: 0.10.2.dev20260603
libtpu: 0.0.44.dev20260713+nightly
codegen_flags: <defaults>
</compile_context>

<pallas_src>
import functools

import jax
import jax.numpy as jnp
from jax import lax
from jax.experimental import pallas as pl
from jax.experimental.pallas import tpu as pltpu
from jax.experimental.pallas import tpu_sc as plsc

V, D, S, K, M = 100000, 128, 2048, 8, 8192
NC, NS, L = 2, 16, 16
NW = NC * NS
ROWS_A = S // NW
WPK = NW // K
KPC = K // NC
RPW = M // WPK
CHUNK = 128
NBUF = 5
NCHUNK = RPW // CHUNK
GPC = CHUNK // L
DL = D // L
TRASH = S

_mesh = plsc.VectorSubcoreMesh(core_axis_name="c", subcore_axis_name="s")


def _bcast(x, lane):
    idx = jnp.broadcast_to(jnp.asarray(lane, jnp.int32), (L,))
    return jnp.take_along_axis(x, idx, axis=0, mode="promise_in_bounds")


def _lane_reduce(x, op):
    lanes = lax.iota(jnp.int32, L)
    for sh in (8, 4, 2, 1):
        idx = jnp.bitwise_xor(lanes, sh)
        x = op(x, jnp.take_along_axis(x, idx, axis=0,
                                      mode="promise_in_bounds"))
    return x


@functools.partial(
    pl.kernel,
    out_type=jax.ShapeDtypeStruct((S + 8, D), jnp.float32),
    mesh=_mesh,
    scratch_types=[
        pltpu.VMEM((ROWS_A,), jnp.int32),
        pltpu.VMEM((ROWS_A,), jnp.int32),
        pltpu.VMEM((ROWS_A, D), jnp.float32),
        pltpu.VMEM((M,), jnp.float32),
        pltpu.VMEM((RPW,), jnp.int32),
        pltpu.VMEM((RPW,), jnp.float32),
        pltpu.VMEM((L,), jnp.int32),
        pltpu.VMEM((CHUNK, D), jnp.float32),
        pltpu.VMEM((CHUNK, D), jnp.float32),
        pltpu.VMEM((CHUNK, D), jnp.float32),
        pltpu.VMEM((CHUNK, D), jnp.float32),
        pltpu.VMEM((CHUNK, D), jnp.float32),
        pltpu.VMEM((NS, D), jnp.float32),
        pltpu.VMEM((L, D), jnp.float32),
        pltpu.VMEM((L,), jnp.int32),
        pltpu.VMEM_SHARED((NS, D), jnp.float32),
        pltpu.SemaphoreType.DMA,
        pltpu.SemaphoreType.DMA,
        pltpu.SemaphoreType.DMA,
        pltpu.SemaphoreType.DMA,
        pltpu.SemaphoreType.DMA,
        pltpu.SemaphoreType.DMA,
        pltpu.SemaphoreType.DMA,
        pltpu.SemaphoreType.DMA,
        pltpu.SemaphoreType.DMA,
        pltpu.SemaphoreType.DMA,
        pltpu.SemaphoreType.DMA,
    ],
)
def _sc_combiner(table, src_idx, pos16, masks, weights,
                 out, sidx, didx, srows, wbuf, midx_all, cbuf, posv,
                 buf0, buf1, buf2, buf3, buf4, comb, crow, didx16, shared,
                 sem_w, sem_m, sem_s, sem_p, sem_g, sem_o,
                 sem_b0, sem_b1, sem_b2, sem_b3, sem_b4):
    c = lax.axis_index("c")
    s = lax.axis_index("s")
    wid = c * NS + s
    k = c * KPC + s // WPK
    q = s % WPK
    base = wid * ROWS_A

    cp_w = pltpu.async_copy(weights.at[k], wbuf, sem_w)
    cp_m = pltpu.async_copy(masks.at[k, pl.ds(q * RPW, RPW)], midx_all, sem_m)
    cp_si = pltpu.async_copy(src_idx.at[pl.ds(base, ROWS_A)], sidx, sem_s)
    cp_p = pltpu.async_copy(pos16, posv.at[pl.ds(0, K)], sem_p)

    cp_si.wait()
    cp_sr = pltpu.async_copy(table.at[sidx], srows, sem_g)

    cp_m.wait()
    bufs = [buf0, buf1, buf2, buf3, buf4]
    sems = [sem_b0, sem_b1, sem_b2, sem_b3, sem_b4]
    handles = [
        pltpu.async_copy(table.at[midx_all.at[pl.ds(t * CHUNK, CHUNK)]],
                         bufs[t], sems[t])
        for t in range(NBUF)
    ]

    cp_p.wait()
    lanes = lax.iota(jnp.int32, L)
    pos = jnp.where(lanes < K, posv[...], TRASH)
    nxt = jnp.take_along_axis(pos, jnp.minimum(lanes + 1, L - 1), axis=0,
                              mode="promise_in_bounds")
    winner = (lanes < K) & ((pos != nxt) | (lanes == K - 1))
    dstp = jnp.where(winner, pos, TRASH)

    pk_b = [_bcast(dstp, kk) for kk in range(K)]
    for g in range(ROWS_A // L):
        d16 = base + g * L + lanes
        for kk in range(K):
            d16 = jnp.where(d16 == pk_b[kk], TRASH, d16)
        didx[pl.ds(g * L, L)] = d16

    cp_w.wait()

    def max_body(i, m):
        return jnp.maximum(m, wbuf[pl.ds(i * L, L)])
    m16 = plsc.parallel_loop(0, M // L, unroll=8,
                             carry=jnp.full((L,), -jnp.inf, jnp.float32))(
                                 max_body)
    gmax = _lane_reduce(m16, jnp.maximum)

    def sum_body(i, a):
        return a + jnp.exp(wbuf[pl.ds(i * L, L)] - gmax)
    s16 = plsc.parallel_loop(0, M // L, unroll=8,
                             carry=jnp.zeros((L,), jnp.float32))(sum_body)
    inv = 1.0 / _lane_reduce(s16, jnp.add)

    @plsc.parallel_loop(0, RPW // L, unroll=4)
    def _coef(i):
        w16 = wbuf[pl.ds(q * RPW + i * L, L)]
        cbuf[pl.ds(i * L, L)] = jnp.exp(w16 - gmax) * inv

    cp_sr.wait()
    cp_out = pltpu.async_copy(srows, out.at[didx], sem_o)

    def make_row_body(t, buf):
        def row_body(r, acc8):
            g = t * CHUNK + (r & ~(L - 1))
            c16 = cbuf[pl.ds(g, L)]
            crb = _bcast(c16, r & (L - 1))
            accs = list(acc8)
            for j in range(DL):
                accs[j] = accs[j] + crb * buf[r, pl.ds(j * L, L)]
            return tuple(accs)
        return row_body

    acc8 = tuple(jnp.zeros((L,), jnp.float32) for _ in range(DL))
    for t in range(NCHUNK):
        b = t % NBUF
        handles[b].wait()
        acc8 = plsc.parallel_loop(0, CHUNK, unroll=4, carry=acc8)(
            make_row_body(t, bufs[b]))
        if t + NBUF < NCHUNK:
            handles[b] = pltpu.async_copy(
                table.at[midx_all.at[pl.ds((t + NBUF) * CHUNK, CHUNK)]],
                bufs[b], sems[b])
    cp_out.wait()

    for j in range(DL):
        srows[0, pl.ds(j * L, L)] = acc8[j]
    pltpu.sync_copy(srows.at[0], shared.at[s])
    plsc.subcore_barrier()

    @pl.when(s == 0)
    def _():
        pltpu.sync_copy(shared, comb)
        for kl in range(KPC):
            for j in range(DL):
                v = (comb[kl * WPK + 0, pl.ds(j * L, L)]
                     + comb[kl * WPK + 1, pl.ds(j * L, L)]
                     + comb[kl * WPK + 2, pl.ds(j * L, L)]
                     + comb[kl * WPK + 3, pl.ds(j * L, L)])
                crow[kl, pl.ds(j * L, L)] = v
        zero = jnp.zeros((L,), jnp.float32)
        for kl in range(KPC, L):
            for j in range(DL):
                crow[kl, pl.ds(j * L, L)] = zero
        sel = jnp.where(lanes < KPC, lanes + c * KPC, 0)
        sidx16 = jnp.where(
            lanes < KPC,
            jnp.take_along_axis(dstp, sel, axis=0,
                                mode="promise_in_bounds"),
            TRASH)
        didx16[...] = sidx16
        pltpu.async_copy(crow, out.at[didx16], sem_o).wait()


def kernel(src, tgt, src_lengths, positions, masks, weights, embed_weights):
    out = _sc_combiner(
        embed_weights.astype(jnp.float32),
        src.reshape(S).astype(jnp.int32),
        positions.astype(jnp.int32),
        masks.astype(jnp.int32),
        weights.astype(jnp.float32),
    )
    return (out[:S], tgt, src_lengths)

# --- scband reference (transcript-rebuilt; emitter-appended) ---
"""Pipeline reference for scband-multi-linear-combiner-36155034698242 (READ-ONLY COPY).

The authoritative reference and input builder live on the scoring server;
editing this copy changes nothing except your own understanding.
"""

import jax, jax.numpy as jnp
import numpy as np

V, D, S, K, M = 100000, 128, 2048, 8, 8192


def setup_inputs(seed: int = 0) -> dict:
    key = jax.random.key(seed)
    ks = jax.random.split(key, 6)
    embed_weights = jax.random.normal(ks[0], (V, D), dtype=jnp.float32)
    src = jax.random.randint(ks[1], (S, 1), 0, V)
    tgt = jax.random.randint(ks[2], (S, 1), 0, V)
    src_lengths = jnp.array([S], dtype=jnp.int32)
    positions = jnp.sort(jax.random.randint(ks[3], (K,), 0, S))
    masks = jax.random.randint(ks[4], (K, M), 0, V)
    weights = jnp.ones((K, M), dtype=jnp.float32)
    return {
        "src": src,
        "tgt": tgt,
        "src_lengths": src_lengths,
        "positions": positions,
        "masks": masks,
        "weights": weights,
        "embed_weights": embed_weights,
    }


def reference(src, tgt, src_lengths, positions, masks, weights, embed_weights):
    # sentence_embedding = self.embed_weights[src.squeeze(1)]  (gather)
    sentence_embedding = jnp.take(embed_weights, src.squeeze(1), axis=0)  # [S, D]
    k_positions = weights.shape[0]
    for k in range(k_positions):
        # lc[index] = softmax(weight_vector_k)
        lc = jax.nn.softmax(weights[k], axis=-1)  # [M]
        # embed_param[index] = embed_weights[mask_k] (gather of candidate rows)
        embed_param_k = jnp.take(embed_weights, masks[k], axis=0)  # [M, D]
        # weighted sum over candidate embeddings -> [D]
        linear_combination = (embed_param_k * lc[:, None]).sum(axis=0)
        # scatter-overwrite at position index
        sentence_embedding = sentence_embedding.at[positions[k]].set(linear_combination)
    return (sentence_embedding, tgt, src_lengths)


if False:  # reference __main__ guard neutralized (emitter)
    out = reference(**setup_inputs())
    print(out[0].shape, out[1].shape, out[2].shape)

if __name__ == "__main__":
    import jax
    _d = setup_inputs()
    print(jax.jit(kernel)(*tuple(_d.values())))

</pallas_src>

<mosaic_0001>
#map = affine_map<(d0, d1) -> (0, 0)>
#map1 = affine_map<(d0, d1) -> (0)>
module attributes {stable_mosaic.version = 14 : i64} {
  func.func @_sc_combiner(%arg0: i32, %arg1: i32, %arg2: memref<100000x128xf32, #tpu.memory_space<hbm>>, %arg3: memref<2048xi32, #tpu.memory_space<hbm>>, %arg4: memref<8xi32, #tpu.memory_space<hbm>>, %arg5: memref<8x8192xi32, #tpu.memory_space<hbm>>, %arg6: memref<8x8192xf32, #tpu.memory_space<hbm>>, %arg7: memref<2056x128xf32, #tpu.memory_space<hbm>>, %arg8: memref<64xi32, #tpu.memory_space<vmem>>, %arg9: memref<64xi32, #tpu.memory_space<vmem>>, %arg10: memref<64x128xf32, #tpu.memory_space<vmem>>, %arg11: memref<8192xf32, #tpu.memory_space<vmem>>, %arg12: memref<2048xi32, #tpu.memory_space<vmem>>, %arg13: memref<2048xf32, #tpu.memory_space<vmem>>, %arg14: memref<16xi32, #tpu.memory_space<vmem>>, %arg15: memref<128x128xf32, #tpu.memory_space<vmem>>, %arg16: memref<128x128xf32, #tpu.memory_space<vmem>>, %arg17: memref<128x128xf32, #tpu.memory_space<vmem>>, %arg18: memref<128x128xf32, #tpu.memory_space<vmem>>, %arg19: memref<128x128xf32, #tpu.memory_space<vmem>>, %arg20: memref<16x128xf32, #tpu.memory_space<vmem>>, %arg21: memref<16x128xf32, #tpu.memory_space<vmem>>, %arg22: memref<16xi32, #tpu.memory_space<vmem>>, %arg23: memref<16x128xf32, #tpu.memory_space<vmem_shared>>, %arg24: memref<!tpu.dma_semaphore, #tpu.memory_space<semaphore_mem>>, %arg25: memref<!tpu.dma_semaphore, #tpu.memory_space<semaphore_mem>>, %arg26: memref<!tpu.dma_semaphore, #tpu.memory_space<semaphore_mem>>, %arg27: memref<!tpu.dma_semaphore, #tpu.memory_space<semaphore_mem>>, %arg28: memref<!tpu.dma_semaphore, #tpu.memory_space<semaphore_mem>>, %arg29: memref<!tpu.dma_semaphore, #tpu.memory_space<semaphore_mem>>, %arg30: memref<!tpu.dma_semaphore, #tpu.memory_space<semaphore_mem>>, %arg31: memref<!tpu.dma_semaphore, #tpu.memory_space<semaphore_mem>>, %arg32: memref<!tpu.dma_semaphore, #tpu.memory_space<semaphore_mem>>, %arg33: memref<!tpu.dma_semaphore, #tpu.memory_space<semaphore_mem>>, %arg34: memref<!tpu.dma_semaphore, #tpu.memory_space<semaphore_mem>>) attributes {dimension_semantics = [#tpu.dimension_semantics<core_parallel>, #tpu.dimension_semantics<subcore_parallel>], iteration_bounds = array<i64: 2, 16>, scalar_prefetch = 0 : i64, scratch_operands = 27 : i64, tpu.core_type = #tpu.core_type<sc_vector_subcore>, window_params = [{transform_indices = #map}, {transform_indices = #map1}, {transform_indices = #map1}, {transform_indices = #map}, {transform_indices = #map}, {transform_indices = #map}]} {
    %mul3A = arith.constant 16 : i32
    %mul3A_0 = arith.muli %arg0, %mul3A : i32
    %add3A = arith.addi %mul3A_0, %arg1 : i32
    %mul3A_1 = arith.constant 4 : i32
    %mul3A_2 = arith.muli %arg0, %mul3A_1 : i32
    %jit3A = arith.constant 4 : i32
    %div3A = arith.divsi %arg1, %jit3A : i32
    %sign3A = arith.constant 0 : i32
    %sign3A_3 = arith.cmpi sgt, %arg1, %sign3A : i32
    %sign3A_4 = arith.extui %sign3A_3 : i1 to i32
    %sign3A_5 = arith.constant 0 : i32
    %sign3A_6 = arith.cmpi slt, %arg1, %sign3A_5 : i32
    %sign3A_7 = arith.extui %sign3A_6 : i1 to i32
    %sign3A_8 = arith.subi %sign3A_4, %sign3A_7 : i32
    %sign3A_9 = arith.constant 0 : i32
    %sign3A_10 = arith.cmpi sgt, %jit3A, %sign3A_9 : i32
    %sign3A_11 = arith.extui %sign3A_10 : i1 to i32
    %sign3A_12 = arith.constant 0 : i32
    %sign3A_13 = arith.cmpi slt, %jit3A, %sign3A_12 : i32
    %sign3A_14 = arith.extui %sign3A_13 : i1 to i32
    %sign3A_15 = arith.subi %sign3A_11, %sign3A_14 : i32
    %ne3A = arith.cmpi ne, %sign3A_8, %sign3A_15 : i32
    %rem3A = arith.remsi %arg1, %jit3A : i32
    %ne3A_16 = arith.constant 0 : i32
    %ne3A_17 = arith.cmpi ne, %rem3A, %ne3A_16 : i32
    %and3A = arith.andi %ne3A, %ne3A_17 : i1
    %sub3A = arith.constant 1 : i32
    %sub3A_18 = arith.subi %div3A, %sub3A : i32
    %select_n3A = arith.select %and3A, %sub3A_18, %div3A : i32
    %add3A_19 = arith.addi %mul3A_2, %select_n3A : i32
    %jit3A_20 = arith.constant 4 : i32
    %eq3A = arith.constant 0 : i32
    %eq3A_21 = arith.cmpi eq, %jit3A_20, %eq3A : i32
    %jit3A_22 = arith.constant 1 : i32
    %select_n3A_23 = arith.select %eq3A_21, %jit3A_22, %jit3A_20 : i32
    %rem3A_24 = arith.remsi %arg1, %select_n3A_23 : i32
    %ne3A_25 = arith.constant 0 : i32
    %ne3A_26 = arith.cmpi ne, %rem3A_24, %ne3A_25 : i32
    %lt3A = arith.constant 0 : i32
    %lt3A_27 = arith.cmpi slt, %rem3A_24, %lt3A : i32
    %lt3A_28 = arith.constant 0 : i32
    %lt3A_29 = arith.cmpi slt, %select_n3A_23, %lt3A_28 : i32
    %ne3A_30 = arith.xori %lt3A_27, %lt3A_29 : i1
    %and3A_31 = arith.andi %ne3A_30, %ne3A_26 : i1
    %add3A_32 = arith.addi %rem3A_24, %select_n3A_23 : i32
    %select_n3A_33 = arith.select %and3A_31, %add3A_32, %rem3A_24 : i32
    %mul3A_34 = arith.constant 64 : i32
    %mul3A_35 = arith.muli %add3A, %mul3A_34 : i32
    %dma_start3A = arith.constant 0 : i32
    %dma_start3A_36 = tpu.memref_slice %arg6[%add3A_19, %dma_start3A] : memref<8x8192xf32, #tpu.memory_space<hbm>> -> memref<1x8192xf32, #tpu.memory_space<hbm>>
    %dma_start3A_37 = tpu.memref_squeeze %dma_start3A_36 : memref<1x8192xf32, #tpu.memory_space<hbm>> -> memref<8192xf32, #tpu.memory_space<hbm>>
    %dma_start3A_38 = arith.constant 0 : i32
    %dma_start3A_39 = tpu.memref_slice %arg6[%add3A_19, %dma_start3A_38] : memref<8x8192xf32, #tpu.memory_space<hbm>> -> memref<1x8192xf32, #tpu.memory_space<hbm>>
    %dma_start3A_40 = tpu.memref_squeeze %dma_start3A_39 : memref<1x8192xf32, #tpu.memory_space<hbm>> -> memref<8192xf32, #tpu.memory_space<hbm>>
    tpu.enqueue_dma source(%dma_start3A_40 : memref<8192xf32, #tpu.memory_space<hbm>>) target(%arg11 : memref<8192xf32, #tpu.memory_space<vmem>>) target_semaphore(%arg24 : memref<!tpu.dma_semaphore, #tpu.memory_space<semaphore_mem>>)
    %mul3A_41 = arith.constant 2048 : i32
    %mul3A_42 = arith.muli %select_n3A_33, %mul3A_41 : i32
    %dma_start3A_43 = tpu.memref_slice %arg5[%add3A_19, %mul3A_42] : memref<8x8192xi32, #tpu.memory_space<hbm>> -> memref<1x2048xi32, #tpu.memory_space<hbm>>
    %dma_start3A_44 = tpu.memref_squeeze %dma_start3A_43 : memref<1x2048xi32, #tpu.memory_space<hbm>> -> memref<2048xi32, #tpu.memory_space<hbm>>
    %dma_start3A_45 = tpu.memref_slice %arg5[%add3A_19, %mul3A_42] : memref<8x8192xi32, #tpu.memory_space<hbm>> -> memref<1x2048xi32, #tpu.memory_space<hbm>>
    %dma_start3A_46 = tpu.memref_squeeze %dma_start3A_45 : memref<1x2048xi32, #tpu.memory_space<hbm>> -> memref<2048xi32, #tpu.memory_space<hbm>>
    tpu.enqueue_dma source(%dma_start3A_46 : memref<2048xi32, #tpu.memory_space<hbm>>) target(%arg12 : memref<2048xi32, #tpu.memory_space<vmem>>) target_semaphore(%arg25 : memref<!tpu.dma_semaphore, #tpu.memory_space<semaphore_mem>>)
    %dma_start3A_47 = tpu.memref_slice %arg3[%mul3A_35] : memref<2048xi32, #tpu.memory_space<hbm>> -> memref<64xi32, #tpu.memory_space<hbm>>
    %dma_start3A_48 = tpu.memref_slice %arg3[%mul3A_35] : memref<2048xi32, #tpu.memory_space<hbm>> -> memref<64xi32, #tpu.memory_space<hbm>>
    tpu.enqueue_dma source(%dma_start3A_48 : memref<64xi32, #tpu.memory_space<hbm>>) target(%arg8 : memref<64xi32, #tpu.memory_space<vmem>>) target_semaphore(%arg26 : memref<!tpu.dma_semaphore, #tpu.memory_space<semaphore_mem>>)
    %dma_start3A_49 = arith.constant 0 : i32
    %dma_start3A_50 = tpu.memref_slice %arg14[%dma_start3A_49] : memref<16xi32, #tpu.memory_space<vmem>> -> memref<8xi32, #tpu.memory_space<vmem>>
    %dma_start3A_51 = arith.constant 0 : i32
    %dma_start3A_52 = tpu.memref_slice %arg14[%dma_start3A_51] : memref<16xi32, #tpu.memory_space<vmem>> -> memref<8xi32, #tpu.memory_space<vmem>>
    tpu.enqueue_dma source(%arg4 : memref<8xi32, #tpu.memory_space<hbm>>) target(%dma_start3A_52 : memref<8xi32, #tpu.memory_space<vmem>>) target_semaphore(%arg27 : memref<!tpu.dma_semaphore, #tpu.memory_space<semaphore_mem>>)
    %dma_wait3A = tpu.memref_slice %arg3[%mul3A_35] : memref<2048xi32, #tpu.memory_space<hbm>> -> memref<64xi32, #tpu.memory_space<hbm>>
    %dma_wait3A_53 = tpu.memref_slice %arg3[%mul3A_35] : memref<2048xi32, #tpu.memory_space<hbm>> -> memref<64xi32, #tpu.memory_space<hbm>>
    tpu.wait_dma2 semaphore(%arg26 : memref<!tpu.dma_semaphore, #tpu.memory_space<semaphore_mem>>) src(%dma_wait3A_53 : memref<64xi32, #tpu.memory_space<hbm>>) dst(%arg8 : memref<64xi32, #tpu.memory_space<vmem>>)
    %dma_start3A_54 = arith.constant 0 : i32
    %dma_start3A_55 = arith.constant 0 : i32
    %dma_start3A_56 = tpu.memref_slice %arg2[%dma_start3A_54, %dma_start3A_55] : memref<100000x128xf32, #tpu.memory_space<hbm>> -> memref<100000x128xf32, #tpu.memory_space<hbm>>
    tpu.enqueue_indirect_dma source(%dma_start3A_56 : memref<100000x128xf32, #tpu.memory_space<hbm>>) target(%arg10 : memref<64x128xf32, #tpu.memory_space<vmem>>) offsets(%arg8 : memref<64xi32, #tpu.memory_space<vmem>>) semaphore(%arg28 : memref<!tpu.dma_semaphore, #tpu.memory_space<semaphore_mem>>)
    %dma_wait3A_57 = tpu.memref_slice %arg5[%add3A_19, %mul3A_42] : memref<8x8192xi32, #tpu.memory_space<hbm>> -> memref<1x2048xi32, #tpu.memory_space<hbm>>
    %dma_wait3A_58 = tpu.memref_squeeze %dma_wait3A_57 : memref<1x2048xi32, #tpu.memory_space<hbm>> -> memref<2048xi32, #tpu.memory_space<hbm>>
    %dma_wait3A_59 = tpu.memref_slice %arg5[%add3A_19, %mul3A_42] : memref<8x8192xi32, #tpu.memory_space<hbm>> -> memref<1x2048xi32, #tpu.memory_space<hbm>>
    %dma_wait3A_60 = tpu.memref_squeeze %dma_wait3A_59 : memref<1x2048xi32, #tpu.memory_space<hbm>> -> memref<2048xi32, #tpu.memory_space<hbm>>
    tpu.wait_dma2 semaphore(%arg25 : memref<!tpu.dma_semaphore, #tpu.memory_space<semaphore_mem>>) src(%dma_wait3A_60 : memref<2048xi32, #tpu.memory_space<hbm>>) dst(%arg12 : memref<2048xi32, #tpu.memory_space<vmem>>)
    %dma_start3A_61 = arith.constant 0 : i32
    %dma_start3A_62 = tpu.memref_slice %arg12[%dma_start3A_61] : memref<2048xi32, #tpu.memory_space<vmem>> -> memref<128xi32, #tpu.memory_space<vmem>>
    %dma_start3A_63 = arith.constant 0 : i32
    %dma_start3A_64 = arith.constant 0 : i32
    %dma_start3A_65 = tpu.memref_slice %arg2[%dma_start3A_63, %dma_start3A_64] : memref<100000x128xf32, #tpu.memory_space<hbm>> -> memref<100000x128xf32, #tpu.memory_space<hbm>>
    tpu.enqueue_indirect_dma source(%dma_start3A_65 : memref<100000x128xf32, #tpu.memory_space<hbm>>) target(%arg15 : memref<128x128xf32, #tpu.memory_space<vmem>>) offsets(%dma_start3A_62 : memref<128xi32, #tpu.memory_space<vmem>>) semaphore(%arg30 : memref<!tpu.dma_semaphore, #tpu.memory_space<semaphore_mem>>)
    %dma_start3A_66 = arith.constant 128 : i32
    %dma_start3A_67 = tpu.memref_slice %arg12[%dma_start3A_66] : memref<2048xi32, #tpu.memory_space<vmem>> -> memref<128xi32, #tpu.memory_space<vmem>>
    %dma_start3A_68 = arith.constant 0 : i32
    %dma_start3A_69 = arith.constant 0 : i32
    %dma_start3A_70 = tpu.memref_slice %arg2[%dma_start3A_68, %dma_start3A_69] : memref<100000x128xf32, #tpu.memory_space<hbm>> -> memref<100000x128xf32, #tpu.memory_space<hbm>>
    tpu.enqueue_indirect_dma source(%dma_start3A_70 : memref<100000x128xf32, #tpu.memory_space<hbm>>) target(%arg16 : memref<128x128xf32, #tpu.memory_space<vmem>>) offsets(%dma_start3A_67 : memref<128xi32, #tpu.memory_space<vmem>>) semaphore(%arg31 : memref<!tpu.dma_semaphore, #tpu.memory_space<semaphore_mem>>)
    %dma_start3A_71 = arith.constant 256 : i32
    %dma_start3A_72 = tpu.memref_slice %arg12[%dma_start3A_71] : memref<2048xi32, #tpu.memory_space<vmem>> -> memref<128xi32, #tpu.memory_space<vmem>>
    %dma_start3A_73 = arith.constant 0 : i32
    %dma_start3A_74 = arith.constant 0 : i32
    %dma_start3A_75 = tpu.memref_slice %arg2[%dma_start3A_73, %dma_start3A_74] : memref<100000x128xf32, #tpu.memory_space<hbm>> -> memref<100000x128xf32, #tpu.memory_space<hbm>>
    tpu.enqueue_indirect_dma source(%dma_start3A_75 : memref<100000x128xf32, #tpu.memory_space<hbm>>) target(%arg17 : memref<128x128xf32, #tpu.memory_space<vmem>>) offsets(%dma_start3A_72 : memref<128xi32, #tpu.memory_space<vmem>>) semaphore(%arg32 : memref<!tpu.dma_semaphore, #tpu.memory_space<semaphore_mem>>)
    %dma_start3A_76 = arith.constant 384 : i32
    %dma_start3A_77 = tpu.memref_slice %arg12[%dma_start3A_76] : memref<2048xi32, #tpu.memory_space<vmem>> -> memref<128xi32, #tpu.memory_space<vmem>>
    %dma_start3A_78 = arith.constant 0 : i32
    %dma_start3A_79 = arith.constant 0 : i32
    %dma_start3A_80 = tpu.memref_slice %arg2[%dma_start3A_78, %dma_start3A_79] : memref<100000x128xf32, #tpu.memory_space<hbm>> -> memref<100000x128xf32, #tpu.memory_space<hbm>>
    tpu.enqueue_indirect_dma source(%dma_start3A_80 : memref<100000x128xf32, #tpu.memory_space<hbm>>) target(%arg18 : memref<128x128xf32, #tpu.memory_space<vmem>>) offsets(%dma_start3A_77 : memref<128xi32, #tpu.memory_space<vmem>>) semaphore(%arg33 : memref<!tpu.dma_semaphore, #tpu.memory_space<semaphore_mem>>)
    %dma_start3A_81 = arith.constant 512 : i32
    %dma_start3A_82 = tpu.memref_slice %arg12[%dma_start3A_81] : memref<2048xi32, #tpu.memory_space<vmem>> -> memref<128xi32, #tpu.memory_space<vmem>>
    %dma_start3A_83 = arith.constant 0 : i32
    %dma_start3A_84 = arith.constant 0 : i32
    %dma_start3A_85 = tpu.memref_slice %arg2[%dma_start3A_83, %dma_start3A_84] : memref<100000x128xf32, #tpu.memory_space<hbm>> -> memref<100000x128xf32, #tpu.memory_space<hbm>>
    tpu.enqueue_indirect_dma source(%dma_start3A_85 : memref<100000x128xf32, #tpu.memory_space<hbm>>) target(%arg19 : memref<128x128xf32, #tpu.memory_space<vmem>>) offsets(%dma_start3A_82 : memref<128xi32, #tpu.memory_space<vmem>>) semaphore(%arg34 : memref<!tpu.dma_semaphore, #tpu.memory_space<semaphore_mem>>)
    %dma_wait3A_86 = arith.constant 0 : i32
    %dma_wait3A_87 = tpu.memref_slice %arg14[%dma_wait3A_86] : memref<16xi32, #tpu.memory_space<vmem>> -> memref<8xi32, #tpu.memory_space<vmem>>
    %dma_wait3A_88 = arith.constant 0 : i32
    %dma_wait3A_89 = tpu.memref_slice %arg14[%dma_wait3A_88] : memref<16xi32, #tpu.memory_space<vmem>> -> memref<8xi32, #tpu.memory_space<vmem>>
    tpu.wait_dma2 semaphore(%arg27 : memref<!tpu.dma_semaphore, #tpu.memory_space<semaphore_mem>>) src(%arg4 : memref<8xi32, #tpu.memory_space<hbm>>) dst(%dma_wait3A_89 : memref<8xi32, #tpu.memory_space<vmem>>)
    %iota3A = tpu.iota {dimensions = array<i32: 0>} : vector<16xi32>
    %lt3A_90 = arith.constant 8 : i32
    %lt3A_91 = vector.broadcast %lt3A_90 : i32 to vector<16xi32>
    %lt3A_92 = arith.cmpi slt, %iota3A, %lt3A_91 : vector<16xi32>
    %get3A = arith.constant 0 : index
    %get3A_93 = tpu.vector_load %arg14[%get3A] {strides = array<i32>} : memref<16xi32, #tpu.memory_space<vmem>>, vector<16xi32>,
    %get3A_94 = vector.shape_cast %get3A_93 : vector<16xi32> to vector<16xi32>
    %jit3A_95 = arith.constant 2048 : i32
    %broadcast_in_dim3A = vector.broadcast %jit3A_95 : i32 to vector<16xi32>
    %select_n3A_96 = arith.select %lt3A_92, %get3A_94, %broadcast_in_dim3A : vector<16xi1>, vector<16xi32>
    %add3A_97 = arith.constant 1 : i32
    %add3A_98 = vector.broadcast %add3A_97 : i32 to vector<16xi32>
    %add3A_99 = arith.addi %iota3A, %add3A_98 : vector<16xi32>
    %min3A = arith.constant 15 : i32
    %min3A_100 = vector.broadcast %min3A : i32 to vector<16xi32>
    %min3A_101 = arith.minsi %add3A_99, %min3A_100 : vector<16xi32>
    %reshape3A = vector.shape_cast %min3A_101 : vector<16xi32> to vector<16x1xi32>
    %gather3A = vector.shape_cast %reshape3A : vector<16x1xi32> to vector<16xi32>
    %gather3A_102 = tpu.dynamic_gather %select_n3A_96[%gather3A] in [0] : vector<16xi32>, vector<16xi32> -> vector<16xi32>
    %lt3A_103 = arith.constant 8 : i32
    %lt3A_104 = vector.broadcast %lt3A_103 : i32 to vector<16xi32>
    %lt3A_105 = arith.cmpi slt, %iota3A, %lt3A_104 : vector<16xi32>
    %ne3A_106 = arith.cmpi ne, %select_n3A_96, %gather3A_102 : vector<16xi32>
    %eq3A_107 = arith.constant 7 : i32
    %eq3A_108 = vector.broadcast %eq3A_107 : i32 to vector<16xi32>
    %eq3A_109 = arith.cmpi eq, %iota3A, %eq3A_108 : vector<16xi32>
    %or3A = arith.ori %ne3A_106, %eq3A_109 : vector<16xi1>
    %and3A_110 = arith.andi %lt3A_105, %or3A : vector<16xi1>
    %jit3A_111 = arith.constant 2048 : i32
    %broadcast_in_dim3A_112 = vector.broadcast %jit3A_111 : i32 to vector<16xi32>
    %select_n3A_113 = arith.select %and3A_110, %select_n3A_96, %broadcast_in_dim3A_112 : vector<16xi1>, vector<16xi32>
    %broadcast_in_dim3A_114 = arith.constant 0 : i32
    %broadcast_in_dim3A_115 = vector.broadcast %broadcast_in_dim3A_114 : i32 to vector<16xi32>
    %reshape3A_116 = vector.shape_cast %broadcast_in_dim3A_115 : vector<16xi32> to vector<16x1xi32>
    %gather3A_117 = vector.shape_cast %reshape3A_116 : vector<16x1xi32> to vector<16xi32>
    %gather3A_118 = tpu.dynamic_gather %select_n3A_113[%gather3A_117] in [0] : vector<16xi32>, vector<16xi32> -> vector<16xi32>
    %broadcast_in_dim3A_119 = arith.constant 1 : i32
    %broadcast_in_dim3A_120 = vector.broadcast %broadcast_in_dim3A_119 : i32 to vector<16xi32>
    %reshape3A_121 = vector.shape_cast %broadcast_in_dim3A_120 : vector<16xi32> to vector<16x1xi32>
    %gather3A_122 = vector.shape_cast %reshape3A_121 : vector<16x1xi32> to vector<16xi32>
    %gather3A_123 = tpu.dynamic_gather %select_n3A_113[%gather3A_122] in [0] : vector<16xi32>, vector<16xi32> -> vector<16xi32>
    %broadcast_in_dim3A_124 = arith.constant 2 : i32
    %broadcast_in_dim3A_125 = vector.broadcast %broadcast_in_dim3A_124 : i32 to vector<16xi32>
    %reshape3A_126 = vector.shape_cast %broadcast_in_dim3A_125 : vector<16xi32> to vector<16x1xi32>
    %gather3A_127 = vector.shape_cast %reshape3A_126 : vector<16x1xi32> to vector<16xi32>
    %gather3A_128 = tpu.dynamic_gather %select_n3A_113[%gather3A_127] in [0] : vector<16xi32>, vector<16xi32> -> vector<16xi32>
    %broadcast_in_dim3A_129 = arith.constant 3 : i32
    %broadcast_in_dim3A_130 = vector.broadcast %broadcast_in_dim3A_129 : i32 to vector<16xi32>
    %reshape3A_131 = vector.shape_cast %broadcast_in_dim3A_130 : vector<16xi32> to vector<16x1xi32>
    %gather3A_132 = vector.shape_cast %reshape3A_131 : vector<16x1xi32> to vector<16xi32>
    %gather3A_133 = tpu.dynamic_gather %select_n3A_113[%gather3A_132] in [0] : vector<16xi32>, vector<16xi32> -> vector<16xi32>
    %broadcast_in_dim3A_134 = arith.constant 4 : i32
    %broadcast_in_dim3A_135 = vector.broadcast %broadcast_in_dim3A_134 : i32 to vector<16xi32>
    %reshape3A_136 = vector.shape_cast %broadcast_in_dim3A_135 : vector<16xi32> to vector<16x1xi32>
    %gather3A_137 = vector.shape_cast %reshape3A_136 : vector<16x1xi32> to vector<16xi32>
    %gather3A_138 = tpu.dynamic_gather %select_n3A_113[%gather3A_137] in [0] : vector<16xi32>, vector<16xi32> -> vector<16xi32>
    %broadcast_in_dim3A_139 = arith.constant 5 : i32
    %broadcast_in_dim3A_140 = vector.broadcast %broadcast_in_dim3A_139 : i32 to vector<16xi32>
    %reshape3A_141 = vector.shape_cast %broadcast_in_dim3A_140 : vector<16xi32> to vector<16x1xi32>
    %gather3A_142 = vector.shape_cast %reshape3A_141 : vector<16x1xi32> to vector<16xi32>
    %gather3A_143 = tpu.dynamic_gather %select_n3A_113[%gather3A_142] in [0] : vector<16xi32>, vector<16xi32> -> vector<16xi32>
    %broadcast_in_dim3A_144 = arith.constant 6 : i32
    %broadcast_in_dim3A_145 = vector.broadcast %broadcast_in_dim3A_144 : i32 to vector<16xi32>
    %reshape3A_146 = vector.shape_cast %broadcast_in_dim3A_145 : vector<16xi32> to vector<16x1xi32>
    %gather3A_147 = vector.shape_cast %reshape3A_146 : vector<16x1xi32> to vector<16xi32>
    %gather3A_148 = tpu.dynamic_gather %select_n3A_113[%gather3A_147] in [0] : vector<16xi32>, vector<16xi32> -> vector<16xi32>
    %broadcast_in_dim3A_149 = arith.constant 7 : i32
    %broadcast_in_dim3A_150 = vector.broadcast %broadcast_in_dim3A_149 : i32 to vector<16xi32>
    %reshape3A_151 = vector.shape_cast %broadcast_in_dim3A_150 : vector<16xi32> to vector<16x1xi32>
    %gather3A_152 = vector.shape_cast %reshape3A_151 : vector<16x1xi32> to vector<16xi32>
    %gather3A_153 = tpu.dynamic_gather %select_n3A_113[%gather3A_152] in [0] : vector<16xi32>, vector<16xi32> -> vector<16xi32>
    %add3A_154 = arith.constant 0 : i32
    %add3A_155 = arith.addi %mul3A_35, %add3A_154 : i32
    %add3A_156 = vector.broadcast %add3A_155 : i32 to vector<16xi32>
    %add3A_157 = arith.addi %add3A_156, %iota3A : vector<16xi32>
    %eq3A_158 = arith.cmpi eq, %add3A_157, %gather3A_118 : vector<16xi32>
    %jit3A_159 = arith.constant 2048 : i32
    %broadcast_in_dim3A_160 = vector.broadcast %jit3A_159 : i32 to vector<16xi32>
    %select_n3A_161 = arith.select %eq3A_158, %broadcast_in_dim3A_160, %add3A_157 : vector<16xi1>, vector<16xi32>
    %eq3A_162 = arith.cmpi eq, %select_n3A_161, %gather3A_123 : vector<16xi32>
    %jit3A_163 = arith.constant 2048 : i32
    %broadcast_in_dim3A_164 = vector.broadcast %jit3A_163 : i32 to vector<16xi32>
    %select_n3A_165 = arith.select %eq3A_162, %broadcast_in_dim3A_164, %select_n3A_161 : vector<16xi1>, vector<16xi32>
    %eq3A_166 = arith.cmpi eq, %select_n3A_165, %gather3A_128 : vector<16xi32>
    %jit3A_167 = arith.constant 2048 : i32
    %broadcast_in_dim3A_168 = vector.broadcast %jit3A_167 : i32 to vector<16xi32>
    %select_n3A_169 = arith.select %eq3A_166, %broadcast_in_dim3A_168, %select_n3A_165 : vector<16xi1>, vector<16xi32>
    %eq3A_170 = arith.cmpi eq, %select_n3A_169, %gather3A_133 : vector<16xi32>
    %jit3A_171 = arith.constant 2048 : i32
    %broadcast_in_dim3A_172 = vector.broadcast %jit3A_171 : i32 to vector<16xi32>
    %select_n3A_173 = arith.select %eq3A_170, %broadcast_in_dim3A_172, %select_n3A_169 : vector<16xi1>, vector<16xi32>
    %eq3A_174 = arith.cmpi eq, %select_n3A_173, %gather3A_138 : vector<16xi32>
    %jit3A_175 = arith.constant 2048 : i32
    %broadcast_in_dim3A_176 = vector.broadcast %jit3A_175 : i32 to vector<16xi32>
    %select_n3A_177 = arith.select %eq3A_174, %broadcast_in_dim3A_176, %select_n3A_173 : vector<16xi1>, vector<16xi32>
    %eq3A_178 = arith.cmpi eq, %select_n3A_177, %gather3A_143 : vector<16xi32>
    %jit3A_179 = arith.constant 2048 : i32
    %broadcast_in_dim3A_180 = vector.broadcast %jit3A_179 : i32 to vector<16xi32>
    %select_n3A_181 = arith.select %eq3A_178, %broadcast_in_dim3A_180, %select_n3A_177 : vector<16xi1>, vector<16xi32>
    %eq3A_182 = arith.cmpi eq, %select_n3A_181, %gather3A_148 : vector<16xi32>
    %jit3A_183 = arith.constant 2048 : i32
    %broadcast_in_dim3A_184 = vector.broadcast %jit3A_183 : i32 to vector<16xi32>
    %select_n3A_185 = arith.select %eq3A_182, %broadcast_in_dim3A_184, %select_n3A_181 : vector<16xi1>, vector<16xi32>
    %eq3A_186 = arith.cmpi eq, %select_n3A_185, %gather3A_153 : vector<16xi32>
    %jit3A_187 = arith.constant 2048 : i32
    %broadcast_in_dim3A_188 = vector.broadcast %jit3A_187 : i32 to vector<16xi32>
    %select_n3A_189 = arith.select %eq3A_186, %broadcast_in_dim3A_188, %select_n3A_185 : vector<16xi1>, vector<16xi32>
    %swap3A = arith.constant 0 : index
    %swap3A_190 = tpu.vector_load %arg9[%swap3A] {strides = array<i32>} : memref<64xi32, #tpu.memory_space<vmem>>, vector<16xi32>,
    %swap3A_191 = vector.shape_cast %swap3A_190 : vector<16xi32> to vector<16xi32>
    %swap3A_192 = vector.shape_cast %select_n3A_189 : vector<16xi32> to vector<16xi32>
    tpu.vector_store %arg9[%swap3A], %swap3A_192 {strides = array<i32>} : memref<64xi32, #tpu.memory_space<vmem>>, vector<16xi32>,
    %add3A_193 = arith.constant 16 : i32
    %add3A_194 = arith.addi %mul3A_35, %add3A_193 : i32
    %add3A_195 = vector.broadcast %add3A_194 : i32 to vector<16xi32>
    %add3A_196 = arith.addi %add3A_195, %iota3A : vector<16xi32>
    %eq3A_197 = arith.cmpi eq, %add3A_196, %gather3A_118 : vector<16xi32>
    %jit3A_198 = arith.constant 2048 : i32
    %broadcast_in_dim3A_199 = vector.broadcast %jit3A_198 : i32 to vector<16xi32>
    %select_n3A_200 = arith.select %eq3A_197, %broadcast_in_dim3A_199, %add3A_196 : vector<16xi1>, vector<16xi32>
    %eq3A_201 = arith.cmpi eq, %select_n3A_200, %gather3A_123 : vector<16xi32>
    %jit3A_202 = arith.constant 2048 : i32
    %broadcast_in_dim3A_203 = vector.broadcast %jit3A_202 : i32 to vector<16xi32>
    %select_n3A_204 = arith.select %eq3A_201, %broadcast_in_dim3A_203, %select_n3A_200 : vector<16xi1>, vector<16xi32>
    %eq3A_205 = arith.cmpi eq, %select_n3A_204, %gather3A_128 : vector<16xi32>
    %jit3A_206 = arith.constant 2048 : i32
    %broadcast_in_dim3A_207 = vector.broadcast %jit3A_206 : i32 to vector<16xi32>
    %select_n3A_208 = arith.select %eq3A_205, %broadcast_in_dim3A_207, %select_n3A_204 : vector<16xi1>, vector<16xi32>
    %eq3A_209 = arith.cmpi eq, %select_n3A_208, %gather3A_133 : vector<16xi32>
    %jit3A_210 = arith.constant 2048 : i32
    %broadcast_in_dim3A_211 = vector.broadcast %jit3A_210 : i32 to vector<16xi32>
    %select_n3A_212 = arith.select %eq3A_209, %broadcast_in_dim3A_211, %select_n3A_208 : vector<16xi1>, vector<16xi32>
    %eq3A_213 = arith.cmpi eq, %select_n3A_212, %gather3A_138 : vector<16xi32>
    %jit3A_214 = arith.constant 2048 : i32
    %broadcast_in_dim3A_215 = vector.broadcast %jit3A_214 : i32 to vector<16xi32>
    %select_n3A_216 = arith.select %eq3A_213, %broadcast_in_dim3A_215, %select_n3A_212 : vector<16xi1>, vector<16xi32>
    %eq3A_217 = arith.cmpi eq, %select_n3A_216, %gather3A_143 : vector<16xi32>
    %jit3A_218 = arith.constant 2048 : i32
    %broadcast_in_dim3A_219 = vector.broadcast %jit3A_218 : i32 to vector<16xi32>
    %select_n3A_220 = arith.select %eq3A_217, %broadcast_in_dim3A_219, %select_n3A_216 : vector<16xi1>, vector<16xi32>
    %eq3A_221 = arith.cmpi eq, %select_n3A_220, %gather3A_148 : vector<16xi32>
    %jit3A_222 = arith.constant 2048 : i32
    %broadcast_in_dim3A_223 = vector.broadcast %jit3A_222 : i32 to vector<16xi32>
    %select_n3A_224 = arith.select %eq3A_221, %broadcast_in_dim3A_223, %select_n3A_220 : vector<16xi1>, vector<16xi32>
    %eq3A_225 = arith.cmpi eq, %select_n3A_224, %gather3A_153 : vector<16xi32>
    %jit3A_226 = arith.constant 2048 : i32
    %broadcast_in_dim3A_227 = vector.broadcast %jit3A_226 : i32 to vector<16xi32>
    %select_n3A_228 = arith.select %eq3A_225, %broadcast_in_dim3A_227, %select_n3A_224 : vector<16xi1>, vector<16xi32>
    %swap3A_229 = arith.constant 16 : index
    %swap3A_230 = tpu.vector_load %arg9[%swap3A_229] {strides = array<i32>} : memref<64xi32, #tpu.memory_space<vmem>>, vector<16xi32>,
    %swap3A_231 = vector.shape_cast %swap3A_230 : vector<16xi32> to vector<16xi32>
    %swap3A_232 = vector.shape_cast %select_n3A_228 : vector<16xi32> to vector<16xi32>
    tpu.vector_store %arg9[%swap3A_229], %swap3A_232 {strides = array<i32>} : memref<64xi32, #tpu.memory_space<vmem>>, vector<16xi32>,
    %add3A_233 = arith.constant 32 : i32
    %add3A_234 = arith.addi %mul3A_35, %add3A_233 : i32
    %add3A_235 = vector.broadcast %add3A_234 : i32 to vector<16xi32>
    %add3A_236 = arith.addi %add3A_235, %iota3A : vector<16xi32>
    %eq3A_237 = arith.cmpi eq, %add3A_236, %gather3A_118 : vector<16xi32>
    %jit3A_238 = arith.constant 2048 : i32
    %broadcast_in_dim3A_239 = vector.broadcast %jit3A_238 : i32 to vector<16xi32>
    %select_n3A_240 = arith.select %eq3A_237, %broadcast_in_dim3A_239, %add3A_236 : vector<16xi1>, vector<16xi32>
    %eq3A_241 = arith.cmpi eq, %select_n3A_240, %gather3A_123 : vector<16xi32>
    %jit3A_242 = arith.constant 2048 : i32
    %broadcast_in_dim3A_243 = vector.broadcast %jit3A_242 : i32 to vector<16xi32>
    %select_n3A_244 = arith.select %eq3A_241, %broadcast_in_dim3A_243, %select_n3A_240 : vector<16xi1>, vector<16xi32>
    %eq3A_245 = arith.cmpi eq, %select_n3A_244, %gather3A_128 : vector<16xi32>
    %jit3A_246 = arith.constant 2048 : i32
    %broadcast_in_dim3A_247 = vector.broadcast %jit3A_246 : i32 to vector<16xi32>
    %select_n3A_248 = arith.select %eq3A_245, %broadcast_in_dim3A_247, %select_n3A_244 : vector<16xi1>, vector<16xi32>
    %eq3A_249 = arith.cmpi eq, %select_n3A_248, %gather3A_133 : vector<16xi32>
    %jit3A_250 = arith.constant 2048 : i32
    %broadcast_in_dim3A_251 = vector.broadcast %jit3A_250 : i32 to vector<16xi32>
    %select_n3A_252 = arith.select %eq3A_249, %broadcast_in_dim3A_251, %select_n3A_248 : vector<16xi1>, vector<16xi32>
    %eq3A_253 = arith.cmpi eq, %select_n3A_252, %gather3A_138 : vector<16xi32>
    %jit3A_254 = arith.constant 2048 : i32
    %broadcast_in_dim3A_255 = vector.broadcast %jit3A_254 : i32 to vector<16xi32>
    %select_n3A_256 = arith.select %eq3A_253, %broadcast_in_dim3A_255, %select_n3A_252 : vector<16xi1>, vector<16xi32>
    %eq3A_257 = arith.cmpi eq, %select_n3A_256, %gather3A_143 : vector<16xi32>
    %jit3A_258 = arith.constant 2048 : i32
    %broadcast_in_dim3A_259 = vector.broadcast %jit3A_258 : i32 to vector<16xi32>
    %select_n3A_260 = arith.select %eq3A_257, %broadcast_in_dim3A_259, %select_n3A_256 : vector<16xi1>, vector<16xi32>
    %eq3A_261 = arith.cmpi eq, %select_n3A_260, %gather3A_148 : vector<16xi32>
    %jit3A_262 = arith.constant 2048 : i32
    %broadcast_in_dim3A_263 = vector.broadcast %jit3A_262 : i32 to vector<16xi32>
    %select_n3A_264 = arith.select %eq3A_261, %broadcast_in_dim3A_263, %select_n3A_260 : vector<16xi1>, vector<16xi32>
    %eq3A_265 = arith.cmpi eq, %select_n3A_264, %gather3A_153 : vector<16xi32>
    %jit3A_266 = arith.constant 2048 : i32
    %broadcast_in_dim3A_267 = vector.broadcast %jit3A_266 : i32 to vector<16xi32>
    %select_n3A_268 = arith.select %eq3A_265, %broadcast_in_dim3A_267, %select_n3A_264 : vector<16xi1>, vector<16xi32>
    %swap3A_269 = arith.constant 32 : index
    %swap3A_270 = tpu.vector_load %arg9[%swap3A_269] {strides = array<i32>} : memref<64xi32, #tpu.memory_space<vmem>>, vector<16xi32>,
    %swap3A_271 = vector.shape_cast %swap3A_270 : vector<16xi32> to vector<16xi32>
    %swap3A_272 = vector.shape_cast %select_n3A_268 : vector<16xi32> to vector<16xi32>
    tpu.vector_store %arg9[%swap3A_269], %swap3A_272 {strides = array<i32>} : memref<64xi32, #tpu.memory_space<vmem>>, vector<16xi32>,
    %add3A_273 = arith.constant 48 : i32
    %add3A_274 = arith.addi %mul3A_35, %add3A_273 : i32
    %add3A_275 = vector.broadcast %add3A_274 : i32 to vector<16xi32>
    %add3A_276 = arith.addi %add3A_275, %iota3A : vector<16xi32>
    %eq3A_277 = arith.cmpi eq, %add3A_276, %gather3A_118 : vector<16xi32>
    %jit3A_278 = arith.constant 2048 : i32
    %broadcast_in_dim3A_279 = vector.broadcast %jit3A_278 : i32 to vector<16xi32>
    %select_n3A_280 = arith.select %eq3A_277, %broadcast_in_dim3A_279, %add3A_276 : vector<16xi1>, vector<16xi32>
    %eq3A_281 = arith.cmpi eq, %select_n3A_280, %gather3A_123 : vector<16xi32>
    %jit3A_282 = arith.constant 2048 : i32
    %broadcast_in_dim3A_283 = vector.broadcast %jit3A_282 : i32 to vector<16xi32>
    %select_n3A_284 = arith.select %eq3A_281, %broadcast_in_dim3A_283, %select_n3A_280 : vector<16xi1>, vector<16xi32>
    %eq3A_285 = arith.cmpi eq, %select_n3A_284, %gather3A_128 : vector<16xi32>
    %jit3A_286 = arith.constant 2048 : i32
    %broadcast_in_dim3A_287 = vector.broadcast %jit3A_286 : i32 to vector<16xi32>
    %select_n3A_288 = arith.select %eq3A_285, %broadcast_in_dim3A_287, %select_n3A_284 : vector<16xi1>, vector<16xi32>
    %eq3A_289 = arith.cmpi eq, %select_n3A_288, %gather3A_133 : vector<16xi32>
    %jit3A_290 = arith.constant 2048 : i32
    %broadcast_in_dim3A_291 = vector.broadcast %jit3A_290 : i32 to vector<16xi32>
    %select_n3A_292 = arith.select %eq3A_289, %broadcast_in_dim3A_291, %select_n3A_288 : vector<16xi1>, vector<16xi32>
    %eq3A_293 = arith.cmpi eq, %select_n3A_292, %gather3A_138 : vector<16xi32>
    %jit3A_294 = arith.constant 2048 : i32
    %broadcast_in_dim3A_295 = vector.broadcast %jit3A_294 : i32 to vector<16xi32>
    %select_n3A_296 = arith.select %eq3A_293, %broadcast_in_dim3A_295, %select_n3A_292 : vector<16xi1>, vector<16xi32>
    %eq3A_297 = arith.cmpi eq, %select_n3A_296, %gather3A_143 : vector<16xi32>
    %jit3A_298 = arith.constant 2048 : i32
    %broadcast_in_dim3A_299 = vector.broadcast %jit3A_298 : i32 to vector<16xi32>
    %select_n3A_300 = arith.select %eq3A_297, %broadcast_in_dim3A_299, %select_n3A_296 : vector<16xi1>, vector<16xi32>
    %eq3A_301 = arith.cmpi eq, %select_n3A_300, %gather3A_148 : vector<16xi32>
    %jit3A_302 = arith.constant 2048 : i32
    %broadcast_in_dim3A_303 = vector.broadcast %jit3A_302 : i32 to vector<16xi32>
    %select_n3A_304 = arith.select %eq3A_301, %broadcast_in_dim3A_303, %select_n3A_300 : vector<16xi1>, vector<16xi32>
    %eq3A_305 = arith.cmpi eq, %select_n3A_304, %gather3A_153 : vector<16xi32>
    %jit3A_306 = arith.constant 2048 : i32
    %broadcast_in_dim3A_307 = vector.broadcast %jit3A_306 : i32 to vector<16xi32>
    %select_n3A_308 = arith.select %eq3A_305, %broadcast_in_dim3A_307, %select_n3A_304 : vector<16xi1>, vector<16xi32>
    %swap3A_309 = arith.constant 48 : index
    %swap3A_310 = tpu.vector_load %arg9[%swap3A_309] {strides = array<i32>} : memref<64xi32, #tpu.memory_space<vmem>>, vector<16xi32>,
    %swap3A_311 = vector.shape_cast %swap3A_310 : vector<16xi32> to vector<16xi32>
    %swap3A_312 = vector.shape_cast %select_n3A_308 : vector<16xi32> to vector<16xi32>
    tpu.vector_store %arg9[%swap3A_309], %swap3A_312 {strides = array<i32>} : memref<64xi32, #tpu.memory_space<vmem>>, vector<16xi32>,
    %dma_wait3A_313 = arith.constant 0 : i32
    %dma_wait3A_314 = tpu.memref_slice %arg6[%add3A_19, %dma_wait3A_313] : memref<8x8192xf32, #tpu.memory_space<hbm>> -> memref<1x8192xf32, #tpu.memory_space<hbm>>
    %dma_wait3A_315 = tpu.memref_squeeze %dma_wait3A_314 : memref<1x8192xf32, #tpu.memory_space<hbm>> -> memref<8192xf32, #tpu.memory_space<hbm>>
    %dma_wait3A_316 = arith.constant 0 : i32
    %dma_wait3A_317 = tpu.memref_slice %arg6[%add3A_19, %dma_wait3A_316] : memref<8x8192xf32, #tpu.memory_space<hbm>> -> memref<1x8192xf32, #tpu.memory_space<hbm>>
    %dma_wait3A_318 = tpu.memref_squeeze %dma_wait3A_317 : memref<1x8192xf32, #tpu.memory_space<hbm>> -> memref<8192xf32, #tpu.memory_space<hbm>>
    tpu.wait_dma2 semaphore(%arg24 : memref<!tpu.dma_semaphore, #tpu.memory_space<semaphore_mem>>) src(%dma_wait3A_318 : memref<8192xf32, #tpu.memory_space<hbm>>) dst(%arg11 : memref<8192xf32, #tpu.memory_space<vmem>>)
    %broadcast_in_dim3A_319 = arith.constant 0xFF800000 : f32
    %broadcast_in_dim3A_320 = vector.broadcast %broadcast_in_dim3A_319 : f32 to vector<16xf32>
    %parallel_loop3A = arith.constant 0 : i32
    %parallel_loop3A_321 = arith.constant 512 : i32
    %parallel_loop3A_322 = arith.constant 1 : i32
    %parallel_loop3A_323 = scf.for %parallel_loop3A_667 = %parallel_loop3A to %parallel_loop3A_321 step %parallel_loop3A_322 iter_args(%parallel_loop3A_668 = %broadcast_in_dim3A_320) -> (vector<16xf32>)  : i32 {
      %parallel_loop3A_669 = arith.constant 16 : i32
      %parallel_loop3A_670 = arith.muli %parallel_loop3A_667, %parallel_loop3A_669 : i32
      %parallel_loop3A_671 = arith.index_cast %parallel_loop3A_670 : i32 to index
      %parallel_loop3A_672 = tpu.vector_load %arg11[%parallel_loop3A_671] {strides = array<i32>} : memref<8192xf32, #tpu.memory_space<vmem>>, vector<16xf32>,
      %parallel_loop3A_673 = vector.shape_cast %parallel_loop3A_672 : vector<16xf32> to vector<16xf32>
      %parallel_loop3A_674 = arith.maximumf %parallel_loop3A_668, %parallel_loop3A_673 : vector<16xf32>
      scf.yield %parallel_loop3A_674 : vector<16xf32>
    } {sc.loop_unroll_factor = 8 : i64, sc.parallel_access}
    %iota3A_324 = tpu.iota {dimensions = array<i32: 0>} : vector<16xi32>
    %xor3A = arith.constant 8 : i32
    %xor3A_325 = vector.broadcast %xor3A : i32 to vector<16xi32>
    %xor3A_326 = arith.xori %iota3A_324, %xor3A_325 : vector<16xi32>
    %reshape3A_327 = vector.shape_cast %xor3A_326 : vector<16xi32> to vector<16x1xi32>
    %gather3A_328 = vector.shape_cast %reshape3A_327 : vector<16x1xi32> to vector<16xi32>
    %gather3A_329 = tpu.dynamic_gather %parallel_loop3A_323[%gather3A_328] in [0] : vector<16xf32>, vector<16xi32> -> vector<16xf32>
    %max3A = arith.maximumf %parallel_loop3A_323, %gather3A_329 : vector<16xf32>
    %xor3A_330 = arith.constant 4 : i32
    %xor3A_331 = vector.broadcast %xor3A_330 : i32 to vector<16xi32>
    %xor3A_332 = arith.xori %iota3A_324, %xor3A_331 : vector<16xi32>
    %reshape3A_333 = vector.shape_cast %xor3A_332 : vector<16xi32> to vector<16x1xi32>
    %gather3A_334 = vector.shape_cast %reshape3A_333 : vector<16x1xi32> to vector<16xi32>
    %gather3A_335 = tpu.dynamic_gather %max3A[%gather3A_334] in [0] : vector<16xf32>, vector<16xi32> -> vector<16xf32>
    %max3A_336 = arith.maximumf %max3A, %gather3A_335 : vector<16xf32>
    %xor3A_337 = arith.constant 2 : i32
    %xor3A_338 = vector.broadcast %xor3A_337 : i32 to vector<16xi32>
    %xor3A_339 = arith.xori %iota3A_324, %xor3A_338 : vector<16xi32>
    %reshape3A_340 = vector.shape_cast %xor3A_339 : vector<16xi32> to vector<16x1xi32>
    %gather3A_341 = vector.shape_cast %reshape3A_340 : vector<16x1xi32> to vector<16xi32>
    %gather3A_342 = tpu.dynamic_gather %max3A_336[%gather3A_341] in [0] : vector<16xf32>, vector<16xi32> -> vector<16xf32>
    %max3A_343 = arith.maximumf %max3A_336, %gather3A_342 : vector<16xf32>
    %xor3A_344 = arith.constant 1 : i32
    %xor3A_345 = vector.broadcast %xor3A_344 : i32 to vector<16xi32>
    %xor3A_346 = arith.xori %iota3A_324, %xor3A_345 : vector<16xi32>
    %reshape3A_347 = vector.shape_cast %xor3A_346 : vector<16xi32> to vector<16x1xi32>
    %gather3A_348 = vector.shape_cast %reshape3A_347 : vector<16x1xi32> to vector<16xi32>
    %gather3A_349 = tpu.dynamic_gather %max3A_343[%gather3A_348] in [0] : vector<16xf32>, vector<16xi32> -> vector<16xf32>
    %max3A_350 = arith.maximumf %max3A_343, %gather3A_349 : vector<16xf32>
    %broadcast_in_dim3A_351 = arith.constant 0.000000e+00 : f32
    %broadcast_in_dim3A_352 = vector.broadcast %broadcast_in_dim3A_351 : f32 to vector<16xf32>
    %parallel_loop3A_353 = arith.constant 0 : i32
    %parallel_loop3A_354 = arith.constant 512 : i32
    %parallel_loop3A_355 = arith.constant 1 : i32
    %parallel_loop3A_356 = scf.for %parallel_loop3A_667 = %parallel_loop3A_353 to %parallel_loop3A_354 step %parallel_loop3A_355 iter_args(%parallel_loop3A_668 = %broadcast_in_dim3A_352) -> (vector<16xf32>)  : i32 {
      %parallel_loop3A_669 = arith.constant 16 : i32
      %parallel_loop3A_670 = arith.muli %parallel_loop3A_667, %parallel_loop3A_669 : i32
      %parallel_loop3A_671 = arith.index_cast %parallel_loop3A_670 : i32 to index
      %parallel_loop3A_672 = tpu.vector_load %arg11[%parallel_loop3A_671] {strides = array<i32>} : memref<8192xf32, #tpu.memory_space<vmem>>, vector<16xf32>,
      %parallel_loop3A_673 = vector.shape_cast %parallel_loop3A_672 : vector<16xf32> to vector<16xf32>
      %parallel_loop3A_674 = arith.subf %parallel_loop3A_673, %max3A_350 : vector<16xf32>
      %parallel_loop3A_675 = math.exp %parallel_loop3A_674 : vector<16xf32>
      %parallel_loop3A_676 = arith.addf %parallel_loop3A_668, %parallel_loop3A_675 : vector<16xf32>
      scf.yield %parallel_loop3A_676 : vector<16xf32>
    } {sc.loop_unroll_factor = 8 : i64, sc.parallel_access}
    %iota3A_357 = tpu.iota {dimensions = array<i32: 0>} : vector<16xi32>
    %xor3A_358 = arith.constant 8 : i32
    %xor3A_359 = vector.broadcast %xor3A_358 : i32 to vector<16xi32>
    %xor3A_360 = arith.xori %iota3A_357, %xor3A_359 : vector<16xi32>
    %reshape3A_361 = vector.shape_cast %xor3A_360 : vector<16xi32> to vector<16x1xi32>
    %gather3A_362 = vector.shape_cast %reshape3A_361 : vector<16x1xi32> to vector<16xi32>
    %gather3A_363 = tpu.dynamic_gather %parallel_loop3A_356[%gather3A_362] in [0] : vector<16xf32>, vector<16xi32> -> vector<16xf32>
    %add3A_364 = arith.addf %parallel_loop3A_356, %gather3A_363 : vector<16xf32>
    %xor3A_365 = arith.constant 4 : i32
    %xor3A_366 = vector.broadcast %xor3A_365 : i32 to vector<16xi32>
    %xor3A_367 = arith.xori %iota3A_357, %xor3A_366 : vector<16xi32>
    %reshape3A_368 = vector.shape_cast %xor3A_367 : vector<16xi32> to vector<16x1xi32>
    %gather3A_369 = vector.shape_cast %reshape3A_368 : vector<16x1xi32> to vector<16xi32>
    %gather3A_370 = tpu.dynamic_gather %add3A_364[%gather3A_369] in [0] : vector<16xf32>, vector<16xi32> -> vector<16xf32>
    %add3A_371 = arith.addf %add3A_364, %gather3A_370 : vector<16xf32>
    %xor3A_372 = arith.constant 2 : i32
    %xor3A_373 = vector.broadcast %xor3A_372 : i32 to vector<16xi32>
    %xor3A_374 = arith.xori %iota3A_357, %xor3A_373 : vector<16xi32>
    %reshape3A_375 = vector.shape_cast %xor3A_374 : vector<16xi32> to vector<16x1xi32>
    %gather3A_376 = vector.shape_cast %reshape3A_375 : vector<16x1xi32> to vector<16xi32>
    %gather3A_377 = tpu.dynamic_gather %add3A_371[%gather3A_376] in [0] : vector<16xf32>, vector<16xi32> -> vector<16xf32>
    %add3A_378 = arith.addf %add3A_371, %gather3A_377 : vector<16xf32>
    %xor3A_379 = arith.constant 1 : i32
    %xor3A_380 = vector.broadcast %xor3A_379 : i32 to vector<16xi32>
    %xor3A_381 = arith.xori %iota3A_357, %xor3A_380 : vector<16xi32>
    %reshape3A_382 = vector.shape_cast %xor3A_381 : vector<16xi32> to vector<16x1xi32>
    %gather3A_383 = vector.shape_cast %reshape3A_382 : vector<16x1xi32> to vector<16xi32>
    %gather3A_384 = tpu.dynamic_gather %add3A_378[%gather3A_383] in [0] : vector<16xf32>, vector<16xi32> -> vector<16xf32>
    %add3A_385 = arith.addf %add3A_378, %gather3A_384 : vector<16xf32>
    %div3A_386 = arith.constant 1.000000e+00 : f32
    %div3A_387 = vector.broadcast %div3A_386 : f32 to vector<16xf32>
    %div3A_388 = arith.divf %div3A_387, %add3A_385 : vector<16xf32>
    %parallel_loop3A_389 = arith.constant 0 : i32
    %parallel_loop3A_390 = arith.constant 128 : i32
    %parallel_loop3A_391 = arith.constant 1 : i32
    scf.for %parallel_loop3A_667 = %parallel_loop3A_389 to %parallel_loop3A_390 step %parallel_loop3A_391  : i32 {
      %parallel_loop3A_668 = arith.constant 2048 : i32
      %parallel_loop3A_669 = arith.muli %select_n3A_33, %parallel_loop3A_668 : i32
      %parallel_loop3A_670 = arith.constant 16 : i32
      %parallel_loop3A_671 = arith.muli %parallel_loop3A_667, %parallel_loop3A_670 : i32
      %parallel_loop3A_672 = arith.addi %parallel_loop3A_669, %parallel_loop3A_671 : i32
      %parallel_loop3A_673 = arith.index_cast %parallel_loop3A_672 : i32 to index
      %parallel_loop3A_674 = tpu.vector_load %arg11[%parallel_loop3A_673] {strides = array<i32>} : memref<8192xf32, #tpu.memory_space<vmem>>, vector<16xf32>,
      %parallel_loop3A_675 = vector.shape_cast %parallel_loop3A_674 : vector<16xf32> to vector<16xf32>
      %parallel_loop3A_676 = arith.subf %parallel_loop3A_675, %max3A_350 : vector<16xf32>
      %parallel_loop3A_677 = math.exp %parallel_loop3A_676 : vector<16xf32>
      %parallel_loop3A_678 = arith.mulf %parallel_loop3A_677, %div3A_388 : vector<16xf32>
      %parallel_loop3A_679 = arith.constant 16 : i32
      %parallel_loop3A_680 = arith.muli %parallel_loop3A_667, %parallel_loop3A_679 : i32
      %parallel_loop3A_681 = arith.index_cast %parallel_loop3A_680 : i32 to index
      %parallel_loop3A_682 = tpu.vector_load %arg13[%parallel_loop3A_681] {strides = array<i32>} : memref<2048xf32, #tpu.memory_space<vmem>>, vector<16xf32>,
      %parallel_loop3A_683 = vector.shape_cast %parallel_loop3A_682 : vector<16xf32> to vector<16xf32>
      %parallel_loop3A_684 = vector.shape_cast %parallel_loop3A_678 : vector<16xf32> to vector<16xf32>
      tpu.vector_store %arg13[%parallel_loop3A_681], %parallel_loop3A_684 {strides = array<i32>} : memref<2048xf32, #tpu.memory_space<vmem>>, vector<16xf32>,
    } {sc.loop_unroll_factor = 4 : i64, sc.parallel_access}
    %dma_wait3A_392 = arith.constant 0 : i32
    %dma_wait3A_393 = arith.constant 0 : i32
    %dma_wait3A_394 = tpu.memref_slice %arg2[%dma_wait3A_392, %dma_wait3A_393] : memref<100000x128xf32, #tpu.memory_space<hbm>> -> memref<100000x128xf32, #tpu.memory_space<hbm>>
    tpu.wait_indirect_dma semaphore(%arg28 : memref<!tpu.dma_semaphore, #tpu.memory_space<semaphore_mem>>) src(%dma_wait3A_394 : memref<100000x128xf32, #tpu.memory_space<hbm>>) dst(%arg10 : memref<64x128xf32, #tpu.memory_space<vmem>>)
    %dma_start3A_395 = arith.constant 0 : i32
    %dma_start3A_396 = arith.constant 0 : i32
    %dma_start3A_397 = tpu.memref_slice %arg7[%dma_start3A_395, %dma_start3A_396] : memref<2056x128xf32, #tpu.memory_space<hbm>> -> memref<2056x128xf32, #tpu.memory_space<hbm>>
    tpu.enqueue_indirect_dma source(%arg10 : memref<64x128xf32, #tpu.memory_space<vmem>>) target(%dma_start3A_397 : memref<2056x128xf32, #tpu.memory_space<hbm>>) offsets(%arg9 : memref<64xi32, #tpu.memory_space<vmem>>) semaphore(%arg29 : memref<!tpu.dma_semaphore, #tpu.memory_space<semaphore_mem>>)
    %broadcast_in_dim3A_398 = arith.constant 0.000000e+00 : f32
    %broadcast_in_dim3A_399 = vector.broadcast %broadcast_in_dim3A_398 : f32 to vector<16xf32>
    %broadcast_in_dim3A_400 = arith.constant 0.000000e+00 : f32
    %broadcast_in_dim3A_401 = vector.broadcast %broadcast_in_dim3A_400 : f32 to vector<16xf32>
    %broadcast_in_dim3A_402 = arith.constant 0.000000e+00 : f32
    %broadcast_in_dim3A_403 = vector.broadcast %broadcast_in_dim3A_402 : f32 to vector<16xf32>
    %broadcast_in_dim3A_404 = arith.constant 0.000000e+00 : f32
    %broadcast_in_dim3A_405 = vector.broadcast %broadcast_in_dim3A_404 : f32 to vector<16xf32>
    %broadcast_in_dim3A_406 = arith.constant 0.000000e+00 : f32
    %broadcast_in_dim3A_407 = vector.broadcast %broadcast_in_dim3A_406 : f32 to vector<16xf32>
    %broadcast_in_dim3A_408 = arith.constant 0.000000e+00 : f32
    %broadcast_in_dim3A_409 = vector.broadcast %broadcast_in_dim3A_408 : f32 to vector<16xf32>
    %broadcast_in_dim3A_410 = arith.constant 0.000000e+00 : f32
    %broadcast_in_dim3A_411 = vector.broadcast %broadcast_in_dim3A_410 : f32 to vector<16xf32>
    %broadcast_in_dim3A_412 = arith.constant 0.000000e+00 : f32
    %broadcast_in_dim3A_413 = vector.broadcast %broadcast_in_dim3A_412 : f32 to vector<16xf32>
    %dma_wait3A_414 = arith.constant 0 : i32
    %dma_wait3A_415 = tpu.memref_slice %arg12[%dma_wait3A_414] : memref<2048xi32, #tpu.memory_space<vmem>> -> memref<128xi32, #tpu.memory_space<vmem>>
    %dma_wait3A_416 = arith.constant 0 : i32
    %dma_wait3A_417 = arith.constant 0 : i32
    %dma_wait3A_418 = tpu.memref_slice %arg2[%dma_wait3A_416, %dma_wait3A_417] : memref<100000x128xf32, #tpu.memory_space<hbm>> -> memref<100000x128xf32, #tpu.memory_space<hbm>>
    tpu.wait_indirect_dma semaphore(%arg30 : memref<!tpu.dma_semaphore, #tpu.memory_space<semaphore_mem>>) src(%dma_wait3A_418 : memref<100000x128xf32, #tpu.memory_space<hbm>>) dst(%arg15 : memref<128x128xf32, #tpu.memory_space<vmem>>)
    %parallel_loop3A_419 = arith.constant 0 : i32
    %parallel_loop3A_420 = arith.constant 128 : i32
    %parallel_loop3A_421 = arith.constant 1 : i32
    %parallel_loop3A_422:8 = scf.for %parallel_loop3A_667 = %parallel_loop3A_419 to %parallel_loop3A_420 step %parallel_loop3A_421 iter_args(%parallel_loop3A_668 = %broadcast_in_dim3A_399, %parallel_loop3A_669 = %broadcast_in_dim3A_401, %parallel_loop3A_670 = %broadcast_in_dim3A_403, %parallel_loop3A_671 = %broadcast_in_dim3A_405, %parallel_loop3A_672 = %broadcast_in_dim3A_407, %parallel_loop3A_673 = %broadcast_in_dim3A_409, %parallel_loop3A_674 = %broadcast_in_dim3A_411, %parallel_loop3A_675 = %broadcast_in_dim3A_413) -> (vector<16xf32>, vector<16xf32>, vector<16xf32>, vector<16xf32>, vector<16xf32>, vector<16xf32>, vector<16xf32>, vector<16xf32>)  : i32 {
      %parallel_loop3A_676 = arith.constant -16 : i32
      %parallel_loop3A_677 = arith.andi %parallel_loop3A_667, %parallel_loop3A_676 : i32
      %parallel_loop3A_678 = arith.constant 0 : i32
      %parallel_loop3A_679 = arith.addi %parallel_loop3A_678, %parallel_loop3A_677 : i32
      %parallel_loop3A_680 = arith.index_cast %parallel_loop3A_679 : i32 to index
      %parallel_loop3A_681 = tpu.vector_load %arg13[%parallel_loop3A_680] {strides = array<i32>} : memref<2048xf32, #tpu.memory_space<vmem>>, vector<16xf32>,
      %parallel_loop3A_682 = vector.shape_cast %parallel_loop3A_681 : vector<16xf32> to vector<16xf32>
      %parallel_loop3A_683 = arith.constant 15 : i32
      %parallel_loop3A_684 = arith.andi %parallel_loop3A_667, %parallel_loop3A_683 : i32
      %parallel_loop3A_685 = vector.broadcast %parallel_loop3A_684 : i32 to vector<16xi32>
      %parallel_loop3A_686 = vector.shape_cast %parallel_loop3A_685 : vector<16xi32> to vector<16x1xi32>
      %parallel_loop3A_687 = vector.shape_cast %parallel_loop3A_686 : vector<16x1xi32> to vector<16xi32>
      %parallel_loop3A_688 = tpu.dynamic_gather %parallel_loop3A_682[%parallel_loop3A_687] in [0] : vector<16xf32>, vector<16xi32> -> vector<16xf32>
      %parallel_loop3A_689 = arith.index_cast %parallel_loop3A_667 : i32 to index
      %parallel_loop3A_690 = arith.constant 0 : index
      %parallel_loop3A_691 = tpu.vector_load %arg15[%parallel_loop3A_689, %parallel_loop3A_690] {strides = array<i32>} : memref<128x128xf32, #tpu.memory_space<vmem>>, vector<1x16xf32>,
      %parallel_loop3A_692 = vector.shape_cast %parallel_loop3A_691 : vector<1x16xf32> to vector<16xf32>
      %parallel_loop3A_693 = arith.mulf %parallel_loop3A_688, %parallel_loop3A_692 : vector<16xf32>
      %parallel_loop3A_694 = arith.addf %parallel_loop3A_668, %parallel_loop3A_693 : vector<16xf32>
      %parallel_loop3A_695 = arith.index_cast %parallel_loop3A_667 : i32 to index
      %parallel_loop3A_696 = arith.constant 16 : index
      %parallel_loop3A_697 = tpu.vector_load %arg15[%parallel_loop3A_695, %parallel_loop3A_696] {strides = array<i32>} : memref<128x128xf32, #tpu.memory_space<vmem>>, vector<1x16xf32>,
      %parallel_loop3A_698 = vector.shape_cast %parallel_loop3A_697 : vector<1x16xf32> to vector<16xf32>
      %parallel_loop3A_699 = arith.mulf %parallel_loop3A_688, %parallel_loop3A_698 : vector<16xf32>
      %parallel_loop3A_700 = arith.addf %parallel_loop3A_669, %parallel_loop3A_699 : vector<16xf32>
      %parallel_loop3A_701 = arith.index_cast %parallel_loop3A_667 : i32 to index
      %parallel_loop3A_702 = arith.constant 32 : index
      %parallel_loop3A_703 = tpu.vector_load %arg15[%parallel_loop3A_701, %parallel_loop3A_702] {strides = array<i32>} : memref<128x128xf32, #tpu.memory_space<vmem>>, vector<1x16xf32>,
      %parallel_loop3A_704 = vector.shape_cast %parallel_loop3A_703 : vector<1x16xf32> to vector<16xf32>
      %parallel_loop3A_705 = arith.mulf %parallel_loop3A_688, %parallel_loop3A_704 : vector<16xf32>
      %parallel_loop3A_706 = arith.addf %parallel_loop3A_670, %parallel_loop3A_705 : vector<16xf32>
      %parallel_loop3A_707 = arith.index_cast %parallel_loop3A_667 : i32 to index
      %parallel_loop3A_708 = arith.constant 48 : index
      %parallel_loop3A_709 = tpu.vector_load %arg15[%parallel_loop3A_707, %parallel_loop3A_708] {strides = array<i32>} : memref<128x128xf32, #tpu.memory_space<vmem>>, vector<1x16xf32>,
      %parallel_loop3A_710 = vector.shape_cast %parallel_loop3A_709 : vector<1x16xf32> to vector<16xf32>
      %parallel_loop3A_711 = arith.mulf %parallel_loop3A_688, %parallel_loop3A_710 : vector<16xf32>
      %parallel_loop3A_712 = arith.addf %parallel_loop3A_671, %parallel_loop3A_711 : vector<16xf32>
      %parallel_loop3A_713 = arith.index_cast %parallel_loop3A_667 : i32 to index
      %parallel_loop3A_714 = arith.constant 64 : index
      %parallel_loop3A_715 = tpu.vector_load %arg15[%parallel_loop3A_713, %parallel_loop3A_714] {strides = array<i32>} : memref<128x128xf32, #tpu.memory_space<vmem>>, vector<1x16xf32>,
      %parallel_loop3A_716 = vector.shape_cast %parallel_loop3A_715 : vector<1x16xf32> to vector<16xf32>
      %parallel_loop3A_717 = arith.mulf %parallel_loop3A_688, %parallel_loop3A_716 : vector<16xf32>
      %parallel_loop3A_718 = arith.addf %parallel_loop3A_672, %parallel_loop3A_717 : vector<16xf32>
      %parallel_loop3A_719 = arith.index_cast %parallel_loop3A_667 : i32 to index
      %parallel_loop3A_720 = arith.constant 80 : index
      %parallel_loop3A_721 = tpu.vector_load %arg15[%parallel_loop3A_719, %parallel_loop3A_720] {strides = array<i32>} : memref<128x128xf32, #tpu.memory_space<vmem>>, vector<1x16xf32>,
      %parallel_loop3A_722 = vector.shape_cast %parallel_loop3A_721 : vector<1x16xf32> to vector<16xf32>
      %parallel_loop3A_723 = arith.mulf %parallel_loop3A_688, %parallel_loop3A_722 : vector<16xf32>
      %parallel_loop3A_724 = arith.addf %parallel_loop3A_673, %parallel_loop3A_723 : vector<16xf32>
      %parallel_loop3A_725 = arith.index_cast %parallel_loop3A_667 : i32 to index
      %parallel_loop3A_726 = arith.constant 96 : index
      %parallel_loop3A_727 = tpu.vector_load %arg15[%parallel_loop3A_725, %parallel_loop3A_726] {strides = array<i32>} : memref<128x128xf32, #tpu.memory_space<vmem>>, vector<1x16xf32>,
      %parallel_loop3A_728 = vector.shape_cast %parallel_loop3A_727 : vector<1x16xf32> to vector<16xf32>
      %parallel_loop3A_729 = arith.mulf %parallel_loop3A_688, %parallel_loop3A_728 : vector<16xf32>
      %parallel_loop3A_730 = arith.addf %parallel_loop3A_674, %parallel_loop3A_729 : vector<16xf32>
      %parallel_loop3A_731 = arith.index_cast %parallel_loop3A_667 : i32 to index
      %parallel_loop3A_732 = arith.constant 112 : index
      %parallel_loop3A_733 = tpu.vector_load %arg15[%parallel_loop3A_731, %parallel_loop3A_732] {strides = array<i32>} : memref<128x128xf32, #tpu.memory_space<vmem>>, vector<1x16xf32>,
      %parallel_loop3A_734 = vector.shape_cast %parallel_loop3A_733 : vector<1x16xf32> to vector<16xf32>
      %parallel_loop3A_735 = arith.mulf %parallel_loop3A_688, %parallel_loop3A_734 : vector<16xf32>
      %parallel_loop3A_736 = arith.addf %parallel_loop3A_675, %parallel_loop3A_735 : vector<16xf32>
      scf.yield %parallel_loop3A_694, %parallel_loop3A_700, %parallel_loop3A_706, %parallel_loop3A_712, %parallel_loop3A_718, %parallel_loop3A_724, %parallel_loop3A_730, %parallel_loop3A_736 : vector<16xf32>, vector<16xf32>, vector<16xf32>, vector<16xf32>, vector<16xf32>, vector<16xf32>, vector<16xf32>, vector<16xf32>
    } {sc.loop_unroll_factor = 4 : i64, sc.parallel_access}
    %dma_start3A_423 = arith.constant 640 : i32
    %dma_start3A_424 = tpu.memref_slice %arg12[%dma_start3A_423] : memref<2048xi32, #tpu.memory_space<vmem>> -> memref<128xi32, #tpu.memory_space<vmem>>
    %dma_start3A_425 = arith.constant 0 : i32
    %dma_start3A_426 = arith.constant 0 : i32
    %dma_start3A_427 = tpu.memref_slice %arg2[%dma_start3A_425, %dma_start3A_426] : memref<100000x128xf32, #tpu.memory_space<hbm>> -> memref<100000x128xf32, #tpu.memory_space<hbm>>
    tpu.enqueue_indirect_dma source(%dma_start3A_427 : memref<100000x128xf32, #tpu.memory_space<hbm>>) target(%arg15 : memref<128x128xf32, #tpu.memory_space<vmem>>) offsets(%dma_start3A_424 : memref<128xi32, #tpu.memory_space<vmem>>) semaphore(%arg30 : memref<!tpu.dma_semaphore, #tpu.memory_space<semaphore_mem>>)
    %dma_wait3A_428 = arith.constant 128 : i32
    %dma_wait3A_429 = tpu.memref_slice %arg12[%dma_wait3A_428] : memref<2048xi32, #tpu.memory_space<vmem>> -> memref<128xi32, #tpu.memory_space<vmem>>
    %dma_wait3A_430 = arith.constant 0 : i32
    %dma_wait3A_431 = arith.constant 0 : i32
    %dma_wait3A_432 = tpu.memref_slice %arg2[%dma_wait3A_430, %dma_wait3A_431] : memref<100000x128xf32, #tpu.memory_space<hbm>> -> memref<100000x128xf32, #tpu.memory_space<hbm>>
    tpu.wait_indirect_dma semaphore(%arg31 : memref<!tpu.dma_semaphore, #tpu.memory_space<semaphore_mem>>) src(%dma_wait3A_432 : memref<100000x128xf32, #tpu.memory_space<hbm>>) dst(%arg16 : memref<128x128xf32, #tpu.memory_space<vmem>>)
    %parallel_loop3A_433 = arith.constant 0 : i32
    %parallel_loop3A_434 = arith.constant 128 : i32
    %parallel_loop3A_435 = arith.constant 1 : i32
    %parallel_loop3A_436:8 = scf.for %parallel_loop3A_667 = %parallel_loop3A_433 to %parallel_loop3A_434 step %parallel_loop3A_435 iter_args(%parallel_loop3A_668 = %parallel_loop3A_422#0, %parallel_loop3A_669 = %parallel_loop3A_422#1, %parallel_loop3A_670 = %parallel_loop3A_422#2, %parallel_loop3A_671 = %parallel_loop3A_422#3, %parallel_loop3A_672 = %parallel_loop3A_422#4, %parallel_loop3A_673 = %parallel_loop3A_422#5, %parallel_loop3A_674 = %parallel_loop3A_422#6, %parallel_loop3A_675 = %parallel_loop3A_422#7) -> (vector<16xf32>, vector<16xf32>, vector<16xf32>, vector<16xf32>, vector<16xf32>, vector<16xf32>, vector<16xf32>, vector<16xf32>)  : i32 {
      %parallel_loop3A_676 = arith.constant -16 : i32
      %parallel_loop3A_677 = arith.andi %parallel_loop3A_667, %parallel_loop3A_676 : i32
      %parallel_loop3A_678 = arith.constant 128 : i32
      %parallel_loop3A_679 = arith.addi %parallel_loop3A_678, %parallel_loop3A_677 : i32
      %parallel_loop3A_680 = arith.index_cast %parallel_loop3A_679 : i32 to index
      %parallel_loop3A_681 = tpu.vector_load %arg13[%parallel_loop3A_680] {strides = array<i32>} : memref<2048xf32, #tpu.memory_space<vmem>>, vector<16xf32>,
      %parallel_loop3A_682 = vector.shape_cast %parallel_loop3A_681 : vector<16xf32> to vector<16xf32>
      %parallel_loop3A_683 = arith.constant 15 : i32
      %parallel_loop3A_684 = arith.andi %parallel_loop3A_667, %parallel_loop3A_683 : i32
      %parallel_loop3A_685 = vector.broadcast %parallel_loop3A_684 : i32 to vector<16xi32>
      %parallel_loop3A_686 = vector.shape_cast %parallel_loop3A_685 : vector<16xi32> to vector<16x1xi32>
      %parallel_loop3A_687 = vector.shape_cast %parallel_loop3A_686 : vector<16x1xi32> to vector<16xi32>
      %parallel_loop3A_688 = tpu.dynamic_gather %parallel_loop3A_682[%parallel_loop3A_687] in [0] : vector<16xf32>, vector<16xi32> -> vector<16xf32>
      %parallel_loop3A_689 = arith.index_cast %parallel_loop3A_667 : i32 to index
      %parallel_loop3A_690 = arith.constant 0 : index
      %parallel_loop3A_691 = tpu.vector_load %arg16[%parallel_loop3A_689, %parallel_loop3A_690] {strides = array<i32>} : memref<128x128xf32, #tpu.memory_space<vmem>>, vector<1x16xf32>,
      %parallel_loop3A_692 = vector.shape_cast %parallel_loop3A_691 : vector<1x16xf32> to vector<16xf32>
      %parallel_loop3A_693 = arith.mulf %parallel_loop3A_688, %parallel_loop3A_692 : vector<16xf32>
      %parallel_loop3A_694 = arith.addf %parallel_loop3A_668, %parallel_loop3A_693 : vector<16xf32>
      %parallel_loop3A_695 = arith.index_cast %parallel_loop3A_667 : i32 to index
      %parallel_loop3A_696 = arith.constant 16 : index
      %parallel_loop3A_697 = tpu.vector_load %arg16[%parallel_loop3A_695, %parallel_loop3A_696] {strides = array<i32>} : memref<128x128xf32, #tpu.memory_space<vmem>>, vector<1x16xf32>,
      %parallel_loop3A_698 = vector.shape_cast %parallel_loop3A_697 : vector<1x16xf32> to vector<16xf32>
      %parallel_loop3A_699 = arith.mulf %parallel_loop3A_688, %parallel_loop3A_698 : vector<16xf32>
      %parallel_loop3A_700 = arith.addf %parallel_loop3A_669, %parallel_loop3A_699 : vector<16xf32>
      %parallel_loop3A_701 = arith.index_cast %parallel_loop3A_667 : i32 to index
      %parallel_loop3A_702 = arith.constant 32 : index
      %parallel_loop3A_703 = tpu.vector_load %arg16[%parallel_loop3A_701, %parallel_loop3A_702] {strides = array<i32>} : memref<128x128xf32, #tpu.memory_space<vmem>>, vector<1x16xf32>,
      %parallel_loop3A_704 = vector.shape_cast %parallel_loop3A_703 : vector<1x16xf32> to vector<16xf32>
      %parallel_loop3A_705 = arith.mulf %parallel_loop3A_688, %parallel_loop3A_704 : vector<16xf32>
      %parallel_loop3A_706 = arith.addf %parallel_loop3A_670, %parallel_loop3A_705 : vector<16xf32>
      %parallel_loop3A_707 = arith.index_cast %parallel_loop3A_667 : i32 to index
      %parallel_loop3A_708 = arith.constant 48 : index
      %parallel_loop3A_709 = tpu.vector_load %arg16[%parallel_loop3A_707, %parallel_loop3A_708] {strides = array<i32>} : memref<128x128xf32, #tpu.memory_space<vmem>>, vector<1x16xf32>,
      %parallel_loop3A_710 = vector.shape_cast %parallel_loop3A_709 : vector<1x16xf32> to vector<16xf32>
      %parallel_loop3A_711 = arith.mulf %parallel_loop3A_688, %parallel_loop3A_710 : vector<16xf32>
      %parallel_loop3A_712 = arith.addf %parallel_loop3A_671, %parallel_loop3A_711 : vector<16xf32>
      %parallel_loop3A_713 = arith.index_cast %parallel_loop3A_667 : i32 to index
      %parallel_loop3A_714 = arith.constant 64 : index
      %parallel_loop3A_715 = tpu.vector_load %arg16[%parallel_loop3A_713, %parallel_loop3A_714] {strides = array<i32>} : memref<128x128xf32, #tpu.memory_space<vmem>>, vector<1x16xf32>,
      %parallel_loop3A_716 = vector.shape_cast %parallel_loop3A_715 : vector<1x16xf32> to vector<16xf32>
      %parallel_loop3A_717 = arith.mulf %parallel_loop3A_688, %parallel_loop3A_716 : vector<16xf32>
      %parallel_loop3A_718 = arith.addf %parallel_loop3A_672, %parallel_loop3A_717 : vector<16xf32>
      %parallel_loop3A_719 = arith.index_cast %parallel_loop3A_667 : i32 to index
      %parallel_loop3A_720 = arith.constant 80 : index
      %parallel_loop3A_721 = tpu.vector_load %arg16[%parallel_loop3A_719, %parallel_loop3A_720] {strides = array<i32>} : memref<128x128xf32, #tpu.memory_space<vmem>>, vector<1x16xf32>,
      %parallel_loop3A_722 = vector.shape_cast %parallel_loop3A_721 : vector<1x16xf32> to vector<16xf32>
      %parallel_loop3A_723 = arith.mulf %parallel_loop3A_688, %parallel_loop3A_722 : vector<16xf32>
      %parallel_loop3A_724 = arith.addf %parallel_loop3A_673, %parallel_loop3A_723 : vector<16xf32>
      %parallel_loop3A_725 = arith.index_cast %parallel_loop3A_667 : i32 to index
      %parallel_loop3A_726 = arith.constant 96 : index
      %parallel_loop3A_727 = tpu.vector_load %arg16[%parallel_loop3A_725, %parallel_loop3A_726] {strides = array<i32>} : memref<128x128xf32, #tpu.memory_space<vmem>>, vector<1x16xf32>,
      %parallel_loop3A_728 = vector.shape_cast %parallel_loop3A_727 : vector<1x16xf32> to vector<16xf32>
      %parallel_loop3A_729 = arith.mulf %parallel_loop3A_688, %parallel_loop3A_728 : vector<16xf32>
      %parallel_loop3A_730 = arith.addf %parallel_loop3A_674, %parallel_loop3A_729 : vector<16xf32>
      %parallel_loop3A_731 = arith.index_cast %parallel_loop3A_667 : i32 to index
      %parallel_loop3A_732 = arith.constant 112 : index
      %parallel_loop3A_733 = tpu.vector_load %arg16[%parallel_loop3A_731, %parallel_loop3A_732] {strides = array<i32>} : memref<128x128xf32, #tpu.memory_space<vmem>>, vector<1x16xf32>,
      %parallel_loop3A_734 = vector.shape_cast %parallel_loop3A_733 : vector<1x16xf32> to vector<16xf32>
      %parallel_loop3A_735 = arith.mulf %parallel_loop3A_688, %parallel_loop3A_734 : vector<16xf32>
      %parallel_loop3A_736 = arith.addf %parallel_loop3A_675, %parallel_loop3A_735 : vector<16xf32>
      scf.yield %parallel_loop3A_694, %parallel_loop3A_700, %parallel_loop3A_706, %parallel_loop3A_712, %parallel_loop3A_718, %parallel_loop3A_724, %parallel_loop3A_730, %parallel_loop3A_736 : vector<16xf32>, vector<16xf32>, vector<16xf32>, vector<16xf32>, vector<16xf32>, vector<16xf32>, vector<16xf32>, vector<16xf32>
    } {sc.loop_unroll_factor = 4 : i64, sc.parallel_access}
    %dma_start3A_437 = arith.constant 768 : i32
    %dma_start3A_438 = tpu.memref_slice %arg12[%dma_start3A_437] : memref<2048xi32, #tpu.memory_space<vmem>> -> memref<128xi32, #tpu.memory_space<vmem>>
    %dma_start3A_439 = arith.constant 0 : i32
    %dma_start3A_440 = arith.constant 0 : i32
    %dma_start3A_441 = tpu.memref_slice %arg2[%dma_start3A_439, %dma_start3A_440] : memref<100000x128xf32, #tpu.memory_space<hbm>> -> memref<100000x128xf32, #tpu.memory_space<hbm>>
    tpu.enqueue_indirect_dma source(%dma_start3A_441 : memref<100000x128xf32, #tpu.memory_space<hbm>>) target(%arg16 : memref<128x128xf32, #tpu.memory_space<vmem>>) offsets(%dma_start3A_438 : memref<128xi32, #tpu.memory_space<vmem>>) semaphore(%arg31 : memref<!tpu.dma_semaphore, #tpu.memory_space<semaphore_mem>>)
    %dma_wait3A_442 = arith.constant 256 : i32
    %dma_wait3A_443 = tpu.memref_slice %arg12[%dma_wait3A_442] : memref<2048xi32, #tpu.memory_space<vmem>> -> memref<128xi32, #tpu.memory_space<vmem>>
    %dma_wait3A_444 = arith.constant 0 : i32
    %dma_wait3A_445 = arith.constant 0 : i32
    %dma_wait3A_446 = tpu.memref_slice %arg2[%dma_wait3A_444, %dma_wait3A_445] : memref<100000x128xf32, #tpu.memory_space<hbm>> -> memref<100000x128xf32, #tpu.memory_space<hbm>>
    tpu.wait_indirect_dma semaphore(%arg32 : memref<!tpu.dma_semaphore, #tpu.memory_space<semaphore_mem>>) src(%dma_wait3A_446 : memref<100000x128xf32, #tpu.memory_space<hbm>>) dst(%arg17 : memref<128x128xf32, #tpu.memory_space<vmem>>)
    %parallel_loop3A_447 = arith.constant 0 : i32
    %parallel_loop3A_448 = arith.constant 128 : i32
    %parallel_loop3A_449 = arith.constant 1 : i32
    %parallel_loop3A_450:8 = scf.for %parallel_loop3A_667 = %parallel_loop3A_447 to %parallel_loop3A_448 step %parallel_loop3A_449 iter_args(%parallel_loop3A_668 = %parallel_loop3A_436#0, %parallel_loop3A_669 = %parallel_loop3A_436#1, %parallel_loop3A_670 = %parallel_loop3A_436#2, %parallel_loop3A_671 = %parallel_loop3A_436#3, %parallel_loop3A_672 = %parallel_loop3A_436#4, %parallel_loop3A_673 = %parallel_loop3A_436#5, %parallel_loop3A_674 = %parallel_loop3A_436#6, %parallel_loop3A_675 = %parallel_loop3A_436#7) -> (vector<16xf32>, vector<16xf32>, vector<16xf32>, vector<16xf32>, vector<16xf32>, vector<16xf32>, vector<16xf32>, vector<16xf32>)  : i32 {
      %parallel_loop3A_676 = arith.constant -16 : i32
      %parallel_loop3A_677 = arith.andi %parallel_loop3A_667, %parallel_loop3A_676 : i32
      %parallel_loop3A_678 = arith.constant 256 : i32
      %parallel_loop3A_679 = arith.addi %parallel_loop3A_678, %parallel_loop3A_677 : i32
      %parallel_loop3A_680 = arith.index_cast %parallel_loop3A_679 : i32 to index
      %parallel_loop3A_681 = tpu.vector_load %arg13[%parallel_loop3A_680] {strides = array<i32>} : memref<2048xf32, #tpu.memory_space<vmem>>, vector<16xf32>,
      %parallel_loop3A_682 = vector.shape_cast %parallel_loop3A_681 : vector<16xf32> to vector<16xf32>
      %parallel_loop3A_683 = arith.constant 15 : i32
      %parallel_loop3A_684 = arith.andi %parallel_loop3A_667, %parallel_loop3A_683 : i32
      %parallel_loop3A_685 = vector.broadcast %parallel_loop3A_684 : i32 to vector<16xi32>
      %parallel_loop3A_686 = vector.shape_cast %parallel_loop3A_685 : vector<16xi32> to vector<16x1xi32>
      %parallel_loop3A_687 = vector.shape_cast %parallel_loop3A_686 : vector<16x1xi32> to vector<16xi32>
      %parallel_loop3A_688 = tpu.dynamic_gather %parallel_loop3A_682[%parallel_loop3A_687] in [0] : vector<16xf32>, vector<16xi32> -> vector<16xf32>
      %parallel_loop3A_689 = arith.index_cast %parallel_loop3A_667 : i32 to index
      %parallel_loop3A_690 = arith.constant 0 : index
      %parallel_loop3A_691 = tpu.vector_load %arg17[%parallel_loop3A_689, %parallel_loop3A_690] {strides = array<i32>} : memref<128x128xf32, #tpu.memory_space<vmem>>, vector<1x16xf32>,
      %parallel_loop3A_692 = vector.shape_cast %parallel_loop3A_691 : vector<1x16xf32> to vector<16xf32>
      %parallel_loop3A_693 = arith.mulf %parallel_loop3A_688, %parallel_loop3A_692 : vector<16xf32>
      %parallel_loop3A_694 = arith.addf %parallel_loop3A_668, %parallel_loop3A_693 : vector<16xf32>
      %parallel_loop3A_695 = arith.index_cast %parallel_loop3A_667 : i32 to index
      %parallel_loop3A_696 = arith.constant 16 : index
      %parallel_loop3A_697 = tpu.vector_load %arg17[%parallel_loop3A_695, %parallel_loop3A_696] {strides = array<i32>} : memref<128x128xf32, #tpu.memory_space<vmem>>, vector<1x16xf32>,
      %parallel_loop3A_698 = vector.shape_cast %parallel_loop3A_697 : vector<1x16xf32> to vector<16xf32>
      %parallel_loop3A_699 = arith.mulf %parallel_loop3A_688, %parallel_loop3A_698 : vector<16xf32>
      %parallel_loop3A_700 = arith.addf %parallel_loop3A_669, %parallel_loop3A_699 : vector<16xf32>
      %parallel_loop3A_701 = arith.index_cast %parallel_loop3A_667 : i32 to index
      %parallel_loop3A_702 = arith.constant 32 : index
      %parallel_loop3A_703 = tpu.vector_load %arg17[%parallel_loop3A_701, %parallel_loop3A_702] {strides = array<i32>} : memref<128x128xf32, #tpu.memory_space<vmem>>, vector<1x16xf32>,
      %parallel_loop3A_704 = vector.shape_cast %parallel_loop3A_703 : vector<1x16xf32> to vector<16xf32>
      %parallel_loop3A_705 = arith.mulf %parallel_loop3A_688, %parallel_loop3A_704 : vector<16xf32>
      %parallel_loop3A_706 = arith.addf %parallel_loop3A_670, %parallel_loop3A_705 : vector<16xf32>
      %parallel_loop3A_707 = arith.index_cast %parallel_loop3A_667 : i32 to index
      %parallel_loop3A_708 = arith.constant 48 : index
      %parallel_loop3A_709 = tpu.vector_load %arg17[%parallel_loop3A_707, %parallel_loop3A_708] {strides = array<i32>} : memref<128x128xf32, #tpu.memory_space<vmem>>, vector<1x16xf32>,
      %parallel_loop3A_710 = vector.shape_cast %parallel_loop3A_709 : vector<1x16xf32> to vector<16xf32>
      %parallel_loop3A_711 = arith.mulf %parallel_loop3A_688, %parallel_loop3A_710 : vector<16xf32>
      %parallel_loop3A_712 = arith.addf %parallel_loop3A_671, %parallel_loop3A_711 : vector<16xf32>
      %parallel_loop3A_713 = arith.index_cast %parallel_loop3A_667 : i32 to index
      %parallel_loop3A_714 = arith.constant 64 : index
      %parallel_loop3A_715 = tpu.vector_load %arg17[%parallel_loop3A_713, %parallel_loop3A_714] {strides = array<i32>} : memref<128x128xf32, #tpu.memory_space<vmem>>, vector<1x16xf32>,
      %parallel_loop3A_716 = vector.shape_cast %parallel_loop3A_715 : vector<1x16xf32> to vector<16xf32>
      %parallel_loop3A_717 = arith.mulf %parallel_loop3A_688, %parallel_loop3A_716 : vector<16xf32>
      %parallel_loop3A_718 = arith.addf %parallel_loop3A_672, %parallel_loop3A_717 : vector<16xf32>
      %parallel_loop3A_719 = arith.index_cast %parallel_loop3A_667 : i32 to index
      %parallel_loop3A_720 = arith.constant 80 : index
      %parallel_loop3A_721 = tpu.vector_load %arg17[%parallel_loop3A_719, %parallel_loop3A_720] {strides = array<i32>} : memref<128x128xf32, #tpu.memory_space<vmem>>, vector<1x16xf32>,
      %parallel_loop3A_722 = vector.shape_cast %parallel_loop3A_721 : vector<1x16xf32> to vector<16xf32>
      %parallel_loop3A_723 = arith.mulf %parallel_loop3A_688, %parallel_loop3A_722 : vector<16xf32>
      %parallel_loop3A_724 = arith.addf %parallel_loop3A_673, %parallel_loop3A_723 : vector<16xf32>
      %parallel_loop3A_725 = arith.index_cast %parallel_loop3A_667 : i32 to index
      %parallel_loop3A_726 = arith.constant 96 : index
      %parallel_loop3A_727 = tpu.vector_load %arg17[%parallel_loop3A_725, %parallel_loop3A_726] {strides = array<i32>} : memref<128x128xf32, #tpu.memory_space<vmem>>, vector<1x16xf32>,
      %parallel_loop3A_728 = vector.shape_cast %parallel_loop3A_727 : vector<1x16xf32> to vector<16xf32>
      %parallel_loop3A_729 = arith.mulf %parallel_loop3A_688, %parallel_loop3A_728 : vector<16xf32>
      %parallel_loop3A_730 = arith.addf %parallel_loop3A_674, %parallel_loop3A_729 : vector<16xf32>
      %parallel_loop3A_731 = arith.index_cast %parallel_loop3A_667 : i32 to index
      %parallel_loop3A_732 = arith.constant 112 : index
      %parallel_loop3A_733 = tpu.vector_load %arg17[%parallel_loop3A_731, %parallel_loop3A_732] {strides = array<i32>} : memref<128x128xf32, #tpu.memory_space<vmem>>, vector<1x16xf32>,
      %parallel_loop3A_734 = vector.shape_cast %parallel_loop3A_733 : vector<1x16xf32> to vector<16xf32>
      %parallel_loop3A_735 = arith.mulf %parallel_loop3A_688, %parallel_loop3A_734 : vector<16xf32>
      %parallel_loop3A_736 = arith.addf %parallel_loop3A_675, %parallel_loop3A_735 : vector<16xf32>
      scf.yield %parallel_loop3A_694, %parallel_loop3A_700, %parallel_loop3A_706, %parallel_loop3A_712, %parallel_loop3A_718, %parallel_loop3A_724, %parallel_loop3A_730, %parallel_loop3A_736 : vector<16xf32>, vector<16xf32>, vector<16xf32>, vector<16xf32>, vector<16xf32>, vector<16xf32>, vector<16xf32>, vector<16xf32>
    } {sc.loop_unroll_factor = 4 : i64, sc.parallel_access}
    %dma_start3A_451 = arith.constant 896 : i32
    %dma_start3A_452 = tpu.memref_slice %arg12[%dma_start3A_451] : memref<2048xi32, #tpu.memory_space<vmem>> -> memref<128xi32, #tpu.memory_space<vmem>>
    %dma_start3A_453 = arith.constant 0 : i32
    %dma_start3A_454 = arith.constant 0 : i32
    %dma_start3A_455 = tpu.memref_slice %arg2[%dma_start3A_453, %dma_start3A_454] : memref<100000x128xf32, #tpu.memory_space<hbm>> -> memref<100000x128xf32, #tpu.memory_space<hbm>>
    tpu.enqueue_indirect_dma source(%dma_start3A_455 : memref<100000x128xf32, #tpu.memory_space<hbm>>) target(%arg17 : memref<128x128xf32, #tpu.memory_space<vmem>>) offsets(%dma_start3A_452 : memref<128xi32, #tpu.memory_space<vmem>>) semaphore(%arg32 : memref<!tpu.dma_semaphore, #tpu.memory_space<semaphore_mem>>)
    %dma_wait3A_456 = arith.constant 384 : i32
    %dma_wait3A_457 = tpu.memref_slice %arg12[%dma_wait3A_456] : memref<2048xi32, #tpu.memory_space<vmem>> -> memref<128xi32, #tpu.memory_space<vmem>>
    %dma_wait3A_458 = arith.constant 0 : i32
    %dma_wait3A_459 = arith.constant 0 : i32
    %dma_wait3A_460 = tpu.memref_slice %arg2[%dma_wait3A_458, %dma_wait3A_459] : memref<100000x128xf32, #tpu.memory_space<hbm>> -> memref<100000x128xf32, #tpu.memory_space<hbm>>
    tpu.wait_indirect_dma semaphore(%arg33 : memref<!tpu.dma_semaphore, #tpu.memory_space<semaphore_mem>>) src(%dma_wait3A_460 : memref<100000x128xf32, #tpu.memory_space<hbm>>) dst(%arg18 : memref<128x128xf32, #tpu.memory_space<vmem>>)
    %parallel_loop3A_461 = arith.constant 0 : i32
    %parallel_loop3A_462 = arith.constant 128 : i32
    %parallel_loop3A_463 = arith.constant 1 : i32
    %parallel_loop3A_464:8 = scf.for %parallel_loop3A_667 = %parallel_loop3A_461 to %parallel_loop3A_462 step %parallel_loop3A_463 iter_args(%parallel_loop3A_668 = %parallel_loop3A_450#0, %parallel_loop3A_669 = %parallel_loop3A_450#1, %parallel_loop3A_670 = %parallel_loop3A_450#2, %parallel_loop3A_671 = %parallel_loop3A_450#3, %parallel_loop3A_672 = %parallel_loop3A_450#4, %parallel_loop3A_673 = %parallel_loop3A_450#5, %parallel_loop3A_674 = %parallel_loop3A_450#6, %parallel_loop3A_675 = %parallel_loop3A_450#7) -> (vector<16xf32>, vector<16xf32>, vector<16xf32>, vector<16xf32>, vector<16xf32>, vector<16xf32>, vector<16xf32>, vector<16xf32>)  : i32 {
      %parallel_loop3A_676 = arith.constant -16 : i32
      %parallel_loop3A_677 = arith.andi %parallel_loop3A_667, %parallel_loop3A_676 : i32
      %parallel_loop3A_678 = arith.constant 384 : i32
      %parallel_loop3A_679 = arith.addi %parallel_loop3A_678, %parallel_loop3A_677 : i32
      %parallel_loop3A_680 = arith.index_cast %parallel_loop3A_679 : i32 to index
      %parallel_loop3A_681 = tpu.vector_load %arg13[%parallel_loop3A_680] {strides = array<i32>} : memref<2048xf32, #tpu.memory_space<vmem>>, vector<16xf32>,
      %parallel_loop3A_682 = vector.shape_cast %parallel_loop3A_681 : vector<16xf32> to vector<16xf32>
      %parallel_loop3A_683 = arith.constant 15 : i32
      %parallel_loop3A_684 = arith.andi %parallel_loop3A_667, %parallel_loop3A_683 : i32
      %parallel_loop3A_685 = vector.broadcast %parallel_loop3A_684 : i32 to vector<16xi32>
      %parallel_loop3A_686 = vector.shape_cast %parallel_loop3A_685 : vector<16xi32> to vector<16x1xi32>
      %parallel_loop3A_687 = vector.shape_cast %parallel_loop3A_686 : vector<16x1xi32> to vector<16xi32>
      %parallel_loop3A_688 = tpu.dynamic_gather %parallel_loop3A_682[%parallel_loop3A_687] in [0] : vector<16xf32>, vector<16xi32> -> vector<16xf32>
      %parallel_loop3A_689 = arith.index_cast %parallel_loop3A_667 : i32 to index
      %parallel_loop3A_690 = arith.constant 0 : index
      %parallel_loop3A_691 = tpu.vector_load %arg18[%parallel_loop3A_689, %parallel_loop3A_690] {strides = array<i32>} : memref<128x128xf32, #tpu.memory_space<vmem>>, vector<1x16xf32>,
      %parallel_loop3A_692 = vector.shape_cast %parallel_loop3A_691 : vector<1x16xf32> to vector<16xf32>
      %parallel_loop3A_693 = arith.mulf %parallel_loop3A_688, %parallel_loop3A_692 : vector<16xf32>
      %parallel_loop3A_694 = arith.addf %parallel_loop3A_668, %parallel_loop3A_693 : vector<16xf32>
      %parallel_loop3A_695 = arith.index_cast %parallel_loop3A_667 : i32 to index
      %parallel_loop3A_696 = arith.constant 16 : index
      %parallel_loop3A_697 = tpu.vector_load %arg18[%parallel_loop3A_695, %parallel_loop3A_696] {strides = array<i32>} : memref<128x128xf32, #tpu.memory_space<vmem>>, vector<1x16xf32>,
      %parallel_loop3A_698 = vector.shape_cast %parallel_loop3A_697 : vector<1x16xf32> to vector<16xf32>
      %parallel_loop3A_699 = arith.mulf %parallel_loop3A_688, %parallel_loop3A_698 : vector<16xf32>
      %parallel_loop3A_700 = arith.addf %parallel_loop3A_669, %parallel_loop3A_699 : vector<16xf32>
      %parallel_loop3A_701 = arith.index_cast %parallel_loop3A_667 : i32 to index
      %parallel_loop3A_702 = arith.constant 32 : index
      %parallel_loop3A_703 = tpu.vector_load %arg18[%parallel_loop3A_701, %parallel_loop3A_702] {strides = array<i32>} : memref<128x128xf32, #tpu.memory_space<vmem>>, vector<1x16xf32>,
      %parallel_loop3A_704 = vector.shape_cast %parallel_loop3A_703 : vector<1x16xf32> to vector<16xf32>
      %parallel_loop3A_705 = arith.mulf %parallel_loop3A_688, %parallel_loop3A_704 : vector<16xf32>
      %parallel_loop3A_706 = arith.addf %parallel_loop3A_670, %parallel_loop3A_705 : vector<16xf32>
      %parallel_loop3A_707 = arith.index_cast %parallel_loop3A_667 : i32 to index
      %parallel_loop3A_708 = arith.constant 48 : index
      %parallel_loop3A_709 = tpu.vector_load %arg18[%parallel_loop3A_707, %parallel_loop3A_708] {strides = array<i32>} : memref<128x128xf32, #tpu.memory_space<vmem>>, vector<1x16xf32>,
      %parallel_loop3A_710 = vector.shape_cast %parallel_loop3A_709 : vector<1x16xf32> to vector<16xf32>
      %parallel_loop3A_711 = arith.mulf %parallel_loop3A_688, %parallel_loop3A_710 : vector<16xf32>
      %parallel_loop3A_712 = arith.addf %parallel_loop3A_671, %parallel_loop3A_711 : vector<16xf32>
      %parallel_loop3A_713 = arith.index_cast %parallel_loop3A_667 : i32 to index
      %parallel_loop3A_714 = arith.constant 64 : index
      %parallel_loop3A_715 = tpu.vector_load %arg18[%parallel_loop3A_713, %parallel_loop3A_714] {strides = array<i32>} : memref<128x128xf32, #tpu.memory_space<vmem>>, vector<1x16xf32>,
      %parallel_loop3A_716 = vector.shape_cast %parallel_loop3A_715 : vector<1x16xf32> to vector<16xf32>
      %parallel_loop3A_717 = arith.mulf %parallel_loop3A_688, %parallel_loop3A_716 : vector<16xf32>
      %parallel_loop3A_718 = arith.addf %parallel_loop3A_672, %parallel_loop3A_717 : vector<16xf32>
      %parallel_loop3A_719 = arith.index_cast %parallel_loop3A_667 : i32 to index
      %parallel_loop3A_720 = arith.constant 80 : index
      %parallel_loop3A_721 = tpu.vector_load %arg18[%parallel_loop3A_719, %parallel_loop3A_720] {strides = array<i32>} : memref<128x128xf32, #tpu.memory_space<vmem>>, vector<1x16xf32>,
      %parallel_loop3A_722 = vector.shape_cast %parallel_loop3A_721 : vector<1x16xf32> to vector<16xf32>
      %parallel_loop3A_723 = arith.mulf %parallel_loop3A_688, %parallel_loop3A_722 : vector<16xf32>
      %parallel_loop3A_724 = arith.addf %parallel_loop3A_673, %parallel_loop3A_723 : vector<16xf32>
      %parallel_loop3A_725 = arith.index_cast %parallel_loop3A_667 : i32 to index
      %parallel_loop3A_726 = arith.constant 96 : index
      %parallel_loop3A_727 = tpu.vector_load %arg18[%parallel_loop3A_725, %parallel_loop3A_726] {strides = array<i32>} : memref<128x128xf32, #tpu.memory_space<vmem>>, vector<1x16xf32>,
      %parallel_loop3A_728 = vector.shape_cast %parallel_loop3A_727 : vector<1x16xf32> to vector<16xf32>
      %parallel_loop3A_729 = arith.mulf %parallel_loop3A_688, %parallel_loop3A_728 : vector<16xf32>
      %parallel_loop3A_730 = arith.addf %parallel_loop3A_674, %parallel_loop3A_729 : vector<16xf32>
      %parallel_loop3A_731 = arith.index_cast %parallel_loop3A_667 : i32 to index
      %parallel_loop3A_732 = arith.constant 112 : index
      %parallel_loop3A_733 = tpu.vector_load %arg18[%parallel_loop3A_731, %parallel_loop3A_732] {strides = array<i32>} : memref<128x128xf32, #tpu.memory_space<vmem>>, vector<1x16xf32>,
      %parallel_loop3A_734 = vector.shape_cast %parallel_loop3A_733 : vector<1x16xf32> to vector<16xf32>
      %parallel_loop3A_735 = arith.mulf %parallel_loop3A_688, %parallel_loop3A_734 : vector<16xf32>
      %parallel_loop3A_736 = arith.addf %parallel_loop3A_675, %parallel_loop3A_735 : vector<16xf32>
      scf.yield %parallel_loop3A_694, %parallel_loop3A_700, %parallel_loop3A_706, %parallel_loop3A_712, %parallel_loop3A_718, %parallel_loop3A_724, %parallel_loop3A_730, %parallel_loop3A_736 : vector<16xf32>, vector<16xf32>, vector<16xf32>, vector<16xf32>, vector<16xf32>, vector<16xf32>, vector<16xf32>, vector<16xf32>
    } {sc.loop_unroll_factor = 4 : i64, sc.parallel_access}
    %dma_start3A_465 = arith.constant 1024 : i32
    %dma_start3A_466 = tpu.memref_slice %arg12[%dma_start3A_465] : memref<2048xi32, #tpu.memory_space<vmem>> -> memref<128xi32, #tpu.memory_space<vmem>>
    %dma_start3A_467 = arith.constant 0 : i32
    %dma_start3A_468 = arith.constant 0 : i32
    %dma_start3A_469 = tpu.memref_slice %arg2[%dma_start3A_467, %dma_start3A_468] : memref<100000x128xf32, #tpu.memory_space<hbm>> -> memref<100000x128xf32, #tpu.memory_space<hbm>>
    tpu.enqueue_indirect_dma source(%dma_start3A_469 : memref<100000x128xf32, #tpu.memory_space<hbm>>) target(%arg18 : memref<128x128xf32, #tpu.memory_space<vmem>>) offsets(%dma_start3A_466 : memref<128xi32, #tpu.memory_space<vmem>>) semaphore(%arg33 : memref<!tpu.dma_semaphore, #tpu.memory_space<semaphore_mem>>)
    %dma_wait3A_470 = arith.constant 512 : i32
    %dma_wait3A_471 = tpu.memref_slice %arg12[%dma_wait3A_470] : memref<2048xi32, #tpu.memory_space<vmem>> -> memref<128xi32, #tpu.memory_space<vmem>>
    %dma_wait3A_472 = arith.constant 0 : i32
    %dma_wait3A_473 = arith.constant 0 : i32
    %dma_wait3A_474 = tpu.memref_slice %arg2[%dma_wait3A_472, %dma_wait3A_473] : memref<100000x128xf32, #tpu.memory_space<hbm>> -> memref<100000x128xf32, #tpu.memory_space<hbm>>
    tpu.wait_indirect_dma semaphore(%arg34 : memref<!tpu.dma_semaphore, #tpu.memory_space<semaphore_mem>>) src(%dma_wait3A_474 : memref<100000x128xf32, #tpu.memory_space<hbm>>) dst(%arg19 : memref<128x128xf32, #tpu.memory_space<vmem>>)
    %parallel_loop3A_475 = arith.constant 0 : i32
    %parallel_loop3A_476 = arith.constant 128 : i32
    %parallel_loop3A_477 = arith.constant 1 : i32
    %parallel_loop3A_478:8 = scf.for %parallel_loop3A_667 = %parallel_loop3A_475 to %parallel_loop3A_476 step %parallel_loop3A_477 iter_args(%parallel_loop3A_668 = %parallel_loop3A_464#0, %parallel_loop3A_669 = %parallel_loop3A_464#1, %parallel_loop3A_670 = %parallel_loop3A_464#2, %parallel_loop3A_671 = %parallel_loop3A_464#3, %parallel_loop3A_672 = %parallel_loop3A_464#4, %parallel_loop3A_673 = %parallel_loop3A_464#5, %parallel_loop3A_674 = %parallel_loop3A_464#6, %parallel_loop3A_675 = %parallel_loop3A_464#7) -> (vector<16xf32>, vector<16xf32>, vector<16xf32>, vector<16xf32>, vector<16xf32>, vector<16xf32>, vector<16xf32>, vector<16xf32>)  : i32 {
      %parallel_loop3A_676 = arith.constant -16 : i32
      %parallel_loop3A_677 = arith.andi %parallel_loop3A_667, %parallel_loop3A_676 : i32
      %parallel_loop3A_678 = arith.constant 512 : i32
      %parallel_loop3A_679 = arith.addi %parallel_loop3A_678, %parallel_loop3A_677 : i32
      %parallel_loop3A_680 = arith.index_cast %parallel_loop3A_679 : i32 to index
      %parallel_loop3A_681 = tpu.vector_load %arg13[%parallel_loop3A_680] {strides = array<i32>} : memref<2048xf32, #tpu.memory_space<vmem>>, vector<16xf32>,
      %parallel_loop3A_682 = vector.shape_cast %parallel_loop3A_681 : vector<16xf32> to vector<16xf32>
      %parallel_loop3A_683 = arith.constant 15 : i32
      %parallel_loop3A_684 = arith.andi %parallel_loop3A_667, %parallel_loop3A_683 : i32
      %parallel_loop3A_685 = vector.broadcast %parallel_loop3A_684 : i32 to vector<16xi32>
      %parallel_loop3A_686 = vector.shape_cast %parallel_loop3A_685 : vector<16xi32> to vector<16x1xi32>
      %parallel_loop3A_687 = vector.shape_cast %parallel_loop3A_686 : vector<16x1xi32> to vector<16xi32>
      %parallel_loop3A_688 = tpu.dynamic_gather %parallel_loop3A_682[%parallel_loop3A_687] in [0] : vector<16xf32>, vector<16xi32> -> vector<16xf32>
      %parallel_loop3A_689 = arith.index_cast %parallel_loop3A_667 : i32 to index
      %parallel_loop3A_690 = arith.constant 0 : index
      %parallel_loop3A_691 = tpu.vector_load %arg19[%parallel_loop3A_689, %parallel_loop3A_690] {strides = array<i32>} : memref<128x128xf32, #tpu.memory_space<vmem>>, vector<1x16xf32>,
      %parallel_loop3A_692 = vector.shape_cast %parallel_loop3A_691 : vector<1x16xf32> to vector<16xf32>
      %parallel_loop3A_693 = arith.mulf %parallel_loop3A_688, %parallel_loop3A_692 : vector<16xf32>
      %parallel_loop3A_694 = arith.addf %parallel_loop3A_668, %parallel_loop3A_693 : vector<16xf32>
      %parallel_loop3A_695 = arith.index_cast %parallel_loop3A_667 : i32 to index
      %parallel_loop3A_696 = arith.constant 16 : index
      %parallel_loop3A_697 = tpu.vector_load %arg19[%parallel_loop3A_695, %parallel_loop3A_696] {strides = array<i32>} : memref<128x128xf32, #tpu.memory_space<vmem>>, vector<1x16xf32>,
      %parallel_loop3A_698 = vector.shape_cast %parallel_loop3A_697 : vector<1x16xf32> to vector<16xf32>
      %parallel_loop3A_699 = arith.mulf %parallel_loop3A_688, %parallel_loop3A_698 : vector<16xf32>
      %parallel_loop3A_700 = arith.addf %parallel_loop3A_669, %parallel_loop3A_699 : vector<16xf32>
      %parallel_loop3A_701 = arith.index_cast %parallel_loop3A_667 : i32 to index
      %parallel_loop3A_702 = arith.constant 32 : index
      %parallel_loop3A_703 = tpu.vector_load %arg19[%parallel_loop3A_701, %parallel_loop3A_702] {strides = array<i32>} : memref<128x128xf32, #tpu.memory_space<vmem>>, vector<1x16xf32>,
      %parallel_loop3A_704 = vector.shape_cast %parallel_loop3A_703 : vector<1x16xf32> to vector<16xf32>
      %parallel_loop3A_705 = arith.mulf %parallel_loop3A_688, %parallel_loop3A_704 : vector<16xf32>
      %parallel_loop3A_706 = arith.addf %parallel_loop3A_670, %parallel_loop3A_705 : vector<16xf32>
      %parallel_loop3A_707 = arith.index_cast %parallel_loop3A_667 : i32 to index
      %parallel_loop3A_708 = arith.constant 48 : index
      %parallel_loop3A_709 = tpu.vector_load %arg19[%parallel_loop3A_707, %parallel_loop3A_708] {strides = array<i32>} : memref<128x128xf32, #tpu.memory_space<vmem>>, vector<1x16xf32>,
      %parallel_loop3A_710 = vector.shape_cast %parallel_loop3A_709 : vector<1x16xf32> to vector<16xf32>
      %parallel_loop3A_711 = arith.mulf %parallel_loop3A_688, %parallel_loop3A_710 : vector<16xf32>
      %parallel_loop3A_712 = arith.addf %parallel_loop3A_671, %parallel_loop3A_711 : vector<16xf32>
      %parallel_loop3A_713 = arith.index_cast %parallel_loop3A_667 : i32 to index
      %parallel_loop3A_714 = arith.constant 64 : index
      %parallel_loop3A_715 = tpu.vector_load %arg19[%parallel_loop3A_713, %parallel_loop3A_714] {strides = array<i32>} : memref<128x128xf32, #tpu.memory_space<vmem>>, vector<1x16xf32>,
      %parallel_loop3A_716 = vector.shape_cast %parallel_loop3A_715 : vector<1x16xf32> to vector<16xf32>
      %parallel_loop3A_717 = arith.mulf %parallel_loop3A_688, %parallel_loop3A_716 : vector<16xf32>
      %parallel_loop3A_718 = arith.addf %parallel_loop3A_672, %parallel_loop3A_717 : vector<16xf32>
      %parallel_loop3A_719 = arith.index_cast %parallel_loop3A_667 : i32 to index
      %parallel_loop3A_720 = arith.constant 80 : index
      %parallel_loop3A_721 = tpu.vector_load %arg19[%parallel_loop3A_719, %parallel_loop3A_720] {strides = array<i32>} : memref<128x128xf32, #tpu.memory_space<vmem>>, vector<1x16xf32>,
      %parallel_loop3A_722 = vector.shape_cast %parallel_loop3A_721 : vector<1x16xf32> to vector<16xf32>
      %parallel_loop3A_723 = arith.mulf %parallel_loop3A_688, %parallel_loop3A_722 : vector<16xf32>
      %parallel_loop3A_724 = arith.addf %parallel_loop3A_673, %parallel_loop3A_723 : vector<16xf32>
      %parallel_loop3A_725 = arith.index_cast %parallel_loop3A_667 : i32 to index
      %parallel_loop3A_726 = arith.constant 96 : index
      %parallel_loop3A_727 = tpu.vector_load %arg19[%parallel_loop3A_725, %parallel_loop3A_726] {strides = array<i32>} : memref<128x128xf32, #tpu.memory_space<vmem>>, vector<1x16xf32>,
      %parallel_loop3A_728 = vector.shape_cast %parallel_loop3A_727 : vector<1x16xf32> to vector<16xf32>
      %parallel_loop3A_729 = arith.mulf %parallel_loop3A_688, %parallel_loop3A_728 : vector<16xf32>
      %parallel_loop3A_730 = arith.addf %parallel_loop3A_674, %parallel_loop3A_729 : vector<16xf32>
      %parallel_loop3A_731 = arith.index_cast %parallel_loop3A_667 : i32 to index
      %parallel_loop3A_732 = arith.constant 112 : index
      %parallel_loop3A_733 = tpu.vector_load %arg19[%parallel_loop3A_731, %parallel_loop3A_732] {strides = array<i32>} : memref<128x128xf32, #tpu.memory_space<vmem>>, vector<1x16xf32>,
      %parallel_loop3A_734 = vector.shape_cast %parallel_loop3A_733 : vector<1x16xf32> to vector<16xf32>
      %parallel_loop3A_735 = arith.mulf %parallel_loop3A_688, %parallel_loop3A_734 : vector<16xf32>
      %parallel_loop3A_736 = arith.addf %parallel_loop3A_675, %parallel_loop3A_735 : vector<16xf32>
      scf.yield %parallel_loop3A_694, %parallel_loop3A_700, %parallel_loop3A_706, %parallel_loop3A_712, %parallel_loop3A_718, %parallel_loop3A_724, %parallel_loop3A_730, %parallel_loop3A_736 : vector<16xf32>, vector<16xf32>, vector<16xf32>, vector<16xf32>, vector<16xf32>, vector<16xf32>, vector<16xf32>, vector<16xf32>
    } {sc.loop_unroll_factor = 4 : i64, sc.parallel_access}
    %dma_start3A_479 = arith.constant 1152 : i32
    %dma_start3A_480 = tpu.memref_slice %arg12[%dma_start3A_479] : memref<2048xi32, #tpu.memory_space<vmem>> -> memref<128xi32, #tpu.memory_space<vmem>>
    %dma_start3A_481 = arith.constant 0 : i32
    %dma_start3A_482 = arith.constant 0 : i32
    %dma_start3A_483 = tpu.memref_slice %arg2[%dma_start3A_481, %dma_start3A_482] : memref<100000x128xf32, #tpu.memory_space<hbm>> -> memref<100000x128xf32, #tpu.memory_space<hbm>>
    tpu.enqueue_indirect_dma source(%dma_start3A_483 : memref<100000x128xf32, #tpu.memory_space<hbm>>) target(%arg19 : memref<128x128xf32, #tpu.memory_space<vmem>>) offsets(%dma_start3A_480 : memref<128xi32, #tpu.memory_space<vmem>>) semaphore(%arg34 : memref<!tpu.dma_semaphore, #tpu.memory_space<semaphore_mem>>)
    %dma_wait3A_484 = arith.constant 640 : i32
    %dma_wait3A_485 = tpu.memref_slice %arg12[%dma_wait3A_484] : memref<2048xi32, #tpu.memory_space<vmem>> -> memref<128xi32, #tpu.memory_space<vmem>>
    %dma_wait3A_486 = arith.constant 0 : i32
    %dma_wait3A_487 = arith.constant 0 : i32
    %dma_wait3A_488 = tpu.memref_slice %arg2[%dma_wait3A_486, %dma_wait3A_487] : memref<100000x128xf32, #tpu.memory_space<hbm>> -> memref<100000x128xf32, #tpu.memory_space<hbm>>
    tpu.wait_indirect_dma semaphore(%arg30 : memref<!tpu.dma_semaphore, #tpu.memory_space<semaphore_mem>>) src(%dma_wait3A_488 : memref<100000x128xf32, #tpu.memory_space<hbm>>) dst(%arg15 : memref<128x128xf32, #tpu.memory_space<vmem>>)
    %parallel_loop3A_489 = arith.constant 0 : i32
    %parallel_loop3A_490 = arith.constant 128 : i32
    %parallel_loop3A_491 = arith.constant 1 : i32
    %parallel_loop3A_492:8 = scf.for %parallel_loop3A_667 = %parallel_loop3A_489 to %parallel_loop3A_490 step %parallel_loop3A_491 iter_args(%parallel_loop3A_668 = %parallel_loop3A_478#0, %parallel_loop3A_669 = %parallel_loop3A_478#1, %parallel_loop3A_670 = %parallel_loop3A_478#2, %parallel_loop3A_671 = %parallel_loop3A_478#3, %parallel_loop3A_672 = %parallel_loop3A_478#4, %parallel_loop3A_673 = %parallel_loop3A_478#5, %parallel_loop3A_674 = %parallel_loop3A_478#6, %parallel_loop3A_675 = %parallel_loop3A_478#7) -> (vector<16xf32>, vector<16xf32>, vector<16xf32>, vector<16xf32>, vector<16xf32>, vector<16xf32>, vector<16xf32>, vector<16xf32>)  : i32 {
      %parallel_loop3A_676 = arith.constant -16 : i32
      %parallel_loop3A_677 = arith.andi %parallel_loop3A_667, %parallel_loop3A_676 : i32
      %parallel_loop3A_678 = arith.constant 640 : i32
      %parallel_loop3A_679 = arith.addi %parallel_loop3A_678, %parallel_loop3A_677 : i32
      %parallel_loop3A_680 = arith.index_cast %parallel_loop3A_679 : i32 to index
      %parallel_loop3A_681 = tpu.vector_load %arg13[%parallel_loop3A_680] {strides = array<i32>} : memref<2048xf32, #tpu.memory_space<vmem>>, vector<16xf32>,
      %parallel_loop3A_682 = vector.shape_cast %parallel_loop3A_681 : vector<16xf32> to vector<16xf32>
      %parallel_loop3A_683 = arith.constant 15 : i32
      %parallel_loop3A_684 = arith.andi %parallel_loop3A_667, %parallel_loop3A_683 : i32
      %parallel_loop3A_685 = vector.broadcast %parallel_loop3A_684 : i32 to vector<16xi32>
      %parallel_loop3A_686 = vector.shape_cast %parallel_loop3A_685 : vector<16xi32> to vector<16x1xi32>
      %parallel_loop3A_687 = vector.shape_cast %parallel_loop3A_686 : vector<16x1xi32> to vector<16xi32>
      %parallel_loop3A_688 = tpu.dynamic_gather %parallel_loop3A_682[%parallel_loop3A_687] in [0] : vector<16xf32>, vector<16xi32> -> vector<16xf32>
      %parallel_loop3A_689 = arith.index_cast %parallel_loop3A_667 : i32 to index
      %parallel_loop3A_690 = arith.constant 0 : index
      %parallel_loop3A_691 = tpu.vector_load %arg15[%parallel_loop3A_689, %parallel_loop3A_690] {strides = array<i32>} : memref<128x128xf32, #tpu.memory_space<vmem>>, vector<1x16xf32>,
      %parallel_loop3A_692 = vector.shape_cast %parallel_loop3A_691 : vector<1x16xf32> to vector<16xf32>
      %parallel_loop3A_693 = arith.mulf %parallel_loop3A_688, %parallel_loop3A_692 : vector<16xf32>
      %parallel_loop3A_694 = arith.addf %parallel_loop3A_668, %parallel_loop3A_693 : vector<16xf32>
      %parallel_loop3A_695 = arith.index_cast %parallel_loop3A_667 : i32 to index
      %parallel_loop3A_696 = arith.constant 16 : index
      %parallel_loop3A_697 = tpu.vector_load %arg15[%parallel_loop3A_695, %parallel_loop3A_696] {strides = array<i32>} : memref<128x128xf32, #tpu.memory_space<vmem>>, vector<1x16xf32>,
      %parallel_loop3A_698 = vector.shape_cast %parallel_loop3A_697 : vector<1x16xf32> to vector<16xf32>
      %parallel_loop3A_699 = arith.mulf %parallel_loop3A_688, %parallel_loop3A_698 : vector<16xf32>
      %parallel_loop3A_700 = arith.addf %parallel_loop3A_669, %parallel_loop3A_699 : vector<16xf32>
      %parallel_loop3A_701 = arith.index_cast %parallel_loop3A_667 : i32 to index
      %parallel_loop3A_702 = arith.constant 32 : index
      %parallel_loop3A_703 = tpu.vector_load %arg15[%parallel_loop3A_701, %parallel_loop3A_702] {strides = array<i32>} : memref<128x128xf32, #tpu.memory_space<vmem>>, vector<1x16xf32>,
      %parallel_loop3A_704 = vector.shape_cast %parallel_loop3A_703 : vector<1x16xf32> to vector<16xf32>
      %parallel_loop3A_705 = arith.mulf %parallel_loop3A_688, %parallel_loop3A_704 : vector<16xf32>
      %parallel_loop3A_706 = arith.addf %parallel_loop3A_670, %parallel_loop3A_705 : vector<16xf32>
      %parallel_loop3A_707 = arith.index_cast %parallel_loop3A_667 : i32 to index
      %parallel_loop3A_708 = arith.constant 48 : index
      %parallel_loop3A_709 = tpu.vector_load %arg15[%parallel_loop3A_707, %parallel_loop3A_708] {strides = array<i32>} : memref<128x128xf32, #tpu.memory_space<vmem>>, vector<1x16xf32>,
      %parallel_loop3A_710 = vector.shape_cast %parallel_loop3A_709 : vector<1x16xf32> to vector<16xf32>
      %parallel_loop3A_711 = arith.mulf %parallel_loop3A_688, %parallel_loop3A_710 : vector<16xf32>
      %parallel_loop3A_712 = arith.addf %parallel_loop3A_671, %parallel_loop3A_711 : vector<16xf32>
      %parallel_loop3A_713 = arith.index_cast %parallel_loop3A_667 : i32 to index
      %parallel_loop3A_714 = arith.constant 64 : index
      %parallel_loop3A_715 = tpu.vector_load %arg15[%parallel_loop3A_713, %parallel_loop3A_714] {strides = array<i32>} : memref<128x128xf32, #tpu.memory_space<vmem>>, vector<1x16xf32>,
      %parallel_loop3A_716 = vector.shape_cast %parallel_loop3A_715 : vector<1x16xf32> to vector<16xf32>
      %parallel_loop3A_717 = arith.mulf %parallel_loop3A_688, %parallel_loop3A_716 : vector<16xf32>
      %parallel_loop3A_718 = arith.addf %parallel_loop3A_672, %parallel_loop3A_717 : vector<16xf32>
      %parallel_loop3A_719 = arith.index_cast %parallel_loop3A_667 : i32 to index
      %parallel_loop3A_720 = arith.constant 80 : index
      %parallel_loop3A_721 = tpu.vector_load %arg15[%parallel_loop3A_719, %parallel_loop3A_720] {strides = array<i32>} : memref<128x128xf32, #tpu.memory_space<vmem>>, vector<1x16xf32>,
      %parallel_loop3A_722 = vector.shape_cast %parallel_loop3A_721 : vector<1x16xf32> to vector<16xf32>
      %parallel_loop3A_723 = arith.mulf %parallel_loop3A_688, %parallel_loop3A_722 : vector<16xf32>
      %parallel_loop3A_724 = arith.addf %parallel_loop3A_673, %parallel_loop3A_723 : vector<16xf32>
      %parallel_loop3A_725 = arith.index_cast %parallel_loop3A_667 : i32 to index
      %parallel_loop3A_726 = arith.constant 96 : index
      %parallel_loop3A_727 = tpu.vector_load %arg15[%parallel_loop3A_725, %parallel_loop3A_726] {strides = array<i32>} : memref<128x128xf32, #tpu.memory_space<vmem>>, vector<1x16xf32>,
      %parallel_loop3A_728 = vector.shape_cast %parallel_loop3A_727 : vector<1x16xf32> to vector<16xf32>
      %parallel_loop3A_729 = arith.mulf %parallel_loop3A_688, %parallel_loop3A_728 : vector<16xf32>
      %parallel_loop3A_730 = arith.addf %parallel_loop3A_674, %parallel_loop3A_729 : vector<16xf32>
      %parallel_loop3A_731 = arith.index_cast %parallel_loop3A_667 : i32 to index
      %parallel_loop3A_732 = arith.constant 112 : index
      %parallel_loop3A_733 = tpu.vector_load %arg15[%parallel_loop3A_731, %parallel_loop3A_732] {strides = array<i32>} : memref<128x128xf32, #tpu.memory_space<vmem>>, vector<1x16xf32>,
      %parallel_loop3A_734 = vector.shape_cast %parallel_loop3A_733 : vector<1x16xf32> to vector<16xf32>
      %parallel_loop3A_735 = arith.mulf %parallel_loop3A_688, %parallel_loop3A_734 : vector<16xf32>
      %parallel_loop3A_736 = arith.addf %parallel_loop3A_675, %parallel_loop3A_735 : vector<16xf32>
      scf.yield %parallel_loop3A_694, %parallel_loop3A_700, %parallel_loop3A_706, %parallel_loop3A_712, %parallel_loop3A_718, %parallel_loop3A_724, %parallel_loop3A_730, %parallel_loop3A_736 : vector<16xf32>, vector<16xf32>, vector<16xf32>, vector<16xf32>, vector<16xf32>, vector<16xf32>, vector<16xf32>, vector<16xf32>
    } {sc.loop_unroll_factor = 4 : i64, sc.parallel_access}
    %dma_start3A_493 = arith.constant 1280 : i32
    %dma_start3A_494 = tpu.memref_slice %arg12[%dma_start3A_493] : memref<2048xi32, #tpu.memory_space<vmem>> -> memref<128xi32, #tpu.memory_space<vmem>>
    %dma_start3A_495 = arith.constant 0 : i32
    %dma_start3A_496 = arith.constant 0 : i32
    %dma_start3A_497 = tpu.memref_slice %arg2[%dma_start3A_495, %dma_start3A_496] : memref<100000x128xf32, #tpu.memory_space<hbm>> -> memref<100000x128xf32, #tpu.memory_space<hbm>>
    tpu.enqueue_indirect_dma source(%dma_start3A_497 : memref<100000x128xf32, #tpu.memory_space<hbm>>) target(%arg15 : memref<128x128xf32, #tpu.memory_space<vmem>>) offsets(%dma_start3A_494 : memref<128xi32, #tpu.memory_space<vmem>>) semaphore(%arg30 : memref<!tpu.dma_semaphore, #tpu.memory_space<semaphore_mem>>)
    %dma_wait3A_498 = arith.constant 768 : i32
    %dma_wait3A_499 = tpu.memref_slice %arg12[%dma_wait3A_498] : memref<2048xi32, #tpu.memory_space<vmem>> -> memref<128xi32, #tpu.memory_space<vmem>>
    %dma_wait3A_500 = arith.constant 0 : i32
    %dma_wait3A_501 = arith.constant 0 : i32
    %dma_wait3A_502 = tpu.memref_slice %arg2[%dma_wait3A_500, %dma_wait3A_501] : memref<100000x128xf32, #tpu.memory_space<hbm>> -> memref<100000x128xf32, #tpu.memory_space<hbm>>
    tpu.wait_indirect_dma semaphore(%arg31 : memref<!tpu.dma_semaphore, #tpu.memory_space<semaphore_mem>>) src(%dma_wait3A_502 : memref<100000x128xf32, #tpu.memory_space<hbm>>) dst(%arg16 : memref<128x128xf32, #tpu.memory_space<vmem>>)
    %parallel_loop3A_503 = arith.constant 0 : i32
    %parallel_loop3A_504 = arith.constant 128 : i32
    %parallel_loop3A_505 = arith.constant 1 : i32
    %parallel_loop3A_506:8 = scf.for %parallel_loop3A_667 = %parallel_loop3A_503 to %parallel_loop3A_504 step %parallel_loop3A_505 iter_args(%parallel_loop3A_668 = %parallel_loop3A_492#0, %parallel_loop3A_669 = %parallel_loop3A_492#1, %parallel_loop3A_670 = %parallel_loop3A_492#2, %parallel_loop3A_671 = %parallel_loop3A_492#3, %parallel_loop3A_672 = %parallel_loop3A_492#4, %parallel_loop3A_673 = %parallel_loop3A_492#5, %parallel_loop3A_674 = %parallel_loop3A_492#6, %parallel_loop3A_675 = %parallel_loop3A_492#7) -> (vector<16xf32>, vector<16xf32>, vector<16xf32>, vector<16xf32>, vector<16xf32>, vector<16xf32>, vector<16xf32>, vector<16xf32>)  : i32 {
      %parallel_loop3A_676 = arith.constant -16 : i32
      %parallel_loop3A_677 = arith.andi %parallel_loop3A_667, %parallel_loop3A_676 : i32
      %parallel_loop3A_678 = arith.constant 768 : i32
      %parallel_loop3A_679 = arith.addi %parallel_loop3A_678, %parallel_loop3A_677 : i32
      %parallel_loop3A_680 = arith.index_cast %parallel_loop3A_679 : i32 to index
      %parallel_loop3A_681 = tpu.vector_load %arg13[%parallel_loop3A_680] {strides = array<i32>} : memref<2048xf32, #tpu.memory_space<vmem>>, vector<16xf32>,
      %parallel_loop3A_682 = vector.shape_cast %parallel_loop3A_681 : vector<16xf32> to vector<16xf32>
      %parallel_loop3A_683 = arith.constant 15 : i32
      %parallel_loop3A_684 = arith.andi %parallel_loop3A_667, %parallel_loop3A_683 : i32
      %parallel_loop3A_685 = vector.broadcast %parallel_loop3A_684 : i32 to vector<16xi32>
      %parallel_loop3A_686 = vector.shape_cast %parallel_loop3A_685 : vector<16xi32> to vector<16x1xi32>
      %parallel_loop3A_687 = vector.shape_cast %parallel_loop3A_686 : vector<16x1xi32> to vector<16xi32>
      %parallel_loop3A_688 = tpu.dynamic_gather %parallel_loop3A_682[%parallel_loop3A_687] in [0] : vector<16xf32>, vector<16xi32> -> vector<16xf32>
      %parallel_loop3A_689 = arith.index_cast %parallel_loop3A_667 : i32 to index
      %parallel_loop3A_690 = arith.constant 0 : index
      %parallel_loop3A_691 = tpu.vector_load %arg16[%parallel_loop3A_689, %parallel_loop3A_690] {strides = array<i32>} : memref<128x128xf32, #tpu.memory_space<vmem>>, vector<1x16xf32>,
      %parallel_loop3A_692 = vector.shape_cast %parallel_loop3A_691 : vector<1x16xf32> to vector<16xf32>
      %parallel_loop3A_693 = arith.mulf %parallel_loop3A_688, %parallel_loop3A_692 : vector<16xf32>
      %parallel_loop3A_694 = arith.addf %parallel_loop3A_668, %parallel_loop3A_693 : vector<16xf32>
      %parallel_loop3A_695 = arith.index_cast %parallel_loop3A_667 : i32 to index
      %parallel_loop3A_696 = arith.constant 16 : index
      %parallel_loop3A_697 = tpu.vector_load %arg16[%parallel_loop3A_695, %parallel_loop3A_696] {strides = array<i32>} : memref<128x128xf32, #tpu.memory_space<vmem>>, vector<1x16xf32>,
      %parallel_loop3A_698 = vector.shape_cast %parallel_loop3A_697 : vector<1x16xf32> to vector<16xf32>
      %parallel_loop3A_699 = arith.mulf %parallel_loop3A_688, %parallel_loop3A_698 : vector<16xf32>
      %parallel_loop3A_700 = arith.addf %parallel_loop3A_669, %parallel_loop3A_699 : vector<16xf32>
      %parallel_loop3A_701 = arith.index_cast %parallel_loop3A_667 : i32 to index
      %parallel_loop3A_702 = arith.constant 32 : index
      %parallel_loop3A_703 = tpu.vector_load %arg16[%parallel_loop3A_701, %parallel_loop3A_702] {strides = array<i32>} : memref<128x128xf32, #tpu.memory_space<vmem>>, vector<1x16xf32>,
      %parallel_loop3A_704 = vector.shape_cast %parallel_loop3A_703 : vector<1x16xf32> to vector<16xf32>
      %parallel_loop3A_705 = arith.mulf %parallel_loop3A_688, %parallel_loop3A_704 : vector<16xf32>
      %parallel_loop3A_706 = arith.addf %parallel_loop3A_670, %parallel_loop3A_705 : vector<16xf32>
      %parallel_loop3A_707 = arith.index_cast %parallel_loop3A_667 : i32 to index
      %parallel_loop3A_708 = arith.constant 48 : index
      %parallel_loop3A_709 = tpu.vector_load %arg16[%parallel_loop3A_707, %parallel_loop3A_708] {strides = array<i32>} : memref<128x128xf32, #tpu.memory_space<vmem>>, vector<1x16xf32>,
      %parallel_loop3A_710 = vector.shape_cast %parallel_loop3A_709 : vector<1x16xf32> to vector<16xf32>
      %parallel_loop3A_711 = arith.mulf %parallel_loop3A_688, %parallel_loop3A_710 : vector<16xf32>
      %parallel_loop3A_712 = arith.addf %parallel_loop3A_671, %parallel_loop3A_711 : vector<16xf32>
      %parallel_loop3A_713 = arith.index_cast %parallel_loop3A_667 : i32 to index
      %parallel_loop3A_714 = arith.constant 64 : index
      %parallel_loop3A_715 = tpu.vector_load %arg16[%parallel_loop3A_713, %parallel_loop3A_714] {strides = array<i32>} : memref<128x128xf32, #tpu.memory_space<vmem>>, vector<1x16xf32>,
      %parallel_loop3A_716 = vector.shape_cast %parallel_loop3A_715 : vector<1x16xf32> to vector<16xf32>
      %parallel_loop3A_717 = arith.mulf %parallel_loop3A_688, %parallel_loop3A_716 : vector<16xf32>
      %parallel_loop3A_718 = arith.addf %parallel_loop3A_672, %parallel_loop3A_717 : vector<16xf32>
      %parallel_loop3A_719 = arith.index_cast %parallel_loop3A_667 : i32 to index
      %parallel_loop3A_720 = arith.constant 80 : index
      %parallel_loop3A_721 = tpu.vector_load %arg16[%parallel_loop3A_719, %parallel_loop3A_720] {strides = array<i32>} : memref<128x128xf32, #tpu.memory_space<vmem>>, vector<1x16xf32>,
      %parallel_loop3A_722 = vector.shape_cast %parallel_loop3A_721 : vector<1x16xf32> to vector<16xf32>
      %parallel_loop3A_723 = arith.mulf %parallel_loop3A_688, %parallel_loop3A_722 : vector<16xf32>
      %parallel_loop3A_724 = arith.addf %parallel_loop3A_673, %parallel_loop3A_723 : vector<16xf32>
      %parallel_loop3A_725 = arith.index_cast %parallel_loop3A_667 : i32 to index
      %parallel_loop3A_726 = arith.constant 96 : index
      %parallel_loop3A_727 = tpu.vector_load %arg16[%parallel_loop3A_725, %parallel_loop3A_726] {strides = array<i32>} : memref<128x128xf32, #tpu.memory_space<vmem>>, vector<1x16xf32>,
      %parallel_loop3A_728 = vector.shape_cast %parallel_loop3A_727 : vector<1x16xf32> to vector<16xf32>
      %parallel_loop3A_729 = arith.mulf %parallel_loop3A_688, %parallel_loop3A_728 : vector<16xf32>
      %parallel_loop3A_730 = arith.addf %parallel_loop3A_674, %parallel_loop3A_729 : vector<16xf32>
      %parallel_loop3A_731 = arith.index_cast %parallel_loop3A_667 : i32 to index
      %parallel_loop3A_732 = arith.constant 112 : index
      %parallel_loop3A_733 = tpu.vector_load %arg16[%parallel_loop3A_731, %parallel_loop3A_732] {strides = array<i32>} : memref<128x128xf32, #tpu.memory_space<vmem>>, vector<1x16xf32>,
      %parallel_loop3A_734 = vector.shape_cast %parallel_loop3A_733 : vector<1x16xf32> to vector<16xf32>
      %parallel_loop3A_735 = arith.mulf %parallel_loop3A_688, %parallel_loop3A_734 : vector<16xf32>
      %parallel_loop3A_736 = arith.addf %parallel_loop3A_675, %parallel_loop3A_735 : vector<16xf32>
      scf.yield %parallel_loop3A_694, %parallel_loop3A_700, %parallel_loop3A_706, %parallel_loop3A_712, %parallel_loop3A_718, %parallel_loop3A_724, %parallel_loop3A_730, %parallel_loop3A_736 : vector<16xf32>, vector<16xf32>, vector<16xf32>, vector<16xf32>, vector<16xf32>, vector<16xf32>, vector<16xf32>, vector<16xf32>
    } {sc.loop_unroll_factor = 4 : i64, sc.parallel_access}
    %dma_start3A_507 = arith.constant 1408 : i32
    %dma_start3A_508 = tpu.memref_slice %arg12[%dma_start3A_507] : memref<2048xi32, #tpu.memory_space<vmem>> -> memref<128xi32, #tpu.memory_space<vmem>>
    %dma_start3A_509 = arith.constant 0 : i32
    %dma_start3A_510 = arith.constant 0 : i32
    %dma_start3A_511 = tpu.memref_slice %arg2[%dma_start3A_509, %dma_start3A_510] : memref<100000x128xf32, #tpu.memory_space<hbm>> -> memref<100000x128xf32, #tpu.memory_space<hbm>>
    tpu.enqueue_indirect_dma source(%dma_start3A_511 : memref<100000x128xf32, #tpu.memory_space<hbm>>) target(%arg16 : memref<128x128xf32, #tpu.memory_space<vmem>>) offsets(%dma_start3A_508 : memref<128xi32, #tpu.memory_space<vmem>>) semaphore(%arg31 : memref<!tpu.dma_semaphore, #tpu.memory_space<semaphore_mem>>)
    %dma_wait3A_512 = arith.constant 896 : i32
    %dma_wait3A_513 = tpu.memref_slice %arg12[%dma_wait3A_512] : memref<2048xi32, #tpu.memory_space<vmem>> -> memref<128xi32, #tpu.memory_space<vmem>>
    %dma_wait3A_514 = arith.constant 0 : i32
    %dma_wait3A_515 = arith.constant 0 : i32
    %dma_wait3A_516 = tpu.memref_slice %arg2[%dma_wait3A_514, %dma_wait3A_515] : memref<100000x128xf32, #tpu.memory_space<hbm>> -> memref<100000x128xf32, #tpu.memory_space<hbm>>
    tpu.wait_indirect_dma semaphore(%arg32 : memref<!tpu.dma_semaphore, #tpu.memory_space<semaphore_mem>>) src(%dma_wait3A_516 : memref<100000x128xf32, #tpu.memory_space<hbm>>) dst(%arg17 : memref<128x128xf32, #tpu.memory_space<vmem>>)
    %parallel_loop3A_517 = arith.constant 0 : i32
    %parallel_loop3A_518 = arith.constant 128 : i32
    %parallel_loop3A_519 = arith.constant 1 : i32
    %parallel_loop3A_520:8 = scf.for %parallel_loop3A_667 = %parallel_loop3A_517 to %parallel_loop3A_518 step %parallel_loop3A_519 iter_args(%parallel_loop3A_668 = %parallel_loop3A_506#0, %parallel_loop3A_669 = %parallel_loop3A_506#1, %parallel_loop3A_670 = %parallel_loop3A_506#2, %parallel_loop3A_671 = %parallel_loop3A_506#3, %parallel_loop3A_672 = %parallel_loop3A_506#4, %parallel_loop3A_673 = %parallel_loop3A_506#5, %parallel_loop3A_674 = %parallel_loop3A_506#6, %parallel_loop3A_675 = %parallel_loop3A_506#7) -> (vector<16xf32>, vector<16xf32>, vector<16xf32>, vector<16xf32>, vector<16xf32>, vector<16xf32>, vector<16xf32>, vector<16xf32>)  : i32 {
      %parallel_loop3A_676 = arith.constant -16 : i32
      %parallel_loop3A_677 = arith.andi %parallel_loop3A_667, %parallel_loop3A_676 : i32
      %parallel_loop3A_678 = arith.constant 896 : i32
      %parallel_loop3A_679 = arith.addi %parallel_loop3A_678, %parallel_loop3A_677 : i32
      %parallel_loop3A_680 = arith.index_cast %parallel_loop3A_679 : i32 to index
      %parallel_loop3A_681 = tpu.vector_load %arg13[%parallel_loop3A_680] {strides = array<i32>} : memref<2048xf32, #tpu.memory_space<vmem>>, vector<16xf32>,
      %parallel_loop3A_682 = vector.shape_cast %parallel_loop3A_681 : vector<16xf32> to vector<16xf32>
      %parallel_loop3A_683 = arith.constant 15 : i32
      %parallel_loop3A_684 = arith.andi %parallel_loop3A_667, %parallel_loop3A_683 : i32
      %parallel_loop3A_685 = vector.broadcast %parallel_loop3A_684 : i32 to vector<16xi32>
      %parallel_loop3A_686 = vector.shape_cast %parallel_loop3A_685 : vector<16xi32> to vector<16x1xi32>
      %parallel_loop3A_687 = vector.shape_cast %parallel_loop3A_686 : vector<16x1xi32> to vector<16xi32>
      %parallel_loop3A_688 = tpu.dynamic_gather %parallel_loop3A_682[%parallel_loop3A_687] in [0] : vector<16xf32>, vector<16xi32> -> vector<16xf32>
      %parallel_loop3A_689 = arith.index_cast %parallel_loop3A_667 : i32 to index
      %parallel_loop3A_690 = arith.constant 0 : index
      %parallel_loop3A_691 = tpu.vector_load %arg17[%parallel_loop3A_689, %parallel_loop3A_690] {strides = array<i32>} : memref<128x128xf32, #tpu.memory_space<vmem>>, vector<1x16xf32>,
      %parallel_loop3A_692 = vector.shape_cast %parallel_loop3A_691 : vector<1x16xf32> to vector<16xf32>
      %parallel_loop3A_693 = arith.mulf %parallel_loop3A_688, %parallel_loop3A_692 : vector<16xf32>
      %parallel_loop3A_694 = arith.addf %parallel_loop3A_668, %parallel_loop3A_693 : vector<16xf32>
      %parallel_loop3A_695 = arith.index_cast %parallel_loop3A_667 : i32 to index
      %parallel_loop3A_696 = arith.constant 16 : index
      %parallel_loop3A_697 = tpu.vector_load %arg17[%parallel_loop3A_695, %parallel_loop3A_696] {strides = array<i32>} : memref<128x128xf32, #tpu.memory_space<vmem>>, vector<1x16xf32>,
      %parallel_loop3A_698 = vector.shape_cast %parallel_loop3A_697 : vector<1x16xf32> to vector<16xf32>
      %parallel_loop3A_699 = arith.mulf %parallel_loop3A_688, %parallel_loop3A_698 : vector<16xf32>
      %parallel_loop3A_700 = arith.addf %parallel_loop3A_669, %parallel_loop3A_699 : vector<16xf32>
      %parallel_loop3A_701 = arith.index_cast %parallel_loop3A_667 : i32 to index
      %parallel_loop3A_702 = arith.constant 32 : index
      %parallel_loop3A_703 = tpu.vector_load %arg17[%parallel_loop3A_701, %parallel_loop3A_702] {strides = array<i32>} : memref<128x128xf32, #tpu.memory_space<vmem>>, vector<1x16xf32>,
      %parallel_loop3A_704 = vector.shape_cast %parallel_loop3A_703 : vector<1x16xf32> to vector<16xf32>
      %parallel_loop3A_705 = arith.mulf %parallel_loop3A_688, %parallel_loop3A_704 : vector<16xf32>
      %parallel_loop3A_706 = arith.addf %parallel_loop3A_670, %parallel_loop3A_705 : vector<16xf32>
      %parallel_loop3A_707 = arith.index_cast %parallel_loop3A_667 : i32 to index
      %parallel_loop3A_708 = arith.constant 48 : index
      %parallel_loop3A_709 = tpu.vector_load %arg17[%parallel_loop3A_707, %parallel_loop3A_708] {strides = array<i32>} : memref<128x128xf32, #tpu.memory_space<vmem>>, vector<1x16xf32>,
      %parallel_loop3A_710 = vector.shape_cast %parallel_loop3A_709 : vector<1x16xf32> to vector<16xf32>
      %parallel_loop3A_711 = arith.mulf %parallel_loop3A_688, %parallel_loop3A_710 : vector<16xf32>
      %parallel_loop3A_712 = arith.addf %parallel_loop3A_671, %parallel_loop3A_711 : vector<16xf32>
      %parallel_loop3A_713 = arith.index_cast %parallel_loop3A_667 : i32 to index
      %parallel_loop3A_714 = arith.constant 64 : index
      %parallel_loop3A_715 = tpu.vector_load %arg17[%parallel_loop3A_713, %parallel_loop3A_714] {strides = array<i32>} : memref<128x128xf32, #tpu.memory_space<vmem>>, vector<1x16xf32>,
      %parallel_loop3A_716 = vector.shape_cast %parallel_loop3A_715 : vector<1x16xf32> to vector<16xf32>
      %parallel_loop3A_717 = arith.mulf %parallel_loop3A_688, %parallel_loop3A_716 : vector<16xf32>
      %parallel_loop3A_718 = arith.addf %parallel_loop3A_672, %parallel_loop3A_717 : vector<16xf32>
      %parallel_loop3A_719 = arith.index_cast %parallel_loop3A_667 : i32 to index
      %parallel_loop3A_720 = arith.constant 80 : index
      %parallel_loop3A_721 = tpu.vector_load %arg17[%parallel_loop3A_719, %parallel_loop3A_720] {strides = array<i32>} : memref<128x128xf32, #tpu.memory_space<vmem>>, vector<1x16xf32>,
      %parallel_loop3A_722 = vector.shape_cast %parallel_loop3A_721 : vector<1x16xf32> to vector<16xf32>
      %parallel_loop3A_723 = arith.mulf %parallel_loop3A_688, %parallel_loop3A_722 : vector<16xf32>
      %parallel_loop3A_724 = arith.addf %parallel_loop3A_673, %parallel_loop3A_723 : vector<16xf32>
      %parallel_loop3A_725 = arith.index_cast %parallel_loop3A_667 : i32 to index
      %parallel_loop3A_726 = arith.constant 96 : index
      %parallel_loop3A_727 = tpu.vector_load %arg17[%parallel_loop3A_725, %parallel_loop3A_726] {strides = array<i32>} : memref<128x128xf32, #tpu.memory_space<vmem>>, vector<1x16xf32>,
      %parallel_loop3A_728 = vector.shape_cast %parallel_loop3A_727 : vector<1x16xf32> to vector<16xf32>
      %parallel_loop3A_729 = arith.mulf %parallel_loop3A_688, %parallel_loop3A_728 : vector<16xf32>
      %parallel_loop3A_730 = arith.addf %parallel_loop3A_674, %parallel_loop3A_729 : vector<16xf32>
      %parallel_loop3A_731 = arith.index_cast %parallel_loop3A_667 : i32 to index
      %parallel_loop3A_732 = arith.constant 112 : index
      %parallel_loop3A_733 = tpu.vector_load %arg17[%parallel_loop3A_731, %parallel_loop3A_732] {strides = array<i32>} : memref<128x128xf32, #tpu.memory_space<vmem>>, vector<1x16xf32>,
      %parallel_loop3A_734 = vector.shape_cast %parallel_loop3A_733 : vector<1x16xf32> to vector<16xf32>
      %parallel_loop3A_735 = arith.mulf %parallel_loop3A_688, %parallel_loop3A_734 : vector<16xf32>
      %parallel_loop3A_736 = arith.addf %parallel_loop3A_675, %parallel_loop3A_735 : vector<16xf32>
      scf.yield %parallel_loop3A_694, %parallel_loop3A_700, %parallel_loop3A_706, %parallel_loop3A_712, %parallel_loop3A_718, %parallel_loop3A_724, %parallel_loop3A_730, %parallel_loop3A_736 : vector<16xf32>, vector<16xf32>, vector<16xf32>, vector<16xf32>, vector<16xf32>, vector<16xf32>, vector<16xf32>, vector<16xf32>
    } {sc.loop_unroll_factor = 4 : i64, sc.parallel_access}
    %dma_start3A_521 = arith.constant 1536 : i32
    %dma_start3A_522 = tpu.memref_slice %arg12[%dma_start3A_521] : memref<2048xi32, #tpu.memory_space<vmem>> -> memref<128xi32, #tpu.memory_space<vmem>>
    %dma_start3A_523 = arith.constant 0 : i32
    %dma_start3A_524 = arith.constant 0 : i32
    %dma_start3A_525 = tpu.memref_slice %arg2[%dma_start3A_523, %dma_start3A_524] : memref<100000x128xf32, #tpu.memory_space<hbm>> -> memref<100000x128xf32, #tpu.memory_space<hbm>>
    tpu.enqueue_indirect_dma source(%dma_start3A_525 : memref<100000x128xf32, #tpu.memory_space<hbm>>) target(%arg17 : memref<128x128xf32, #tpu.memory_space<vmem>>) offsets(%dma_start3A_522 : memref<128xi32, #tpu.memory_space<vmem>>) semaphore(%arg32 : memref<!tpu.dma_semaphore, #tpu.memory_space<semaphore_mem>>)
    %dma_wait3A_526 = arith.constant 1024 : i32
    %dma_wait3A_527 = tpu.memref_slice %arg12[%dma_wait3A_526] : memref<2048xi32, #tpu.memory_space<vmem>> -> memref<128xi32, #tpu.memory_space<vmem>>
    %dma_wait3A_528 = arith.constant 0 : i32
    %dma_wait3A_529 = arith.constant 0 : i32
    %dma_wait3A_530 = tpu.memref_slice %arg2[%dma_wait3A_528, %dma_wait3A_529] : memref<100000x128xf32, #tpu.memory_space<hbm>> -> memref<100000x128xf32, #tpu.memory_space<hbm>>
    tpu.wait_indirect_dma semaphore(%arg33 : memref<!tpu.dma_semaphore, #tpu.memory_space<semaphore_mem>>) src(%dma_wait3A_530 : memref<100000x128xf32, #tpu.memory_space<hbm>>) dst(%arg18 : memref<128x128xf32, #tpu.memory_space<vmem>>)
    %parallel_loop3A_531 = arith.constant 0 : i32
    %parallel_loop3A_532 = arith.constant 128 : i32
    %parallel_loop3A_533 = arith.constant 1 : i32
    %parallel_loop3A_534:8 = scf.for %parallel_loop3A_667 = %parallel_loop3A_531 to %parallel_loop3A_532 step %parallel_loop3A_533 iter_args(%parallel_loop3A_668 = %parallel_loop3A_520#0, %parallel_loop3A_669 = %parallel_loop3A_520#1, %parallel_loop3A_670 = %parallel_loop3A_520#2, %parallel_loop3A_671 = %parallel_loop3A_520#3, %parallel_loop3A_672 = %parallel_loop3A_520#4, %parallel_loop3A_673 = %parallel_loop3A_520#5, %parallel_loop3A_674 = %parallel_loop3A_520#6, %parallel_loop3A_675 = %parallel_loop3A_520#7) -> (vector<16xf32>, vector<16xf32>, vector<16xf32>, vector<16xf32>, vector<16xf32>, vector<16xf32>, vector<16xf32>, vector<16xf32>)  : i32 {
      %parallel_loop3A_676 = arith.constant -16 : i32
      %parallel_loop3A_677 = arith.andi %parallel_loop3A_667, %parallel_loop3A_676 : i32
      %parallel_loop3A_678 = arith.constant 1024 : i32
      %parallel_loop3A_679 = arith.addi %parallel_loop3A_678, %parallel_loop3A_677 : i32
      %parallel_loop3A_680 = arith.index_cast %parallel_loop3A_679 : i32 to index
      %parallel_loop3A_681 = tpu.vector_load %arg13[%parallel_loop3A_680] {strides = array<i32>} : memref<2048xf32, #tpu.memory_space<vmem>>, vector<16xf32>,
      %parallel_loop3A_682 = vector.shape_cast %parallel_loop3A_681 : vector<16xf32> to vector<16xf32>
      %parallel_loop3A_683 = arith.constant 15 : i32
      %parallel_loop3A_684 = arith.andi %parallel_loop3A_667, %parallel_loop3A_683 : i32
      %parallel_loop3A_685 = vector.broadcast %parallel_loop3A_684 : i32 to vector<16xi32>
      %parallel_loop3A_686 = vector.shape_cast %parallel_loop3A_685 : vector<16xi32> to vector<16x1xi32>
      %parallel_loop3A_687 = vector.shape_cast %parallel_loop3A_686 : vector<16x1xi32> to vector<16xi32>
      %parallel_loop3A_688 = tpu.dynamic_gather %parallel_loop3A_682[%parallel_loop3A_687] in [0] : vector<16xf32>, vector<16xi32> -> vector<16xf32>
      %parallel_loop3A_689 = arith.index_cast %parallel_loop3A_667 : i32 to index
      %parallel_loop3A_690 = arith.constant 0 : index
      %parallel_loop3A_691 = tpu.vector_load %arg18[%parallel_loop3A_689, %parallel_loop3A_690] {strides = array<i32>} : memref<128x128xf32, #tpu.memory_space<vmem>>, vector<1x16xf32>,
      %parallel_loop3A_692 = vector.shape_cast %parallel_loop3A_691 : vector<1x16xf32> to vector<16xf32>
      %parallel_loop3A_693 = arith.mulf %parallel_loop3A_688, %parallel_loop3A_692 : vector<16xf32>
      %parallel_loop3A_694 = arith.addf %parallel_loop3A_668, %parallel_loop3A_693 : vector<16xf32>
      %parallel_loop3A_695 = arith.index_cast %parallel_loop3A_667 : i32 to index
      %parallel_loop3A_696 = arith.constant 16 : index
      %parallel_loop3A_697 = tpu.vector_load %arg18[%parallel_loop3A_695, %parallel_loop3A_696] {strides = array<i32>} : memref<128x128xf32, #tpu.memory_space<vmem>>, vector<1x16xf32>,
      %parallel_loop3A_698 = vector.shape_cast %parallel_loop3A_697 : vector<1x16xf32> to vector<16xf32>
      %parallel_loop3A_699 = arith.mulf %parallel_loop3A_688, %parallel_loop3A_698 : vector<16xf32>
      %parallel_loop3A_700 = arith.addf %parallel_loop3A_669, %parallel_loop3A_699 : vector<16xf32>
      %parallel_loop3A_701 = arith.index_cast %parallel_loop3A_667 : i32 to index
      %parallel_loop3A_702 = arith.constant 32 : index
      %parallel_loop3A_703 = tpu.vector_load %arg18[%parallel_loop3A_701, %parallel_loop3A_702] {strides = array<i32>} : memref<128x128xf32, #tpu.memory_space<vmem>>, vector<1x16xf32>,
      %parallel_loop3A_704 = vector.shape_cast %parallel_loop3A_703 : vector<1x16xf32> to vector<16xf32>
      %parallel_loop3A_705 = arith.mulf %parallel_loop3A_688, %parallel_loop3A_704 : vector<16xf32>
      %parallel_loop3A_706 = arith.addf %parallel_loop3A_670, %parallel_loop3A_705 : vector<16xf32>
      %parallel_loop3A_707 = arith.index_cast %parallel_loop3A_667 : i32 to index
      %parallel_loop3A_708 = arith.constant 48 : index
      %parallel_loop3A_709 = tpu.vector_load %arg18[%parallel_loop3A_707, %parallel_loop3A_708] {strides = array<i32>} : memref<128x128xf32, #tpu.memory_space<vmem>>, vector<1x16xf32>,
      %parallel_loop3A_710 = vector.shape_cast %parallel_loop3A_709 : vector<1x16xf32> to vector<16xf32>
      %parallel_loop3A_711 = arith.mulf %parallel_loop3A_688, %parallel_loop3A_710 : vector<16xf32>
      %parallel_loop3A_712 = arith.addf %parallel_loop3A_671, %parallel_loop3A_711 : vector<16xf32>
      %parallel_loop3A_713 = arith.index_cast %parallel_loop3A_667 : i32 to index
      %parallel_loop3A_714 = arith.constant 64 : index
      %parallel_loop3A_715 = tpu.vector_load %arg18[%parallel_loop3A_713, %parallel_loop3A_714] {strides = array<i32>} : memref<128x128xf32, #tpu.memory_space<vmem>>, vector<1x16xf32>,
      %parallel_loop3A_716 = vector.shape_cast %parallel_loop3A_715 : vector<1x16xf32> to vector<16xf32>
      %parallel_loop3A_717 = arith.mulf %parallel_loop3A_688, %parallel_loop3A_716 : vector<16xf32>
      %parallel_loop3A_718 = arith.addf %parallel_loop3A_672, %parallel_loop3A_717 : vector<16xf32>
      %parallel_loop3A_719 = arith.index_cast %parallel_loop3A_667 : i32 to index
      %parallel_loop3A_720 = arith.constant 80 : index
      %parallel_loop3A_721 = tpu.vector_load %arg18[%parallel_loop3A_719, %parallel_loop3A_720] {strides = array<i32>} : memref<128x128xf32, #tpu.memory_space<vmem>>, vector<1x16xf32>,
      %parallel_loop3A_722 = vector.shape_cast %parallel_loop3A_721 : vector<1x16xf32> to vector<16xf32>
      %parallel_loop3A_723 = arith.mulf %parallel_loop3A_688, %parallel_loop3A_722 : vector<16xf32>
      %parallel_loop3A_724 = arith.addf %parallel_loop3A_673, %parallel_loop3A_723 : vector<16xf32>
      %parallel_loop3A_725 = arith.index_cast %parallel_loop3A_667 : i32 to index
      %parallel_loop3A_726 = arith.constant 96 : index
      %parallel_loop3A_727 = tpu.vector_load %arg18[%parallel_loop3A_725, %parallel_loop3A_726] {strides = array<i32>} : memref<128x128xf32, #tpu.memory_space<vmem>>, vector<1x16xf32>,
      %parallel_loop3A_728 = vector.shape_cast %parallel_loop3A_727 : vector<1x16xf32> to vector<16xf32>
      %parallel_loop3A_729 = arith.mulf %parallel_loop3A_688, %parallel_loop3A_728 : vector<16xf32>
      %parallel_loop3A_730 = arith.addf %parallel_loop3A_674, %parallel_loop3A_729 : vector<16xf32>
      %parallel_loop3A_731 = arith.index_cast %parallel_loop3A_667 : i32 to index
      %parallel_loop3A_732 = arith.constant 112 : index
      %parallel_loop3A_733 = tpu.vector_load %arg18[%parallel_loop3A_731, %parallel_loop3A_732] {strides = array<i32>} : memref<128x128xf32, #tpu.memory_space<vmem>>, vector<1x16xf32>,
      %parallel_loop3A_734 = vector.shape_cast %parallel_loop3A_733 : vector<1x16xf32> to vector<16xf32>
      %parallel_loop3A_735 = arith.mulf %parallel_loop3A_688, %parallel_loop3A_734 : vector<16xf32>
      %parallel_loop3A_736 = arith.addf %parallel_loop3A_675, %parallel_loop3A_735 : vector<16xf32>
      scf.yield %parallel_loop3A_694, %parallel_loop3A_700, %parallel_loop3A_706, %parallel_loop3A_712, %parallel_loop3A_718, %parallel_loop3A_724, %parallel_loop3A_730, %parallel_loop3A_736 : vector<16xf32>, vector<16xf32>, vector<16xf32>, vector<16xf32>, vector<16xf32>, vector<16xf32>, vector<16xf32>, vector<16xf32>
    } {sc.loop_unroll_factor = 4 : i64, sc.parallel_access}
    %dma_start3A_535 = arith.constant 1664 : i32
    %dma_start3A_536 = tpu.memref_slice %arg12[%dma_start3A_535] : memref<2048xi32, #tpu.memory_space<vmem>> -> memref<128xi32, #tpu.memory_space<vmem>>
    %dma_start3A_537 = arith.constant 0 : i32
    %dma_start3A_538 = arith.constant 0 : i32
    %dma_start3A_539 = tpu.memref_slice %arg2[%dma_start3A_537, %dma_start3A_538] : memref<100000x128xf32, #tpu.memory_space<hbm>> -> memref<100000x128xf32, #tpu.memory_space<hbm>>
    tpu.enqueue_indirect_dma source(%dma_start3A_539 : memref<100000x128xf32, #tpu.memory_space<hbm>>) target(%arg18 : memref<128x128xf32, #tpu.memory_space<vmem>>) offsets(%dma_start3A_536 : memref<128xi32, #tpu.memory_space<vmem>>) semaphore(%arg33 : memref<!tpu.dma_semaphore, #tpu.memory_space<semaphore_mem>>)
    %dma_wait3A_540 = arith.constant 1152 : i32
    %dma_wait3A_541 = tpu.memref_slice %arg12[%dma_wait3A_540] : memref<2048xi32, #tpu.memory_space<vmem>> -> memref<128xi32, #tpu.memory_space<vmem>>
    %dma_wait3A_542 = arith.constant 0 : i32
    %dma_wait3A_543 = arith.constant 0 : i32
    %dma_wait3A_544 = tpu.memref_slice %arg2[%dma_wait3A_542, %dma_wait3A_543] : memref<100000x128xf32, #tpu.memory_space<hbm>> -> memref<100000x128xf32, #tpu.memory_space<hbm>>
    tpu.wait_indirect_dma semaphore(%arg34 : memref<!tpu.dma_semaphore, #tpu.memory_space<semaphore_mem>>) src(%dma_wait3A_544 : memref<100000x128xf32, #tpu.memory_space<hbm>>) dst(%arg19 : memref<128x128xf32, #tpu.memory_space<vmem>>)
    %parallel_loop3A_545 = arith.constant 0 : i32
    %parallel_loop3A_546 = arith.constant 128 : i32
    %parallel_loop3A_547 = arith.constant 1 : i32
    %parallel_loop3A_548:8 = scf.for %parallel_loop3A_667 = %parallel_loop3A_545 to %parallel_loop3A_546 step %parallel_loop3A_547 iter_args(%parallel_loop3A_668 = %parallel_loop3A_534#0, %parallel_loop3A_669 = %parallel_loop3A_534#1, %parallel_loop3A_670 = %parallel_loop3A_534#2, %parallel_loop3A_671 = %parallel_loop3A_534#3, %parallel_loop3A_672 = %parallel_loop3A_534#4, %parallel_loop3A_673 = %parallel_loop3A_534#5, %parallel_loop3A_674 = %parallel_loop3A_534#6, %parallel_loop3A_675 = %parallel_loop3A_534#7) -> (vector<16xf32>, vector<16xf32>, vector<16xf32>, vector<16xf32>, vector<16xf32>, vector<16xf32>, vector<16xf32>, vector<16xf32>)  : i32 {
      %parallel_loop3A_676 = arith.constant -16 : i32
      %parallel_loop3A_677 = arith.andi %parallel_loop3A_667, %parallel_loop3A_676 : i32
      %parallel_loop3A_678 = arith.constant 1152 : i32
      %parallel_loop3A_679 = arith.addi %parallel_loop3A_678, %parallel_loop3A_677 : i32
      %parallel_loop3A_680 = arith.index_cast %parallel_loop3A_679 : i32 to index
      %parallel_loop3A_681 = tpu.vector_load %arg13[%parallel_loop3A_680] {strides = array<i32>} : memref<2048xf32, #tpu.memory_space<vmem>>, vector<16xf32>,
      %parallel_loop3A_682 = vector.shape_cast %parallel_loop3A_681 : vector<16xf32> to vector<16xf32>
      %parallel_loop3A_683 = arith.constant 15 : i32
      %parallel_loop3A_684 = arith.andi %parallel_loop3A_667, %parallel_loop3A_683 : i32
      %parallel_loop3A_685 = vector.broadcast %parallel_loop3A_684 : i32 to vector<16xi32>
      %parallel_loop3A_686 = vector.shape_cast %parallel_loop3A_685 : vector<16xi32> to vector<16x1xi32>
      %parallel_loop3A_687 = vector.shape_cast %parallel_loop3A_686 : vector<16x1xi32> to vector<16xi32>
      %parallel_loop3A_688 = tpu.dynamic_gather %parallel_loop3A_682[%parallel_loop3A_687] in [0] : vector<16xf32>, vector<16xi32> -> vector<16xf32>
      %parallel_loop3A_689 = arith.index_cast %parallel_loop3A_667 : i32 to index
      %parallel_loop3A_690 = arith.constant 0 : index
      %parallel_loop3A_691 = tpu.vector_load %arg19[%parallel_loop3A_689, %parallel_loop3A_690] {strides = array<i32>} : memref<128x128xf32, #tpu.memory_space<vmem>>, vector<1x16xf32>,
      %parallel_loop3A_692 = vector.shape_cast %parallel_loop3A_691 : vector<1x16xf32> to vector<16xf32>
      %parallel_loop3A_693 = arith.mulf %parallel_loop3A_688, %parallel_loop3A_692 : vector<16xf32>
      %parallel_loop3A_694 = arith.addf %parallel_loop3A_668, %parallel_loop3A_693 : vector<16xf32>
      %parallel_loop3A_695 = arith.index_cast %parallel_loop3A_667 : i32 to index
      %parallel_loop3A_696 = arith.constant 16 : index
      %parallel_loop3A_697 = tpu.vector_load %arg19[%parallel_loop3A_695, %parallel_loop3A_696] {strides = array<i32>} : memref<128x128xf32, #tpu.memory_space<vmem>>, vector<1x16xf32>,
      %parallel_loop3A_698 = vector.shape_cast %parallel_loop3A_697 : vector<1x16xf32> to vector<16xf32>
      %parallel_loop3A_699 = arith.mulf %parallel_loop3A_688, %parallel_loop3A_698 : vector<16xf32>
      %parallel_loop3A_700 = arith.addf %parallel_loop3A_669, %parallel_loop3A_699 : vector<16xf32>
      %parallel_loop3A_701 = arith.index_cast %parallel_loop3A_667 : i32 to index
      %parallel_loop3A_702 = arith.constant 32 : index
      %parallel_loop3A_703 = tpu.vector_load %arg19[%parallel_loop3A_701, %parallel_loop3A_702] {strides = array<i32>} : memref<128x128xf32, #tpu.memory_space<vmem>>, vector<1x16xf32>,
      %parallel_loop3A_704 = vector.shape_cast %parallel_loop3A_703 : vector<1x16xf32> to vector<16xf32>
      %parallel_loop3A_705 = arith.mulf %parallel_loop3A_688, %parallel_loop3A_704 : vector<16xf32>
      %parallel_loop3A_706 = arith.addf %parallel_loop3A_670, %parallel_loop3A_705 : vector<16xf32>
      %parallel_loop3A_707 = arith.index_cast %parallel_loop3A_667 : i32 to index
      %parallel_loop3A_708 = arith.constant 48 : index
      %parallel_loop3A_709 = tpu.vector_load %arg19[%parallel_loop3A_707, %parallel_loop3A_708] {strides = array<i32>} : memref<128x128xf32, #tpu.memory_space<vmem>>, vector<1x16xf32>,
      %parallel_loop3A_710 = vector.shape_cast %parallel_loop3A_709 : vector<1x16xf32> to vector<16xf32>
      %parallel_loop3A_711 = arith.mulf %parallel_loop3A_688, %parallel_loop3A_710 : vector<16xf32>
      %parallel_loop3A_712 = arith.addf %parallel_loop3A_671, %parallel_loop3A_711 : vector<16xf32>
      %parallel_loop3A_713 = arith.index_cast %parallel_loop3A_667 : i32 to index
      %parallel_loop3A_714 = arith.constant 64 : index
      %parallel_loop3A_715 = tpu.vector_load %arg19[%parallel_loop3A_713, %parallel_loop3A_714] {strides = array<i32>} : memref<128x128xf32, #tpu.memory_space<vmem>>, vector<1x16xf32>,
      %parallel_loop3A_716 = vector.shape_cast %parallel_loop3A_715 : vector<1x16xf32> to vector<16xf32>
      %parallel_loop3A_717 = arith.mulf %parallel_loop3A_688, %parallel_loop3A_716 : vector<16xf32>
      %parallel_loop3A_718 = arith.addf %parallel_loop3A_672, %parallel_loop3A_717 : vector<16xf32>
      %parallel_loop3A_719 = arith.index_cast %parallel_loop3A_667 : i32 to index
      %parallel_loop3A_720 = arith.constant 80 : index
      %parallel_loop3A_721 = tpu.vector_load %arg19[%parallel_loop3A_719, %parallel_loop3A_720] {strides = array<i32>} : memref<128x128xf32, #tpu.memory_space<vmem>>, vector<1x16xf32>,
      %parallel_loop3A_722 = vector.shape_cast %parallel_loop3A_721 : vector<1x16xf32> to vector<16xf32>
      %parallel_loop3A_723 = arith.mulf %parallel_loop3A_688, %parallel_loop3A_722 : vector<16xf32>
      %parallel_loop3A_724 = arith.addf %parallel_loop3A_673, %parallel_loop3A_723 : vector<16xf32>
      %parallel_loop3A_725 = arith.index_cast %parallel_loop3A_667 : i32 to index
      %parallel_loop3A_726 = arith.constant 96 : index
      %parallel_loop3A_727 = tpu.vector_load %arg19[%parallel_loop3A_725, %parallel_loop3A_726] {strides = array<i32>} : memref<128x128xf32, #tpu.memory_space<vmem>>, vector<1x16xf32>,
      %parallel_loop3A_728 = vector.shape_cast %parallel_loop3A_727 : vector<1x16xf32> to vector<16xf32>
      %parallel_loop3A_729 = arith.mulf %parallel_loop3A_688, %parallel_loop3A_728 : vector<16xf32>
      %parallel_loop3A_730 = arith.addf %parallel_loop3A_674, %parallel_loop3A_729 : vector<16xf32>
      %parallel_loop3A_731 = arith.index_cast %parallel_loop3A_667 : i32 to index
      %parallel_loop3A_732 = arith.constant 112 : index
      %parallel_loop3A_733 = tpu.vector_load %arg19[%parallel_loop3A_731, %parallel_loop3A_732] {strides = array<i32>} : memref<128x128xf32, #tpu.memory_space<vmem>>, vector<1x16xf32>,
      %parallel_loop3A_734 = vector.shape_cast %parallel_loop3A_733 : vector<1x16xf32> to vector<16xf32>
      %parallel_loop3A_735 = arith.mulf %parallel_loop3A_688, %parallel_loop3A_734 : vector<16xf32>
      %parallel_loop3A_736 = arith.addf %parallel_loop3A_675, %parallel_loop3A_735 : vector<16xf32>
      scf.yield %parallel_loop3A_694, %parallel_loop3A_700, %parallel_loop3A_706, %parallel_loop3A_712, %parallel_loop3A_718, %parallel_loop3A_724, %parallel_loop3A_730, %parallel_loop3A_736 : vector<16xf32>, vector<16xf32>, vector<16xf32>, vector<16xf32>, vector<16xf32>, vector<16xf32>, vector<16xf32>, vector<16xf32>
    } {sc.loop_unroll_factor = 4 : i64, sc.parallel_access}
    %dma_start3A_549 = arith.constant 1792 : i32
    %dma_start3A_550 = tpu.memref_slice %arg12[%dma_start3A_549] : memref<2048xi32, #tpu.memory_space<vmem>> -> memref<128xi32, #tpu.memory_space<vmem>>
    %dma_start3A_551 = arith.constant 0 : i32
    %dma_start3A_552 = arith.constant 0 : i32
    %dma_start3A_553 = tpu.memref_slice %arg2[%dma_start3A_551, %dma_start3A_552] : memref<100000x128xf32, #tpu.memory_space<hbm>> -> memref<100000x128xf32, #tpu.memory_space<hbm>>
    tpu.enqueue_indirect_dma source(%dma_start3A_553 : memref<100000x128xf32, #tpu.memory_space<hbm>>) target(%arg19 : memref<128x128xf32, #tpu.memory_space<vmem>>) offsets(%dma_start3A_550 : memref<128xi32, #tpu.memory_space<vmem>>) semaphore(%arg34 : memref<!tpu.dma_semaphore, #tpu.memory_space<semaphore_mem>>)
    %dma_wait3A_554 = arith.constant 1280 : i32
    %dma_wait3A_555 = tpu.memref_slice %arg12[%dma_wait3A_554] : memref<2048xi32, #tpu.memory_space<vmem>> -> memref<128xi32, #tpu.memory_space<vmem>>
    %dma_wait3A_556 = arith.constant 0 : i32
    %dma_wait3A_557 = arith.constant 0 : i32
    %dma_wait3A_558 = tpu.memref_slice %arg2[%dma_wait3A_556, %dma_wait3A_557] : memref<100000x128xf32, #tpu.memory_space<hbm>> -> memref<100000x128xf32, #tpu.memory_space<hbm>>
    tpu.wait_indirect_dma semaphore(%arg30 : memref<!tpu.dma_semaphore, #tpu.memory_space<semaphore_mem>>) src(%dma_wait3A_558 : memref<100000x128xf32, #tpu.memory_space<hbm>>) dst(%arg15 : memref<128x128xf32, #tpu.memory_space<vmem>>)
    %parallel_loop3A_559 = arith.constant 0 : i32
    %parallel_loop3A_560 = arith.constant 128 : i32
    %parallel_loop3A_561 = arith.constant 1 : i32
    %parallel_loop3A_562:8 = scf.for %parallel_loop3A_667 = %parallel_loop3A_559 to %parallel_loop3A_560 step %parallel_loop3A_561 iter_args(%parallel_loop3A_668 = %parallel_loop3A_548#0, %parallel_loop3A_669 = %parallel_loop3A_548#1, %parallel_loop3A_670 = %parallel_loop3A_548#2, %parallel_loop3A_671 = %parallel_loop3A_548#3, %parallel_loop3A_672 = %parallel_loop3A_548#4, %parallel_loop3A_673 = %parallel_loop3A_548#5, %parallel_loop3A_674 = %parallel_loop3A_548#6, %parallel_loop3A_675 = %parallel_loop3A_548#7) -> (vector<16xf32>, vector<16xf32>, vector<16xf32>, vector<16xf32>, vector<16xf32>, vector<16xf32>, vector<16xf32>, vector<16xf32>)  : i32 {
      %parallel_loop3A_676 = arith.constant -16 : i32
      %parallel_loop3A_677 = arith.andi %parallel_loop3A_667, %parallel_loop3A_676 : i32
      %parallel_loop3A_678 = arith.constant 1280 : i32
      %parallel_loop3A_679 = arith.addi %parallel_loop3A_678, %parallel_loop3A_677 : i32
      %parallel_loop3A_680 = arith.index_cast %parallel_loop3A_679 : i32 to index
      %parallel_loop3A_681 = tpu.vector_load %arg13[%parallel_loop3A_680] {strides = array<i32>} : memref<2048xf32, #tpu.memory_space<vmem>>, vector<16xf32>,
      %parallel_loop3A_682 = vector.shape_cast %parallel_loop3A_681 : vector<16xf32> to vector<16xf32>
      %parallel_loop3A_683 = arith.constant 15 : i32
      %parallel_loop3A_684 = arith.andi %parallel_loop3A_667, %parallel_loop3A_683 : i32
      %parallel_loop3A_685 = vector.broadcast %parallel_loop3A_684 : i32 to vector<16xi32>
      %parallel_loop3A_686 = vector.shape_cast %parallel_loop3A_685 : vector<16xi32> to vector<16x1xi32>
      %parallel_loop3A_687 = vector.shape_cast %parallel_loop3A_686 : vector<16x1xi32> to vector<16xi32>
      %parallel_loop3A_688 = tpu.dynamic_gather %parallel_loop3A_682[%parallel_loop3A_687] in [0] : vector<16xf32>, vector<16xi32> -> vector<16xf32>
      %parallel_loop3A_689 = arith.index_cast %parallel_loop3A_667 : i32 to index
      %parallel_loop3A_690 = arith.constant 0 : index
      %parallel_loop3A_691 = tpu.vector_load %arg15[%parallel_loop3A_689, %parallel_loop3A_690] {strides = array<i32>} : memref<128x128xf32, #tpu.memory_space<vmem>>, vector<1x16xf32>,
      %parallel_loop3A_692 = vector.shape_cast %parallel_loop3A_691 : vector<1x16xf32> to vector<16xf32>
      %parallel_loop3A_693 = arith.mulf %parallel_loop3A_688, %parallel_loop3A_692 : vector<16xf32>
      %parallel_loop3A_694 = arith.addf %parallel_loop3A_668, %parallel_loop3A_693 : vector<16xf32>
      %parallel_loop3A_695 = arith.index_cast %parallel_loop3A_667 : i32 to index
      %parallel_loop3A_696 = arith.constant 16 : index
      %parallel_loop3A_697 = tpu.vector_load %arg15[%parallel_loop3A_695, %parallel_loop3A_696] {strides = array<i32>} : memref<128x128xf32, #tpu.memory_space<vmem>>, vector<1x16xf32>,
      %parallel_loop3A_698 = vector.shape_cast %parallel_loop3A_697 : vector<1x16xf32> to vector<16xf32>
      %parallel_loop3A_699 = arith.mulf %parallel_loop3A_688, %parallel_loop3A_698 : vector<16xf32>
      %parallel_loop3A_700 = arith.addf %parallel_loop3A_669, %parallel_loop3A_699 : vector<16xf32>
      %parallel_loop3A_701 = arith.index_cast %parallel_loop3A_667 : i32 to index
      %parallel_loop3A_702 = arith.constant 32 : index
      %parallel_loop3A_703 = tpu.vector_load %arg15[%parallel_loop3A_701, %parallel_loop3A_702] {strides = array<i32>} : memref<128x128xf32, #tpu.memory_space<vmem>>, vector<1x16xf32>,
      %parallel_loop3A_704 = vector.shape_cast %parallel_loop3A_703 : vector<1x16xf32> to vector<16xf32>
      %parallel_loop3A_705 = arith.mulf %parallel_loop3A_688, %parallel_loop3A_704 : vector<16xf32>
      %parallel_loop3A_706 = arith.addf %parallel_loop3A_670, %parallel_loop3A_705 : vector<16xf32>
      %parallel_loop3A_707 = arith.index_cast %parallel_loop3A_667 : i32 to index
      %parallel_loop3A_708 = arith.constant 48 : index
      %parallel_loop3A_709 = tpu.vector_load %arg15[%parallel_loop3A_707, %parallel_loop3A_708] {strides = array<i32>} : memref<128x128xf32, #tpu.memory_space<vmem>>, vector<1x16xf32>,
      %parallel_loop3A_710 = vector.shape_cast %parallel_loop3A_709 : vector<1x16xf32> to vector<16xf32>
      %parallel_loop3A_711 = arith.mulf %parallel_loop3A_688, %parallel_loop3A_710 : vector<16xf32>
      %parallel_loop3A_712 = arith.addf %parallel_loop3A_671, %parallel_loop3A_711 : vector<16xf32>
      %parallel_loop3A_713 = arith.index_cast %parallel_loop3A_667 : i32 to index
      %parallel_loop3A_714 = arith.constant 64 : index
      %parallel_loop3A_715 = tpu.vector_load %arg15[%parallel_loop3A_713, %parallel_loop3A_714] {strides = array<i32>} : memref<128x128xf32, #tpu.memory_space<vmem>>, vector<1x16xf32>,
      %parallel_loop3A_716 = vector.shape_cast %parallel_loop3A_715 : vector<1x16xf32> to vector<16xf32>
      %parallel_loop3A_717 = arith.mulf %parallel_loop3A_688, %parallel_loop3A_716 : vector<16xf32>
      %parallel_loop3A_718 = arith.addf %parallel_loop3A_672, %parallel_loop3A_717 : vector<16xf32>
      %parallel_loop3A_719 = arith.index_cast %parallel_loop3A_667 : i32 to index
      %parallel_loop3A_720 = arith.constant 80 : index
      %parallel_loop3A_721 = tpu.vector_load %arg15[%parallel_loop3A_719, %parallel_loop3A_720] {strides = array<i32>} : memref<128x128xf32, #tpu.memory_space<vmem>>, vector<1x16xf32>,
      %parallel_loop3A_722 = vector.shape_cast %parallel_loop3A_721 : vector<1x16xf32> to vector<16xf32>
      %parallel_loop3A_723 = arith.mulf %parallel_loop3A_688, %parallel_loop3A_722 : vector<16xf32>
      %parallel_loop3A_724 = arith.addf %parallel_loop3A_673, %parallel_loop3A_723 : vector<16xf32>
      %parallel_loop3A_725 = arith.index_cast %parallel_loop3A_667 : i32 to index
      %parallel_loop3A_726 = arith.constant 96 : index
      %parallel_loop3A_727 = tpu.vector_load %arg15[%parallel_loop3A_725, %parallel_loop3A_726] {strides = array<i32>} : memref<128x128xf32, #tpu.memory_space<vmem>>, vector<1x16xf32>,
      %parallel_loop3A_728 = vector.shape_cast %parallel_loop3A_727 : vector<1x16xf32> to vector<16xf32>
      %parallel_loop3A_729 = arith.mulf %parallel_loop3A_688, %parallel_loop3A_728 : vector<16xf32>
      %parallel_loop3A_730 = arith.addf %parallel_loop3A_674, %parallel_loop3A_729 : vector<16xf32>
      %parallel_loop3A_731 = arith.index_cast %parallel_loop3A_667 : i32 to index
      %parallel_loop3A_732 = arith.constant 112 : index
      %parallel_loop3A_733 = tpu.vector_load %arg15[%parallel_loop3A_731, %parallel_loop3A_732] {strides = array<i32>} : memref<128x128xf32, #tpu.memory_space<vmem>>, vector<1x16xf32>,
      %parallel_loop3A_734 = vector.shape_cast %parallel_loop3A_733 : vector<1x16xf32> to vector<16xf32>
      %parallel_loop3A_735 = arith.mulf %parallel_loop3A_688, %parallel_loop3A_734 : vector<16xf32>
      %parallel_loop3A_736 = arith.addf %parallel_loop3A_675, %parallel_loop3A_735 : vector<16xf32>
      scf.yield %parallel_loop3A_694, %parallel_loop3A_700, %parallel_loop3A_706, %parallel_loop3A_712, %parallel_loop3A_718, %parallel_loop3A_724, %parallel_loop3A_730, %parallel_loop3A_736 : vector<16xf32>, vector<16xf32>, vector<16xf32>, vector<16xf32>, vector<16xf32>, vector<16xf32>, vector<16xf32>, vector<16xf32>
    } {sc.loop_unroll_factor = 4 : i64, sc.parallel_access}
    %dma_start3A_563 = arith.constant 1920 : i32
    %dma_start3A_564 = tpu.memref_slice %arg12[%dma_start3A_563] : memref<2048xi32, #tpu.memory_space<vmem>> -> memref<128xi32, #tpu.memory_space<vmem>>
    %dma_start3A_565 = arith.constant 0 : i32
    %dma_start3A_566 = arith.constant 0 : i32
    %dma_start3A_567 = tpu.memref_slice %arg2[%dma_start3A_565, %dma_start3A_566] : memref<100000x128xf32, #tpu.memory_space<hbm>> -> memref<100000x128xf32, #tpu.memory_space<hbm>>
    tpu.enqueue_indirect_dma source(%dma_start3A_567 : memref<100000x128xf32, #tpu.memory_space<hbm>>) target(%arg15 : memref<128x128xf32, #tpu.memory_space<vmem>>) offsets(%dma_start3A_564 : memref<128xi32, #tpu.memory_space<vmem>>) semaphore(%arg30 : memref<!tpu.dma_semaphore, #tpu.memory_space<semaphore_mem>>)
    %dma_wait3A_568 = arith.constant 1408 : i32
    %dma_wait3A_569 = tpu.memref_slice %arg12[%dma_wait3A_568] : memref<2048xi32, #tpu.memory_space<vmem>> -> memref<128xi32, #tpu.memory_space<vmem>>
    %dma_wait3A_570 = arith.constant 0 : i32
    %dma_wait3A_571 = arith.constant 0 : i32
    %dma_wait3A_572 = tpu.memref_slice %arg2[%dma_wait3A_570, %dma_wait3A_571] : memref<100000x128xf32, #tpu.memory_space<hbm>> -> memref<100000x128xf32, #tpu.memory_space<hbm>>
    tpu.wait_indirect_dma semaphore(%arg31 : memref<!tpu.dma_semaphore, #tpu.memory_space<semaphore_mem>>) src(%dma_wait3A_572 : memref<100000x128xf32, #tpu.memory_space<hbm>>) dst(%arg16 : memref<128x128xf32, #tpu.memory_space<vmem>>)
    %parallel_loop3A_573 = arith.constant 0 : i32
    %parallel_loop3A_574 = arith.constant 128 : i32
    %parallel_loop3A_575 = arith.constant 1 : i32
    %parallel_loop3A_576:8 = scf.for %parallel_loop3A_667 = %parallel_loop3A_573 to %parallel_loop3A_574 step %parallel_loop3A_575 iter_args(%parallel_loop3A_668 = %parallel_loop3A_562#0, %parallel_loop3A_669 = %parallel_loop3A_562#1, %parallel_loop3A_670 = %parallel_loop3A_562#2, %parallel_loop3A_671 = %parallel_loop3A_562#3, %parallel_loop3A_672 = %parallel_loop3A_562#4, %parallel_loop3A_673 = %parallel_loop3A_562#5, %parallel_loop3A_674 = %parallel_loop3A_562#6, %parallel_loop3A_675 = %parallel_loop3A_562#7) -> (vector<16xf32>, vector<16xf32>, vector<16xf32>, vector<16xf32>, vector<16xf32>, vector<16xf32>, vector<16xf32>, vector<16xf32>)  : i32 {
      %parallel_loop3A_676 = arith.constant -16 : i32
      %parallel_loop3A_677 = arith.andi %parallel_loop3A_667, %parallel_loop3A_676 : i32
      %parallel_loop3A_678 = arith.constant 1408 : i32
      %parallel_loop3A_679 = arith.addi %parallel_loop3A_678, %parallel_loop3A_677 : i32
      %parallel_loop3A_680 = arith.index_cast %parallel_loop3A_679 : i32 to index
      %parallel_loop3A_681 = tpu.vector_load %arg13[%parallel_loop3A_680] {strides = array<i32>} : memref<2048xf32, #tpu.memory_space<vmem>>, vector<16xf32>,
      %parallel_loop3A_682 = vector.shape_cast %parallel_loop3A_681 : vector<16xf32> to vector<16xf32>
      %parallel_loop3A_683 = arith.constant 15 : i32
      %parallel_loop3A_684 = arith.andi %parallel_loop3A_667, %parallel_loop3A_683 : i32
      %parallel_loop3A_685 = vector.broadcast %parallel_loop3A_684 : i32 to vector<16xi32>
      %parallel_loop3A_686 = vector.shape_cast %parallel_loop3A_685 : vector<16xi32> to vector<16x1xi32>
      %parallel_loop3A_687 = vector.shape_cast %parallel_loop3A_686 : vector<16x1xi32> to vector<16xi32>
      %parallel_loop3A_688 = tpu.dynamic_gather %parallel_loop3A_682[%parallel_loop3A_687] in [0] : vector<16xf32>, vector<16xi32> -> vector<16xf32>
      %parallel_loop3A_689 = arith.index_cast %parallel_loop3A_667 : i32 to index
      %parallel_loop3A_690 = arith.constant 0 : index
      %parallel_loop3A_691 = tpu.vector_load %arg16[%parallel_loop3A_689, %parallel_loop3A_690] {strides = array<i32>} : memref<128x128xf32, #tpu.memory_space<vmem>>, vector<1x16xf32>,
      %parallel_loop3A_692 = vector.shape_cast %parallel_loop3A_691 : vector<1x16xf32> to vector<16xf32>
      %parallel_loop3A_693 = arith.mulf %parallel_loop3A_688, %parallel_loop3A_692 : vector<16xf32>
      %parallel_loop3A_694 = arith.addf %parallel_loop3A_668, %parallel_loop3A_693 : vector<16xf32>
      %parallel_loop3A_695 = arith.index_cast %parallel_loop3A_667 : i32 to index
      %parallel_loop3A_696 = arith.constant 16 : index
      %parallel_loop3A_697 = tpu.vector_load %arg16[%parallel_loop3A_695, %parallel_loop3A_696] {strides = array<i32>} : memref<128x128xf32, #tpu.memory_space<vmem>>, vector<1x16xf32>,
      %parallel_loop3A_698 = vector.shape_cast %parallel_loop3A_697 : vector<1x16xf32> to vector<16xf32>
      %parallel_loop3A_699 = arith.mulf %parallel_loop3A_688, %parallel_loop3A_698 : vector<16xf32>
      %parallel_loop3A_700 = arith.addf %parallel_loop3A_669, %parallel_loop3A_699 : vector<16xf32>
      %parallel_loop3A_701 = arith.index_cast %parallel_loop3A_667 : i32 to index
      %parallel_loop3A_702 = arith.constant 32 : index
      %parallel_loop3A_703 = tpu.vector_load %arg16[%parallel_loop3A_701, %parallel_loop3A_702] {strides = array<i32>} : memref<128x128xf32, #tpu.memory_space<vmem>>, vector<1x16xf32>,
      %parallel_loop3A_704 = vector.shape_cast %parallel_loop3A_703 : vector<1x16xf32> to vector<16xf32>
      %parallel_loop3A_705 = arith.mulf %parallel_loop3A_688, %parallel_loop3A_704 : vector<16xf32>
      %parallel_loop3A_706 = arith.addf %parallel_loop3A_670, %parallel_loop3A_705 : vector<16xf32>
      %parallel_loop3A_707 = arith.index_cast %parallel_loop3A_667 : i32 to index
      %parallel_loop3A_708 = arith.constant 48 : index
      %parallel_loop3A_709 = tpu.vector_load %arg16[%parallel_loop3A_707, %parallel_loop3A_708] {strides = array<i32>} : memref<128x128xf32, #tpu.memory_space<vmem>>, vector<1x16xf32>,
      %parallel_loop3A_710 = vector.shape_cast %parallel_loop3A_709 : vector<1x16xf32> to vector<16xf32>
      %parallel_loop3A_711 = arith.mulf %parallel_loop3A_688, %parallel_loop3A_710 : vector<16xf32>
      %parallel_loop3A_712 = arith.addf %parallel_loop3A_671, %parallel_loop3A_711 : vector<16xf32>
      %parallel_loop3A_713 = arith.index_cast %parallel_loop3A_667 : i32 to index
      %parallel_loop3A_714 = arith.constant 64 : index
      %parallel_loop3A_715 = tpu.vector_load %arg16[%parallel_loop3A_713, %parallel_loop3A_714] {strides = array<i32>} : memref<128x128xf32, #tpu.memory_space<vmem>>, vector<1x16xf32>,
      %parallel_loop3A_716 = vector.shape_cast %parallel_loop3A_715 : vector<1x16xf32> to vector<16xf32>
      %parallel_loop3A_717 = arith.mulf %parallel_loop3A_688, %parallel_loop3A_716 : vector<16xf32>
      %parallel_loop3A_718 = arith.addf %parallel_loop3A_672, %parallel_loop3A_717 : vector<16xf32>
      %parallel_loop3A_719 = arith.index_cast %parallel_loop3A_667 : i32 to index
      %parallel_loop3A_720 = arith.constant 80 : index
      %parallel_loop3A_721 = tpu.vector_load %arg16[%parallel_loop3A_719, %parallel_loop3A_720] {strides = array<i32>} : memref<128x128xf32, #tpu.memory_space<vmem>>, vector<1x16xf32>,
      %parallel_loop3A_722 = vector.shape_cast %parallel_loop3A_721 : vector<1x16xf32> to vector<16xf32>
      %parallel_loop3A_723 = arith.mulf %parallel_loop3A_688, %parallel_loop3A_722 : vector<16xf32>
      %parallel_loop3A_724 = arith.addf %parallel_loop3A_673, %parallel_loop3A_723 : vector<16xf32>
      %parallel_loop3A_725 = arith.index_cast %parallel_loop3A_667 : i32 to index
      %parallel_loop3A_726 = arith.constant 96 : index
      %parallel_loop3A_727 = tpu.vector_load %arg16[%parallel_loop3A_725, %parallel_loop3A_726] {strides = array<i32>} : memref<128x128xf32, #tpu.memory_space<vmem>>, vector<1x16xf32>,
      %parallel_loop3A_728 = vector.shape_cast %parallel_loop3A_727 : vector<1x16xf32> to vector<16xf32>
      %parallel_loop3A_729 = arith.mulf %parallel_loop3A_688, %parallel_loop3A_728 : vector<16xf32>
      %parallel_loop3A_730 = arith.addf %parallel_loop3A_674, %parallel_loop3A_729 : vector<16xf32>
      %parallel_loop3A_731 = arith.index_cast %parallel_loop3A_667 : i32 to index
      %parallel_loop3A_732 = arith.constant 112 : index
      %parallel_loop3A_733 = tpu.vector_load %arg16[%parallel_loop3A_731, %parallel_loop3A_732] {strides = array<i32>} : memref<128x128xf32, #tpu.memory_space<vmem>>, vector<1x16xf32>,
      %parallel_loop3A_734 = vector.shape_cast %parallel_loop3A_733 : vector<1x16xf32> to vector<16xf32>
      %parallel_loop3A_735 = arith.mulf %parallel_loop3A_688, %parallel_loop3A_734 : vector<16xf32>
      %parallel_loop3A_736 = arith.addf %parallel_loop3A_675, %parallel_loop3A_735 : vector<16xf32>
      scf.yield %parallel_loop3A_694, %parallel_loop3A_700, %parallel_loop3A_706, %parallel_loop3A_712, %parallel_loop3A_718, %parallel_loop3A_724, %parallel_loop3A_730, %parallel_loop3A_736 : vector<16xf32>, vector<16xf32>, vector<16xf32>, vector<16xf32>, vector<16xf32>, vector<16xf32>, vector<16xf32>, vector<16xf32>
    } {sc.loop_unroll_factor = 4 : i64, sc.parallel_access}
    %dma_wait3A_577 = arith.constant 1536 : i32
    %dma_wait3A_578 = tpu.memref_slice %arg12[%dma_wait3A_577] : memref<2048xi32, #tpu.memory_space<vmem>> -> memref<128xi32, #tpu.memory_space<vmem>>
    %dma_wait3A_579 = arith.constant 0 : i32
    %dma_wait3A_580 = arith.constant 0 : i32
    %dma_wait3A_581 = tpu.memref_slice %arg2[%dma_wait3A_579, %dma_wait3A_580] : memref<100000x128xf32, #tpu.memory_space<hbm>> -> memref<100000x128xf32, #tpu.memory_space<hbm>>
    tpu.wait_indirect_dma semaphore(%arg32 : memref<!tpu.dma_semaphore, #tpu.memory_space<semaphore_mem>>) src(%dma_wait3A_581 : memref<100000x128xf32, #tpu.memory_space<hbm>>) dst(%arg17 : memref<128x128xf32, #tpu.memory_space<vmem>>)
    %parallel_loop3A_582 = arith.constant 0 : i32
    %parallel_loop3A_583 = arith.constant 128 : i32
    %parallel_loop3A_584 = arith.constant 1 : i32
    %parallel_loop3A_585:8 = scf.for %parallel_loop3A_667 = %parallel_loop3A_582 to %parallel_loop3A_583 step %parallel_loop3A_584 iter_args(%parallel_loop3A_668 = %parallel_loop3A_576#0, %parallel_loop3A_669 = %parallel_loop3A_576#1, %parallel_loop3A_670 = %parallel_loop3A_576#2, %parallel_loop3A_671 = %parallel_loop3A_576#3, %parallel_loop3A_672 = %parallel_loop3A_576#4, %parallel_loop3A_673 = %parallel_loop3A_576#5, %parallel_loop3A_674 = %parallel_loop3A_576#6, %parallel_loop3A_675 = %parallel_loop3A_576#7) -> (vector<16xf32>, vector<16xf32>, vector<16xf32>, vector<16xf32>, vector<16xf32>, vector<16xf32>, vector<16xf32>, vector<16xf32>)  : i32 {
      %parallel_loop3A_676 = arith.constant -16 : i32
      %parallel_loop3A_677 = arith.andi %parallel_loop3A_667, %parallel_loop3A_676 : i32
      %parallel_loop3A_678 = arith.constant 1536 : i32
      %parallel_loop3A_679 = arith.addi %parallel_loop3A_678, %parallel_loop3A_677 : i32
      %parallel_loop3A_680 = arith.index_cast %parallel_loop3A_679 : i32 to index
      %parallel_loop3A_681 = tpu.vector_load %arg13[%parallel_loop3A_680] {strides = array<i32>} : memref<2048xf32, #tpu.memory_space<vmem>>, vector<16xf32>,
      %parallel_loop3A_682 = vector.shape_cast %parallel_loop3A_681 : vector<16xf32> to vector<16xf32>
      %parallel_loop3A_683 = arith.constant 15 : i32
      %parallel_loop3A_684 = arith.andi %parallel_loop3A_667, %parallel_loop3A_683 : i32
      %parallel_loop3A_685 = vector.broadcast %parallel_loop3A_684 : i32 to vector<16xi32>
      %parallel_loop3A_686 = vector.shape_cast %parallel_loop3A_685 : vector<16xi32> to vector<16x1xi32>
      %parallel_loop3A_687 = vector.shape_cast %parallel_loop3A_686 : vector<16x1xi32> to vector<16xi32>
      %parallel_loop3A_688 = tpu.dynamic_gather %parallel_loop3A_682[%parallel_loop3A_687] in [0] : vector<16xf32>, vector<16xi32> -> vector<16xf32>
      %parallel_loop3A_689 = arith.index_cast %parallel_loop3A_667 : i32 to index
      %parallel_loop3A_690 = arith.constant 0 : index
      %parallel_loop3A_691 = tpu.vector_load %arg17[%parallel_loop3A_689, %parallel_loop3A_690] {strides = array<i32>} : memref<128x128xf32, #tpu.memory_space<vmem>>, vector<1x16xf32>,
      %parallel_loop3A_692 = vector.shape_cast %parallel_loop3A_691 : vector<1x16xf32> to vector<16xf32>
      %parallel_loop3A_693 = arith.mulf %parallel_loop3A_688, %parallel_loop3A_692 : vector<16xf32>
      %parallel_loop3A_694 = arith.addf %parallel_loop3A_668, %parallel_loop3A_693 : vector<16xf32>
      %parallel_loop3A_695 = arith.index_cast %parallel_loop3A_667 : i32 to index
      %parallel_loop3A_696 = arith.constant 16 : index
      %parallel_loop3A_697 = tpu.vector_load %arg17[%parallel_loop3A_695, %parallel_loop3A_696] {strides = array<i32>} : memref<128x128xf32, #tpu.memory_space<vmem>>, vector<1x16xf32>,
      %parallel_loop3A_698 = vector.shape_cast %parallel_loop3A_697 : vector<1x16xf32> to vector<16xf32>
      %parallel_loop3A_699 = arith.mulf %parallel_loop3A_688, %parallel_loop3A_698 : vector<16xf32>
      %parallel_loop3A_700 = arith.addf %parallel_loop3A_669, %parallel_loop3A_699 : vector<16xf32>
      %parallel_loop3A_701 = arith.index_cast %parallel_loop3A_667 : i32 to index
      %parallel_loop3A_702 = arith.constant 32 : index
      %parallel_loop3A_703 = tpu.vector_load %arg17[%parallel_loop3A_701, %parallel_loop3A_702] {strides = array<i32>} : memref<128x128xf32, #tpu.memory_space<vmem>>, vector<1x16xf32>,
      %parallel_loop3A_704 = vector.shape_cast %parallel_loop3A_703 : vector<1x16xf32> to vector<16xf32>
      %parallel_loop3A_705 = arith.mulf %parallel_loop3A_688, %parallel_loop3A_704 : vector<16xf32>
      %parallel_loop3A_706 = arith.addf %parallel_loop3A_670, %parallel_loop3A_705 : vector<16xf32>
      %parallel_loop3A_707 = arith.index_cast %parallel_loop3A_667 : i32 to index
      %parallel_loop3A_708 = arith.constant 48 : index
      %parallel_loop3A_709 = tpu.vector_load %arg17[%parallel_loop3A_707, %parallel_loop3A_708] {strides = array<i32>} : memref<128x128xf32, #tpu.memory_space<vmem>>, vector<1x16xf32>,
      %parallel_loop3A_710 = vector.shape_cast %parallel_loop3A_709 : vector<1x16xf32> to vector<16xf32>
      %parallel_loop3A_711 = arith.mulf %parallel_loop3A_688, %parallel_loop3A_710 : vector<16xf32>
      %parallel_loop3A_712 = arith.addf %parallel_loop3A_671, %parallel_loop3A_711 : vector<16xf32>
      %parallel_loop3A_713 = arith.index_cast %parallel_loop3A_667 : i32 to index
      %parallel_loop3A_714 = arith.constant 64 : index
      %parallel_loop3A_715 = tpu.vector_load %arg17[%parallel_loop3A_713, %parallel_loop3A_714] {strides = array<i32>} : memref<128x128xf32, #tpu.memory_space<vmem>>, vector<1x16xf32>,
      %parallel_loop3A_716 = vector.shape_cast %parallel_loop3A_715 : vector<1x16xf32> to vector<16xf32>
      %parallel_loop3A_717 = arith.mulf %parallel_loop3A_688, %parallel_loop3A_716 : vector<16xf32>
      %parallel_loop3A_718 = arith.addf %parallel_loop3A_672, %parallel_loop3A_717 : vector<16xf32>
      %parallel_loop3A_719 = arith.index_cast %parallel_loop3A_667 : i32 to index
      %parallel_loop3A_720 = arith.constant 80 : index
      %parallel_loop3A_721 = tpu.vector_load %arg17[%parallel_loop3A_719, %parallel_loop3A_720] {strides = array<i32>} : memref<128x128xf32, #tpu.memory_space<vmem>>, vector<1x16xf32>,
      %parallel_loop3A_722 = vector.shape_cast %parallel_loop3A_721 : vector<1x16xf32> to vector<16xf32>
      %parallel_loop3A_723 = arith.mulf %parallel_loop3A_688, %parallel_loop3A_722 : vector<16xf32>
      %parallel_loop3A_724 = arith.addf %parallel_loop3A_673, %parallel_loop3A_723 : vector<16xf32>
      %parallel_loop3A_725 = arith.index_cast %parallel_loop3A_667 : i32 to index
      %parallel_loop3A_726 = arith.constant 96 : index
      %parallel_loop3A_727 = tpu.vector_load %arg17[%parallel_loop3A_725, %parallel_loop3A_726] {strides = array<i32>} : memref<128x128xf32, #tpu.memory_space<vmem>>, vector<1x16xf32>,
      %parallel_loop3A_728 = vector.shape_cast %parallel_loop3A_727 : vector<1x16xf32> to vector<16xf32>
      %parallel_loop3A_729 = arith.mulf %parallel_loop3A_688, %parallel_loop3A_728 : vector<16xf32>
      %parallel_loop3A_730 = arith.addf %parallel_loop3A_674, %parallel_loop3A_729 : vector<16xf32>
      %parallel_loop3A_731 = arith.index_cast %parallel_loop3A_667 : i32 to index
      %parallel_loop3A_732 = arith.constant 112 : index
      %parallel_loop3A_733 = tpu.vector_load %arg17[%parallel_loop3A_731, %parallel_loop3A_732] {strides = array<i32>} : memref<128x128xf32, #tpu.memory_space<vmem>>, vector<1x16xf32>,
      %parallel_loop3A_734 = vector.shape_cast %parallel_loop3A_733 : vector<1x16xf32> to vector<16xf32>
      %parallel_loop3A_735 = arith.mulf %parallel_loop3A_688, %parallel_loop3A_734 : vector<16xf32>
      %parallel_loop3A_736 = arith.addf %parallel_loop3A_675, %parallel_loop3A_735 : vector<16xf32>
      scf.yield %parallel_loop3A_694, %parallel_loop3A_700, %parallel_loop3A_706, %parallel_loop3A_712, %parallel_loop3A_718, %parallel_loop3A_724, %parallel_loop3A_730, %parallel_loop3A_736 : vector<16xf32>, vector<16xf32>, vector<16xf32>, vector<16xf32>, vector<16xf32>, vector<16xf32>, vector<16xf32>, vector<16xf32>
    } {sc.loop_unroll_factor = 4 : i64, sc.parallel_access}
    %dma_wait3A_586 = arith.constant 1664 : i32
    %dma_wait3A_587 = tpu.memref_slice %arg12[%dma_wait3A_586] : memref<2048xi32, #tpu.memory_space<vmem>> -> memref<128xi32, #tpu.memory_space<vmem>>
    %dma_wait3A_588 = arith.constant 0 : i32
    %dma_wait3A_589 = arith.constant 0 : i32
    %dma_wait3A_590 = tpu.memref_slice %arg2[%dma_wait3A_588, %dma_wait3A_589] : memref<100000x128xf32, #tpu.memory_space<hbm>> -> memref<100000x128xf32, #tpu.memory_space<hbm>>
    tpu.wait_indirect_dma semaphore(%arg33 : memref<!tpu.dma_semaphore, #tpu.memory_space<semaphore_mem>>) src(%dma_wait3A_590 : memref<100000x128xf32, #tpu.memory_space<hbm>>) dst(%arg18 : memref<128x128xf32, #tpu.memory_space<vmem>>)
    %parallel_loop3A_591 = arith.constant 0 : i32
    %parallel_loop3A_592 = arith.constant 128 : i32
    %parallel_loop3A_593 = arith.constant 1 : i32
    %parallel_loop3A_594:8 = scf.for %parallel_loop3A_667 = %parallel_loop3A_591 to %parallel_loop3A_592 step %parallel_loop3A_593 iter_args(%parallel_loop3A_668 = %parallel_loop3A_585#0, %parallel_loop3A_669 = %parallel_loop3A_585#1, %parallel_loop3A_670 = %parallel_loop3A_585#2, %parallel_loop3A_671 = %parallel_loop3A_585#3, %parallel_loop3A_672 = %parallel_loop3A_585#4, %parallel_loop3A_673 = %parallel_loop3A_585#5, %parallel_loop3A_674 = %parallel_loop3A_585#6, %parallel_loop3A_675 = %parallel_loop3A_585#7) -> (vector<16xf32>, vector<16xf32>, vector<16xf32>, vector<16xf32>, vector<16xf32>, vector<16xf32>, vector<16xf32>, vector<16xf32>)  : i32 {
      %parallel_loop3A_676 = arith.constant -16 : i32
      %parallel_loop3A_677 = arith.andi %parallel_loop3A_667, %parallel_loop3A_676 : i32
      %parallel_loop3A_678 = arith.constant 1664 : i32
      %parallel_loop3A_679 = arith.addi %parallel_loop3A_678, %parallel_loop3A_677 : i32
      %parallel_loop3A_680 = arith.index_cast %parallel_loop3A_679 : i32 to index
      %parallel_loop3A_681 = tpu.vector_load %arg13[%parallel_loop3A_680] {strides = array<i32>} : memref<2048xf32, #tpu.memory_space<vmem>>, vector<16xf32>,
      %parallel_loop3A_682 = vector.shape_cast %parallel_loop3A_681 : vector<16xf32> to vector<16xf32>
      %parallel_loop3A_683 = arith.constant 15 : i32
      %parallel_loop3A_684 = arith.andi %parallel_loop3A_667, %parallel_loop3A_683 : i32
      %parallel_loop3A_685 = vector.broadcast %parallel_loop3A_684 : i32 to vector<16xi32>
      %parallel_loop3A_686 = vector.shape_cast %parallel_loop3A_685 : vector<16xi32> to vector<16x1xi32>
      %parallel_loop3A_687 = vector.shape_cast %parallel_loop3A_686 : vector<16x1xi32> to vector<16xi32>
      %parallel_loop3A_688 = tpu.dynamic_gather %parallel_loop3A_682[%parallel_loop3A_687] in [0] : vector<16xf32>, vector<16xi32> -> vector<16xf32>
      %parallel_loop3A_689 = arith.index_cast %parallel_loop3A_667 : i32 to index
      %parallel_loop3A_690 = arith.constant 0 : index
      %parallel_loop3A_691 = tpu.vector_load %arg18[%parallel_loop3A_689, %parallel_loop3A_690] {strides = array<i32>} : memref<128x128xf32, #tpu.memory_space<vmem>>, vector<1x16xf32>,
      %parallel_loop3A_692 = vector.shape_cast %parallel_loop3A_691 : vector<1x16xf32> to vector<16xf32>
      %parallel_loop3A_693 = arith.mulf %parallel_loop3A_688, %parallel_loop3A_692 : vector<16xf32>
      %parallel_loop3A_694 = arith.addf %parallel_loop3A_668, %parallel_loop3A_693 : vector<16xf32>
      %parallel_loop3A_695 = arith.index_cast %parallel_loop3A_667 : i32 to index
      %parallel_loop3A_696 = arith.constant 16 : index
      %parallel_loop3A_697 = tpu.vector_load %arg18[%parallel_loop3A_695, %parallel_loop3A_696] {strides = array<i32>} : memref<128x128xf32, #tpu.memory_space<vmem>>, vector<1x16xf32>,
      %parallel_loop3A_698 = vector.shape_cast %parallel_loop3A_697 : vector<1x16xf32> to vector<16xf32>
      %parallel_loop3A_699 = arith.mulf %parallel_loop3A_688, %parallel_loop3A_698 : vector<16xf32>
      %parallel_loop3A_700 = arith.addf %parallel_loop3A_669, %parallel_loop3A_699 : vector<16xf32>
      %parallel_loop3A_701 = arith.index_cast %parallel_loop3A_667 : i32 to index
      %parallel_loop3A_702 = arith.constant 32 : index
      %parallel_loop3A_703 = tpu.vector_load %arg18[%parallel_loop3A_701, %parallel_loop3A_702] {strides = array<i32>} : memref<128x128xf32, #tpu.memory_space<vmem>>, vector<1x16xf32>,
      %parallel_loop3A_704 = vector.shape_cast %parallel_loop3A_703 : vector<1x16xf32> to vector<16xf32>
      %parallel_loop3A_705 = arith.mulf %parallel_loop3A_688, %parallel_loop3A_704 : vector<16xf32>
      %parallel_loop3A_706 = arith.addf %parallel_loop3A_670, %parallel_loop3A_705 : vector<16xf32>
      %parallel_loop3A_707 = arith.index_cast %parallel_loop3A_667 : i32 to index
      %parallel_loop3A_708 = arith.constant 48 : index
      %parallel_loop3A_709 = tpu.vector_load %arg18[%parallel_loop3A_707, %parallel_loop3A_708] {strides = array<i32>} : memref<128x128xf32, #tpu.memory_space<vmem>>, vector<1x16xf32>,
      %parallel_loop3A_710 = vector.shape_cast %parallel_loop3A_709 : vector<1x16xf32> to vector<16xf32>
      %parallel_loop3A_711 = arith.mulf %parallel_loop3A_688, %parallel_loop3A_710 : vector<16xf32>
      %parallel_loop3A_712 = arith.addf %parallel_loop3A_671, %parallel_loop3A_711 : vector<16xf32>
      %parallel_loop3A_713 = arith.index_cast %parallel_loop3A_667 : i32 to index
      %parallel_loop3A_714 = arith.constant 64 : index
      %parallel_loop3A_715 = tpu.vector_load %arg18[%parallel_loop3A_713, %parallel_loop3A_714] {strides = array<i32>} : memref<128x128xf32, #tpu.memory_space<vmem>>, vector<1x16xf32>,
      %parallel_loop3A_716 = vector.shape_cast %parallel_loop3A_715 : vector<1x16xf32> to vector<16xf32>
      %parallel_loop3A_717 = arith.mulf %parallel_loop3A_688, %parallel_loop3A_716 : vector<16xf32>
      %parallel_loop3A_718 = arith.addf %parallel_loop3A_672, %parallel_loop3A_717 : vector<16xf32>
      %parallel_loop3A_719 = arith.index_cast %parallel_loop3A_667 : i32 to index
      %parallel_loop3A_720 = arith.constant 80 : index
      %parallel_loop3A_721 = tpu.vector_load %arg18[%parallel_loop3A_719, %parallel_loop3A_720] {strides = array<i32>} : memref<128x128xf32, #tpu.memory_space<vmem>>, vector<1x16xf32>,
      %parallel_loop3A_722 = vector.shape_cast %parallel_loop3A_721 : vector<1x16xf32> to vector<16xf32>
      %parallel_loop3A_723 = arith.mulf %parallel_loop3A_688, %parallel_loop3A_722 : vector<16xf32>
      %parallel_loop3A_724 = arith.addf %parallel_loop3A_673, %parallel_loop3A_723 : vector<16xf32>
      %parallel_loop3A_725 = arith.index_cast %parallel_loop3A_667 : i32 to index
      %parallel_loop3A_726 = arith.constant 96 : index
      %parallel_loop3A_727 = tpu.vector_load %arg18[%parallel_loop3A_725, %parallel_loop3A_726] {strides = array<i32>} : memref<128x128xf32, #tpu.memory_space<vmem>>, vector<1x16xf32>,
      %parallel_loop3A_728 = vector.shape_cast %parallel_loop3A_727 : vector<1x16xf32> to vector<16xf32>
      %parallel_loop3A_729 = arith.mulf %parallel_loop3A_688, %parallel_loop3A_728 : vector<16xf32>
      %parallel_loop3A_730 = arith.addf %parallel_loop3A_674, %parallel_loop3A_729 : vector<16xf32>
      %parallel_loop3A_731 = arith.index_cast %parallel_loop3A_667 : i32 to index
      %parallel_loop3A_732 = arith.constant 112 : index
      %parallel_loop3A_733 = tpu.vector_load %arg18[%parallel_loop3A_731, %parallel_loop3A_732] {strides = array<i32>} : memref<128x128xf32, #tpu.memory_space<vmem>>, vector<1x16xf32>,
      %parallel_loop3A_734 = vector.shape_cast %parallel_loop3A_733 : vector<1x16xf32> to vector<16xf32>
      %parallel_loop3A_735 = arith.mulf %parallel_loop3A_688, %parallel_loop3A_734 : vector<16xf32>
      %parallel_loop3A_736 = arith.addf %parallel_loop3A_675, %parallel_loop3A_735 : vector<16xf32>
      scf.yield %parallel_loop3A_694, %parallel_loop3A_700, %parallel_loop3A_706, %parallel_loop3A_712, %parallel_loop3A_718, %parallel_loop3A_724, %parallel_loop3A_730, %parallel_loop3A_736 : vector<16xf32>, vector<16xf32>, vector<16xf32>, vector<16xf32>, vector<16xf32>, vector<16xf32>, vector<16xf32>, vector<16xf32>
    } {sc.loop_unroll_factor = 4 : i64, sc.parallel_access}
    %dma_wait3A_595 = arith.constant 1792 : i32
    %dma_wait3A_596 = tpu.memref_slice %arg12[%dma_wait3A_595] : memref<2048xi32, #tpu.memory_space<vmem>> -> memref<128xi32, #tpu.memory_space<vmem>>
    %dma_wait3A_597 = arith.constant 0 : i32
    %dma_wait3A_598 = arith.constant 0 : i32
    %dma_wait3A_599 = tpu.memref_slice %arg2[%dma_wait3A_597, %dma_wait3A_598] : memref<100000x128xf32, #tpu.memory_space<hbm>> -> memref<100000x128xf32, #tpu.memory_space<hbm>>
    tpu.wait_indirect_dma semaphore(%arg34 : memref<!tpu.dma_semaphore, #tpu.memory_space<semaphore_mem>>) src(%dma_wait3A_599 : memref<100000x128xf32, #tpu.memory_space<hbm>>) dst(%arg19 : memref<128x128xf32, #tpu.memory_space<vmem>>)
    %parallel_loop3A_600 = arith.constant 0 : i32
    %parallel_loop3A_601 = arith.constant 128 : i32
    %parallel_loop3A_602 = arith.constant 1 : i32
    %parallel_loop3A_603:8 = scf.for %parallel_loop3A_667 = %parallel_loop3A_600 to %parallel_loop3A_601 step %parallel_loop3A_602 iter_args(%parallel_loop3A_668 = %parallel_loop3A_594#0, %parallel_loop3A_669 = %parallel_loop3A_594#1, %parallel_loop3A_670 = %parallel_loop3A_594#2, %parallel_loop3A_671 = %parallel_loop3A_594#3, %parallel_loop3A_672 = %parallel_loop3A_594#4, %parallel_loop3A_673 = %parallel_loop3A_594#5, %parallel_loop3A_674 = %parallel_loop3A_594#6, %parallel_loop3A_675 = %parallel_loop3A_594#7) -> (vector<16xf32>, vector<16xf32>, vector<16xf32>, vector<16xf32>, vector<16xf32>, vector<16xf32>, vector<16xf32>, vector<16xf32>)  : i32 {
      %parallel_loop3A_676 = arith.constant -16 : i32
      %parallel_loop3A_677 = arith.andi %parallel_loop3A_667, %parallel_loop3A_676 : i32
      %parallel_loop3A_678 = arith.constant 1792 : i32
      %parallel_loop3A_679 = arith.addi %parallel_loop3A_678, %parallel_loop3A_677 : i32
      %parallel_loop3A_680 = arith.index_cast %parallel_loop3A_679 : i32 to index
      %parallel_loop3A_681 = tpu.vector_load %arg13[%parallel_loop3A_680] {strides = array<i32>} : memref<2048xf32, #tpu.memory_space<vmem>>, vector<16xf32>,
      %parallel_loop3A_682 = vector.shape_cast %parallel_loop3A_681 : vector<16xf32> to vector<16xf32>
      %parallel_loop3A_683 = arith.constant 15 : i32
      %parallel_loop3A_684 = arith.andi %parallel_loop3A_667, %parallel_loop3A_683 : i32
      %parallel_loop3A_685 = vector.broadcast %parallel_loop3A_684 : i32 to vector<16xi32>
      %parallel_loop3A_686 = vector.shape_cast %parallel_loop3A_685 : vector<16xi32> to vector<16x1xi32>
      %parallel_loop3A_687 = vector.shape_cast %parallel_loop3A_686 : vector<16x1xi32> to vector<16xi32>
      %parallel_loop3A_688 = tpu.dynamic_gather %parallel_loop3A_682[%parallel_loop3A_687] in [0] : vector<16xf32>, vector<16xi32> -> vector<16xf32>
      %parallel_loop3A_689 = arith.index_cast %parallel_loop3A_667 : i32 to index
      %parallel_loop3A_690 = arith.constant 0 : index
      %parallel_loop3A_691 = tpu.vector_load %arg19[%parallel_loop3A_689, %parallel_loop3A_690] {strides = array<i32>} : memref<128x128xf32, #tpu.memory_space<vmem>>, vector<1x16xf32>,
      %parallel_loop3A_692 = vector.shape_cast %parallel_loop3A_691 : vector<1x16xf32> to vector<16xf32>
      %parallel_loop3A_693 = arith.mulf %parallel_loop3A_688, %parallel_loop3A_692 : vector<16xf32>
      %parallel_loop3A_694 = arith.addf %parallel_loop3A_668, %parallel_loop3A_693 : vector<16xf32>
      %parallel_loop3A_695 = arith.index_cast %parallel_loop3A_667 : i32 to index
      %parallel_loop3A_696 = arith.constant 16 : index
      %parallel_loop3A_697 = tpu.vector_load %arg19[%parallel_loop3A_695, %parallel_loop3A_696] {strides = array<i32>} : memref<128x128xf32, #tpu.memory_space<vmem>>, vector<1x16xf32>,
      %parallel_loop3A_698 = vector.shape_cast %parallel_loop3A_697 : vector<1x16xf32> to vector<16xf32>
      %parallel_loop3A_699 = arith.mulf %parallel_loop3A_688, %parallel_loop3A_698 : vector<16xf32>
      %parallel_loop3A_700 = arith.addf %parallel_loop3A_669, %parallel_loop3A_699 : vector<16xf32>
      %parallel_loop3A_701 = arith.index_cast %parallel_loop3A_667 : i32 to index
      %parallel_loop3A_702 = arith.constant 32 : index
      %parallel_loop3A_703 = tpu.vector_load %arg19[%parallel_loop3A_701, %parallel_loop3A_702] {strides = array<i32>} : memref<128x128xf32, #tpu.memory_space<vmem>>, vector<1x16xf32>,
      %parallel_loop3A_704 = vector.shape_cast %parallel_loop3A_703 : vector<1x16xf32> to vector<16xf32>
      %parallel_loop3A_705 = arith.mulf %parallel_loop3A_688, %parallel_loop3A_704 : vector<16xf32>
      %parallel_loop3A_706 = arith.addf %parallel_loop3A_670, %parallel_loop3A_705 : vector<16xf32>
      %parallel_loop3A_707 = arith.index_cast %parallel_loop3A_667 : i32 to index
      %parallel_loop3A_708 = arith.constant 48 : index
      %parallel_loop3A_709 = tpu.vector_load %arg19[%parallel_loop3A_707, %parallel_loop3A_708] {strides = array<i32>} : memref<128x128xf32, #tpu.memory_space<vmem>>, vector<1x16xf32>,
      %parallel_loop3A_710 = vector.shape_cast %parallel_loop3A_709 : vector<1x16xf32> to vector<16xf32>
      %parallel_loop3A_711 = arith.mulf %parallel_loop3A_688, %parallel_loop3A_710 : vector<16xf32>
      %parallel_loop3A_712 = arith.addf %parallel_loop3A_671, %parallel_loop3A_711 : vector<16xf32>
      %parallel_loop3A_713 = arith.index_cast %parallel_loop3A_667 : i32 to index
      %parallel_loop3A_714 = arith.constant 64 : index
      %parallel_loop3A_715 = tpu.vector_load %arg19[%parallel_loop3A_713, %parallel_loop3A_714] {strides = array<i32>} : memref<128x128xf32, #tpu.memory_space<vmem>>, vector<1x16xf32>,
      %parallel_loop3A_716 = vector.shape_cast %parallel_loop3A_715 : vector<1x16xf32> to vector<16xf32>
      %parallel_loop3A_717 = arith.mulf %parallel_loop3A_688, %parallel_loop3A_716 : vector<16xf32>
      %parallel_loop3A_718 = arith.addf %parallel_loop3A_672, %parallel_loop3A_717 : vector<16xf32>
      %parallel_loop3A_719 = arith.index_cast %parallel_loop3A_667 : i32 to index
      %parallel_loop3A_720 = arith.constant 80 : index
      %parallel_loop3A_721 = tpu.vector_load %arg19[%parallel_loop3A_719, %parallel_loop3A_720] {strides = array<i32>} : memref<128x128xf32, #tpu.memory_space<vmem>>, vector<1x16xf32>,
      %parallel_loop3A_722 = vector.shape_cast %parallel_loop3A_721 : vector<1x16xf32> to vector<16xf32>
      %parallel_loop3A_723 = arith.mulf %parallel_loop3A_688, %parallel_loop3A_722 : vector<16xf32>
      %parallel_loop3A_724 = arith.addf %parallel_loop3A_673, %parallel_loop3A_723 : vector<16xf32>
      %parallel_loop3A_725 = arith.index_cast %parallel_loop3A_667 : i32 to index
      %parallel_loop3A_726 = arith.constant 96 : index
      %parallel_loop3A_727 = tpu.vector_load %arg19[%parallel_loop3A_725, %parallel_loop3A_726] {strides = array<i32>} : memref<128x128xf32, #tpu.memory_space<vmem>>, vector<1x16xf32>,
      %parallel_loop3A_728 = vector.shape_cast %parallel_loop3A_727 : vector<1x16xf32> to vector<16xf32>
      %parallel_loop3A_729 = arith.mulf %parallel_loop3A_688, %parallel_loop3A_728 : vector<16xf32>
      %parallel_loop3A_730 = arith.addf %parallel_loop3A_674, %parallel_loop3A_729 : vector<16xf32>
      %parallel_loop3A_731 = arith.index_cast %parallel_loop3A_667 : i32 to index
      %parallel_loop3A_732 = arith.constant 112 : index
      %parallel_loop3A_733 = tpu.vector_load %arg19[%parallel_loop3A_731, %parallel_loop3A_732] {strides = array<i32>} : memref<128x128xf32, #tpu.memory_space<vmem>>, vector<1x16xf32>,
      %parallel_loop3A_734 = vector.shape_cast %parallel_loop3A_733 : vector<1x16xf32> to vector<16xf32>
      %parallel_loop3A_735 = arith.mulf %parallel_loop3A_688, %parallel_loop3A_734 : vector<16xf32>
      %parallel_loop3A_736 = arith.addf %parallel_loop3A_675, %parallel_loop3A_735 : vector<16xf32>
      scf.yield %parallel_loop3A_694, %parallel_loop3A_700, %parallel_loop3A_706, %parallel_loop3A_712, %parallel_loop3A_718, %parallel_loop3A_724, %parallel_loop3A_730, %parallel_loop3A_736 : vector<16xf32>, vector<16xf32>, vector<16xf32>, vector<16xf32>, vector<16xf32>, vector<16xf32>, vector<16xf32>, vector<16xf32>
    } {sc.loop_unroll_factor = 4 : i64, sc.parallel_access}
    %dma_wait3A_604 = arith.constant 1920 : i32
    %dma_wait3A_605 = tpu.memref_slice %arg12[%dma_wait3A_604] : memref<2048xi32, #tpu.memory_space<vmem>> -> memref<128xi32, #tpu.memory_space<vmem>>
    %dma_wait3A_606 = arith.constant 0 : i32
    %dma_wait3A_607 = arith.constant 0 : i32
    %dma_wait3A_608 = tpu.memref_slice %arg2[%dma_wait3A_606, %dma_wait3A_607] : memref<100000x128xf32, #tpu.memory_space<hbm>> -> memref<100000x128xf32, #tpu.memory_space<hbm>>
    tpu.wait_indirect_dma semaphore(%arg30 : memref<!tpu.dma_semaphore, #tpu.memory_space<semaphore_mem>>) src(%dma_wait3A_608 : memref<100000x128xf32, #tpu.memory_space<hbm>>) dst(%arg15 : memref<128x128xf32, #tpu.memory_space<vmem>>)
    %parallel_loop3A_609 = arith.constant 0 : i32
    %parallel_loop3A_610 = arith.constant 128 : i32
    %parallel_loop3A_611 = arith.constant 1 : i32
    %parallel_loop3A_612:8 = scf.for %parallel_loop3A_667 = %parallel_loop3A_609 to %parallel_loop3A_610 step %parallel_loop3A_611 iter_args(%parallel_loop3A_668 = %parallel_loop3A_603#0, %parallel_loop3A_669 = %parallel_loop3A_603#1, %parallel_loop3A_670 = %parallel_loop3A_603#2, %parallel_loop3A_671 = %parallel_loop3A_603#3, %parallel_loop3A_672 = %parallel_loop3A_603#4, %parallel_loop3A_673 = %parallel_loop3A_603#5, %parallel_loop3A_674 = %parallel_loop3A_603#6, %parallel_loop3A_675 = %parallel_loop3A_603#7) -> (vector<16xf32>, vector<16xf32>, vector<16xf32>, vector<16xf32>, vector<16xf32>, vector<16xf32>, vector<16xf32>, vector<16xf32>)  : i32 {
      %parallel_loop3A_676 = arith.constant -16 : i32
      %parallel_loop3A_677 = arith.andi %parallel_loop3A_667, %parallel_loop3A_676 : i32
      %parallel_loop3A_678 = arith.constant 1920 : i32
      %parallel_loop3A_679 = arith.addi %parallel_loop3A_678, %parallel_loop3A_677 : i32
      %parallel_loop3A_680 = arith.index_cast %parallel_loop3A_679 : i32 to index
      %parallel_loop3A_681 = tpu.vector_load %arg13[%parallel_loop3A_680] {strides = array<i32>} : memref<2048xf32, #tpu.memory_space<vmem>>, vector<16xf32>,
      %parallel_loop3A_682 = vector.shape_cast %parallel_loop3A_681 : vector<16xf32> to vector<16xf32>
      %parallel_loop3A_683 = arith.constant 15 : i32
      %parallel_loop3A_684 = arith.andi %parallel_loop3A_667, %parallel_loop3A_683 : i32
      %parallel_loop3A_685 = vector.broadcast %parallel_loop3A_684 : i32 to vector<16xi32>
      %parallel_loop3A_686 = vector.shape_cast %parallel_loop3A_685 : vector<16xi32> to vector<16x1xi32>
      %parallel_loop3A_687 = vector.shape_cast %parallel_loop3A_686 : vector<16x1xi32> to vector<16xi32>
      %parallel_loop3A_688 = tpu.dynamic_gather %parallel_loop3A_682[%parallel_loop3A_687] in [0] : vector<16xf32>, vector<16xi32> -> vector<16xf32>
      %parallel_loop3A_689 = arith.index_cast %parallel_loop3A_667 : i32 to index
      %parallel_loop3A_690 = arith.constant 0 : index
      %parallel_loop3A_691 = tpu.vector_load %arg15[%parallel_loop3A_689, %parallel_loop3A_690] {strides = array<i32>} : memref<128x128xf32, #tpu.memory_space<vmem>>, vector<1x16xf32>,
      %parallel_loop3A_692 = vector.shape_cast %parallel_loop3A_691 : vector<1x16xf32> to vector<16xf32>
      %parallel_loop3A_693 = arith.mulf %parallel_loop3A_688, %parallel_loop3A_692 : vector<16xf32>
      %parallel_loop3A_694 = arith.addf %parallel_loop3A_668, %parallel_loop3A_693 : vector<16xf32>
      %parallel_loop3A_695 = arith.index_cast %parallel_loop3A_667 : i32 to index
      %parallel_loop3A_696 = arith.constant 16 : index
      %parallel_loop3A_697 = tpu.vector_load %arg15[%parallel_loop3A_695, %parallel_loop3A_696] {strides = array<i32>} : memref<128x128xf32, #tpu.memory_space<vmem>>, vector<1x16xf32>,
      %parallel_loop3A_698 = vector.shape_cast %parallel_loop3A_697 : vector<1x16xf32> to vector<16xf32>
      %parallel_loop3A_699 = arith.mulf %parallel_loop3A_688, %parallel_loop3A_698 : vector<16xf32>
      %parallel_loop3A_700 = arith.addf %parallel_loop3A_669, %parallel_loop3A_699 : vector<16xf32>
      %parallel_loop3A_701 = arith.index_cast %parallel_loop3A_667 : i32 to index
      %parallel_loop3A_702 = arith.constant 32 : index
      %parallel_loop3A_703 = tpu.vector_load %arg15[%parallel_loop3A_701, %parallel_loop3A_702] {strides = array<i32>} : memref<128x128xf32, #tpu.memory_space<vmem>>, vector<1x16xf32>,
      %parallel_loop3A_704 = vector.shape_cast %parallel_loop3A_703 : vector<1x16xf32> to vector<16xf32>
      %parallel_loop3A_705 = arith.mulf %parallel_loop3A_688, %parallel_loop3A_704 : vector<16xf32>
      %parallel_loop3A_706 = arith.addf %parallel_loop3A_670, %parallel_loop3A_705 : vector<16xf32>
      %parallel_loop3A_707 = arith.index_cast %parallel_loop3A_667 : i32 to index
      %parallel_loop3A_708 = arith.constant 48 : index
      %parallel_loop3A_709 = tpu.vector_load %arg15[%parallel_loop3A_707, %parallel_loop3A_708] {strides = array<i32>} : memref<128x128xf32, #tpu.memory_space<vmem>>, vector<1x16xf32>,
      %parallel_loop3A_710 = vector.shape_cast %parallel_loop3A_709 : vector<1x16xf32> to vector<16xf32>
      %parallel_loop3A_711 = arith.mulf %parallel_loop3A_688, %parallel_loop3A_710 : vector<16xf32>
      %parallel_loop3A_712 = arith.addf %parallel_loop3A_671, %parallel_loop3A_711 : vector<16xf32>
      %parallel_loop3A_713 = arith.index_cast %parallel_loop3A_667 : i32 to index
      %parallel_loop3A_714 = arith.constant 64 : index
      %parallel_loop3A_715 = tpu.vector_load %arg15[%parallel_loop3A_713, %parallel_loop3A_714] {strides = array<i32>} : memref<128x128xf32, #tpu.memory_space<vmem>>, vector<1x16xf32>,
      %parallel_loop3A_716 = vector.shape_cast %parallel_loop3A_715 : vector<1x16xf32> to vector<16xf32>
      %parallel_loop3A_717 = arith.mulf %parallel_loop3A_688, %parallel_loop3A_716 : vector<16xf32>
      %parallel_loop3A_718 = arith.addf %parallel_loop3A_672, %parallel_loop3A_717 : vector<16xf32>
      %parallel_loop3A_719 = arith.index_cast %parallel_loop3A_667 : i32 to index
      %parallel_loop3A_720 = arith.constant 80 : index
      %parallel_loop3A_721 = tpu.vector_load %arg15[%parallel_loop3A_719, %parallel_loop3A_720] {strides = array<i32>} : memref<128x128xf32, #tpu.memory_space<vmem>>, vector<1x16xf32>,
      %parallel_loop3A_722 = vector.shape_cast %parallel_loop3A_721 : vector<1x16xf32> to vector<16xf32>
      %parallel_loop3A_723 = arith.mulf %parallel_loop3A_688, %parallel_loop3A_722 : vector<16xf32>
      %parallel_loop3A_724 = arith.addf %parallel_loop3A_673, %parallel_loop3A_723 : vector<16xf32>
      %parallel_loop3A_725 = arith.index_cast %parallel_loop3A_667 : i32 to index
      %parallel_loop3A_726 = arith.constant 96 : index
      %parallel_loop3A_727 = tpu.vector_load %arg15[%parallel_loop3A_725, %parallel_loop3A_726] {strides = array<i32>} : memref<128x128xf32, #tpu.memory_space<vmem>>, vector<1x16xf32>,
      %parallel_loop3A_728 = vector.shape_cast %parallel_loop3A_727 : vector<1x16xf32> to vector<16xf32>
      %parallel_loop3A_729 = arith.mulf %parallel_loop3A_688, %parallel_loop3A_728 : vector<16xf32>
      %parallel_loop3A_730 = arith.addf %parallel_loop3A_674, %parallel_loop3A_729 : vector<16xf32>
      %parallel_loop3A_731 = arith.index_cast %parallel_loop3A_667 : i32 to index
      %parallel_loop3A_732 = arith.constant 112 : index
      %parallel_loop3A_733 = tpu.vector_load %arg15[%parallel_loop3A_731, %parallel_loop3A_732] {strides = array<i32>} : memref<128x128xf32, #tpu.memory_space<vmem>>, vector<1x16xf32>,
      %parallel_loop3A_734 = vector.shape_cast %parallel_loop3A_733 : vector<1x16xf32> to vector<16xf32>
      %parallel_loop3A_735 = arith.mulf %parallel_loop3A_688, %parallel_loop3A_734 : vector<16xf32>
      %parallel_loop3A_736 = arith.addf %parallel_loop3A_675, %parallel_loop3A_735 : vector<16xf32>
      scf.yield %parallel_loop3A_694, %parallel_loop3A_700, %parallel_loop3A_706, %parallel_loop3A_712, %parallel_loop3A_718, %parallel_loop3A_724, %parallel_loop3A_730, %parallel_loop3A_736 : vector<16xf32>, vector<16xf32>, vector<16xf32>, vector<16xf32>, vector<16xf32>, vector<16xf32>, vector<16xf32>, vector<16xf32>
    } {sc.loop_unroll_factor = 4 : i64, sc.parallel_access}
    %dma_wait3A_613 = arith.constant 0 : i32
    %dma_wait3A_614 = arith.constant 0 : i32
    %dma_wait3A_615 = tpu.memref_slice %arg7[%dma_wait3A_613, %dma_wait3A_614] : memref<2056x128xf32, #tpu.memory_space<hbm>> -> memref<2056x128xf32, #tpu.memory_space<hbm>>
    tpu.wait_indirect_dma semaphore(%arg29 : memref<!tpu.dma_semaphore, #tpu.memory_space<semaphore_mem>>) src(%arg10 : memref<64x128xf32, #tpu.memory_space<vmem>>) dst(%dma_wait3A_615 : memref<2056x128xf32, #tpu.memory_space<hbm>>)
    %swap3A_616 = arith.constant 0 : i32
    %swap3A_617 = arith.index_cast %swap3A_616 : i32 to index
    %swap3A_618 = arith.constant 0 : index
    %swap3A_619 = tpu.vector_load %arg10[%swap3A_617, %swap3A_618] {strides = array<i32>} : memref<64x128xf32, #tpu.memory_space<vmem>>, vector<1x16xf32>,
    %swap3A_620 = vector.shape_cast %swap3A_619 : vector<1x16xf32> to vector<16xf32>
    %swap3A_621 = vector.shape_cast %parallel_loop3A_612#0 : vector<16xf32> to vector<1x16xf32>
    tpu.vector_store %arg10[%swap3A_617, %swap3A_618], %swap3A_621 {strides = array<i32>} : memref<64x128xf32, #tpu.memory_space<vmem>>, vector<1x16xf32>,
    %swap3A_622 = arith.constant 0 : i32
    %swap3A_623 = arith.index_cast %swap3A_622 : i32 to index
    %swap3A_624 = arith.constant 16 : index
    %swap3A_625 = tpu.vector_load %arg10[%swap3A_623, %swap3A_624] {strides = array<i32>} : memref<64x128xf32, #tpu.memory_space<vmem>>, vector<1x16xf32>,
    %swap3A_626 = vector.shape_cast %swap3A_625 : vector<1x16xf32> to vector<16xf32>
    %swap3A_627 = vector.shape_cast %parallel_loop3A_612#1 : vector<16xf32> to vector<1x16xf32>
    tpu.vector_store %arg10[%swap3A_623, %swap3A_624], %swap3A_627 {strides = array<i32>} : memref<64x128xf32, #tpu.memory_space<vmem>>, vector<1x16xf32>,
    %swap3A_628 = arith.constant 0 : i32
    %swap3A_629 = arith.index_cast %swap3A_628 : i32 to index
    %swap3A_630 = arith.constant 32 : index
    %swap3A_631 = tpu.vector_load %arg10[%swap3A_629, %swap3A_630] {strides = array<i32>} : memref<64x128xf32, #tpu.memory_space<vmem>>, vector<1x16xf32>,
    %swap3A_632 = vector.shape_cast %swap3A_631 : vector<1x16xf32> to vector<16xf32>
    %swap3A_633 = vector.shape_cast %parallel_loop3A_612#2 : vector<16xf32> to vector<1x16xf32>
    tpu.vector_store %arg10[%swap3A_629, %swap3A_630], %swap3A_633 {strides = array<i32>} : memref<64x128xf32, #tpu.memory_space<vmem>>, vector<1x16xf32>,
    %swap3A_634 = arith.constant 0 : i32
    %swap3A_635 = arith.index_cast %swap3A_634 : i32 to index
    %swap3A_636 = arith.constant 48 : index
    %swap3A_637 = tpu.vector_load %arg10[%swap3A_635, %swap3A_636] {strides = array<i32>} : memref<64x128xf32, #tpu.memory_space<vmem>>, vector<1x16xf32>,
    %swap3A_638 = vector.shape_cast %swap3A_637 : vector<1x16xf32> to vector<16xf32>
    %swap3A_639 = vector.shape_cast %parallel_loop3A_612#3 : vector<16xf32> to vector<1x16xf32>
    tpu.vector_store %arg10[%swap3A_635, %swap3A_636], %swap3A_639 {strides = array<i32>} : memref<64x128xf32, #tpu.memory_space<vmem>>, vector<1x16xf32>,
    %swap3A_640 = arith.constant 0 : i32
    %swap3A_641 = arith.index_cast %swap3A_640 : i32 to index
    %swap3A_642 = arith.constant 64 : index
    %swap3A_643 = tpu.vector_load %arg10[%swap3A_641, %swap3A_642] {strides = array<i32>} : memref<64x128xf32, #tpu.memory_space<vmem>>, vector<1x16xf32>,
    %swap3A_644 = vector.shape_cast %swap3A_643 : vector<1x16xf32> to vector<16xf32>
    %swap3A_645 = vector.shape_cast %parallel_loop3A_612#4 : vector<16xf32> to vector<1x16xf32>
    tpu.vector_store %arg10[%swap3A_641, %swap3A_642], %swap3A_645 {strides = array<i32>} : memref<64x128xf32, #tpu.memory_space<vmem>>, vector<1x16xf32>,
    %swap3A_646 = arith.constant 0 : i32
    %swap3A_647 = arith.index_cast %swap3A_646 : i32 to index
    %swap3A_648 = arith.constant 80 : index
    %swap3A_649 = tpu.vector_load %arg10[%swap3A_647, %swap3A_648] {strides = array<i32>} : memref<64x128xf32, #tpu.memory_space<vmem>>, vector<1x16xf32>,
    %swap3A_650 = vector.shape_cast %swap3A_649 : vector<1x16xf32> to vector<16xf32>
    %swap3A_651 = vector.shape_cast %parallel_loop3A_612#5 : vector<16xf32> to vector<1x16xf32>
    tpu.vector_store %arg10[%swap3A_647, %swap3A_648], %swap3A_651 {strides = array<i32>} : memref<64x128xf32, #tpu.memory_space<vmem>>, vector<1x16xf32>,
    %swap3A_652 = arith.constant 0 : i32
    %swap3A_653 = arith.index_cast %swap3A_652 : i32 to index
    %swap3A_654 = arith.constant 96 : index
    %swap3A_655 = tpu.vector_load %arg10[%swap3A_653, %swap3A_654] {strides = array<i32>} : memref<64x128xf32, #tpu.memory_space<vmem>>, vector<1x16xf32>,
    %swap3A_656 = vector.shape_cast %swap3A_655 : vector<1x16xf32> to vector<16xf32>
    %swap3A_657 = vector.shape_cast %parallel_loop3A_612#6 : vector<16xf32> to vector<1x16xf32>
    tpu.vector_store %arg10[%swap3A_653, %swap3A_654], %swap3A_657 {strides = array<i32>} : memref<64x128xf32, #tpu.memory_space<vmem>>, vector<1x16xf32>,
    %swap3A_658 = arith.constant 0 : i32
    %swap3A_659 = arith.index_cast %swap3A_658 : i32 to index
    %swap3A_660 = arith.constant 112 : index
    %swap3A_661 = tpu.vector_load %arg10[%swap3A_659, %swap3A_660] {strides = array<i32>} : memref<64x128xf32, #tpu.memory_space<vmem>>, vector<1x16xf32>,
    %swap3A_662 = vector.shape_cast %swap3A_661 : vector<1x16xf32> to vector<16xf32>
    %swap3A_663 = vector.shape_cast %parallel_loop3A_612#7 : vector<16xf32> to vector<1x16xf32>
    tpu.vector_store %arg10[%swap3A_659, %swap3A_660], %swap3A_663 {strides = array<i32>} : memref<64x128xf32, #tpu.memory_space<vmem>>, vector<1x16xf32>,
    %run_scoped3A = arith.constant 0 : i32
    "tpu.region"() ({
      %run_scoped3A_667 = tpu.sem_alloc : memref<!tpu.dma_semaphore, #tpu.memory_space<semaphore_mem>>
      %dma_start3A_668 = arith.constant 0 : i32
      %dma_start3A_669 = tpu.memref_slice %arg10[%run_scoped3A, %dma_start3A_668] : memref<64x128xf32, #tpu.memory_space<vmem>> -> memref<1x128xf32, #tpu.memory_space<vmem>>
      %dma_start3A_670 = tpu.memref_squeeze %dma_start3A_669 : memref<1x128xf32, #tpu.memory_space<vmem>> -> memref<128xf32, #tpu.memory_space<vmem>>
      %dma_start3A_671 = arith.constant 0 : i32
      %dma_start3A_672 = tpu.memref_slice %arg23[%arg1, %dma_start3A_671] : memref<16x128xf32, #tpu.memory_space<vmem_shared>> -> memref<1x128xf32, #tpu.memory_space<vmem_shared>>
      %dma_start3A_673 = tpu.memref_squeeze %dma_start3A_672 : memref<1x128xf32, #tpu.memory_space<vmem_shared>> -> memref<128xf32, #tpu.memory_space<vmem_shared>>
      %dma_start3A_674 = arith.constant 0 : i32
      %dma_start3A_675 = tpu.memref_slice %arg23[%arg1, %dma_start3A_674] : memref<16x128xf32, #tpu.memory_space<vmem_shared>> -> memref<1x128xf32, #tpu.memory_space<vmem_shared>>
      %dma_start3A_676 = tpu.memref_squeeze %dma_start3A_675 : memref<1x128xf32, #tpu.memory_space<vmem_shared>> -> memref<128xf32, #tpu.memory_space<vmem_shared>>
      %dma_start3A_677 = arith.constant 0 : i32
      %dma_start3A_678 = tpu.memref_slice %arg10[%run_scoped3A, %dma_start3A_677] : memref<64x128xf32, #tpu.memory_space<vmem>> -> memref<1x128xf32, #tpu.memory_space<vmem>>
      %dma_start3A_679 = tpu.memref_squeeze %dma_start3A_678 : memref<1x128xf32, #tpu.memory_space<vmem>> -> memref<128xf32, #tpu.memory_space<vmem>>
      tpu.enqueue_dma source(%dma_start3A_679 : memref<128xf32, #tpu.memory_space<vmem>>) target(%dma_start3A_676 : memref<128xf32, #tpu.memory_space<vmem_shared>>) target_semaphore(%run_scoped3A_667 : memref<!tpu.dma_semaphore, #tpu.memory_space<semaphore_mem>>)
      %dma_wait3A_680 = arith.constant 0 : i32
      %dma_wait3A_681 = tpu.memref_slice %arg10[%run_scoped3A, %dma_wait3A_680] : memref<64x128xf32, #tpu.memory_space<vmem>> -> memref<1x128xf32, #tpu.memory_space<vmem>>
      %dma_wait3A_682 = tpu.memref_squeeze %dma_wait3A_681 : memref<1x128xf32, #tpu.memory_space<vmem>> -> memref<128xf32, #tpu.memory_space<vmem>>
      %dma_wait3A_683 = arith.constant 0 : i32
      %dma_wait3A_684 = tpu.memref_slice %arg23[%arg1, %dma_wait3A_683] : memref<16x128xf32, #tpu.memory_space<vmem_shared>> -> memref<1x128xf32, #tpu.memory_space<vmem_shared>>
      %dma_wait3A_685 = tpu.memref_squeeze %dma_wait3A_684 : memref<1x128xf32, #tpu.memory_space<vmem_shared>> -> memref<128xf32, #tpu.memory_space<vmem_shared>>
      %dma_wait3A_686 = arith.constant 0 : i32
      %dma_wait3A_687 = tpu.memref_slice %arg23[%arg1, %dma_wait3A_686] : memref<16x128xf32, #tpu.memory_space<vmem_shared>> -> memref<1x128xf32, #tpu.memory_space<vmem_shared>>
      %dma_wait3A_688 = tpu.memref_squeeze %dma_wait3A_687 : memref<1x128xf32, #tpu.memory_space<vmem_shared>> -> memref<128xf32, #tpu.memory_space<vmem_shared>>
      %dma_wait3A_689 = arith.constant 0 : i32
      %dma_wait3A_690 = tpu.memref_slice %arg10[%run_scoped3A, %dma_wait3A_689] : memref<64x128xf32, #tpu.memory_space<vmem>> -> memref<1x128xf32, #tpu.memory_space<vmem>>
      %dma_wait3A_691 = tpu.memref_squeeze %dma_wait3A_690 : memref<1x128xf32, #tpu.memory_space<vmem>> -> memref<128xf32, #tpu.memory_space<vmem>>
      tpu.wait_dma2 semaphore(%run_scoped3A_667 : memref<!tpu.dma_semaphore, #tpu.memory_space<semaphore_mem>>) src(%dma_wait3A_691 : memref<128xf32, #tpu.memory_space<vmem>>) dst(%dma_wait3A_688 : memref<128xf32, #tpu.memory_space<vmem_shared>>)
      tpu.yield
    }) : () -> ()
    %barrier3A = arith.constant 0 : index
    tpu.barrier barrier_id(%barrier3A)
    %eq3A_664 = arith.constant 0 : i32
    %eq3A_665 = arith.cmpi eq, %arg1, %eq3A_664 : i32
    %convert_element_type3A = arith.extui %eq3A_665 : i1 to i32
    %cond3A = arith.constant 0 : i32
    %cond3A_666 = arith.cmpi ne, %convert_element_type3A, %cond3A : i32
    scf.if %cond3A_666 {
      "tpu.region"() ({
        %run_scoped3A_2202 = tpu.sem_alloc : memref<!tpu.dma_semaphore, #tpu.memory_space<semaphore_mem>>
        tpu.enqueue_dma source(%arg23 : memref<16x128xf32, #tpu.memory_space<vmem_shared>>) target(%arg20 : memref<16x128xf32, #tpu.memory_space<vmem>>) target_semaphore(%run_scoped3A_2202 : memref<!tpu.dma_semaphore, #tpu.memory_space<semaphore_mem>>)
        tpu.wait_dma2 semaphore(%run_scoped3A_2202 : memref<!tpu.dma_semaphore, #tpu.memory_space<semaphore_mem>>) src(%arg23 : memref<16x128xf32, #tpu.memory_space<vmem_shared>>) dst(%arg20 : memref<16x128xf32, #tpu.memory_space<vmem>>)
        tpu.yield
      }) : () -> ()
      %get3A_667 = arith.constant 0 : i32
      %get3A_668 = arith.index_cast %get3A_667 : i32 to index
      %get3A_669 = arith.constant 0 : index
      %get3A_670 = tpu.vector_load %arg20[%get3A_668, %get3A_669] {strides = array<i32>} : memref<16x128xf32, #tpu.memory_space<vmem>>, vector<1x16xf32>,
      %get3A_671 = vector.shape_cast %get3A_670 : vector<1x16xf32> to vector<16xf32>
      %get3A_672 = arith.constant 1 : i32
      %get3A_673 = arith.index_cast %get3A_672 : i32 to index
      %get3A_674 = arith.constant 0 : index
      %get3A_675 = tpu.vector_load %arg20[%get3A_673, %get3A_674] {strides = array<i32>} : memref<16x128xf32, #tpu.memory_space<vmem>>, vector<1x16xf32>,
      %get3A_676 = vector.shape_cast %get3A_675 : vector<1x16xf32> to vector<16xf32>
      %add3A_677 = arith.addf %get3A_671, %get3A_676 : vector<16xf32>
      %get3A_678 = arith.constant 2 : i32
      %get3A_679 = arith.index_cast %get3A_678 : i32 to index
      %get3A_680 = arith.constant 0 : index
      %get3A_681 = tpu.vector_load %arg20[%get3A_679, %get3A_680] {strides = array<i32>} : memref<16x128xf32, #tpu.memory_space<vmem>>, vector<1x16xf32>,
      %get3A_682 = vector.shape_cast %get3A_681 : vector<1x16xf32> to vector<16xf32>
      %add3A_683 = arith.addf %add3A_677, %get3A_682 : vector<16xf32>
      %get3A_684 = arith.constant 3 : i32
      %get3A_685 = arith.index_cast %get3A_684 : i32 to index
      %get3A_686 = arith.constant 0 : index
      %get3A_687 = tpu.vector_load %arg20[%get3A_685, %get3A_686] {strides = array<i32>} : memref<16x128xf32, #tpu.memory_space<vmem>>, vector<1x16xf32>,
      %get3A_688 = vector.shape_cast %get3A_687 : vector<1x16xf32> to vector<16xf32>
      %add3A_689 = arith.addf %add3A_683, %get3A_688 : vector<16xf32>
      %swap3A_690 = arith.constant 0 : i32
      %swap3A_691 = arith.index_cast %swap3A_690 : i32 to index
      %swap3A_692 = arith.constant 0 : index
      %swap3A_693 = tpu.vector_load %arg21[%swap3A_691, %swap3A_692] {strides = array<i32>} : memref<16x128xf32, #tpu.memory_space<vmem>>, vector<1x16xf32>,
      %swap3A_694 = vector.shape_cast %swap3A_693 : vector<1x16xf32> to vector<16xf32>
      %swap3A_695 = vector.shape_cast %add3A_689 : vector<16xf32> to vector<1x16xf32>
      tpu.vector_store %arg21[%swap3A_691, %swap3A_692], %swap3A_695 {strides = array<i32>} : memref<16x128xf32, #tpu.memory_space<vmem>>, vector<1x16xf32>,
      %get3A_696 = arith.constant 0 : i32
      %get3A_697 = arith.index_cast %get3A_696 : i32 to index
      %get3A_698 = arith.constant 16 : index
      %get3A_699 = tpu.vector_load %arg20[%get3A_697, %get3A_698] {strides = array<i32>} : memref<16x128xf32, #tpu.memory_space<vmem>>, vector<1x16xf32>,
      %get3A_700 = vector.shape_cast %get3A_699 : vector<1x16xf32> to vector<16xf32>
      %get3A_701 = arith.constant 1 : i32
      %get3A_702 = arith.index_cast %get3A_701 : i32 to index
      %get3A_703 = arith.constant 16 : index
      %get3A_704 = tpu.vector_load %arg20[%get3A_702, %get3A_703] {strides = array<i32>} : memref<16x128xf32, #tpu.memory_space<vmem>>, vector<1x16xf32>,
      %get3A_705 = vector.shape_cast %get3A_704 : vector<1x16xf32> to vector<16xf32>
      %add3A_706 = arith.addf %get3A_700, %get3A_705 : vector<16xf32>
      %get3A_707 = arith.constant 2 : i32
      %get3A_708 = arith.index_cast %get3A_707 : i32 to index
      %get3A_709 = arith.constant 16 : index
      %get3A_710 = tpu.vector_load %arg20[%get3A_708, %get3A_709] {strides = array<i32>} : memref<16x128xf32, #tpu.memory_space<vmem>>, vector<1x16xf32>,
      %get3A_711 = vector.shape_cast %get3A_710 : vector<1x16xf32> to vector<16xf32>
      %add3A_712 = arith.addf %add3A_706, %get3A_711 : vector<16xf32>
      %get3A_713 = arith.constant 3 : i32
      %get3A_714 = arith.index_cast %get3A_713 : i32 to index
      %get3A_715 = arith.constant 16 : index
      %get3A_716 = tpu.vector_load %arg20[%get3A_714, %get3A_715] {strides = array<i32>} : memref<16x128xf32, #tpu.memory_space<vmem>>, vector<1x16xf32>,
      %get3A_717 = vector.shape_cast %get3A_716 : vector<1x16xf32> to vector<16xf32>
      %add3A_718 = arith.addf %add3A_712, %get3A_717 : vector<16xf32>
      %swap3A_719 = arith.constant 0 : i32
      %swap3A_720 = arith.index_cast %swap3A_719 : i32 to index
      %swap3A_721 = arith.constant 16 : index
      %swap3A_722 = tpu.vector_load %arg21[%swap3A_720, %swap3A_721] {strides = array<i32>} : memref<16x128xf32, #tpu.memory_space<vmem>>, vector<1x16xf32>,
      %swap3A_723 = vector.shape_cast %swap3A_722 : vector<1x16xf32> to vector<16xf32>
      %swap3A_724 = vector.shape_cast %add3A_718 : vector<16xf32> to vector<1x16xf32>
      tpu.vector_store %arg21[%swap3A_720, %swap3A_721], %swap3A_724 {strides = array<i32>} : memref<16x128xf32, #tpu.memory_space<vmem>>, vector<1x16xf32>,
      %get3A_725 = arith.constant 0 : i32
      %get3A_726 = arith.index_cast %get3A_725 : i32 to index
      %get3A_727 = arith.constant 32 : index
      %get3A_728 = tpu.vector_load %arg20[%get3A_726, %get3A_727] {strides = array<i32>} : memref<16x128xf32, #tpu.memory_space<vmem>>, vector<1x16xf32>,
      %get3A_729 = vector.shape_cast %get3A_728 : vector<1x16xf32> to vector<16xf32>
      %get3A_730 = arith.constant 1 : i32
      %get3A_731 = arith.index_cast %get3A_730 : i32 to index
      %get3A_732 = arith.constant 32 : index
      %get3A_733 = tpu.vector_load %arg20[%get3A_731, %get3A_732] {strides = array<i32>} : memref<16x128xf32, #tpu.memory_space<vmem>>, vector<1x16xf32>,
      %get3A_734 = vector.shape_cast %get3A_733 : vector<1x16xf32> to vector<16xf32>
      %add3A_735 = arith.addf %get3A_729, %get3A_734 : vector<16xf32>
      %get3A_736 = arith.constant 2 : i32
      %get3A_737 = arith.index_cast %get3A_736 : i32 to index
      %get3A_738 = arith.constant 32 : index
      %get3A_739 = tpu.vector_load %arg20[%get3A_737, %get3A_738] {strides = array<i32>} : memref<16x128xf32, #tpu.memory_space<vmem>>, vector<1x16xf32>,
      %get3A_740 = vector.shape_cast %get3A_739 : vector<1x16xf32> to vector<16xf32>
      %add3A_741 = arith.addf %add3A_735, %get3A_740 : vector<16xf32>
      %get3A_742 = arith.constant 3 : i32
      %get3A_743 = arith.index_cast %get3A_742 : i32 to index
      %get3A_744 = arith.constant 32 : index
      %get3A_745 = tpu.vector_load %arg20[%get3A_743, %get3A_744] {strides = array<i32>} : memref<16x128xf32, #tpu.memory_space<vmem>>, vector<1x16xf32>,
      %get3A_746 = vector.shape_cast %get3A_745 : vector<1x16xf32> to vector<16xf32>
      %add3A_747 = arith.addf %add3A_741, %get3A_746 : vector<16xf32>
      %swap3A_748 = arith.constant 0 : i32
      %swap3A_749 = arith.index_cast %swap3A_748 : i32 to index
      %swap3A_750 = arith.constant 32 : index
      %swap3A_751 = tpu.vector_load %arg21[%swap3A_749, %swap3A_750] {strides = array<i32>} : memref<16x128xf32, #tpu.memory_space<vmem>>, vector<1x16xf32>,
      %swap3A_752 = vector.shape_cast %swap3A_751 : vector<1x16xf32> to vector<16xf32>
      %swap3A_753 = vector.shape_cast %add3A_747 : vector<16xf32> to vector<1x16xf32>
      tpu.vector_store %arg21[%swap3A_749, %swap3A_750], %swap3A_753 {strides = array<i32>} : memref<16x128xf32, #tpu.memory_space<vmem>>, vector<1x16xf32>,
      %get3A_754 = arith.constant 0 : i32
      %get3A_755 = arith.index_cast %get3A_754 : i32 to index
      %get3A_756 = arith.constant 48 : index
      %get3A_757 = tpu.vector_load %arg20[%get3A_755, %get3A_756] {strides = array<i32>} : memref<16x128xf32, #tpu.memory_space<vmem>>, vector<1x16xf32>,
      %get3A_758 = vector.shape_cast %get3A_757 : vector<1x16xf32> to vector<16xf32>
      %get3A_759 = arith.constant 1 : i32
      %get3A_760 = arith.index_cast %get3A_759 : i32 to index
      %get3A_761 = arith.constant 48 : index
      %get3A_762 = tpu.vector_load %arg20[%get3A_760, %get3A_761] {strides = array<i32>} : memref<16x128xf32, #tpu.memory_space<vmem>>, vector<1x16xf32>,
      %get3A_763 = vector.shape_cast %get3A_762 : vector<1x16xf32> to vector<16xf32>
      %add3A_764 = arith.addf %get3A_758, %get3A_763 : vector<16xf32>
      %get3A_765 = arith.constant 2 : i32
      %get3A_766 = arith.index_cast %get3A_765 : i32 to index
      %get3A_767 = arith.constant 48 : index
      %get3A_768 = tpu.vector_load %arg20[%get3A_766, %get3A_767] {strides = array<i32>} : memref<16x128xf32, #tpu.memory_space<vmem>>, vector<1x16xf32>,
      %get3A_769 = vector.shape_cast %get3A_768 : vector<1x16xf32> to vector<16xf32>
      %add3A_770 = arith.addf %add3A_764, %get3A_769 : vector<16xf32>
      %get3A_771 = arith.constant 3 : i32
      %get3A_772 = arith.index_cast %get3A_771 : i32 to index
      %get3A_773 = arith.constant 48 : index
      %get3A_774 = tpu.vector_load %arg20[%get3A_772, %get3A_773] {strides = array<i32>} : memref<16x128xf32, #tpu.memory_space<vmem>>, vector<1x16xf32>,
      %get3A_775 = vector.shape_cast %get3A_774 : vector<1x16xf32> to vector<16xf32>
      %add3A_776 = arith.addf %add3A_770, %get3A_775 : vector<16xf32>
      %swap3A_777 = arith.constant 0 : i32
      %swap3A_778 = arith.index_cast %swap3A_777 : i32 to index
      %swap3A_779 = arith.constant 48 : index
      %swap3A_780 = tpu.vector_load %arg21[%swap3A_778, %swap3A_779] {strides = array<i32>} : memref<16x128xf32, #tpu.memory_space<vmem>>, vector<1x16xf32>,
      %swap3A_781 = vector.shape_cast %swap3A_780 : vector<1x16xf32> to vector<16xf32>
      %swap3A_782 = vector.shape_cast %add3A_776 : vector<16xf32> to vector<1x16xf32>
      tpu.vector_store %arg21[%swap3A_778, %swap3A_779], %swap3A_782 {strides = array<i32>} : memref<16x128xf32, #tpu.memory_space<vmem>>, vector<1x16xf32>,
      %get3A_783 = arith.constant 0 : i32
      %get3A_784 = arith.index_cast %get3A_783 : i32 to index
      %get3A_785 = arith.constant 64 : index
      %get3A_786 = tpu.vector_load %arg20[%get3A_784, %get3A_785] {strides = array<i32>} : memref<16x128xf32, #tpu.memory_space<vmem>>, vector<1x16xf32>,
      %get3A_787 = vector.shape_cast %get3A_786 : vector<1x16xf32> to vector<16xf32>
      %get3A_788 = arith.constant 1 : i32
      %get3A_789 = arith.index_cast %get3A_788 : i32 to index
      %get3A_790 = arith.constant 64 : index
      %get3A_791 = tpu.vector_load %arg20[%get3A_789, %get3A_790] {strides = array<i32>} : memref<16x128xf32, #tpu.memory_space<vmem>>, vector<1x16xf32>,
      %get3A_792 = vector.shape_cast %get3A_791 : vector<1x16xf32> to vector<16xf32>
      %add3A_793 = arith.addf %get3A_787, %get3A_792 : vector<16xf32>
      %get3A_794 = arith.constant 2 : i32
      %get3A_795 = arith.index_cast %get3A_794 : i32 to index
      %get3A_796 = arith.constant 64 : index
      %get3A_797 = tpu.vector_load %arg20[%get3A_795, %get3A_796] {strides = array<i32>} : memref<16x128xf32, #tpu.memory_space<vmem>>, vector<1x16xf32>,
      %get3A_798 = vector.shape_cast %get3A_797 : vector<1x16xf32> to vector<16xf32>
      %add3A_799 = arith.addf %add3A_793, %get3A_798 : vector<16xf32>
      %get3A_800 = arith.constant 3 : i32
      %get3A_801 = arith.index_cast %get3A_800 : i32 to index
      %get3A_802 = arith.constant 64 : index
      %get3A_803 = tpu.vector_load %arg20[%get3A_801, %get3A_802] {strides = array<i32>} : memref<16x128xf32, #tpu.memory_space<vmem>>, vector<1x16xf32>,
      %get3A_804 = vector.shape_cast %get3A_803 : vector<1x16xf32> to vector<16xf32>
      %add3A_805 = arith.addf %add3A_799, %get3A_804 : vector<16xf32>
      %swap3A_806 = arith.constant 0 : i32
      %swap3A_807 = arith.index_cast %swap3A_806 : i32 to index
      %swap3A_808 = arith.constant 64 : index
      %swap3A_809 = tpu.vector_load %arg21[%swap3A_807, %swap3A_808] {strides = array<i32>} : memref<16x128xf32, #tpu.memory_space<vmem>>, vector<1x16xf32>,
      %swap3A_810 = vector.shape_cast %swap3A_809 : vector<1x16xf32> to vector<16xf32>
      %swap3A_811 = vector.shape_cast %add3A_805 : vector<16xf32> to vector<1x16xf32>
      tpu.vector_store %arg21[%swap3A_807, %swap3A_808], %swap3A_811 {strides = array<i32>} : memref<16x128xf32, #tpu.memory_space<vmem>>, vector<1x16xf32>,
      %get3A_812 = arith.constant 0 : i32
      %get3A_813 = arith.index_cast %get3A_812 : i32 to index
      %get3A_814 = arith.constant 80 : index
      %get3A_815 = tpu.vector_load %arg20[%get3A_813, %get3A_814] {strides = array<i32>} : memref<16x128xf32, #tpu.memory_space<vmem>>, vector<1x16xf32>,
      %get3A_816 = vector.shape_cast %get3A_815 : vector<1x16xf32> to vector<16xf32>
      %get3A_817 = arith.constant 1 : i32
      %get3A_818 = arith.index_cast %get3A_817 : i32 to index
      %get3A_819 = arith.constant 80 : index
      %get3A_820 = tpu.vector_load %arg20[%get3A_818, %get3A_819] {strides = array<i32>} : memref<16x128xf32, #tpu.memory_space<vmem>>, vector<1x16xf32>,
      %get3A_821 = vector.shape_cast %get3A_820 : vector<1x16xf32> to vector<16xf32>
      %add3A_822 = arith.addf %get3A_816, %get3A_821 : vector<16xf32>
      %get3A_823 = arith.constant 2 : i32
      %get3A_824 = arith.index_cast %get3A_823 : i32 to index
      %get3A_825 = arith.constant 80 : index
      %get3A_826 = tpu.vector_load %arg20[%get3A_824, %get3A_825] {strides = array<i32>} : memref<16x128xf32, #tpu.memory_space<vmem>>, vector<1x16xf32>,
      %get3A_827 = vector.shape_cast %get3A_826 : vector<1x16xf32> to vector<16xf32>
      %add3A_828 = arith.addf %add3A_822, %get3A_827 : vector<16xf32>
      %get3A_829 = arith.constant 3 : i32
      %get3A_830 = arith.index_cast %get3A_829 : i32 to index
      %get3A_831 = arith.constant 80 : index
      %get3A_832 = tpu.vector_load %arg20[%get3A_830, %get3A_831] {strides = array<i32>} : memref<16x128xf32, #tpu.memory_space<vmem>>, vector<1x16xf32>,
      %get3A_833 = vector.shape_cast %get3A_832 : vector<1x16xf32> to vector<16xf32>
      %add3A_834 = arith.addf %add3A_828, %get3A_833 : vector<16xf32>
      %swap3A_835 = arith.constant 0 : i32
      %swap3A_836 = arith.index_cast %swap3A_835 : i32 to index
      %swap3A_837 = arith.constant 80 : index
      %swap3A_838 = tpu.vector_load %arg21[%swap3A_836, %swap3A_837] {strides = array<i32>} : memref<16x128xf32, #tpu.memory_space<vmem>>, vector<1x16xf32>,
      %swap3A_839 = vector.shape_cast %swap3A_838 : vector<1x16xf32> to vector<16xf32>
      %swap3A_840 = vector.shape_cast %add3A_834 : vector<16xf32> to vector<1x16xf32>
      tpu.vector_store %arg21[%swap3A_836, %swap3A_837], %swap3A_840 {strides = array<i32>} : memref<16x128xf32, #tpu.memory_space<vmem>>, vector<1x16xf32>,
      %get3A_841 = arith.constant 0 : i32
      %get3A_842 = arith.index_cast %get3A_841 : i32 to index
      %get3A_843 = arith.constant 96 : index
      %get3A_844 = tpu.vector_load %arg20[%get3A_842, %get3A_843] {strides = array<i32>} : memref<16x128xf32, #tpu.memory_space<vmem>>, vector<1x16xf32>,
      %get3A_845 = vector.shape_cast %get3A_844 : vector<1x16xf32> to vector<16xf32>
      %get3A_846 = arith.constant 1 : i32
      %get3A_847 = arith.index_cast %get3A_846 : i32 to index
      %get3A_848 = arith.constant 96 : index
      %get3A_849 = tpu.vector_load %arg20[%get3A_847, %get3A_848] {strides = array<i32>} : memref<16x128xf32, #tpu.memory_space<vmem>>, vector<1x16xf32>,
      %get3A_850 = vector.shape_cast %get3A_849 : vector<1x16xf32> to vector<16xf32>
      %add3A_851 = arith.addf %get3A_845, %get3A_850 : vector<16xf32>
      %get3A_852 = arith.constant 2 : i32
      %get3A_853 = arith.index_cast %get3A_852 : i32 to index
      %get3A_854 = arith.constant 96 : index
      %get3A_855 = tpu.vector_load %arg20[%get3A_853, %get3A_854] {strides = array<i32>} : memref<16x128xf32, #tpu.memory_space<vmem>>, vector<1x16xf32>,
      %get3A_856 = vector.shape_cast %get3A_855 : vector<1x16xf32> to vector<16xf32>
      %add3A_857 = arith.addf %add3A_851, %get3A_856 : vector<16xf32>
      %get3A_858 = arith.constant 3 : i32
      %get3A_859 = arith.index_cast %get3A_858 : i32 to index
      %get3A_860 = arith.constant 96 : index
      %get3A_861 = tpu.vector_load %arg20[%get3A_859, %get3A_860] {strides = array<i32>} : memref<16x128xf32, #tpu.memory_space<vmem>>, vector<1x16xf32>,
      %get3A_862 = vector.shape_cast %get3A_861 : vector<1x16xf32> to vector<16xf32>
      %add3A_863 = arith.addf %add3A_857, %get3A_862 : vector<16xf32>
      %swap3A_864 = arith.constant 0 : i32
      %swap3A_865 = arith.index_cast %swap3A_864 : i32 to index
      %swap3A_866 = arith.constant 96 : index
      %swap3A_867 = tpu.vector_load %arg21[%swap3A_865, %swap3A_866] {strides = array<i32>} : memref<16x128xf32, #tpu.memory_space<vmem>>, vector<1x16xf32>,
      %swap3A_868 = vector.shape_cast %swap3A_867 : vector<1x16xf32> to vector<16xf32>
      %swap3A_869 = vector.shape_cast %add3A_863 : vector<16xf32> to vector<1x16xf32>
      tpu.vector_store %arg21[%swap3A_865, %swap3A_866], %swap3A_869 {strides = array<i32>} : memref<16x128xf32, #tpu.memory_space<vmem>>, vector<1x16xf32>,
      %get3A_870 = arith.constant 0 : i32
      %get3A_871 = arith.index_cast %get3A_870 : i32 to index
      %get3A_872 = arith.constant 112 : index
      %get3A_873 = tpu.vector_load %arg20[%get3A_871, %get3A_872] {strides = array<i32>} : memref<16x128xf32, #tpu.memory_space<vmem>>, vector<1x16xf32>,
      %get3A_874 = vector.shape_cast %get3A_873 : vector<1x16xf32> to vector<16xf32>
      %get3A_875 = arith.constant 1 : i32
      %get3A_876 = arith.index_cast %get3A_875 : i32 to index
      %get3A_877 = arith.constant 112 : index
      %get3A_878 = tpu.vector_load %arg20[%get3A_876, %get3A_877] {strides = array<i32>} : memref<16x128xf32, #tpu.memory_space<vmem>>, vector<1x16xf32>,
      %get3A_879 = vector.shape_cast %get3A_878 : vector<1x16xf32> to vector<16xf32>
      %add3A_880 = arith.addf %get3A_874, %get3A_879 : vector<16xf32>
      %get3A_881 = arith.constant 2 : i32
      %get3A_882 = arith.index_cast %get3A_881 : i32 to index
      %get3A_883 = arith.constant 112 : index
      %get3A_884 = tpu.vector_load %arg20[%get3A_882, %get3A_883] {strides = array<i32>} : memref<16x128xf32, #tpu.memory_space<vmem>>, vector<1x16xf32>,
      %get3A_885 = vector.shape_cast %get3A_884 : vector<1x16xf32> to vector<16xf32>
      %add3A_886 = arith.addf %add3A_880, %get3A_885 : vector<16xf32>
      %get3A_887 = arith.constant 3 : i32
      %get3A_888 = arith.index_cast %get3A_887 : i32 to index
      %get3A_889 = arith.constant 112 : index
      %get3A_890 = tpu.vector_load %arg20[%get3A_888, %get3A_889] {strides = array<i32>} : memref<16x128xf32, #tpu.memory_space<vmem>>, vector<1x16xf32>,
      %get3A_891 = vector.shape_cast %get3A_890 : vector<1x16xf32> to vector<16xf32>
      %add3A_892 = arith.addf %add3A_886, %get3A_891 : vector<16xf32>
      %swap3A_893 = arith.constant 0 : i32
      %swap3A_894 = arith.index_cast %swap3A_893 : i32 to index
      %swap3A_895 = arith.constant 112 : index
      %swap3A_896 = tpu.vector_load %arg21[%swap3A_894, %swap3A_895] {strides = array<i32>} : memref<16x128xf32, #tpu.memory_space<vmem>>, vector<1x16xf32>,
      %swap3A_897 = vector.shape_cast %swap3A_896 : vector<1x16xf32> to vector<16xf32>
      %swap3A_898 = vector.shape_cast %add3A_892 : vector<16xf32> to vector<1x16xf32>
      tpu.vector_store %arg21[%swap3A_894, %swap3A_895], %swap3A_898 {strides = array<i32>} : memref<16x128xf32, #tpu.memory_space<vmem>>, vector<1x16xf32>,
      %get3A_899 = arith.constant 4 : i32
      %get3A_900 = arith.index_cast %get3A_899 : i32 to index
      %get3A_901 = arith.constant 0 : index
      %get3A_902 = tpu.vector_load %arg20[%get3A_900, %get3A_901] {strides = array<i32>} : memref<16x128xf32, #tpu.memory_space<vmem>>, vector<1x16xf32>,
      %get3A_903 = vector.shape_cast %get3A_902 : vector<1x16xf32> to vector<16xf32>
      %get3A_904 = arith.constant 5 : i32
      %get3A_905 = arith.index_cast %get3A_904 : i32 to index
      %get3A_906 = arith.constant 0 : index
      %get3A_907 = tpu.vector_load %arg20[%get3A_905, %get3A_906] {strides = array<i32>} : memref<16x128xf32, #tpu.memory_space<vmem>>, vector<1x16xf32>,
      %get3A_908 = vector.shape_cast %get3A_907 : vector<1x16xf32> to vector<16xf32>
      %add3A_909 = arith.addf %get3A_903, %get3A_908 : vector<16xf32>
      %get3A_910 = arith.constant 6 : i32
      %get3A_911 = arith.index_cast %get3A_910 : i32 to index
      %get3A_912 = arith.constant 0 : index
      %get3A_913 = tpu.vector_load %arg20[%get3A_911, %get3A_912] {strides = array<i32>} : memref<16x128xf32, #tpu.memory_space<vmem>>, vector<1x16xf32>,
      %get3A_914 = vector.shape_cast %get3A_913 : vector<1x16xf32> to vector<16xf32>
      %add3A_915 = arith.addf %add3A_909, %get3A_914 : vector<16xf32>
      %get3A_916 = arith.constant 7 : i32
      %get3A_917 = arith.index_cast %get3A_916 : i32 to index
      %get3A_918 = arith.constant 0 : index
      %get3A_919 = tpu.vector_load %arg20[%get3A_917, %get3A_918] {strides = array<i32>} : memref<16x128xf32, #tpu.memory_space<vmem>>, vector<1x16xf32>,
      %get3A_920 = vector.shape_cast %get3A_919 : vector<1x16xf32> to vector<16xf32>
      %add3A_921 = arith.addf %add3A_915, %get3A_920 : vector<16xf32>
      %swap3A_922 = arith.constant 1 : i32
      %swap3A_923 = arith.index_cast %swap3A_922 : i32 to index
      %swap3A_924 = arith.constant 0 : index
      %swap3A_925 = tpu.vector_load %arg21[%swap3A_923, %swap3A_924] {strides = array<i32>} : memref<16x128xf32, #tpu.memory_space<vmem>>, vector<1x16xf32>,
      %swap3A_926 = vector.shape_cast %swap3A_925 : vector<1x16xf32> to vector<16xf32>
      %swap3A_927 = vector.shape_cast %add3A_921 : vector<16xf32> to vector<1x16xf32>
      tpu.vector_store %arg21[%swap3A_923, %swap3A_924], %swap3A_927 {strides = array<i32>} : memref<16x128xf32, #tpu.memory_space<vmem>>, vector<1x16xf32>,
      %get3A_928 = arith.constant 4 : i32
      %get3A_929 = arith.index_cast %get3A_928 : i32 to index
      %get3A_930 = arith.constant 16 : index
      %get3A_931 = tpu.vector_load %arg20[%get3A_929, %get3A_930] {strides = array<i32>} : memref<16x128xf32, #tpu.memory_space<vmem>>, vector<1x16xf32>,
      %get3A_932 = vector.shape_cast %get3A_931 : vector<1x16xf32> to vector<16xf32>
      %get3A_933 = arith.constant 5 : i32
      %get3A_934 = arith.index_cast %get3A_933 : i32 to index
      %get3A_935 = arith.constant 16 : index
      %get3A_936 = tpu.vector_load %arg20[%get3A_934, %get3A_935] {strides = array<i32>} : memref<16x128xf32, #tpu.memory_space<vmem>>, vector<1x16xf32>,
      %get3A_937 = vector.shape_cast %get3A_936 : vector<1x16xf32> to vector<16xf32>
      %add3A_938 = arith.addf %get3A_932, %get3A_937 : vector<16xf32>
      %get3A_939 = arith.constant 6 : i32
      %get3A_940 = arith.index_cast %get3A_939 : i32 to index
      %get3A_941 = arith.constant 16 : index
      %get3A_942 = tpu.vector_load %arg20[%get3A_940, %get3A_941] {strides = array<i32>} : memref<16x128xf32, #tpu.memory_space<vmem>>, vector<1x16xf32>,
      %get3A_943 = vector.shape_cast %get3A_942 : vector<1x16xf32> to vector<16xf32>
      %add3A_944 = arith.addf %add3A_938, %get3A_943 : vector<16xf32>
      %get3A_945 = arith.constant 7 : i32
      %get3A_946 = arith.index_cast %get3A_945 : i32 to index
      %get3A_947 = arith.constant 16 : index
      %get3A_948 = tpu.vector_load %arg20[%get3A_946, %get3A_947] {strides = array<i32>} : memref<16x128xf32, #tpu.memory_space<vmem>>, vector<1x16xf32>,
      %get3A_949 = vector.shape_cast %get3A_948 : vector<1x16xf32> to vector<16xf32>
      %add3A_950 = arith.addf %add3A_944, %get3A_949 : vector<16xf32>
      %swap3A_951 = arith.constant 1 : i32
      %swap3A_952 = arith.index_cast %swap3A_951 : i32 to index
      %swap3A_953 = arith.constant 16 : index
      %swap3A_954 = tpu.vector_load %arg21[%swap3A_952, %swap3A_953] {strides = array<i32>} : memref<16x128xf32, #tpu.memory_space<vmem>>, vector<1x16xf32>,
      %swap3A_955 = vector.shape_cast %swap3A_954 : vector<1x16xf32> to vector<16xf32>
      %swap3A_956 = vector.shape_cast %add3A_950 : vector<16xf32> to vector<1x16xf32>
      tpu.vector_store %arg21[%swap3A_952, %swap3A_953], %swap3A_956 {strides = array<i32>} : memref<16x128xf32, #tpu.memory_space<vmem>>, vector<1x16xf32>,
      %get3A_957 = arith.constant 4 : i32
      %get3A_958 = arith.index_cast %get3A_957 : i32 to index
      %get3A_959 = arith.constant 32 : index
      %get3A_960 = tpu.vector_load %arg20[%get3A_958, %get3A_959] {strides = array<i32>} : memref<16x128xf32, #tpu.memory_space<vmem>>, vector<1x16xf32>,
      %get3A_961 = vector.shape_cast %get3A_960 : vector<1x16xf32> to vector<16xf32>
      %get3A_962 = arith.constant 5 : i32
      %get3A_963 = arith.index_cast %get3A_962 : i32 to index
      %get3A_964 = arith.constant 32 : index
      %get3A_965 = tpu.vector_load %arg20[%get3A_963, %get3A_964] {strides = array<i32>} : memref<16x128xf32, #tpu.memory_space<vmem>>, vector<1x16xf32>,
      %get3A_966 = vector.shape_cast %get3A_965 : vector<1x16xf32> to vector<16xf32>
      %add3A_967 = arith.addf %get3A_961, %get3A_966 : vector<16xf32>
      %get3A_968 = arith.constant 6 : i32
      %get3A_969 = arith.index_cast %get3A_968 : i32 to index
      %get3A_970 = arith.constant 32 : index
      %get3A_971 = tpu.vector_load %arg20[%get3A_969, %get3A_970] {strides = array<i32>} : memref<16x128xf32, #tpu.memory_space<vmem>>, vector<1x16xf32>,
      %get3A_972 = vector.shape_cast %get3A_971 : vector<1x16xf32> to vector<16xf32>
      %add3A_973 = arith.addf %add3A_967, %get3A_972 : vector<16xf32>
      %get3A_974 = arith.constant 7 : i32
      %get3A_975 = arith.index_cast %get3A_974 : i32 to index
      %get3A_976 = arith.constant 32 : index
      %get3A_977 = tpu.vector_load %arg20[%get3A_975, %get3A_976] {strides = array<i32>} : memref<16x128xf32, #tpu.memory_space<vmem>>, vector<1x16xf32>,
      %get3A_978 = vector.shape_cast %get3A_977 : vector<1x16xf32> to vector<16xf32>
      %add3A_979 = arith.addf %add3A_973, %get3A_978 : vector<16xf32>
      %swap3A_980 = arith.constant 1 : i32
      %swap3A_981 = arith.index_cast %swap3A_980 : i32 to index
      %swap3A_982 = arith.constant 32 : index
      %swap3A_983 = tpu.vector_load %arg21[%swap3A_981, %swap3A_982] {strides = array<i32>} : memref<16x128xf32, #tpu.memory_space<vmem>>, vector<1x16xf32>,
      %swap3A_984 = vector.shape_cast %swap3A_983 : vector<1x16xf32> to vector<16xf32>
      %swap3A_985 = vector.shape_cast %add3A_979 : vector<16xf32> to vector<1x16xf32>
      tpu.vector_store %arg21[%swap3A_981, %swap3A_982], %swap3A_985 {strides = array<i32>} : memref<16x128xf32, #tpu.memory_space<vmem>>, vector<1x16xf32>,
      %get3A_986 = arith.constant 4 : i32
      %get3A_987 = arith.index_cast %get3A_986 : i32 to index
      %get3A_988 = arith.constant 48 : index
      %get3A_989 = tpu.vector_load %arg20[%get3A_987, %get3A_988] {strides = array<i32>} : memref<16x128xf32, #tpu.memory_space<vmem>>, vector<1x16xf32>,
      %get3A_990 = vector.shape_cast %get3A_989 : vector<1x16xf32> to vector<16xf32>
      %get3A_991 = arith.constant 5 : i32
      %get3A_992 = arith.index_cast %get3A_991 : i32 to index
      %get3A_993 = arith.constant 48 : index
      %get3A_994 = tpu.vector_load %arg20[%get3A_992, %get3A_993] {strides = array<i32>} : memref<16x128xf32, #tpu.memory_space<vmem>>, vector<1x16xf32>,
      %get3A_995 = vector.shape_cast %get3A_994 : vector<1x16xf32> to vector<16xf32>
      %add3A_996 = arith.addf %get3A_990, %get3A_995 : vector<16xf32>
      %get3A_997 = arith.constant 6 : i32
      %get3A_998 = arith.index_cast %get3A_997 : i32 to index
      %get3A_999 = arith.constant 48 : index
      %get3A_1000 = tpu.vector_load %arg20[%get3A_998, %get3A_999] {strides = array<i32>} : memref<16x128xf32, #tpu.memory_space<vmem>>, vector<1x16xf32>,
      %get3A_1001 = vector.shape_cast %get3A_1000 : vector<1x16xf32> to vector<16xf32>
      %add3A_1002 = arith.addf %add3A_996, %get3A_1001 : vector<16xf32>
      %get3A_1003 = arith.constant 7 : i32
      %get3A_1004 = arith.index_cast %get3A_1003 : i32 to index
      %get3A_1005 = arith.constant 48 : index
      %get3A_1006 = tpu.vector_load %arg20[%get3A_1004, %get3A_1005] {strides = array<i32>} : memref<16x128xf32, #tpu.memory_space<vmem>>, vector<1x16xf32>,
      %get3A_1007 = vector.shape_cast %get3A_1006 : vector<1x16xf32> to vector<16xf32>
      %add3A_1008 = arith.addf %add3A_1002, %get3A_1007 : vector<16xf32>
      %swap3A_1009 = arith.constant 1 : i32
      %swap3A_1010 = arith.index_cast %swap3A_1009 : i32 to index
      %swap3A_1011 = arith.constant 48 : index
      %swap3A_1012 = tpu.vector_load %arg21[%swap3A_1010, %swap3A_1011] {strides = array<i32>} : memref<16x128xf32, #tpu.memory_space<vmem>>, vector<1x16xf32>,
      %swap3A_1013 = vector.shape_cast %swap3A_1012 : vector<1x16xf32> to vector<16xf32>
      %swap3A_1014 = vector.shape_cast %add3A_1008 : vector<16xf32> to vector<1x16xf32>
      tpu.vector_store %arg21[%swap3A_1010, %swap3A_1011], %swap3A_1014 {strides = array<i32>} : memref<16x128xf32, #tpu.memory_space<vmem>>, vector<1x16xf32>,
      %get3A_1015 = arith.constant 4 : i32
      %get3A_1016 = arith.index_cast %get3A_1015 : i32 to index
      %get3A_1017 = arith.constant 64 : index
      %get3A_1018 = tpu.vector_load %arg20[%get3A_1016, %get3A_1017] {strides = array<i32>} : memref<16x128xf32, #tpu.memory_space<vmem>>, vector<1x16xf32>,
      %get3A_1019 = vector.shape_cast %get3A_1018 : vector<1x16xf32> to vector<16xf32>
      %get3A_1020 = arith.constant 5 : i32
      %get3A_1021 = arith.index_cast %get3A_1020 : i32 to index
      %get3A_1022 = arith.constant 64 : index
      %get3A_1023 = tpu.vector_load %arg20[%get3A_1021, %get3A_1022] {strides = array<i32>} : memref<16x128xf32, #tpu.memory_space<vmem>>, vector<1x16xf32>,
      %get3A_1024 = vector.shape_cast %get3A_1023 : vector<1x16xf32> to vector<16xf32>
      %add3A_1025 = arith.addf %get3A_1019, %get3A_1024 : vector<16xf32>
      %get3A_1026 = arith.constant 6 : i32
      %get3A_1027 = arith.index_cast %get3A_1026 : i32 to index
      %get3A_1028 = arith.constant 64 : index
      %get3A_1029 = tpu.vector_load %arg20[%get3A_1027, %get3A_1028] {strides = array<i32>} : memref<16x128xf32, #tpu.memory_space<vmem>>, vector<1x16xf32>,
      %get3A_1030 = vector.shape_cast %get3A_1029 : vector<1x16xf32> to vector<16xf32>
      %add3A_1031 = arith.addf %add3A_1025, %get3A_1030 : vector<16xf32>
      %get3A_1032 = arith.constant 7 : i32
      %get3A_1033 = arith.index_cast %get3A_1032 : i32 to index
      %get3A_1034 = arith.constant 64 : index
      %get3A_1035 = tpu.vector_load %arg20[%get3A_1033, %get3A_1034] {strides = array<i32>} : memref<16x128xf32, #tpu.memory_space<vmem>>, vector<1x16xf32>,
      %get3A_1036 = vector.shape_cast %get3A_1035 : vector<1x16xf32> to vector<16xf32>
      %add3A_1037 = arith.addf %add3A_1031, %get3A_1036 : vector<16xf32>
      %swap3A_1038 = arith.constant 1 : i32
      %swap3A_1039 = arith.index_cast %swap3A_1038 : i32 to index
      %swap3A_1040 = arith.constant 64 : index
      %swap3A_1041 = tpu.vector_load %arg21[%swap3A_1039, %swap3A_1040] {strides = array<i32>} : memref<16x128xf32, #tpu.memory_space<vmem>>, vector<1x16xf32>,
      %swap3A_1042 = vector.shape_cast %swap3A_1041 : vector<1x16xf32> to vector<16xf32>
      %swap3A_1043 = vector.shape_cast %add3A_1037 : vector<16xf32> to vector<1x16xf32>
      tpu.vector_store %arg21[%swap3A_1039, %swap3A_1040], %swap3A_1043 {strides = array<i32>} : memref<16x128xf32, #tpu.memory_space<vmem>>, vector<1x16xf32>,
      %get3A_1044 = arith.constant 4 : i32
      %get3A_1045 = arith.index_cast %get3A_1044 : i32 to index
      %get3A_1046 = arith.constant 80 : index
      %get3A_1047 = tpu.vector_load %arg20[%get3A_1045, %get3A_1046] {strides = array<i32>} : memref<16x128xf32, #tpu.memory_space<vmem>>, vector<1x16xf32>,
      %get3A_1048 = vector.shape_cast %get3A_1047 : vector<1x16xf32> to vector<16xf32>
      %get3A_1049 = arith.constant 5 : i32
      %get3A_1050 = arith.index_cast %get3A_1049 : i32 to index
      %get3A_1051 = arith.constant 80 : index
      %get3A_1052 = tpu.vector_load %arg20[%get3A_1050, %get3A_1051] {strides = array<i32>} : memref<16x128xf32, #tpu.memory_space<vmem>>, vector<1x16xf32>,
      %get3A_1053 = vector.shape_cast %get3A_1052 : vector<1x16xf32> to vector<16xf32>
      %add3A_1054 = arith.addf %get3A_1048, %get3A_1053 : vector<16xf32>
      %get3A_1055 = arith.constant 6 : i32
      %get3A_1056 = arith.index_cast %get3A_1055 : i32 to index
      %get3A_1057 = arith.constant 80 : index
      %get3A_1058 = tpu.vector_load %arg20[%get3A_1056, %get3A_1057] {strides = array<i32>} : memref<16x128xf32, #tpu.memory_space<vmem>>, vector<1x16xf32>,
      %get3A_1059 = vector.shape_cast %get3A_1058 : vector<1x16xf32> to vector<16xf32>
      %add3A_1060 = arith.addf %add3A_1054, %get3A_1059 : vector<16xf32>
      %get3A_1061 = arith.constant 7 : i32
      %get3A_1062 = arith.index_cast %get3A_1061 : i32 to index
      %get3A_1063 = arith.constant 80 : index
      %get3A_1064 = tpu.vector_load %arg20[%get3A_1062, %get3A_1063] {strides = array<i32>} : memref<16x128xf32, #tpu.memory_space<vmem>>, vector<1x16xf32>,
      %get3A_1065 = vector.shape_cast %get3A_1064 : vector<1x16xf32> to vector<16xf32>
      %add3A_1066 = arith.addf %add3A_1060, %get3A_1065 : vector<16xf32>
      %swap3A_1067 = arith.constant 1 : i32
      %swap3A_1068 = arith.index_cast %swap3A_1067 : i32 to index
      %swap3A_1069 = arith.constant 80 : index
      %swap3A_1070 = tpu.vector_load %arg21[%swap3A_1068, %swap3A_1069] {strides = array<i32>} : memref<16x128xf32, #tpu.memory_space<vmem>>, vector<1x16xf32>,
      %swap3A_1071 = vector.shape_cast %swap3A_1070 : vector<1x16xf32> to vector<16xf32>
      %swap3A_1072 = vector.shape_cast %add3A_1066 : vector<16xf32> to vector<1x16xf32>
      tpu.vector_store %arg21[%swap3A_1068, %swap3A_1069], %swap3A_1072 {strides = array<i32>} : memref<16x128xf32, #tpu.memory_space<vmem>>, vector<1x16xf32>,
      %get3A_1073 = arith.constant 4 : i32
      %get3A_1074 = arith.index_cast %get3A_1073 : i32 to index
      %get3A_1075 = arith.constant 96 : index
      %get3A_1076 = tpu.vector_load %arg20[%get3A_1074, %get3A_1075] {strides = array<i32>} : memref<16x128xf32, #tpu.memory_space<vmem>>, vector<1x16xf32>,
      %get3A_1077 = vector.shape_cast %get3A_1076 : vector<1x16xf32> to vector<16xf32>
      %get3A_1078 = arith.constant 5 : i32
      %get3A_1079 = arith.index_cast %get3A_1078 : i32 to index
      %get3A_1080 = arith.constant 96 : index
      %get3A_1081 = tpu.vector_load %arg20[%get3A_1079, %get3A_1080] {strides = array<i32>} : memref<16x128xf32, #tpu.memory_space<vmem>>, vector<1x16xf32>,
      %get3A_1082 = vector.shape_cast %get3A_1081 : vector<1x16xf32> to vector<16xf32>
      %add3A_1083 = arith.addf %get3A_1077, %get3A_1082 : vector<16xf32>
      %get3A_1084 = arith.constant 6 : i32
      %get3A_1085 = arith.index_cast %get3A_1084 : i32 to index
      %get3A_1086 = arith.constant 96 : index
      %get3A_1087 = tpu.vector_load %arg20[%get3A_1085, %get3A_1086] {strides = array<i32>} : memref<16x128xf32, #tpu.memory_space<vmem>>, vector<1x16xf32>,
      %get3A_1088 = vector.shape_cast %get3A_1087 : vector<1x16xf32> to vector<16xf32>
      %add3A_1089 = arith.addf %add3A_1083, %get3A_1088 : vector<16xf32>
      %get3A_1090 = arith.constant 7 : i32
      %get3A_1091 = arith.index_cast %get3A_1090 : i32 to index
      %get3A_1092 = arith.constant 96 : index
      %get3A_1093 = tpu.vector_load %arg20[%get3A_1091, %get3A_1092] {strides = array<i32>} : memref<16x128xf32, #tpu.memory_space<vmem>>, vector<1x16xf32>,
      %get3A_1094 = vector.shape_cast %get3A_1093 : vector<1x16xf32> to vector<16xf32>
      %add3A_1095 = arith.addf %add3A_1089, %get3A_1094 : vector<16xf32>
      %swap3A_1096 = arith.constant 1 : i32
      %swap3A_1097 = arith.index_cast %swap3A_1096 : i32 to index
      %swap3A_1098 = arith.constant 96 : index
      %swap3A_1099 = tpu.vector_load %arg21[%swap3A_1097, %swap3A_1098] {strides = array<i32>} : memref<16x128xf32, #tpu.memory_space<vmem>>, vector<1x16xf32>,
      %swap3A_1100 = vector.shape_cast %swap3A_1099 : vector<1x16xf32> to vector<16xf32>
      %swap3A_1101 = vector.shape_cast %add3A_1095 : vector<16xf32> to vector<1x16xf32>
      tpu.vector_store %arg21[%swap3A_1097, %swap3A_1098], %swap3A_1101 {strides = array<i32>} : memref<16x128xf32, #tpu.memory_space<vmem>>, vector<1x16xf32>,
      %get3A_1102 = arith.constant 4 : i32
      %get3A_1103 = arith.index_cast %get3A_1102 : i32 to index
      %get3A_1104 = arith.constant 112 : index
      %get3A_1105 = tpu.vector_load %arg20[%get3A_1103, %get3A_1104] {strides = array<i32>} : memref<16x128xf32, #tpu.memory_space<vmem>>, vector<1x16xf32>,
      %get3A_1106 = vector.shape_cast %get3A_1105 : vector<1x16xf32> to vector<16xf32>
      %get3A_1107 = arith.constant 5 : i32
      %get3A_1108 = arith.index_cast %get3A_1107 : i32 to index
      %get3A_1109 = arith.constant 112 : index
      %get3A_1110 = tpu.vector_load %arg20[%get3A_1108, %get3A_1109] {strides = array<i32>} : memref<16x128xf32, #tpu.memory_space<vmem>>, vector<1x16xf32>,
      %get3A_1111 = vector.shape_cast %get3A_1110 : vector<1x16xf32> to vector<16xf32>
      %add3A_1112 = arith.addf %get3A_1106, %get3A_1111 : vector<16xf32>
      %get3A_1113 = arith.constant 6 : i32
      %get3A_1114 = arith.index_cast %get3A_1113 : i32 to index
      %get3A_1115 = arith.constant 112 : index
      %get3A_1116 = tpu.vector_load %arg20[%get3A_1114, %get3A_1115] {strides = array<i32>} : memref<16x128xf32, #tpu.memory_space<vmem>>, vector<1x16xf32>,
      %get3A_1117 = vector.shape_cast %get3A_1116 : vector<1x16xf32> to vector<16xf32>
      %add3A_1118 = arith.addf %add3A_1112, %get3A_1117 : vector<16xf32>
      %get3A_1119 = arith.constant 7 : i32
      %get3A_1120 = arith.index_cast %get3A_1119 : i32 to index
      %get3A_1121 = arith.constant 112 : index
      %get3A_1122 = tpu.vector_load %arg20[%get3A_1120, %get3A_1121] {strides = array<i32>} : memref<16x128xf32, #tpu.memory_space<vmem>>, vector<1x16xf32>,
      %get3A_1123 = vector.shape_cast %get3A_1122 : vector<1x16xf32> to vector<16xf32>
      %add3A_1124 = arith.addf %add3A_1118, %get3A_1123 : vector<16xf32>
      %swap3A_1125 = arith.constant 1 : i32
      %swap3A_1126 = arith.index_cast %swap3A_1125 : i32 to index
      %swap3A_1127 = arith.constant 112 : index
      %swap3A_1128 = tpu.vector_load %arg21[%swap3A_1126, %swap3A_1127] {strides = array<i32>} : memref<16x128xf32, #tpu.memory_space<vmem>>, vector<1x16xf32>,
      %swap3A_1129 = vector.shape_cast %swap3A_1128 : vector<1x16xf32> to vector<16xf32>
      %swap3A_1130 = vector.shape_cast %add3A_1124 : vector<16xf32> to vector<1x16xf32>
      tpu.vector_store %arg21[%swap3A_1126, %swap3A_1127], %swap3A_1130 {strides = array<i32>} : memref<16x128xf32, #tpu.memory_space<vmem>>, vector<1x16xf32>,
      %get3A_1131 = arith.constant 8 : i32
      %get3A_1132 = arith.index_cast %get3A_1131 : i32 to index
      %get3A_1133 = arith.constant 0 : index
      %get3A_1134 = tpu.vector_load %arg20[%get3A_1132, %get3A_1133] {strides = array<i32>} : memref<16x128xf32, #tpu.memory_space<vmem>>, vector<1x16xf32>,
      %get3A_1135 = vector.shape_cast %get3A_1134 : vector<1x16xf32> to vector<16xf32>
      %get3A_1136 = arith.constant 9 : i32
      %get3A_1137 = arith.index_cast %get3A_1136 : i32 to index
      %get3A_1138 = arith.constant 0 : index
      %get3A_1139 = tpu.vector_load %arg20[%get3A_1137, %get3A_1138] {strides = array<i32>} : memref<16x128xf32, #tpu.memory_space<vmem>>, vector<1x16xf32>,
      %get3A_1140 = vector.shape_cast %get3A_1139 : vector<1x16xf32> to vector<16xf32>
      %add3A_1141 = arith.addf %get3A_1135, %get3A_1140 : vector<16xf32>
      %get3A_1142 = arith.constant 10 : i32
      %get3A_1143 = arith.index_cast %get3A_1142 : i32 to index
      %get3A_1144 = arith.constant 0 : index
      %get3A_1145 = tpu.vector_load %arg20[%get3A_1143, %get3A_1144] {strides = array<i32>} : memref<16x128xf32, #tpu.memory_space<vmem>>, vector<1x16xf32>,
      %get3A_1146 = vector.shape_cast %get3A_1145 : vector<1x16xf32> to vector<16xf32>
      %add3A_1147 = arith.addf %add3A_1141, %get3A_1146 : vector<16xf32>
      %get3A_1148 = arith.constant 11 : i32
      %get3A_1149 = arith.index_cast %get3A_1148 : i32 to index
      %get3A_1150 = arith.constant 0 : index
      %get3A_1151 = tpu.vector_load %arg20[%get3A_1149, %get3A_1150] {strides = array<i32>} : memref<16x128xf32, #tpu.memory_space<vmem>>, vector<1x16xf32>,
      %get3A_1152 = vector.shape_cast %get3A_1151 : vector<1x16xf32> to vector<16xf32>
      %add3A_1153 = arith.addf %add3A_1147, %get3A_1152 : vector<16xf32>
      %swap3A_1154 = arith.constant 2 : i32
      %swap3A_1155 = arith.index_cast %swap3A_1154 : i32 to index
      %swap3A_1156 = arith.constant 0 : index
      %swap3A_1157 = tpu.vector_load %arg21[%swap3A_1155, %swap3A_1156] {strides = array<i32>} : memref<16x128xf32, #tpu.memory_space<vmem>>, vector<1x16xf32>,
      %swap3A_1158 = vector.shape_cast %swap3A_1157 : vector<1x16xf32> to vector<16xf32>
      %swap3A_1159 = vector.shape_cast %add3A_1153 : vector<16xf32> to vector<1x16xf32>
      tpu.vector_store %arg21[%swap3A_1155, %swap3A_1156], %swap3A_1159 {strides = array<i32>} : memref<16x128xf32, #tpu.memory_space<vmem>>, vector<1x16xf32>,
      %get3A_1160 = arith.constant 8 : i32
      %get3A_1161 = arith.index_cast %get3A_1160 : i32 to index
      %get3A_1162 = arith.constant 16 : index
      %get3A_1163 = tpu.vector_load %arg20[%get3A_1161, %get3A_1162] {strides = array<i32>} : memref<16x128xf32, #tpu.memory_space<vmem>>, vector<1x16xf32>,
      %get3A_1164 = vector.shape_cast %get3A_1163 : vector<1x16xf32> to vector<16xf32>
      %get3A_1165 = arith.constant 9 : i32
      %get3A_1166 = arith.index_cast %get3A_1165 : i32 to index
      %get3A_1167 = arith.constant 16 : index
      %get3A_1168 = tpu.vector_load %arg20[%get3A_1166, %get3A_1167] {strides = array<i32>} : memref<16x128xf32, #tpu.memory_space<vmem>>, vector<1x16xf32>,
      %get3A_1169 = vector.shape_cast %get3A_1168 : vector<1x16xf32> to vector<16xf32>
      %add3A_1170 = arith.addf %get3A_1164, %get3A_1169 : vector<16xf32>
      %get3A_1171 = arith.constant 10 : i32
      %get3A_1172 = arith.index_cast %get3A_1171 : i32 to index
      %get3A_1173 = arith.constant 16 : index
      %get3A_1174 = tpu.vector_load %arg20[%get3A_1172, %get3A_1173] {strides = array<i32>} : memref<16x128xf32, #tpu.memory_space<vmem>>, vector<1x16xf32>,
      %get3A_1175 = vector.shape_cast %get3A_1174 : vector<1x16xf32> to vector<16xf32>
      %add3A_1176 = arith.addf %add3A_1170, %get3A_1175 : vector<16xf32>
      %get3A_1177 = arith.constant 11 : i32
      %get3A_1178 = arith.index_cast %get3A_1177 : i32 to index
      %get3A_1179 = arith.constant 16 : index
      %get3A_1180 = tpu.vector_load %arg20[%get3A_1178, %get3A_1179] {strides = array<i32>} : memref<16x128xf32, #tpu.memory_space<vmem>>, vector<1x16xf32>,
      %get3A_1181 = vector.shape_cast %get3A_1180 : vector<1x16xf32> to vector<16xf32>
      %add3A_1182 = arith.addf %add3A_1176, %get3A_1181 : vector<16xf32>
      %swap3A_1183 = arith.constant 2 : i32
      %swap3A_1184 = arith.index_cast %swap3A_1183 : i32 to index
      %swap3A_1185 = arith.constant 16 : index
      %swap3A_1186 = tpu.vector_load %arg21[%swap3A_1184, %swap3A_1185] {strides = array<i32>} : memref<16x128xf32, #tpu.memory_space<vmem>>, vector<1x16xf32>,
      %swap3A_1187 = vector.shape_cast %swap3A_1186 : vector<1x16xf32> to vector<16xf32>
      %swap3A_1188 = vector.shape_cast %add3A_1182 : vector<16xf32> to vector<1x16xf32>
      tpu.vector_store %arg21[%swap3A_1184, %swap3A_1185], %swap3A_1188 {strides = array<i32>} : memref<16x128xf32, #tpu.memory_space<vmem>>, vector<1x16xf32>,
      %get3A_1189 = arith.constant 8 : i32
      %get3A_1190 = arith.index_cast %get3A_1189 : i32 to index
      %get3A_1191 = arith.constant 32 : index
      %get3A_1192 = tpu.vector_load %arg20[%get3A_1190, %get3A_1191] {strides = array<i32>} : memref<16x128xf32, #tpu.memory_space<vmem>>, vector<1x16xf32>,
      %get3A_1193 = vector.shape_cast %get3A_1192 : vector<1x16xf32> to vector<16xf32>
      %get3A_1194 = arith.constant 9 : i32
      %get3A_1195 = arith.index_cast %get3A_1194 : i32 to index
      %get3A_1196 = arith.constant 32 : index
      %get3A_1197 = tpu.vector_load %arg20[%get3A_1195, %get3A_1196] {strides = array<i32>} : memref<16x128xf32, #tpu.memory_space<vmem>>, vector<1x16xf32>,
      %get3A_1198 = vector.shape_cast %get3A_1197 : vector<1x16xf32> to vector<16xf32>
      %add3A_1199 = arith.addf %get3A_1193, %get3A_1198 : vector<16xf32>
      %get3A_1200 = arith.constant 10 : i32
      %get3A_1201 = arith.index_cast %get3A_1200 : i32 to index
      %get3A_1202 = arith.constant 32 : index
      %get3A_1203 = tpu.vector_load %arg20[%get3A_1201, %get3A_1202] {strides = array<i32>} : memref<16x128xf32, #tpu.memory_space<vmem>>, vector<1x16xf32>,
      %get3A_1204 = vector.shape_cast %get3A_1203 : vector<1x16xf32> to vector<16xf32>
      %add3A_1205 = arith.addf %add3A_1199, %get3A_1204 : vector<16xf32>
      %get3A_1206 = arith.constant 11 : i32
      %get3A_1207 = arith.index_cast %get3A_1206 : i32 to index
      %get3A_1208 = arith.constant 32 : index
      %get3A_1209 = tpu.vector_load %arg20[%get3A_1207, %get3A_1208] {strides = array<i32>} : memref<16x128xf32, #tpu.memory_space<vmem>>, vector<1x16xf32>,
      %get3A_1210 = vector.shape_cast %get3A_1209 : vector<1x16xf32> to vector<16xf32>
      %add3A_1211 = arith.addf %add3A_1205, %get3A_1210 : vector<16xf32>
      %swap3A_1212 = arith.constant 2 : i32
      %swap3A_1213 = arith.index_cast %swap3A_1212 : i32 to index
      %swap3A_1214 = arith.constant 32 : index
      %swap3A_1215 = tpu.vector_load %arg21[%swap3A_1213, %swap3A_1214] {strides = array<i32>} : memref<16x128xf32, #tpu.memory_space<vmem>>, vector<1x16xf32>,
      %swap3A_1216 = vector.shape_cast %swap3A_1215 : vector<1x16xf32> to vector<16xf32>
      %swap3A_1217 = vector.shape_cast %add3A_1211 : vector<16xf32> to vector<1x16xf32>
      tpu.vector_store %arg21[%swap3A_1213, %swap3A_1214], %swap3A_1217 {strides = array<i32>} : memref<16x128xf32, #tpu.memory_space<vmem>>, vector<1x16xf32>,
      %get3A_1218 = arith.constant 8 : i32
      %get3A_1219 = arith.index_cast %get3A_1218 : i32 to index
      %get3A_1220 = arith.constant 48 : index
      %get3A_1221 = tpu.vector_load %arg20[%get3A_1219, %get3A_1220] {strides = array<i32>} : memref<16x128xf32, #tpu.memory_space<vmem>>, vector<1x16xf32>,
      %get3A_1222 = vector.shape_cast %get3A_1221 : vector<1x16xf32> to vector<16xf32>
      %get3A_1223 = arith.constant 9 : i32
      %get3A_1224 = arith.index_cast %get3A_1223 : i32 to index
      %get3A_1225 = arith.constant 48 : index
      %get3A_1226 = tpu.vector_load %arg20[%get3A_1224, %get3A_1225] {strides = array<i32>} : memref<16x128xf32, #tpu.memory_space<vmem>>, vector<1x16xf32>,
      %get3A_1227 = vector.shape_cast %get3A_1226 : vector<1x16xf32> to vector<16xf32>
      %add3A_1228 = arith.addf %get3A_1222, %get3A_1227 : vector<16xf32>
      %get3A_1229 = arith.constant 10 : i32
      %get3A_1230 = arith.index_cast %get3A_1229 : i32 to index
      %get3A_1231 = arith.constant 48 : index
      %get3A_1232 = tpu.vector_load %arg20[%get3A_1230, %get3A_1231] {strides = array<i32>} : memref<16x128xf32, #tpu.memory_space<vmem>>, vector<1x16xf32>,
      %get3A_1233 = vector.shape_cast %get3A_1232 : vector<1x16xf32> to vector<16xf32>
      %add3A_1234 = arith.addf %add3A_1228, %get3A_1233 : vector<16xf32>
      %get3A_1235 = arith.constant 11 : i32
      %get3A_1236 = arith.index_cast %get3A_1235 : i32 to index
      %get3A_1237 = arith.constant 48 : index
      %get3A_1238 = tpu.vector_load %arg20[%get3A_1236, %get3A_1237] {strides = array<i32>} : memref<16x128xf32, #tpu.memory_space<vmem>>, vector<1x16xf32>,
      %get3A_1239 = vector.shape_cast %get3A_1238 : vector<1x16xf32> to vector<16xf32>
      %add3A_1240 = arith.addf %add3A_1234, %get3A_1239 : vector<16xf32>
      %swap3A_1241 = arith.constant 2 : i32
      %swap3A_1242 = arith.index_cast %swap3A_1241 : i32 to index
      %swap3A_1243 = arith.constant 48 : index
      %swap3A_1244 = tpu.vector_load %arg21[%swap3A_1242, %swap3A_1243] {strides = array<i32>} : memref<16x128xf32, #tpu.memory_space<vmem>>, vector<1x16xf32>,
      %swap3A_1245 = vector.shape_cast %swap3A_1244 : vector<1x16xf32> to vector<16xf32>
      %swap3A_1246 = vector.shape_cast %add3A_1240 : vector<16xf32> to vector<1x16xf32>
      tpu.vector_store %arg21[%swap3A_1242, %swap3A_1243], %swap3A_1246 {strides = array<i32>} : memref<16x128xf32, #tpu.memory_space<vmem>>, vector<1x16xf32>,
      %get3A_1247 = arith.constant 8 : i32
      %get3A_1248 = arith.index_cast %get3A_1247 : i32 to index
      %get3A_1249 = arith.constant 64 : index
      %get3A_1250 = tpu.vector_load %arg20[%get3A_1248, %get3A_1249] {strides = array<i32>} : memref<16x128xf32, #tpu.memory_space<vmem>>, vector<1x16xf32>,
      %get3A_1251 = vector.shape_cast %get3A_1250 : vector<1x16xf32> to vector<16xf32>
      %get3A_1252 = arith.constant 9 : i32
      %get3A_1253 = arith.index_cast %get3A_1252 : i32 to index
      %get3A_1254 = arith.constant 64 : index
      %get3A_1255 = tpu.vector_load %arg20[%get3A_1253, %get3A_1254] {strides = array<i32>} : memref<16x128xf32, #tpu.memory_space<vmem>>, vector<1x16xf32>,
      %get3A_1256 = vector.shape_cast %get3A_1255 : vector<1x16xf32> to vector<16xf32>
      %add3A_1257 = arith.addf %get3A_1251, %get3A_1256 : vector<16xf32>
      %get3A_1258 = arith.constant 10 : i32
      %get3A_1259 = arith.index_cast %get3A_1258 : i32 to index
      %get3A_1260 = arith.constant 64 : index
      %get3A_1261 = tpu.vector_load %arg20[%get3A_1259, %get3A_1260] {strides = array<i32>} : memref<16x128xf32, #tpu.memory_space<vmem>>, vector<1x16xf32>,
      %get3A_1262 = vector.shape_cast %get3A_1261 : vector<1x16xf32> to vector<16xf32>
      %add3A_1263 = arith.addf %add3A_1257, %get3A_1262 : vector<16xf32>
      %get3A_1264 = arith.constant 11 : i32
      %get3A_1265 = arith.index_cast %get3A_1264 : i32 to index
      %get3A_1266 = arith.constant 64 : index
      %get3A_1267 = tpu.vector_load %arg20[%get3A_1265, %get3A_1266] {strides = array<i32>} : memref<16x128xf32, #tpu.memory_space<vmem>>, vector<1x16xf32>,
      %get3A_1268 = vector.shape_cast %get3A_1267 : vector<1x16xf32> to vector<16xf32>
      %add3A_1269 = arith.addf %add3A_1263, %get3A_1268 : vector<16xf32>
      %swap3A_1270 = arith.constant 2 : i32
      %swap3A_1271 = arith.index_cast %swap3A_1270 : i32 to index
      %swap3A_1272 = arith.constant 64 : index
      %swap3A_1273 = tpu.vector_load %arg21[%swap3A_1271, %swap3A_1272] {strides = array<i32>} : memref<16x128xf32, #tpu.memory_space<vmem>>, vector<1x16xf32>,
      %swap3A_1274 = vector.shape_cast %swap3A_1273 : vector<1x16xf32> to vector<16xf32>
      %swap3A_1275 = vector.shape_cast %add3A_1269 : vector<16xf32> to vector<1x16xf32>
      tpu.vector_store %arg21[%swap3A_1271, %swap3A_1272], %swap3A_1275 {strides = array<i32>} : memref<16x128xf32, #tpu.memory_space<vmem>>, vector<1x16xf32>,
      %get3A_1276 = arith.constant 8 : i32
      %get3A_1277 = arith.index_cast %get3A_1276 : i32 to index
      %get3A_1278 = arith.constant 80 : index
      %get3A_1279 = tpu.vector_load %arg20[%get3A_1277, %get3A_1278] {strides = array<i32>} : memref<16x128xf32, #tpu.memory_space<vmem>>, vector<1x16xf32>,
      %get3A_1280 = vector.shape_cast %get3A_1279 : vector<1x16xf32> to vector<16xf32>
      %get3A_1281 = arith.constant 9 : i32
      %get3A_1282 = arith.index_cast %get3A_1281 : i32 to index
      %get3A_1283 = arith.constant 80 : index
      %get3A_1284 = tpu.vector_load %arg20[%get3A_1282, %get3A_1283] {strides = array<i32>} : memref<16x128xf32, #tpu.memory_space<vmem>>, vector<1x16xf32>,
      %get3A_1285 = vector.shape_cast %get3A_1284 : vector<1x16xf32> to vector<16xf32>
      %add3A_1286 = arith.addf %get3A_1280, %get3A_1285 : vector<16xf32>
      %get3A_1287 = arith.constant 10 : i32
      %get3A_1288 = arith.index_cast %get3A_1287 : i32 to index
      %get3A_1289 = arith.constant 80 : index
      %get3A_1290 = tpu.vector_load %arg20[%get3A_1288, %get3A_1289] {strides = array<i32>} : memref<16x128xf32, #tpu.memory_space<vmem>>, vector<1x16xf32>,
      %get3A_1291 = vector.shape_cast %get3A_1290 : vector<1x16xf32> to vector<16xf32>
      %add3A_1292 = arith.addf %add3A_1286, %get3A_1291 : vector<16xf32>
      %get3A_1293 = arith.constant 11 : i32
      %get3A_1294 = arith.index_cast %get3A_1293 : i32 to index
      %get3A_1295 = arith.constant 80 : index
      %get3A_1296 = tpu.vector_load %arg20[%get3A_1294, %get3A_1295] {strides = array<i32>} : memref<16x128xf32, #tpu.memory_space<vmem>>, vector<1x16xf32>,
      %get3A_1297 = vector.shape_cast %get3A_1296 : vector<1x16xf32> to vector<16xf32>
      %add3A_1298 = arith.addf %add3A_1292, %get3A_1297 : vector<16xf32>
      %swap3A_1299 = arith.constant 2 : i32
      %swap3A_1300 = arith.index_cast %swap3A_1299 : i32 to index
      %swap3A_1301 = arith.constant 80 : index
      %swap3A_1302 = tpu.vector_load %arg21[%swap3A_1300, %swap3A_1301] {strides = array<i32>} : memref<16x128xf32, #tpu.memory_space<vmem>>, vector<1x16xf32>,
      %swap3A_1303 = vector.shape_cast %swap3A_1302 : vector<1x16xf32> to vector<16xf32>
      %swap3A_1304 = vector.shape_cast %add3A_1298 : vector<16xf32> to vector<1x16xf32>
      tpu.vector_store %arg21[%swap3A_1300, %swap3A_1301], %swap3A_1304 {strides = array<i32>} : memref<16x128xf32, #tpu.memory_space<vmem>>, vector<1x16xf32>,
      %get3A_1305 = arith.constant 8 : i32
      %get3A_1306 = arith.index_cast %get3A_1305 : i32 to index
      %get3A_1307 = arith.constant 96 : index
      %get3A_1308 = tpu.vector_load %arg20[%get3A_1306, %get3A_1307] {strides = array<i32>} : memref<16x128xf32, #tpu.memory_space<vmem>>, vector<1x16xf32>,
      %get3A_1309 = vector.shape_cast %get3A_1308 : vector<1x16xf32> to vector<16xf32>
      %get3A_1310 = arith.constant 9 : i32
      %get3A_1311 = arith.index_cast %get3A_1310 : i32 to index
      %get3A_1312 = arith.constant 96 : index
      %get3A_1313 = tpu.vector_load %arg20[%get3A_1311, %get3A_1312] {strides = array<i32>} : memref<16x128xf32, #tpu.memory_space<vmem>>, vector<1x16xf32>,
      %get3A_1314 = vector.shape_cast %get3A_1313 : vector<1x16xf32> to vector<16xf32>
      %add3A_1315 = arith.addf %get3A_1309, %get3A_1314 : vector<16xf32>
      %get3A_1316 = arith.constant 10 : i32
      %get3A_1317 = arith.index_cast %get3A_1316 : i32 to index
      %get3A_1318 = arith.constant 96 : index
      %get3A_1319 = tpu.vector_load %arg20[%get3A_1317, %get3A_1318] {strides = array<i32>} : memref<16x128xf32, #tpu.memory_space<vmem>>, vector<1x16xf32>,
      %get3A_1320 = vector.shape_cast %get3A_1319 : vector<1x16xf32> to vector<16xf32>
      %add3A_1321 = arith.addf %add3A_1315, %get3A_1320 : vector<16xf32>
      %get3A_1322 = arith.constant 11 : i32
      %get3A_1323 = arith.index_cast %get3A_1322 : i32 to index
      %get3A_1324 = arith.constant 96 : index
      %get3A_1325 = tpu.vector_load %arg20[%get3A_1323, %get3A_1324] {strides = array<i32>} : memref<16x128xf32, #tpu.memory_space<vmem>>, vector<1x16xf32>,
      %get3A_1326 = vector.shape_cast %get3A_1325 : vector<1x16xf32> to vector<16xf32>
      %add3A_1327 = arith.addf %add3A_1321, %get3A_1326 : vector<16xf32>
      %swap3A_1328 = arith.constant 2 : i32
      %swap3A_1329 = arith.index_cast %swap3A_1328 : i32 to index
      %swap3A_1330 = arith.constant 96 : index
      %swap3A_1331 = tpu.vector_load %arg21[%swap3A_1329, %swap3A_1330] {strides = array<i32>} : memref<16x128xf32, #tpu.memory_space<vmem>>, vector<1x16xf32>,
      %swap3A_1332 = vector.shape_cast %swap3A_1331 : vector<1x16xf32> to vector<16xf32>
      %swap3A_1333 = vector.shape_cast %add3A_1327 : vector<16xf32> to vector<1x16xf32>
      tpu.vector_store %arg21[%swap3A_1329, %swap3A_1330], %swap3A_1333 {strides = array<i32>} : memref<16x128xf32, #tpu.memory_space<vmem>>, vector<1x16xf32>,
      %get3A_1334 = arith.constant 8 : i32
      %get3A_1335 = arith.index_cast %get3A_1334 : i32 to index
      %get3A_1336 = arith.constant 112 : index
      %get3A_1337 = tpu.vector_load %arg20[%get3A_1335, %get3A_1336] {strides = array<i32>} : memref<16x128xf32, #tpu.memory_space<vmem>>, vector<1x16xf32>,
      %get3A_1338 = vector.shape_cast %get3A_1337 : vector<1x16xf32> to vector<16xf32>
      %get3A_1339 = arith.constant 9 : i32
      %get3A_1340 = arith.index_cast %get3A_1339 : i32 to index
      %get3A_1341 = arith.constant 112 : index
      %get3A_1342 = tpu.vector_load %arg20[%get3A_1340, %get3A_1341] {strides = array<i32>} : memref<16x128xf32, #tpu.memory_space<vmem>>, vector<1x16xf32>,
      %get3A_1343 = vector.shape_cast %get3A_1342 : vector<1x16xf32> to vector<16xf32>
      %add3A_1344 = arith.addf %get3A_1338, %get3A_1343 : vector<16xf32>
      %get3A_1345 = arith.constant 10 : i32
      %get3A_1346 = arith.index_cast %get3A_1345 : i32 to index
      %get3A_1347 = arith.constant 112 : index
      %get3A_1348 = tpu.vector_load %arg20[%get3A_1346, %get3A_1347] {strides = array<i32>} : memref<16x128xf32, #tpu.memory_space<vmem>>, vector<1x16xf32>,
      %get3A_1349 = vector.shape_cast %get3A_1348 : vector<1x16xf32> to vector<16xf32>
      %add3A_1350 = arith.addf %add3A_1344, %get3A_1349 : vector<16xf32>
      %get3A_1351 = arith.constant 11 : i32
      %get3A_1352 = arith.index_cast %get3A_1351 : i32 to index
      %get3A_1353 = arith.constant 112 : index
      %get3A_1354 = tpu.vector_load %arg20[%get3A_1352, %get3A_1353] {strides = array<i32>} : memref<16x128xf32, #tpu.memory_space<vmem>>, vector<1x16xf32>,
      %get3A_1355 = vector.shape_cast %get3A_1354 : vector<1x16xf32> to vector<16xf32>
      %add3A_1356 = arith.addf %add3A_1350, %get3A_1355 : vector<16xf32>
      %swap3A_1357 = arith.constant 2 : i32
      %swap3A_1358 = arith.index_cast %swap3A_1357 : i32 to index
      %swap3A_1359 = arith.constant 112 : index
      %swap3A_1360 = tpu.vector_load %arg21[%swap3A_1358, %swap3A_1359] {strides = array<i32>} : memref<16x128xf32, #tpu.memory_space<vmem>>, vector<1x16xf32>,
      %swap3A_1361 = vector.shape_cast %swap3A_1360 : vector<1x16xf32> to vector<16xf32>
      %swap3A_1362 = vector.shape_cast %add3A_1356 : vector<16xf32> to vector<1x16xf32>
      tpu.vector_store %arg21[%swap3A_1358, %swap3A_1359], %swap3A_1362 {strides = array<i32>} : memref<16x128xf32, #tpu.memory_space<vmem>>, vector<1x16xf32>,
      %get3A_1363 = arith.constant 12 : i32
      %get3A_1364 = arith.index_cast %get3A_1363 : i32 to index
      %get3A_1365 = arith.constant 0 : index
      %get3A_1366 = tpu.vector_load %arg20[%get3A_1364, %get3A_1365] {strides = array<i32>} : memref<16x128xf32, #tpu.memory_space<vmem>>, vector<1x16xf32>,
      %get3A_1367 = vector.shape_cast %get3A_1366 : vector<1x16xf32> to vector<16xf32>
      %get3A_1368 = arith.constant 13 : i32
      %get3A_1369 = arith.index_cast %get3A_1368 : i32 to index
      %get3A_1370 = arith.constant 0 : index
      %get3A_1371 = tpu.vector_load %arg20[%get3A_1369, %get3A_1370] {strides = array<i32>} : memref<16x128xf32, #tpu.memory_space<vmem>>, vector<1x16xf32>,
      %get3A_1372 = vector.shape_cast %get3A_1371 : vector<1x16xf32> to vector<16xf32>
      %add3A_1373 = arith.addf %get3A_1367, %get3A_1372 : vector<16xf32>
      %get3A_1374 = arith.constant 14 : i32
      %get3A_1375 = arith.index_cast %get3A_1374 : i32 to index
      %get3A_1376 = arith.constant 0 : index
      %get3A_1377 = tpu.vector_load %arg20[%get3A_1375, %get3A_1376] {strides = array<i32>} : memref<16x128xf32, #tpu.memory_space<vmem>>, vector<1x16xf32>,
      %get3A_1378 = vector.shape_cast %get3A_1377 : vector<1x16xf32> to vector<16xf32>
      %add3A_1379 = arith.addf %add3A_1373, %get3A_1378 : vector<16xf32>
      %get3A_1380 = arith.constant 15 : i32
      %get3A_1381 = arith.index_cast %get3A_1380 : i32 to index
      %get3A_1382 = arith.constant 0 : index
      %get3A_1383 = tpu.vector_load %arg20[%get3A_1381, %get3A_1382] {strides = array<i32>} : memref<16x128xf32, #tpu.memory_space<vmem>>, vector<1x16xf32>,
      %get3A_1384 = vector.shape_cast %get3A_1383 : vector<1x16xf32> to vector<16xf32>
      %add3A_1385 = arith.addf %add3A_1379, %get3A_1384 : vector<16xf32>
      %swap3A_1386 = arith.constant 3 : i32
      %swap3A_1387 = arith.index_cast %swap3A_1386 : i32 to index
      %swap3A_1388 = arith.constant 0 : index
      %swap3A_1389 = tpu.vector_load %arg21[%swap3A_1387, %swap3A_1388] {strides = array<i32>} : memref<16x128xf32, #tpu.memory_space<vmem>>, vector<1x16xf32>,
      %swap3A_1390 = vector.shape_cast %swap3A_1389 : vector<1x16xf32> to vector<16xf32>
      %swap3A_1391 = vector.shape_cast %add3A_1385 : vector<16xf32> to vector<1x16xf32>
      tpu.vector_store %arg21[%swap3A_1387, %swap3A_1388], %swap3A_1391 {strides = array<i32>} : memref<16x128xf32, #tpu.memory_space<vmem>>, vector<1x16xf32>,
      %get3A_1392 = arith.constant 12 : i32
      %get3A_1393 = arith.index_cast %get3A_1392 : i32 to index
      %get3A_1394 = arith.constant 16 : index
      %get3A_1395 = tpu.vector_load %arg20[%get3A_1393, %get3A_1394] {strides = array<i32>} : memref<16x128xf32, #tpu.memory_space<vmem>>, vector<1x16xf32>,
      %get3A_1396 = vector.shape_cast %get3A_1395 : vector<1x16xf32> to vector<16xf32>
      %get3A_1397 = arith.constant 13 : i32
      %get3A_1398 = arith.index_cast %get3A_1397 : i32 to index
      %get3A_1399 = arith.constant 16 : index
      %get3A_1400 = tpu.vector_load %arg20[%get3A_1398, %get3A_1399] {strides = array<i32>} : memref<16x128xf32, #tpu.memory_space<vmem>>, vector<1x16xf32>,
      %get3A_1401 = vector.shape_cast %get3A_1400 : vector<1x16xf32> to vector<16xf32>
      %add3A_1402 = arith.addf %get3A_1396, %get3A_1401 : vector<16xf32>
      %get3A_1403 = arith.constant 14 : i32
      %get3A_1404 = arith.index_cast %get3A_1403 : i32 to index
      %get3A_1405 = arith.constant 16 : index
      %get3A_1406 = tpu.vector_load %arg20[%get3A_1404, %get3A_1405] {strides = array<i32>} : memref<16x128xf32, #tpu.memory_space<vmem>>, vector<1x16xf32>,
      %get3A_1407 = vector.shape_cast %get3A_1406 : vector<1x16xf32> to vector<16xf32>
      %add3A_1408 = arith.addf %add3A_1402, %get3A_1407 : vector<16xf32>
      %get3A_1409 = arith.constant 15 : i32
      %get3A_1410 = arith.index_cast %get3A_1409 : i32 to index
      %get3A_1411 = arith.constant 16 : index
      %get3A_1412 = tpu.vector_load %arg20[%get3A_1410, %get3A_1411] {strides = array<i32>} : memref<16x128xf32, #tpu.memory_space<vmem>>, vector<1x16xf32>,
      %get3A_1413 = vector.shape_cast %get3A_1412 : vector<1x16xf32> to vector<16xf32>
      %add3A_1414 = arith.addf %add3A_1408, %get3A_1413 : vector<16xf32>
      %swap3A_1415 = arith.constant 3 : i32
      %swap3A_1416 = arith.index_cast %swap3A_1415 : i32 to index
      %swap3A_1417 = arith.constant 16 : index
      %swap3A_1418 = tpu.vector_load %arg21[%swap3A_1416, %swap3A_1417] {strides = array<i32>} : memref<16x128xf32, #tpu.memory_space<vmem>>, vector<1x16xf32>,
      %swap3A_1419 = vector.shape_cast %swap3A_1418 : vector<1x16xf32> to vector<16xf32>
      %swap3A_1420 = vector.shape_cast %add3A_1414 : vector<16xf32> to vector<1x16xf32>
      tpu.vector_store %arg21[%swap3A_1416, %swap3A_1417], %swap3A_1420 {strides = array<i32>} : memref<16x128xf32, #tpu.memory_space<vmem>>, vector<1x16xf32>,
      %get3A_1421 = arith.constant 12 : i32
      %get3A_1422 = arith.index_cast %get3A_1421 : i32 to index
      %get3A_1423 = arith.constant 32 : index
      %get3A_1424 = tpu.vector_load %arg20[%get3A_1422, %get3A_1423] {strides = array<i32>} : memref<16x128xf32, #tpu.memory_space<vmem>>, vector<1x16xf32>,
      %get3A_1425 = vector.shape_cast %get3A_1424 : vector<1x16xf32> to vector<16xf32>
      %get3A_1426 = arith.constant 13 : i32
      %get3A_1427 = arith.index_cast %get3A_1426 : i32 to index
      %get3A_1428 = arith.constant 32 : index
      %get3A_1429 = tpu.vector_load %arg20[%get3A_1427, %get3A_1428] {strides = array<i32>} : memref<16x128xf32, #tpu.memory_space<vmem>>, vector<1x16xf32>,
      %get3A_1430 = vector.shape_cast %get3A_1429 : vector<1x16xf32> to vector<16xf32>
      %add3A_1431 = arith.addf %get3A_1425, %get3A_1430 : vector<16xf32>
      %get3A_1432 = arith.constant 14 : i32
      %get3A_1433 = arith.index_cast %get3A_1432 : i32 to index
      %get3A_1434 = arith.constant 32 : index
      %get3A_1435 = tpu.vector_load %arg20[%get3A_1433, %get3A_1434] {strides = array<i32>} : memref<16x128xf32, #tpu.memory_space<vmem>>, vector<1x16xf32>,
      %get3A_1436 = vector.shape_cast %get3A_1435 : vector<1x16xf32> to vector<16xf32>
      %add3A_1437 = arith.addf %add3A_1431, %get3A_1436 : vector<16xf32>
      %get3A_1438 = arith.constant 15 : i32
      %get3A_1439 = arith.index_cast %get3A_1438 : i32 to index
      %get3A_1440 = arith.constant 32 : index
      %get3A_1441 = tpu.vector_load %arg20[%get3A_1439, %get3A_1440] {strides = array<i32>} : memref<16x128xf32, #tpu.memory_space<vmem>>, vector<1x16xf32>,
      %get3A_1442 = vector.shape_cast %get3A_1441 : vector<1x16xf32> to vector<16xf32>
      %add3A_1443 = arith.addf %add3A_1437, %get3A_1442 : vector<16xf32>
      %swap3A_1444 = arith.constant 3 : i32
      %swap3A_1445 = arith.index_cast %swap3A_1444 : i32 to index
      %swap3A_1446 = arith.constant 32 : index
      %swap3A_1447 = tpu.vector_load %arg21[%swap3A_1445, %swap3A_1446] {strides = array<i32>} : memref<16x128xf32, #tpu.memory_space<vmem>>, vector<1x16xf32>,
      %swap3A_1448 = vector.shape_cast %swap3A_1447 : vector<1x16xf32> to vector<16xf32>
      %swap3A_1449 = vector.shape_cast %add3A_1443 : vector<16xf32> to vector<1x16xf32>
      tpu.vector_store %arg21[%swap3A_1445, %swap3A_1446], %swap3A_1449 {strides = array<i32>} : memref<16x128xf32, #tpu.memory_space<vmem>>, vector<1x16xf32>,
      %get3A_1450 = arith.constant 12 : i32
      %get3A_1451 = arith.index_cast %get3A_1450 : i32 to index
      %get3A_1452 = arith.constant 48 : index
      %get3A_1453 = tpu.vector_load %arg20[%get3A_1451, %get3A_1452] {strides = array<i32>} : memref<16x128xf32, #tpu.memory_space<vmem>>, vector<1x16xf32>,
      %get3A_1454 = vector.shape_cast %get3A_1453 : vector<1x16xf32> to vector<16xf32>
      %get3A_1455 = arith.constant 13 : i32
      %get3A_1456 = arith.index_cast %get3A_1455 : i32 to index
      %get3A_1457 = arith.constant 48 : index
      %get3A_1458 = tpu.vector_load %arg20[%get3A_1456, %get3A_1457] {strides = array<i32>} : memref<16x128xf32, #tpu.memory_space<vmem>>, vector<1x16xf32>,
      %get3A_1459 = vector.shape_cast %get3A_1458 : vector<1x16xf32> to vector<16xf32>
      %add3A_1460 = arith.addf %get3A_1454, %get3A_1459 : vector<16xf32>
      %get3A_1461 = arith.constant 14 : i32
      %get3A_1462 = arith.index_cast %get3A_1461 : i32 to index
      %get3A_1463 = arith.constant 48 : index
      %get3A_1464 = tpu.vector_load %arg20[%get3A_1462, %get3A_1463] {strides = array<i32>} : memref<16x128xf32, #tpu.memory_space<vmem>>, vector<1x16xf32>,
      %get3A_1465 = vector.shape_cast %get3A_1464 : vector<1x16xf32> to vector<16xf32>
      %add3A_1466 = arith.addf %add3A_1460, %get3A_1465 : vector<16xf32>
      %get3A_1467 = arith.constant 15 : i32
      %get3A_1468 = arith.index_cast %get3A_1467 : i32 to index
      %get3A_1469 = arith.constant 48 : index
      %get3A_1470 = tpu.vector_load %arg20[%get3A_1468, %get3A_1469] {strides = array<i32>} : memref<16x128xf32, #tpu.memory_space<vmem>>, vector<1x16xf32>,
      %get3A_1471 = vector.shape_cast %get3A_1470 : vector<1x16xf32> to vector<16xf32>
      %add3A_1472 = arith.addf %add3A_1466, %get3A_1471 : vector<16xf32>
      %swap3A_1473 = arith.constant 3 : i32
      %swap3A_1474 = arith.index_cast %swap3A_1473 : i32 to index
      %swap3A_1475 = arith.constant 48 : index
      %swap3A_1476 = tpu.vector_load %arg21[%swap3A_1474, %swap3A_1475] {strides = array<i32>} : memref<16x128xf32, #tpu.memory_space<vmem>>, vector<1x16xf32>,
      %swap3A_1477 = vector.shape_cast %swap3A_1476 : vector<1x16xf32> to vector<16xf32>
      %swap3A_1478 = vector.shape_cast %add3A_1472 : vector<16xf32> to vector<1x16xf32>
      tpu.vector_store %arg21[%swap3A_1474, %swap3A_1475], %swap3A_1478 {strides = array<i32>} : memref<16x128xf32, #tpu.memory_space<vmem>>, vector<1x16xf32>,
      %get3A_1479 = arith.constant 12 : i32
      %get3A_1480 = arith.index_cast %get3A_1479 : i32 to index
      %get3A_1481 = arith.constant 64 : index
      %get3A_1482 = tpu.vector_load %arg20[%get3A_1480, %get3A_1481] {strides = array<i32>} : memref<16x128xf32, #tpu.memory_space<vmem>>, vector<1x16xf32>,
      %get3A_1483 = vector.shape_cast %get3A_1482 : vector<1x16xf32> to vector<16xf32>
      %get3A_1484 = arith.constant 13 : i32
      %get3A_1485 = arith.index_cast %get3A_1484 : i32 to index
      %get3A_1486 = arith.constant 64 : index
      %get3A_1487 = tpu.vector_load %arg20[%get3A_1485, %get3A_1486] {strides = array<i32>} : memref<16x128xf32, #tpu.memory_space<vmem>>, vector<1x16xf32>,
      %get3A_1488 = vector.shape_cast %get3A_1487 : vector<1x16xf32> to vector<16xf32>
      %add3A_1489 = arith.addf %get3A_1483, %get3A_1488 : vector<16xf32>
      %get3A_1490 = arith.constant 14 : i32
      %get3A_1491 = arith.index_cast %get3A_1490 : i32 to index
      %get3A_1492 = arith.constant 64 : index
      %get3A_1493 = tpu.vector_load %arg20[%get3A_1491, %get3A_1492] {strides = array<i32>} : memref<16x128xf32, #tpu.memory_space<vmem>>, vector<1x16xf32>,
      %get3A_1494 = vector.shape_cast %get3A_1493 : vector<1x16xf32> to vector<16xf32>
      %add3A_1495 = arith.addf %add3A_1489, %get3A_1494 : vector<16xf32>
      %get3A_1496 = arith.constant 15 : i32
      %get3A_1497 = arith.index_cast %get3A_1496 : i32 to index
      %get3A_1498 = arith.constant 64 : index
      %get3A_1499 = tpu.vector_load %arg20[%get3A_1497, %get3A_1498] {strides = array<i32>} : memref<16x128xf32, #tpu.memory_space<vmem>>, vector<1x16xf32>,
      %get3A_1500 = vector.shape_cast %get3A_1499 : vector<1x16xf32> to vector<16xf32>
      %add3A_1501 = arith.addf %add3A_1495, %get3A_1500 : vector<16xf32>
      %swap3A_1502 = arith.constant 3 : i32
      %swap3A_1503 = arith.index_cast %swap3A_1502 : i32 to index
      %swap3A_1504 = arith.constant 64 : index
      %swap3A_1505 = tpu.vector_load %arg21[%swap3A_1503, %swap3A_1504] {strides = array<i32>} : memref<16x128xf32, #tpu.memory_space<vmem>>, vector<1x16xf32>,
      %swap3A_1506 = vector.shape_cast %swap3A_1505 : vector<1x16xf32> to vector<16xf32>
      %swap3A_1507 = vector.shape_cast %add3A_1501 : vector<16xf32> to vector<1x16xf32>
      tpu.vector_store %arg21[%swap3A_1503, %swap3A_1504], %swap3A_1507 {strides = array<i32>} : memref<16x128xf32, #tpu.memory_space<vmem>>, vector<1x16xf32>,
      %get3A_1508 = arith.constant 12 : i32
      %get3A_1509 = arith.index_cast %get3A_1508 : i32 to index
      %get3A_1510 = arith.constant 80 : index
      %get3A_1511 = tpu.vector_load %arg20[%get3A_1509, %get3A_1510] {strides = array<i32>} : memref<16x128xf32, #tpu.memory_space<vmem>>, vector<1x16xf32>,
      %get3A_1512 = vector.shape_cast %get3A_1511 : vector<1x16xf32> to vector<16xf32>
      %get3A_1513 = arith.constant 13 : i32
      %get3A_1514 = arith.index_cast %get3A_1513 : i32 to index
      %get3A_1515 = arith.constant 80 : index
      %get3A_1516 = tpu.vector_load %arg20[%get3A_1514, %get3A_1515] {strides = array<i32>} : memref<16x128xf32, #tpu.memory_space<vmem>>, vector<1x16xf32>,
      %get3A_1517 = vector.shape_cast %get3A_1516 : vector<1x16xf32> to vector<16xf32>
      %add3A_1518 = arith.addf %get3A_1512, %get3A_1517 : vector<16xf32>
      %get3A_1519 = arith.constant 14 : i32
      %get3A_1520 = arith.index_cast %get3A_1519 : i32 to index
      %get3A_1521 = arith.constant 80 : index
      %get3A_1522 = tpu.vector_load %arg20[%get3A_1520, %get3A_1521] {strides = array<i32>} : memref<16x128xf32, #tpu.memory_space<vmem>>, vector<1x16xf32>,
      %get3A_1523 = vector.shape_cast %get3A_1522 : vector<1x16xf32> to vector<16xf32>
      %add3A_1524 = arith.addf %add3A_1518, %get3A_1523 : vector<16xf32>
      %get3A_1525 = arith.constant 15 : i32
      %get3A_1526 = arith.index_cast %get3A_1525 : i32 to index
      %get3A_1527 = arith.constant 80 : index
      %get3A_1528 = tpu.vector_load %arg20[%get3A_1526, %get3A_1527] {strides = array<i32>} : memref<16x128xf32, #tpu.memory_space<vmem>>, vector<1x16xf32>,
      %get3A_1529 = vector.shape_cast %get3A_1528 : vector<1x16xf32> to vector<16xf32>
      %add3A_1530 = arith.addf %add3A_1524, %get3A_1529 : vector<16xf32>
      %swap3A_1531 = arith.constant 3 : i32
      %swap3A_1532 = arith.index_cast %swap3A_1531 : i32 to index
      %swap3A_1533 = arith.constant 80 : index
      %swap3A_1534 = tpu.vector_load %arg21[%swap3A_1532, %swap3A_1533] {strides = array<i32>} : memref<16x128xf32, #tpu.memory_space<vmem>>, vector<1x16xf32>,
      %swap3A_1535 = vector.shape_cast %swap3A_1534 : vector<1x16xf32> to vector<16xf32>
      %swap3A_1536 = vector.shape_cast %add3A_1530 : vector<16xf32> to vector<1x16xf32>
      tpu.vector_store %arg21[%swap3A_1532, %swap3A_1533], %swap3A_1536 {strides = array<i32>} : memref<16x128xf32, #tpu.memory_space<vmem>>, vector<1x16xf32>,
      %get3A_1537 = arith.constant 12 : i32
      %get3A_1538 = arith.index_cast %get3A_1537 : i32 to index
      %get3A_1539 = arith.constant 96 : index
      %get3A_1540 = tpu.vector_load %arg20[%get3A_1538, %get3A_1539] {strides = array<i32>} : memref<16x128xf32, #tpu.memory_space<vmem>>, vector<1x16xf32>,
      %get3A_1541 = vector.shape_cast %get3A_1540 : vector<1x16xf32> to vector<16xf32>
      %get3A_1542 = arith.constant 13 : i32
      %get3A_1543 = arith.index_cast %get3A_1542 : i32 to index
      %get3A_1544 = arith.constant 96 : index
      %get3A_1545 = tpu.vector_load %arg20[%get3A_1543, %get3A_1544] {strides = array<i32>} : memref<16x128xf32, #tpu.memory_space<vmem>>, vector<1x16xf32>,
      %get3A_1546 = vector.shape_cast %get3A_1545 : vector<1x16xf32> to vector<16xf32>
      %add3A_1547 = arith.addf %get3A_1541, %get3A_1546 : vector<16xf32>
      %get3A_1548 = arith.constant 14 : i32
      %get3A_1549 = arith.index_cast %get3A_1548 : i32 to index
      %get3A_1550 = arith.constant 96 : index
      %get3A_1551 = tpu.vector_load %arg20[%get3A_1549, %get3A_1550] {strides = array<i32>} : memref<16x128xf32, #tpu.memory_space<vmem>>, vector<1x16xf32>,
      %get3A_1552 = vector.shape_cast %get3A_1551 : vector<1x16xf32> to vector<16xf32>
      %add3A_1553 = arith.addf %add3A_1547, %get3A_1552 : vector<16xf32>
      %get3A_1554 = arith.constant 15 : i32
      %get3A_1555 = arith.index_cast %get3A_1554 : i32 to index
      %get3A_1556 = arith.constant 96 : index
      %get3A_1557 = tpu.vector_load %arg20[%get3A_1555, %get3A_1556] {strides = array<i32>} : memref<16x128xf32, #tpu.memory_space<vmem>>, vector<1x16xf32>,
      %get3A_1558 = vector.shape_cast %get3A_1557 : vector<1x16xf32> to vector<16xf32>
      %add3A_1559 = arith.addf %add3A_1553, %get3A_1558 : vector<16xf32>
      %swap3A_1560 = arith.constant 3 : i32
      %swap3A_1561 = arith.index_cast %swap3A_1560 : i32 to index
      %swap3A_1562 = arith.constant 96 : index
      %swap3A_1563 = tpu.vector_load %arg21[%swap3A_1561, %swap3A_1562] {strides = array<i32>} : memref<16x128xf32, #tpu.memory_space<vmem>>, vector<1x16xf32>,
      %swap3A_1564 = vector.shape_cast %swap3A_1563 : vector<1x16xf32> to vector<16xf32>
      %swap3A_1565 = vector.shape_cast %add3A_1559 : vector<16xf32> to vector<1x16xf32>
      tpu.vector_store %arg21[%swap3A_1561, %swap3A_1562], %swap3A_1565 {strides = array<i32>} : memref<16x128xf32, #tpu.memory_space<vmem>>, vector<1x16xf32>,
      %get3A_1566 = arith.constant 12 : i32
      %get3A_1567 = arith.index_cast %get3A_1566 : i32 to index
      %get3A_1568 = arith.constant 112 : index
      %get3A_1569 = tpu.vector_load %arg20[%get3A_1567, %get3A_1568] {strides = array<i32>} : memref<16x128xf32, #tpu.memory_space<vmem>>, vector<1x16xf32>,
      %get3A_1570 = vector.shape_cast %get3A_1569 : vector<1x16xf32> to vector<16xf32>
      %get3A_1571 = arith.constant 13 : i32
      %get3A_1572 = arith.index_cast %get3A_1571 : i32 to index
      %get3A_1573 = arith.constant 112 : index
      %get3A_1574 = tpu.vector_load %arg20[%get3A_1572, %get3A_1573] {strides = array<i32>} : memref<16x128xf32, #tpu.memory_space<vmem>>, vector<1x16xf32>,
      %get3A_1575 = vector.shape_cast %get3A_1574 : vector<1x16xf32> to vector<16xf32>
      %add3A_1576 = arith.addf %get3A_1570, %get3A_1575 : vector<16xf32>
      %get3A_1577 = arith.constant 14 : i32
      %get3A_1578 = arith.index_cast %get3A_1577 : i32 to index
      %get3A_1579 = arith.constant 112 : index
      %get3A_1580 = tpu.vector_load %arg20[%get3A_1578, %get3A_1579] {strides = array<i32>} : memref<16x128xf32, #tpu.memory_space<vmem>>, vector<1x16xf32>,
      %get3A_1581 = vector.shape_cast %get3A_1580 : vector<1x16xf32> to vector<16xf32>
      %add3A_1582 = arith.addf %add3A_1576, %get3A_1581 : vector<16xf32>
      %get3A_1583 = arith.constant 15 : i32
      %get3A_1584 = arith.index_cast %get3A_1583 : i32 to index
      %get3A_1585 = arith.constant 112 : index
      %get3A_1586 = tpu.vector_load %arg20[%get3A_1584, %get3A_1585] {strides = array<i32>} : memref<16x128xf32, #tpu.memory_space<vmem>>, vector<1x16xf32>,
      %get3A_1587 = vector.shape_cast %get3A_1586 : vector<1x16xf32> to vector<16xf32>
      %add3A_1588 = arith.addf %add3A_1582, %get3A_1587 : vector<16xf32>
      %swap3A_1589 = arith.constant 3 : i32
      %swap3A_1590 = arith.index_cast %swap3A_1589 : i32 to index
      %swap3A_1591 = arith.constant 112 : index
      %swap3A_1592 = tpu.vector_load %arg21[%swap3A_1590, %swap3A_1591] {strides = array<i32>} : memref<16x128xf32, #tpu.memory_space<vmem>>, vector<1x16xf32>,
      %swap3A_1593 = vector.shape_cast %swap3A_1592 : vector<1x16xf32> to vector<16xf32>
      %swap3A_1594 = vector.shape_cast %add3A_1588 : vector<16xf32> to vector<1x16xf32>
      tpu.vector_store %arg21[%swap3A_1590, %swap3A_1591], %swap3A_1594 {strides = array<i32>} : memref<16x128xf32, #tpu.memory_space<vmem>>, vector<1x16xf32>,
      %broadcast_in_dim3A_1595 = arith.constant 0.000000e+00 : f32
      %broadcast_in_dim3A_1596 = vector.broadcast %broadcast_in_dim3A_1595 : f32 to vector<16xf32>
      %swap3A_1597 = arith.constant 4 : i32
      %swap3A_1598 = arith.index_cast %swap3A_1597 : i32 to index
      %swap3A_1599 = arith.constant 0 : index
      %swap3A_1600 = tpu.vector_load %arg21[%swap3A_1598, %swap3A_1599] {strides = array<i32>} : memref<16x128xf32, #tpu.memory_space<vmem>>, vector<1x16xf32>,
      %swap3A_1601 = vector.shape_cast %swap3A_1600 : vector<1x16xf32> to vector<16xf32>
      %swap3A_1602 = vector.shape_cast %broadcast_in_dim3A_1596 : vector<16xf32> to vector<1x16xf32>
      tpu.vector_store %arg21[%swap3A_1598, %swap3A_1599], %swap3A_1602 {strides = array<i32>} : memref<16x128xf32, #tpu.memory_space<vmem>>, vector<1x16xf32>,
      %swap3A_1603 = arith.constant 4 : i32
      %swap3A_1604 = arith.index_cast %swap3A_1603 : i32 to index
      %swap3A_1605 = arith.constant 16 : index
      %swap3A_1606 = tpu.vector_load %arg21[%swap3A_1604, %swap3A_1605] {strides = array<i32>} : memref<16x128xf32, #tpu.memory_space<vmem>>, vector<1x16xf32>,
      %swap3A_1607 = vector.shape_cast %swap3A_1606 : vector<1x16xf32> to vector<16xf32>
      %swap3A_1608 = vector.shape_cast %broadcast_in_dim3A_1596 : vector<16xf32> to vector<1x16xf32>
      tpu.vector_store %arg21[%swap3A_1604, %swap3A_1605], %swap3A_1608 {strides = array<i32>} : memref<16x128xf32, #tpu.memory_space<vmem>>, vector<1x16xf32>,
      %swap3A_1609 = arith.constant 4 : i32
      %swap3A_1610 = arith.index_cast %swap3A_1609 : i32 to index
      %swap3A_1611 = arith.constant 32 : index
      %swap3A_1612 = tpu.vector_load %arg21[%swap3A_1610, %swap3A_1611] {strides = array<i32>} : memref<16x128xf32, #tpu.memory_space<vmem>>, vector<1x16xf32>,
      %swap3A_1613 = vector.shape_cast %swap3A_1612 : vector<1x16xf32> to vector<16xf32>
      %swap3A_1614 = vector.shape_cast %broadcast_in_dim3A_1596 : vector<16xf32> to vector<1x16xf32>
      tpu.vector_store %arg21[%swap3A_1610, %swap3A_1611], %swap3A_1614 {strides = array<i32>} : memref<16x128xf32, #tpu.memory_space<vmem>>, vector<1x16xf32>,
      %swap3A_1615 = arith.constant 4 : i32
      %swap3A_1616 = arith.index_cast %swap3A_1615 : i32 to index
      %swap3A_1617 = arith.constant 48 : index
      %swap3A_1618 = tpu.vector_load %arg21[%swap3A_1616, %swap3A_1617] {strides = array<i32>} : memref<16x128xf32, #tpu.memory_space<vmem>>, vector<1x16xf32>,
      %swap3A_1619 = vector.shape_cast %swap3A_1618 : vector<1x16xf32> to vector<16xf32>
      %swap3A_1620 = vector.shape_cast %broadcast_in_dim3A_1596 : vector<16xf32> to vector<1x16xf32>
      tpu.vector_store %arg21[%swap3A_1616, %swap3A_1617], %swap3A_1620 {strides = array<i32>} : memref<16x128xf32, #tpu.memory_space<vmem>>, vector<1x16xf32>,
      %swap3A_1621 = arith.constant 4 : i32
      %swap3A_1622 = arith.index_cast %swap3A_1621 : i32 to index
      %swap3A_1623 = arith.constant 64 : index
      %swap3A_1624 = tpu.vector_load %arg21[%swap3A_1622, %swap3A_1623] {strides = array<i32>} : memref<16x128xf32, #tpu.memory_space<vmem>>, vector<1x16xf32>,
      %swap3A_1625 = vector.shape_cast %swap3A_1624 : vector<1x16xf32> to vector<16xf32>
      %swap3A_1626 = vector.shape_cast %broadcast_in_dim3A_1596 : vector<16xf32> to vector<1x16xf32>
      tpu.vector_store %arg21[%swap3A_1622, %swap3A_1623], %swap3A_1626 {strides = array<i32>} : memref<16x128xf32, #tpu.memory_space<vmem>>, vector<1x16xf32>,
      %swap3A_1627 = arith.constant 4 : i32
      %swap3A_1628 = arith.index_cast %swap3A_1627 : i32 to index
      %swap3A_1629 = arith.constant 80 : index
      %swap3A_1630 = tpu.vector_load %arg21[%swap3A_1628, %swap3A_1629] {strides = array<i32>} : memref<16x128xf32, #tpu.memory_space<vmem>>, vector<1x16xf32>,
      %swap3A_1631 = vector.shape_cast %swap3A_1630 : vector<1x16xf32> to vector<16xf32>
      %swap3A_1632 = vector.shape_cast %broadcast_in_dim3A_1596 : vector<16xf32> to vector<1x16xf32>
      tpu.vector_store %arg21[%swap3A_1628, %swap3A_1629], %swap3A_1632 {strides = array<i32>} : memref<16x128xf32, #tpu.memory_space<vmem>>, vector<1x16xf32>,
      %swap3A_1633 = arith.constant 4 : i32
      %swap3A_1634 = arith.index_cast %swap3A_1633 : i32 to index
      %swap3A_1635 = arith.constant 96 : index
      %swap3A_1636 = tpu.vector_load %arg21[%swap3A_1634, %swap3A_1635] {strides = array<i32>} : memref<16x128xf32, #tpu.memory_space<vmem>>, vector<1x16xf32>,
      %swap3A_1637 = vector.shape_cast %swap3A_1636 : vector<1x16xf32> to vector<16xf32>
      %swap3A_1638 = vector.shape_cast %broadcast_in_dim3A_1596 : vector<16xf32> to vector<1x16xf32>
      tpu.vector_store %arg21[%swap3A_1634, %swap3A_1635], %swap3A_1638 {strides = array<i32>} : memref<16x128xf32, #tpu.memory_space<vmem>>, vector<1x16xf32>,
      %swap3A_1639 = arith.constant 4 : i32
      %swap3A_1640 = arith.index_cast %swap3A_1639 : i32 to index
      %swap3A_1641 = arith.constant 112 : index
      %swap3A_1642 = tpu.vector_load %arg21[%swap3A_1640, %swap3A_1641] {strides = array<i32>} : memref<16x128xf32, #tpu.memory_space<vmem>>, vector<1x16xf32>,
      %swap3A_1643 = vector.shape_cast %swap3A_1642 : vector<1x16xf32> to vector<16xf32>
      %swap3A_1644 = vector.shape_cast %broadcast_in_dim3A_1596 : vector<16xf32> to vector<1x16xf32>
      tpu.vector_store %arg21[%swap3A_1640, %swap3A_1641], %swap3A_1644 {strides = array<i32>} : memref<16x128xf32, #tpu.memory_space<vmem>>, vector<1x16xf32>,
      %swap3A_1645 = arith.constant 5 : i32
      %swap3A_1646 = arith.index_cast %swap3A_1645 : i32 to index
      %swap3A_1647 = arith.constant 0 : index
      %swap3A_1648 = tpu.vector_load %arg21[%swap3A_1646, %swap3A_1647] {strides = array<i32>} : memref<16x128xf32, #tpu.memory_space<vmem>>, vector<1x16xf32>,
      %swap3A_1649 = vector.shape_cast %swap3A_1648 : vector<1x16xf32> to vector<16xf32>
      %swap3A_1650 = vector.shape_cast %broadcast_in_dim3A_1596 : vector<16xf32> to vector<1x16xf32>
      tpu.vector_store %arg21[%swap3A_1646, %swap3A_1647], %swap3A_1650 {strides = array<i32>} : memref<16x128xf32, #tpu.memory_space<vmem>>, vector<1x16xf32>,
      %swap3A_1651 = arith.constant 5 : i32
      %swap3A_1652 = arith.index_cast %swap3A_1651 : i32 to index
      %swap3A_1653 = arith.constant 16 : index
      %swap3A_1654 = tpu.vector_load %arg21[%swap3A_1652, %swap3A_1653] {strides = array<i32>} : memref<16x128xf32, #tpu.memory_space<vmem>>, vector<1x16xf32>,
      %swap3A_1655 = vector.shape_cast %swap3A_1654 : vector<1x16xf32> to vector<16xf32>
      %swap3A_1656 = vector.shape_cast %broadcast_in_dim3A_1596 : vector<16xf32> to vector<1x16xf32>
      tpu.vector_store %arg21[%swap3A_1652, %swap3A_1653], %swap3A_1656 {strides = array<i32>} : memref<16x128xf32, #tpu.memory_space<vmem>>, vector<1x16xf32>,
      %swap3A_1657 = arith.constant 5 : i32
      %swap3A_1658 = arith.index_cast %swap3A_1657 : i32 to index
      %swap3A_1659 = arith.constant 32 : index
      %swap3A_1660 = tpu.vector_load %arg21[%swap3A_1658, %swap3A_1659] {strides = array<i32>} : memref<16x128xf32, #tpu.memory_space<vmem>>, vector<1x16xf32>,
      %swap3A_1661 = vector.shape_cast %swap3A_1660 : vector<1x16xf32> to vector<16xf32>
      %swap3A_1662 = vector.shape_cast %broadcast_in_dim3A_1596 : vector<16xf32> to vector<1x16xf32>
      tpu.vector_store %arg21[%swap3A_1658, %swap3A_1659], %swap3A_1662 {strides = array<i32>} : memref<16x128xf32, #tpu.memory_space<vmem>>, vector<1x16xf32>,
      %swap3A_1663 = arith.constant 5 : i32
      %swap3A_1664 = arith.index_cast %swap3A_1663 : i32 to index
      %swap3A_1665 = arith.constant 48 : index
      %swap3A_1666 = tpu.vector_load %arg21[%swap3A_1664, %swap3A_1665] {strides = array<i32>} : memref<16x128xf32, #tpu.memory_space<vmem>>, vector<1x16xf32>,
      %swap3A_1667 = vector.shape_cast %swap3A_1666 : vector<1x16xf32> to vector<16xf32>
      %swap3A_1668 = vector.shape_cast %broadcast_in_dim3A_1596 : vector<16xf32> to vector<1x16xf32>
      tpu.vector_store %arg21[%swap3A_1664, %swap3A_1665], %swap3A_1668 {strides = array<i32>} : memref<16x128xf32, #tpu.memory_space<vmem>>, vector<1x16xf32>,
      %swap3A_1669 = arith.constant 5 : i32
      %swap3A_1670 = arith.index_cast %swap3A_1669 : i32 to index
      %swap3A_1671 = arith.constant 64 : index
      %swap3A_1672 = tpu.vector_load %arg21[%swap3A_1670, %swap3A_1671] {strides = array<i32>} : memref<16x128xf32, #tpu.memory_space<vmem>>, vector<1x16xf32>,
      %swap3A_1673 = vector.shape_cast %swap3A_1672 : vector<1x16xf32> to vector<16xf32>
      %swap3A_1674 = vector.shape_cast %broadcast_in_dim3A_1596 : vector<16xf32> to vector<1x16xf32>
      tpu.vector_store %arg21[%swap3A_1670, %swap3A_1671], %swap3A_1674 {strides = array<i32>} : memref<16x128xf32, #tpu.memory_space<vmem>>, vector<1x16xf32>,
      %swap3A_1675 = arith.constant 5 : i32
      %swap3A_1676 = arith.index_cast %swap3A_1675 : i32 to index
      %swap3A_1677 = arith.constant 80 : index
      %swap3A_1678 = tpu.vector_load %arg21[%swap3A_1676, %swap3A_1677] {strides = array<i32>} : memref<16x128xf32, #tpu.memory_space<vmem>>, vector<1x16xf32>,
      %swap3A_1679 = vector.shape_cast %swap3A_1678 : vector<1x16xf32> to vector<16xf32>
      %swap3A_1680 = vector.shape_cast %broadcast_in_dim3A_1596 : vector<16xf32> to vector<1x16xf32>
      tpu.vector_store %arg21[%swap3A_1676, %swap3A_1677], %swap3A_1680 {strides = array<i32>} : memref<16x128xf32, #tpu.memory_space<vmem>>, vector<1x16xf32>,
      %swap3A_1681 = arith.constant 5 : i32
      %swap3A_1682 = arith.index_cast %swap3A_1681 : i32 to index
      %swap3A_1683 = arith.constant 96 : index
      %swap3A_1684 = tpu.vector_load %arg21[%swap3A_1682, %swap3A_1683] {strides = array<i32>} : memref<16x128xf32, #tpu.memory_space<vmem>>, vector<1x16xf32>,
      %swap3A_1685 = vector.shape_cast %swap3A_1684 : vector<1x16xf32> to vector<16xf32>
      %swap3A_1686 = vector.shape_cast %broadcast_in_dim3A_1596 : vector<16xf32> to vector<1x16xf32>
      tpu.vector_store %arg21[%swap3A_1682, %swap3A_1683], %swap3A_1686 {strides = array<i32>} : memref<16x128xf32, #tpu.memory_space<vmem>>, vector<1x16xf32>,
      %swap3A_1687 = arith.constant 5 : i32
      %swap3A_1688 = arith.index_cast %swap3A_1687 : i32 to index
      %swap3A_1689 = arith.constant 112 : index
      %swap3A_1690 = tpu.vector_load %arg21[%swap3A_1688, %swap3A_1689] {strides = array<i32>} : memref<16x128xf32, #tpu.memory_space<vmem>>, vector<1x16xf32>,
      %swap3A_1691 = vector.shape_cast %swap3A_1690 : vector<1x16xf32> to vector<16xf32>
      %swap3A_1692 = vector.shape_cast %broadcast_in_dim3A_1596 : vector<16xf32> to vector<1x16xf32>
      tpu.vector_store %arg21[%swap3A_1688, %swap3A_1689], %swap3A_1692 {strides = array<i32>} : memref<16x128xf32, #tpu.memory_space<vmem>>, vector<1x16xf32>,
      %swap3A_1693 = arith.constant 6 : i32
      %swap3A_1694 = arith.index_cast %swap3A_1693 : i32 to index
      %swap3A_1695 = arith.constant 0 : index
      %swap3A_1696 = tpu.vector_load %arg21[%swap3A_1694, %swap3A_1695] {strides = array<i32>} : memref<16x128xf32, #tpu.memory_space<vmem>>, vector<1x16xf32>,
      %swap3A_1697 = vector.shape_cast %swap3A_1696 : vector<1x16xf32> to vector<16xf32>
      %swap3A_1698 = vector.shape_cast %broadcast_in_dim3A_1596 : vector<16xf32> to vector<1x16xf32>
      tpu.vector_store %arg21[%swap3A_1694, %swap3A_1695], %swap3A_1698 {strides = array<i32>} : memref<16x128xf32, #tpu.memory_space<vmem>>, vector<1x16xf32>,
      %swap3A_1699 = arith.constant 6 : i32
      %swap3A_1700 = arith.index_cast %swap3A_1699 : i32 to index
      %swap3A_1701 = arith.constant 16 : index
      %swap3A_1702 = tpu.vector_load %arg21[%swap3A_1700, %swap3A_1701] {strides = array<i32>} : memref<16x128xf32, #tpu.memory_space<vmem>>, vector<1x16xf32>,
      %swap3A_1703 = vector.shape_cast %swap3A_1702 : vector<1x16xf32> to vector<16xf32>
      %swap3A_1704 = vector.shape_cast %broadcast_in_dim3A_1596 : vector<16xf32> to vector<1x16xf32>
      tpu.vector_store %arg21[%swap3A_1700, %swap3A_1701], %swap3A_1704 {strides = array<i32>} : memref<16x128xf32, #tpu.memory_space<vmem>>, vector<1x16xf32>,
      %swap3A_1705 = arith.constant 6 : i32
      %swap3A_1706 = arith.index_cast %swap3A_1705 : i32 to index
      %swap3A_1707 = arith.constant 32 : index
      %swap3A_1708 = tpu.vector_load %arg21[%swap3A_1706, %swap3A_1707] {strides = array<i32>} : memref<16x128xf32, #tpu.memory_space<vmem>>, vector<1x16xf32>,
      %swap3A_1709 = vector.shape_cast %swap3A_1708 : vector<1x16xf32> to vector<16xf32>
      %swap3A_1710 = vector.shape_cast %broadcast_in_dim3A_1596 : vector<16xf32> to vector<1x16xf32>
      tpu.vector_store %arg21[%swap3A_1706, %swap3A_1707], %swap3A_1710 {strides = array<i32>} : memref<16x128xf32, #tpu.memory_space<vmem>>, vector<1x16xf32>,
      %swap3A_1711 = arith.constant 6 : i32
      %swap3A_1712 = arith.index_cast %swap3A_1711 : i32 to index
      %swap3A_1713 = arith.constant 48 : index
      %swap3A_1714 = tpu.vector_load %arg21[%swap3A_1712, %swap3A_1713] {strides = array<i32>} : memref<16x128xf32, #tpu.memory_space<vmem>>, vector<1x16xf32>,
      %swap3A_1715 = vector.shape_cast %swap3A_1714 : vector<1x16xf32> to vector<16xf32>
      %swap3A_1716 = vector.shape_cast %broadcast_in_dim3A_1596 : vector<16xf32> to vector<1x16xf32>
      tpu.vector_store %arg21[%swap3A_1712, %swap3A_1713], %swap3A_1716 {strides = array<i32>} : memref<16x128xf32, #tpu.memory_space<vmem>>, vector<1x16xf32>,
      %swap3A_1717 = arith.constant 6 : i32
      %swap3A_1718 = arith.index_cast %swap3A_1717 : i32 to index
      %swap3A_1719 = arith.constant 64 : index
      %swap3A_1720 = tpu.vector_load %arg21[%swap3A_1718, %swap3A_1719] {strides = array<i32>} : memref<16x128xf32, #tpu.memory_space<vmem>>, vector<1x16xf32>,
      %swap3A_1721 = vector.shape_cast %swap3A_1720 : vector<1x16xf32> to vector<16xf32>
      %swap3A_1722 = vector.shape_cast %broadcast_in_dim3A_1596 : vector<16xf32> to vector<1x16xf32>
      tpu.vector_store %arg21[%swap3A_1718, %swap3A_1719], %swap3A_1722 {strides = array<i32>} : memref<16x128xf32, #tpu.memory_space<vmem>>, vector<1x16xf32>,
      %swap3A_1723 = arith.constant 6 : i32
      %swap3A_1724 = arith.index_cast %swap3A_1723 : i32 to index
      %swap3A_1725 = arith.constant 80 : index
      %swap3A_1726 = tpu.vector_load %arg21[%swap3A_1724, %swap3A_1725] {strides = array<i32>} : memref<16x128xf32, #tpu.memory_space<vmem>>, vector<1x16xf32>,
      %swap3A_1727 = vector.shape_cast %swap3A_1726 : vector<1x16xf32> to vector<16xf32>
      %swap3A_1728 = vector.shape_cast %broadcast_in_dim3A_1596 : vector<16xf32> to vector<1x16xf32>
      tpu.vector_store %arg21[%swap3A_1724, %swap3A_1725], %swap3A_1728 {strides = array<i32>} : memref<16x128xf32, #tpu.memory_space<vmem>>, vector<1x16xf32>,
      %swap3A_1729 = arith.constant 6 : i32
      %swap3A_1730 = arith.index_cast %swap3A_1729 : i32 to index
      %swap3A_1731 = arith.constant 96 : index
      %swap3A_1732 = tpu.vector_load %arg21[%swap3A_1730, %swap3A_1731] {strides = array<i32>} : memref<16x128xf32, #tpu.memory_space<vmem>>, vector<1x16xf32>,
      %swap3A_1733 = vector.shape_cast %swap3A_1732 : vector<1x16xf32> to vector<16xf32>
      %swap3A_1734 = vector.shape_cast %broadcast_in_dim3A_1596 : vector<16xf32> to vector<1x16xf32>
      tpu.vector_store %arg21[%swap3A_1730, %swap3A_1731], %swap3A_1734 {strides = array<i32>} : memref<16x128xf32, #tpu.memory_space<vmem>>, vector<1x16xf32>,
      %swap3A_1735 = arith.constant 6 : i32
      %swap3A_1736 = arith.index_cast %swap3A_1735 : i32 to index
      %swap3A_1737 = arith.constant 112 : index
      %swap3A_1738 = tpu.vector_load %arg21[%swap3A_1736, %swap3A_1737] {strides = array<i32>} : memref<16x128xf32, #tpu.memory_space<vmem>>, vector<1x16xf32>,
      %swap3A_1739 = vector.shape_cast %swap3A_1738 : vector<1x16xf32> to vector<16xf32>
      %swap3A_1740 = vector.shape_cast %broadcast_in_dim3A_1596 : vector<16xf32> to vector<1x16xf32>
      tpu.vector_store %arg21[%swap3A_1736, %swap3A_1737], %swap3A_1740 {strides = array<i32>} : memref<16x128xf32, #tpu.memory_space<vmem>>, vector<1x16xf32>,
      %swap3A_1741 = arith.constant 7 : i32
      %swap3A_1742 = arith.index_cast %swap3A_1741 : i32 to index
      %swap3A_1743 = arith.constant 0 : index
      %swap3A_1744 = tpu.vector_load %arg21[%swap3A_1742, %swap3A_1743] {strides = array<i32>} : memref<16x128xf32, #tpu.memory_space<vmem>>, vector<1x16xf32>,
      %swap3A_1745 = vector.shape_cast %swap3A_1744 : vector<1x16xf32> to vector<16xf32>
      %swap3A_1746 = vector.shape_cast %broadcast_in_dim3A_1596 : vector<16xf32> to vector<1x16xf32>
      tpu.vector_store %arg21[%swap3A_1742, %swap3A_1743], %swap3A_1746 {strides = array<i32>} : memref<16x128xf32, #tpu.memory_space<vmem>>, vector<1x16xf32>,
      %swap3A_1747 = arith.constant 7 : i32
      %swap3A_1748 = arith.index_cast %swap3A_1747 : i32 to index
      %swap3A_1749 = arith.constant 16 : index
      %swap3A_1750 = tpu.vector_load %arg21[%swap3A_1748, %swap3A_1749] {strides = array<i32>} : memref<16x128xf32, #tpu.memory_space<vmem>>, vector<1x16xf32>,
      %swap3A_1751 = vector.shape_cast %swap3A_1750 : vector<1x16xf32> to vector<16xf32>
      %swap3A_1752 = vector.shape_cast %broadcast_in_dim3A_1596 : vector<16xf32> to vector<1x16xf32>
      tpu.vector_store %arg21[%swap3A_1748, %swap3A_1749], %swap3A_1752 {strides = array<i32>} : memref<16x128xf32, #tpu.memory_space<vmem>>, vector<1x16xf32>,
      %swap3A_1753 = arith.constant 7 : i32
      %swap3A_1754 = arith.index_cast %swap3A_1753 : i32 to index
      %swap3A_1755 = arith.constant 32 : index
      %swap3A_1756 = tpu.vector_load %arg21[%swap3A_1754, %swap3A_1755] {strides = array<i32>} : memref<16x128xf32, #tpu.memory_space<vmem>>, vector<1x16xf32>,
      %swap3A_1757 = vector.shape_cast %swap3A_1756 : vector<1x16xf32> to vector<16xf32>
      %swap3A_1758 = vector.shape_cast %broadcast_in_dim3A_1596 : vector<16xf32> to vector<1x16xf32>
      tpu.vector_store %arg21[%swap3A_1754, %swap3A_1755], %swap3A_1758 {strides = array<i32>} : memref<16x128xf32, #tpu.memory_space<vmem>>, vector<1x16xf32>,
      %swap3A_1759 = arith.constant 7 : i32
      %swap3A_1760 = arith.index_cast %swap3A_1759 : i32 to index
      %swap3A_1761 = arith.constant 48 : index
      %swap3A_1762 = tpu.vector_load %arg21[%swap3A_1760, %swap3A_1761] {strides = array<i32>} : memref<16x128xf32, #tpu.memory_space<vmem>>, vector<1x16xf32>,
      %swap3A_1763 = vector.shape_cast %swap3A_1762 : vector<1x16xf32> to vector<16xf32>
      %swap3A_1764 = vector.shape_cast %broadcast_in_dim3A_1596 : vector<16xf32> to vector<1x16xf32>
      tpu.vector_store %arg21[%swap3A_1760, %swap3A_1761], %swap3A_1764 {strides = array<i32>} : memref<16x128xf32, #tpu.memory_space<vmem>>, vector<1x16xf32>,
      %swap3A_1765 = arith.constant 7 : i32
      %swap3A_1766 = arith.index_cast %swap3A_1765 : i32 to index
      %swap3A_1767 = arith.constant 64 : index
      %swap3A_1768 = tpu.vector_load %arg21[%swap3A_1766, %swap3A_1767] {strides = array<i32>} : memref<16x128xf32, #tpu.memory_space<vmem>>, vector<1x16xf32>,
      %swap3A_1769 = vector.shape_cast %swap3A_1768 : vector<1x16xf32> to vector<16xf32>
      %swap3A_1770 = vector.shape_cast %broadcast_in_dim3A_1596 : vector<16xf32> to vector<1x16xf32>
      tpu.vector_store %arg21[%swap3A_1766, %swap3A_1767], %swap3A_1770 {strides = array<i32>} : memref<16x128xf32, #tpu.memory_space<vmem>>, vector<1x16xf32>,
      %swap3A_1771 = arith.constant 7 : i32
      %swap3A_1772 = arith.index_cast %swap3A_1771 : i32 to index
      %swap3A_1773 = arith.constant 80 : index
      %swap3A_1774 = tpu.vector_load %arg21[%swap3A_1772, %swap3A_1773] {strides = array<i32>} : memref<16x128xf32, #tpu.memory_space<vmem>>, vector<1x16xf32>,
      %swap3A_1775 = vector.shape_cast %swap3A_1774 : vector<1x16xf32> to vector<16xf32>
      %swap3A_1776 = vector.shape_cast %broadcast_in_dim3A_1596 : vector<16xf32> to vector<1x16xf32>
      tpu.vector_store %arg21[%swap3A_1772, %swap3A_1773], %swap3A_1776 {strides = array<i32>} : memref<16x128xf32, #tpu.memory_space<vmem>>, vector<1x16xf32>,
      %swap3A_1777 = arith.constant 7 : i32
      %swap3A_1778 = arith.index_cast %swap3A_1777 : i32 to index
      %swap3A_1779 = arith.constant 96 : index
      %swap3A_1780 = tpu.vector_load %arg21[%swap3A_1778, %swap3A_1779] {strides = array<i32>} : memref<16x128xf32, #tpu.memory_space<vmem>>, vector<1x16xf32>,
      %swap3A_1781 = vector.shape_cast %swap3A_1780 : vector<1x16xf32> to vector<16xf32>
      %swap3A_1782 = vector.shape_cast %broadcast_in_dim3A_1596 : vector<16xf32> to vector<1x16xf32>
      tpu.vector_store %arg21[%swap3A_1778, %swap3A_1779], %swap3A_1782 {strides = array<i32>} : memref<16x128xf32, #tpu.memory_space<vmem>>, vector<1x16xf32>,
      %swap3A_1783 = arith.constant 7 : i32
      %swap3A_1784 = arith.index_cast %swap3A_1783 : i32 to index
      %swap3A_1785 = arith.constant 112 : index
      %swap3A_1786 = tpu.vector_load %arg21[%swap3A_1784, %swap3A_1785] {strides = array<i32>} : memref<16x128xf32, #tpu.memory_space<vmem>>, vector<1x16xf32>,
      %swap3A_1787 = vector.shape_cast %swap3A_1786 : vector<1x16xf32> to vector<16xf32>
      %swap3A_1788 = vector.shape_cast %broadcast_in_dim3A_1596 : vector<16xf32> to vector<1x16xf32>
      tpu.vector_store %arg21[%swap3A_1784, %swap3A_1785], %swap3A_1788 {strides = array<i32>} : memref<16x128xf32, #tpu.memory_space<vmem>>, vector<1x16xf32>,
      %swap3A_1789 = arith.constant 8 : i32
      %swap3A_1790 = arith.index_cast %swap3A_1789 : i32 to index
      %swap3A_1791 = arith.constant 0 : index
      %swap3A_1792 = tpu.vector_load %arg21[%swap3A_1790, %swap3A_1791] {strides = array<i32>} : memref<16x128xf32, #tpu.memory_space<vmem>>, vector<1x16xf32>,
      %swap3A_1793 = vector.shape_cast %swap3A_1792 : vector<1x16xf32> to vector<16xf32>
      %swap3A_1794 = vector.shape_cast %broadcast_in_dim3A_1596 : vector<16xf32> to vector<1x16xf32>
      tpu.vector_store %arg21[%swap3A_1790, %swap3A_1791], %swap3A_1794 {strides = array<i32>} : memref<16x128xf32, #tpu.memory_space<vmem>>, vector<1x16xf32>,
      %swap3A_1795 = arith.constant 8 : i32
      %swap3A_1796 = arith.index_cast %swap3A_1795 : i32 to index
      %swap3A_1797 = arith.constant 16 : index
      %swap3A_1798 = tpu.vector_load %arg21[%swap3A_1796, %swap3A_1797] {strides = array<i32>} : memref<16x128xf32, #tpu.memory_space<vmem>>, vector<1x16xf32>,
      %swap3A_1799 = vector.shape_cast %swap3A_1798 : vector<1x16xf32> to vector<16xf32>
      %swap3A_1800 = vector.shape_cast %broadcast_in_dim3A_1596 : vector<16xf32> to vector<1x16xf32>
      tpu.vector_store %arg21[%swap3A_1796, %swap3A_1797], %swap3A_1800 {strides = array<i32>} : memref<16x128xf32, #tpu.memory_space<vmem>>, vector<1x16xf32>,
      %swap3A_1801 = arith.constant 8 : i32
      %swap3A_1802 = arith.index_cast %swap3A_1801 : i32 to index
      %swap3A_1803 = arith.constant 32 : index
      %swap3A_1804 = tpu.vector_load %arg21[%swap3A_1802, %swap3A_1803] {strides = array<i32>} : memref<16x128xf32, #tpu.memory_space<vmem>>, vector<1x16xf32>,
      %swap3A_1805 = vector.shape_cast %swap3A_1804 : vector<1x16xf32> to vector<16xf32>
      %swap3A_1806 = vector.shape_cast %broadcast_in_dim3A_1596 : vector<16xf32> to vector<1x16xf32>
      tpu.vector_store %arg21[%swap3A_1802, %swap3A_1803], %swap3A_1806 {strides = array<i32>} : memref<16x128xf32, #tpu.memory_space<vmem>>, vector<1x16xf32>,
      %swap3A_1807 = arith.constant 8 : i32
      %swap3A_1808 = arith.index_cast %swap3A_1807 : i32 to index
      %swap3A_1809 = arith.constant 48 : index
      %swap3A_1810 = tpu.vector_load %arg21[%swap3A_1808, %swap3A_1809] {strides = array<i32>} : memref<16x128xf32, #tpu.memory_space<vmem>>, vector<1x16xf32>,
      %swap3A_1811 = vector.shape_cast %swap3A_1810 : vector<1x16xf32> to vector<16xf32>
      %swap3A_1812 = vector.shape_cast %broadcast_in_dim3A_1596 : vector<16xf32> to vector<1x16xf32>
      tpu.vector_store %arg21[%swap3A_1808, %swap3A_1809], %swap3A_1812 {strides = array<i32>} : memref<16x128xf32, #tpu.memory_space<vmem>>, vector<1x16xf32>,
      %swap3A_1813 = arith.constant 8 : i32
      %swap3A_1814 = arith.index_cast %swap3A_1813 : i32 to index
      %swap3A_1815 = arith.constant 64 : index
      %swap3A_1816 = tpu.vector_load %arg21[%swap3A_1814, %swap3A_1815] {strides = array<i32>} : memref<16x128xf32, #tpu.memory_space<vmem>>, vector<1x16xf32>,
      %swap3A_1817 = vector.shape_cast %swap3A_1816 : vector<1x16xf32> to vector<16xf32>
      %swap3A_1818 = vector.shape_cast %broadcast_in_dim3A_1596 : vector<16xf32> to vector<1x16xf32>
      tpu.vector_store %arg21[%swap3A_1814, %swap3A_1815], %swap3A_1818 {strides = array<i32>} : memref<16x128xf32, #tpu.memory_space<vmem>>, vector<1x16xf32>,
      %swap3A_1819 = arith.constant 8 : i32
      %swap3A_1820 = arith.index_cast %swap3A_1819 : i32 to index
      %swap3A_1821 = arith.constant 80 : index
      %swap3A_1822 = tpu.vector_load %arg21[%swap3A_1820, %swap3A_1821] {strides = array<i32>} : memref<16x128xf32, #tpu.memory_space<vmem>>, vector<1x16xf32>,
      %swap3A_1823 = vector.shape_cast %swap3A_1822 : vector<1x16xf32> to vector<16xf32>
      %swap3A_1824 = vector.shape_cast %broadcast_in_dim3A_1596 : vector<16xf32> to vector<1x16xf32>
      tpu.vector_store %arg21[%swap3A_1820, %swap3A_1821], %swap3A_1824 {strides = array<i32>} : memref<16x128xf32, #tpu.memory_space<vmem>>, vector<1x16xf32>,
      %swap3A_1825 = arith.constant 8 : i32
      %swap3A_1826 = arith.index_cast %swap3A_1825 : i32 to index
      %swap3A_1827 = arith.constant 96 : index
      %swap3A_1828 = tpu.vector_load %arg21[%swap3A_1826, %swap3A_1827] {strides = array<i32>} : memref<16x128xf32, #tpu.memory_space<vmem>>, vector<1x16xf32>,
      %swap3A_1829 = vector.shape_cast %swap3A_1828 : vector<1x16xf32> to vector<16xf32>
      %swap3A_1830 = vector.shape_cast %broadcast_in_dim3A_1596 : vector<16xf32> to vector<1x16xf32>
      tpu.vector_store %arg21[%swap3A_1826, %swap3A_1827], %swap3A_1830 {strides = array<i32>} : memref<16x128xf32, #tpu.memory_space<vmem>>, vector<1x16xf32>,
      %swap3A_1831 = arith.constant 8 : i32
      %swap3A_1832 = arith.index_cast %swap3A_1831 : i32 to index
      %swap3A_1833 = arith.constant 112 : index
      %swap3A_1834 = tpu.vector_load %arg21[%swap3A_1832, %swap3A_1833] {strides = array<i32>} : memref<16x128xf32, #tpu.memory_space<vmem>>, vector<1x16xf32>,
      %swap3A_1835 = vector.shape_cast %swap3A_1834 : vector<1x16xf32> to vector<16xf32>
      %swap3A_1836 = vector.shape_cast %broadcast_in_dim3A_1596 : vector<16xf32> to vector<1x16xf32>
      tpu.vector_store %arg21[%swap3A_1832, %swap3A_1833], %swap3A_1836 {strides = array<i32>} : memref<16x128xf32, #tpu.memory_space<vmem>>, vector<1x16xf32>,
      %swap3A_1837 = arith.constant 9 : i32
      %swap3A_1838 = arith.index_cast %swap3A_1837 : i32 to index
      %swap3A_1839 = arith.constant 0 : index
      %swap3A_1840 = tpu.vector_load %arg21[%swap3A_1838, %swap3A_1839] {strides = array<i32>} : memref<16x128xf32, #tpu.memory_space<vmem>>, vector<1x16xf32>,
      %swap3A_1841 = vector.shape_cast %swap3A_1840 : vector<1x16xf32> to vector<16xf32>
      %swap3A_1842 = vector.shape_cast %broadcast_in_dim3A_1596 : vector<16xf32> to vector<1x16xf32>
      tpu.vector_store %arg21[%swap3A_1838, %swap3A_1839], %swap3A_1842 {strides = array<i32>} : memref<16x128xf32, #tpu.memory_space<vmem>>, vector<1x16xf32>,
      %swap3A_1843 = arith.constant 9 : i32
      %swap3A_1844 = arith.index_cast %swap3A_1843 : i32 to index
      %swap3A_1845 = arith.constant 16 : index
      %swap3A_1846 = tpu.vector_load %arg21[%swap3A_1844, %swap3A_1845] {strides = array<i32>} : memref<16x128xf32, #tpu.memory_space<vmem>>, vector<1x16xf32>,
      %swap3A_1847 = vector.shape_cast %swap3A_1846 : vector<1x16xf32> to vector<16xf32>
      %swap3A_1848 = vector.shape_cast %broadcast_in_dim3A_1596 : vector<16xf32> to vector<1x16xf32>
      tpu.vector_store %arg21[%swap3A_1844, %swap3A_1845], %swap3A_1848 {strides = array<i32>} : memref<16x128xf32, #tpu.memory_space<vmem>>, vector<1x16xf32>,
      %swap3A_1849 = arith.constant 9 : i32
      %swap3A_1850 = arith.index_cast %swap3A_1849 : i32 to index
      %swap3A_1851 = arith.constant 32 : index
      %swap3A_1852 = tpu.vector_load %arg21[%swap3A_1850, %swap3A_1851] {strides = array<i32>} : memref<16x128xf32, #tpu.memory_space<vmem>>, vector<1x16xf32>,
      %swap3A_1853 = vector.shape_cast %swap3A_1852 : vector<1x16xf32> to vector<16xf32>
      %swap3A_1854 = vector.shape_cast %broadcast_in_dim3A_1596 : vector<16xf32> to vector<1x16xf32>
      tpu.vector_store %arg21[%swap3A_1850, %swap3A_1851], %swap3A_1854 {strides = array<i32>} : memref<16x128xf32, #tpu.memory_space<vmem>>, vector<1x16xf32>,
      %swap3A_1855 = arith.constant 9 : i32
      %swap3A_1856 = arith.index_cast %swap3A_1855 : i32 to index
      %swap3A_1857 = arith.constant 48 : index
      %swap3A_1858 = tpu.vector_load %arg21[%swap3A_1856, %swap3A_1857] {strides = array<i32>} : memref<16x128xf32, #tpu.memory_space<vmem>>, vector<1x16xf32>,
      %swap3A_1859 = vector.shape_cast %swap3A_1858 : vector<1x16xf32> to vector<16xf32>
      %swap3A_1860 = vector.shape_cast %broadcast_in_dim3A_1596 : vector<16xf32> to vector<1x16xf32>
      tpu.vector_store %arg21[%swap3A_1856, %swap3A_1857], %swap3A_1860 {strides = array<i32>} : memref<16x128xf32, #tpu.memory_space<vmem>>, vector<1x16xf32>,
      %swap3A_1861 = arith.constant 9 : i32
      %swap3A_1862 = arith.index_cast %swap3A_1861 : i32 to index
      %swap3A_1863 = arith.constant 64 : index
      %swap3A_1864 = tpu.vector_load %arg21[%swap3A_1862, %swap3A_1863] {strides = array<i32>} : memref<16x128xf32, #tpu.memory_space<vmem>>, vector<1x16xf32>,
      %swap3A_1865 = vector.shape_cast %swap3A_1864 : vector<1x16xf32> to vector<16xf32>
      %swap3A_1866 = vector.shape_cast %broadcast_in_dim3A_1596 : vector<16xf32> to vector<1x16xf32>
      tpu.vector_store %arg21[%swap3A_1862, %swap3A_1863], %swap3A_1866 {strides = array<i32>} : memref<16x128xf32, #tpu.memory_space<vmem>>, vector<1x16xf32>,
      %swap3A_1867 = arith.constant 9 : i32
      %swap3A_1868 = arith.index_cast %swap3A_1867 : i32 to index
      %swap3A_1869 = arith.constant 80 : index
      %swap3A_1870 = tpu.vector_load %arg21[%swap3A_1868, %swap3A_1869] {strides = array<i32>} : memref<16x128xf32, #tpu.memory_space<vmem>>, vector<1x16xf32>,
      %swap3A_1871 = vector.shape_cast %swap3A_1870 : vector<1x16xf32> to vector<16xf32>
      %swap3A_1872 = vector.shape_cast %broadcast_in_dim3A_1596 : vector<16xf32> to vector<1x16xf32>
      tpu.vector_store %arg21[%swap3A_1868, %swap3A_1869], %swap3A_1872 {strides = array<i32>} : memref<16x128xf32, #tpu.memory_space<vmem>>, vector<1x16xf32>,
      %swap3A_1873 = arith.constant 9 : i32
      %swap3A_1874 = arith.index_cast %swap3A_1873 : i32 to index
      %swap3A_1875 = arith.constant 96 : index
      %swap3A_1876 = tpu.vector_load %arg21[%swap3A_1874, %swap3A_1875] {strides = array<i32>} : memref<16x128xf32, #tpu.memory_space<vmem>>, vector<1x16xf32>,
      %swap3A_1877 = vector.shape_cast %swap3A_1876 : vector<1x16xf32> to vector<16xf32>
      %swap3A_1878 = vector.shape_cast %broadcast_in_dim3A_1596 : vector<16xf32> to vector<1x16xf32>
      tpu.vector_store %arg21[%swap3A_1874, %swap3A_1875], %swap3A_1878 {strides = array<i32>} : memref<16x128xf32, #tpu.memory_space<vmem>>, vector<1x16xf32>,
      %swap3A_1879 = arith.constant 9 : i32
      %swap3A_1880 = arith.index_cast %swap3A_1879 : i32 to index
      %swap3A_1881 = arith.constant 112 : index
      %swap3A_1882 = tpu.vector_load %arg21[%swap3A_1880, %swap3A_1881] {strides = array<i32>} : memref<16x128xf32, #tpu.memory_space<vmem>>, vector<1x16xf32>,
      %swap3A_1883 = vector.shape_cast %swap3A_1882 : vector<1x16xf32> to vector<16xf32>
      %swap3A_1884 = vector.shape_cast %broadcast_in_dim3A_1596 : vector<16xf32> to vector<1x16xf32>
      tpu.vector_store %arg21[%swap3A_1880, %swap3A_1881], %swap3A_1884 {strides = array<i32>} : memref<16x128xf32, #tpu.memory_space<vmem>>, vector<1x16xf32>,
      %swap3A_1885 = arith.constant 10 : i32
      %swap3A_1886 = arith.index_cast %swap3A_1885 : i32 to index
      %swap3A_1887 = arith.constant 0 : index
      %swap3A_1888 = tpu.vector_load %arg21[%swap3A_1886, %swap3A_1887] {strides = array<i32>} : memref<16x128xf32, #tpu.memory_space<vmem>>, vector<1x16xf32>,
      %swap3A_1889 = vector.shape_cast %swap3A_1888 : vector<1x16xf32> to vector<16xf32>
      %swap3A_1890 = vector.shape_cast %broadcast_in_dim3A_1596 : vector<16xf32> to vector<1x16xf32>
      tpu.vector_store %arg21[%swap3A_1886, %swap3A_1887], %swap3A_1890 {strides = array<i32>} : memref<16x128xf32, #tpu.memory_space<vmem>>, vector<1x16xf32>,
      %swap3A_1891 = arith.constant 10 : i32
      %swap3A_1892 = arith.index_cast %swap3A_1891 : i32 to index
      %swap3A_1893 = arith.constant 16 : index
      %swap3A_1894 = tpu.vector_load %arg21[%swap3A_1892, %swap3A_1893] {strides = array<i32>} : memref<16x128xf32, #tpu.memory_space<vmem>>, vector<1x16xf32>,
      %swap3A_1895 = vector.shape_cast %swap3A_1894 : vector<1x16xf32> to vector<16xf32>
      %swap3A_1896 = vector.shape_cast %broadcast_in_dim3A_1596 : vector<16xf32> to vector<1x16xf32>
      tpu.vector_store %arg21[%swap3A_1892, %swap3A_1893], %swap3A_1896 {strides = array<i32>} : memref<16x128xf32, #tpu.memory_space<vmem>>, vector<1x16xf32>,
      %swap3A_1897 = arith.constant 10 : i32
      %swap3A_1898 = arith.index_cast %swap3A_1897 : i32 to index
      %swap3A_1899 = arith.constant 32 : index
      %swap3A_1900 = tpu.vector_load %arg21[%swap3A_1898, %swap3A_1899] {strides = array<i32>} : memref<16x128xf32, #tpu.memory_space<vmem>>, vector<1x16xf32>,
      %swap3A_1901 = vector.shape_cast %swap3A_1900 : vector<1x16xf32> to vector<16xf32>
      %swap3A_1902 = vector.shape_cast %broadcast_in_dim3A_1596 : vector<16xf32> to vector<1x16xf32>
      tpu.vector_store %arg21[%swap3A_1898, %swap3A_1899], %swap3A_1902 {strides = array<i32>} : memref<16x128xf32, #tpu.memory_space<vmem>>, vector<1x16xf32>,
      %swap3A_1903 = arith.constant 10 : i32
      %swap3A_1904 = arith.index_cast %swap3A_1903 : i32 to index
      %swap3A_1905 = arith.constant 48 : index
      %swap3A_1906 = tpu.vector_load %arg21[%swap3A_1904, %swap3A_1905] {strides = array<i32>} : memref<16x128xf32, #tpu.memory_space<vmem>>, vector<1x16xf32>,
      %swap3A_1907 = vector.shape_cast %swap3A_1906 : vector<1x16xf32> to vector<16xf32>
      %swap3A_1908 = vector.shape_cast %broadcast_in_dim3A_1596 : vector<16xf32> to vector<1x16xf32>
      tpu.vector_store %arg21[%swap3A_1904, %swap3A_1905], %swap3A_1908 {strides = array<i32>} : memref<16x128xf32, #tpu.memory_space<vmem>>, vector<1x16xf32>,
      %swap3A_1909 = arith.constant 10 : i32
      %swap3A_1910 = arith.index_cast %swap3A_1909 : i32 to index
      %swap3A_1911 = arith.constant 64 : index
      %swap3A_1912 = tpu.vector_load %arg21[%swap3A_1910, %swap3A_1911] {strides = array<i32>} : memref<16x128xf32, #tpu.memory_space<vmem>>, vector<1x16xf32>,
      %swap3A_1913 = vector.shape_cast %swap3A_1912 : vector<1x16xf32> to vector<16xf32>
      %swap3A_1914 = vector.shape_cast %broadcast_in_dim3A_1596 : vector<16xf32> to vector<1x16xf32>
      tpu.vector_store %arg21[%swap3A_1910, %swap3A_1911], %swap3A_1914 {strides = array<i32>} : memref<16x128xf32, #tpu.memory_space<vmem>>, vector<1x16xf32>,
      %swap3A_1915 = arith.constant 10 : i32
      %swap3A_1916 = arith.index_cast %swap3A_1915 : i32 to index
      %swap3A_1917 = arith.constant 80 : index
      %swap3A_1918 = tpu.vector_load %arg21[%swap3A_1916, %swap3A_1917] {strides = array<i32>} : memref<16x128xf32, #tpu.memory_space<vmem>>, vector<1x16xf32>,
      %swap3A_1919 = vector.shape_cast %swap3A_1918 : vector<1x16xf32> to vector<16xf32>
      %swap3A_1920 = vector.shape_cast %broadcast_in_dim3A_1596 : vector<16xf32> to vector<1x16xf32>
      tpu.vector_store %arg21[%swap3A_1916, %swap3A_1917], %swap3A_1920 {strides = array<i32>} : memref<16x128xf32, #tpu.memory_space<vmem>>, vector<1x16xf32>,
      %swap3A_1921 = arith.constant 10 : i32
      %swap3A_1922 = arith.index_cast %swap3A_1921 : i32 to index
      %swap3A_1923 = arith.constant 96 : index
      %swap3A_1924 = tpu.vector_load %arg21[%swap3A_1922, %swap3A_1923] {strides = array<i32>} : memref<16x128xf32, #tpu.memory_space<vmem>>, vector<1x16xf32>,
      %swap3A_1925 = vector.shape_cast %swap3A_1924 : vector<1x16xf32> to vector<16xf32>
      %swap3A_1926 = vector.shape_cast %broadcast_in_dim3A_1596 : vector<16xf32> to vector<1x16xf32>
      tpu.vector_store %arg21[%swap3A_1922, %swap3A_1923], %swap3A_1926 {strides = array<i32>} : memref<16x128xf32, #tpu.memory_space<vmem>>, vector<1x16xf32>,
      %swap3A_1927 = arith.constant 10 : i32
      %swap3A_1928 = arith.index_cast %swap3A_1927 : i32 to index
      %swap3A_1929 = arith.constant 112 : index
      %swap3A_1930 = tpu.vector_load %arg21[%swap3A_1928, %swap3A_1929] {strides = array<i32>} : memref<16x128xf32, #tpu.memory_space<vmem>>, vector<1x16xf32>,
      %swap3A_1931 = vector.shape_cast %swap3A_1930 : vector<1x16xf32> to vector<16xf32>
      %swap3A_1932 = vector.shape_cast %broadcast_in_dim3A_1596 : vector<16xf32> to vector<1x16xf32>
      tpu.vector_store %arg21[%swap3A_1928, %swap3A_1929], %swap3A_1932 {strides = array<i32>} : memref<16x128xf32, #tpu.memory_space<vmem>>, vector<1x16xf32>,
      %swap3A_1933 = arith.constant 11 : i32
      %swap3A_1934 = arith.index_cast %swap3A_1933 : i32 to index
      %swap3A_1935 = arith.constant 0 : index
      %swap3A_1936 = tpu.vector_load %arg21[%swap3A_1934, %swap3A_1935] {strides = array<i32>} : memref<16x128xf32, #tpu.memory_space<vmem>>, vector<1x16xf32>,
      %swap3A_1937 = vector.shape_cast %swap3A_1936 : vector<1x16xf32> to vector<16xf32>
      %swap3A_1938 = vector.shape_cast %broadcast_in_dim3A_1596 : vector<16xf32> to vector<1x16xf32>
      tpu.vector_store %arg21[%swap3A_1934, %swap3A_1935], %swap3A_1938 {strides = array<i32>} : memref<16x128xf32, #tpu.memory_space<vmem>>, vector<1x16xf32>,
      %swap3A_1939 = arith.constant 11 : i32
      %swap3A_1940 = arith.index_cast %swap3A_1939 : i32 to index
      %swap3A_1941 = arith.constant 16 : index
      %swap3A_1942 = tpu.vector_load %arg21[%swap3A_1940, %swap3A_1941] {strides = array<i32>} : memref<16x128xf32, #tpu.memory_space<vmem>>, vector<1x16xf32>,
      %swap3A_1943 = vector.shape_cast %swap3A_1942 : vector<1x16xf32> to vector<16xf32>
      %swap3A_1944 = vector.shape_cast %broadcast_in_dim3A_1596 : vector<16xf32> to vector<1x16xf32>
      tpu.vector_store %arg21[%swap3A_1940, %swap3A_1941], %swap3A_1944 {strides = array<i32>} : memref<16x128xf32, #tpu.memory_space<vmem>>, vector<1x16xf32>,
      %swap3A_1945 = arith.constant 11 : i32
      %swap3A_1946 = arith.index_cast %swap3A_1945 : i32 to index
      %swap3A_1947 = arith.constant 32 : index
      %swap3A_1948 = tpu.vector_load %arg21[%swap3A_1946, %swap3A_1947] {strides = array<i32>} : memref<16x128xf32, #tpu.memory_space<vmem>>, vector<1x16xf32>,
      %swap3A_1949 = vector.shape_cast %swap3A_1948 : vector<1x16xf32> to vector<16xf32>
      %swap3A_1950 = vector.shape_cast %broadcast_in_dim3A_1596 : vector<16xf32> to vector<1x16xf32>
      tpu.vector_store %arg21[%swap3A_1946, %swap3A_1947], %swap3A_1950 {strides = array<i32>} : memref<16x128xf32, #tpu.memory_space<vmem>>, vector<1x16xf32>,
      %swap3A_1951 = arith.constant 11 : i32
      %swap3A_1952 = arith.index_cast %swap3A_1951 : i32 to index
      %swap3A_1953 = arith.constant 48 : index
      %swap3A_1954 = tpu.vector_load %arg21[%swap3A_1952, %swap3A_1953] {strides = array<i32>} : memref<16x128xf32, #tpu.memory_space<vmem>>, vector<1x16xf32>,
      %swap3A_1955 = vector.shape_cast %swap3A_1954 : vector<1x16xf32> to vector<16xf32>
      %swap3A_1956 = vector.shape_cast %broadcast_in_dim3A_1596 : vector<16xf32> to vector<1x16xf32>
      tpu.vector_store %arg21[%swap3A_1952, %swap3A_1953], %swap3A_1956 {strides = array<i32>} : memref<16x128xf32, #tpu.memory_space<vmem>>, vector<1x16xf32>,
      %swap3A_1957 = arith.constant 11 : i32
      %swap3A_1958 = arith.index_cast %swap3A_1957 : i32 to index
      %swap3A_1959 = arith.constant 64 : index
      %swap3A_1960 = tpu.vector_load %arg21[%swap3A_1958, %swap3A_1959] {strides = array<i32>} : memref<16x128xf32, #tpu.memory_space<vmem>>, vector<1x16xf32>,
      %swap3A_1961 = vector.shape_cast %swap3A_1960 : vector<1x16xf32> to vector<16xf32>
      %swap3A_1962 = vector.shape_cast %broadcast_in_dim3A_1596 : vector<16xf32> to vector<1x16xf32>
      tpu.vector_store %arg21[%swap3A_1958, %swap3A_1959], %swap3A_1962 {strides = array<i32>} : memref<16x128xf32, #tpu.memory_space<vmem>>, vector<1x16xf32>,
      %swap3A_1963 = arith.constant 11 : i32
      %swap3A_1964 = arith.index_cast %swap3A_1963 : i32 to index
      %swap3A_1965 = arith.constant 80 : index
      %swap3A_1966 = tpu.vector_load %arg21[%swap3A_1964, %swap3A_1965] {strides = array<i32>} : memref<16x128xf32, #tpu.memory_space<vmem>>, vector<1x16xf32>,
      %swap3A_1967 = vector.shape_cast %swap3A_1966 : vector<1x16xf32> to vector<16xf32>
      %swap3A_1968 = vector.shape_cast %broadcast_in_dim3A_1596 : vector<16xf32> to vector<1x16xf32>
      tpu.vector_store %arg21[%swap3A_1964, %swap3A_1965], %swap3A_1968 {strides = array<i32>} : memref<16x128xf32, #tpu.memory_space<vmem>>, vector<1x16xf32>,
      %swap3A_1969 = arith.constant 11 : i32
      %swap3A_1970 = arith.index_cast %swap3A_1969 : i32 to index
      %swap3A_1971 = arith.constant 96 : index
      %swap3A_1972 = tpu.vector_load %arg21[%swap3A_1970, %swap3A_1971] {strides = array<i32>} : memref<16x128xf32, #tpu.memory_space<vmem>>, vector<1x16xf32>,
      %swap3A_1973 = vector.shape_cast %swap3A_1972 : vector<1x16xf32> to vector<16xf32>
      %swap3A_1974 = vector.shape_cast %broadcast_in_dim3A_1596 : vector<16xf32> to vector<1x16xf32>
      tpu.vector_store %arg21[%swap3A_1970, %swap3A_1971], %swap3A_1974 {strides = array<i32>} : memref<16x128xf32, #tpu.memory_space<vmem>>, vector<1x16xf32>,
      %swap3A_1975 = arith.constant 11 : i32
      %swap3A_1976 = arith.index_cast %swap3A_1975 : i32 to index
      %swap3A_1977 = arith.constant 112 : index
      %swap3A_1978 = tpu.vector_load %arg21[%swap3A_1976, %swap3A_1977] {strides = array<i32>} : memref<16x128xf32, #tpu.memory_space<vmem>>, vector<1x16xf32>,
      %swap3A_1979 = vector.shape_cast %swap3A_1978 : vector<1x16xf32> to vector<16xf32>
      %swap3A_1980 = vector.shape_cast %broadcast_in_dim3A_1596 : vector<16xf32> to vector<1x16xf32>
      tpu.vector_store %arg21[%swap3A_1976, %swap3A_1977], %swap3A_1980 {strides = array<i32>} : memref<16x128xf32, #tpu.memory_space<vmem>>, vector<1x16xf32>,
      %swap3A_1981 = arith.constant 12 : i32
      %swap3A_1982 = arith.index_cast %swap3A_1981 : i32 to index
      %swap3A_1983 = arith.constant 0 : index
      %swap3A_1984 = tpu.vector_load %arg21[%swap3A_1982, %swap3A_1983] {strides = array<i32>} : memref<16x128xf32, #tpu.memory_space<vmem>>, vector<1x16xf32>,
      %swap3A_1985 = vector.shape_cast %swap3A_1984 : vector<1x16xf32> to vector<16xf32>
      %swap3A_1986 = vector.shape_cast %broadcast_in_dim3A_1596 : vector<16xf32> to vector<1x16xf32>
      tpu.vector_store %arg21[%swap3A_1982, %swap3A_1983], %swap3A_1986 {strides = array<i32>} : memref<16x128xf32, #tpu.memory_space<vmem>>, vector<1x16xf32>,
      %swap3A_1987 = arith.constant 12 : i32
      %swap3A_1988 = arith.index_cast %swap3A_1987 : i32 to index
      %swap3A_1989 = arith.constant 16 : index
      %swap3A_1990 = tpu.vector_load %arg21[%swap3A_1988, %swap3A_1989] {strides = array<i32>} : memref<16x128xf32, #tpu.memory_space<vmem>>, vector<1x16xf32>,
      %swap3A_1991 = vector.shape_cast %swap3A_1990 : vector<1x16xf32> to vector<16xf32>
      %swap3A_1992 = vector.shape_cast %broadcast_in_dim3A_1596 : vector<16xf32> to vector<1x16xf32>
      tpu.vector_store %arg21[%swap3A_1988, %swap3A_1989], %swap3A_1992 {strides = array<i32>} : memref<16x128xf32, #tpu.memory_space<vmem>>, vector<1x16xf32>,
      %swap3A_1993 = arith.constant 12 : i32
      %swap3A_1994 = arith.index_cast %swap3A_1993 : i32 to index
      %swap3A_1995 = arith.constant 32 : index
      %swap3A_1996 = tpu.vector_load %arg21[%swap3A_1994, %swap3A_1995] {strides = array<i32>} : memref<16x128xf32, #tpu.memory_space<vmem>>, vector<1x16xf32>,
      %swap3A_1997 = vector.shape_cast %swap3A_1996 : vector<1x16xf32> to vector<16xf32>
      %swap3A_1998 = vector.shape_cast %broadcast_in_dim3A_1596 : vector<16xf32> to vector<1x16xf32>
      tpu.vector_store %arg21[%swap3A_1994, %swap3A_1995], %swap3A_1998 {strides = array<i32>} : memref<16x128xf32, #tpu.memory_space<vmem>>, vector<1x16xf32>,
      %swap3A_1999 = arith.constant 12 : i32
      %swap3A_2000 = arith.index_cast %swap3A_1999 : i32 to index
      %swap3A_2001 = arith.constant 48 : index
      %swap3A_2002 = tpu.vector_load %arg21[%swap3A_2000, %swap3A_2001] {strides = array<i32>} : memref<16x128xf32, #tpu.memory_space<vmem>>, vector<1x16xf32>,
      %swap3A_2003 = vector.shape_cast %swap3A_2002 : vector<1x16xf32> to vector<16xf32>
      %swap3A_2004 = vector.shape_cast %broadcast_in_dim3A_1596 : vector<16xf32> to vector<1x16xf32>
      tpu.vector_store %arg21[%swap3A_2000, %swap3A_2001], %swap3A_2004 {strides = array<i32>} : memref<16x128xf32, #tpu.memory_space<vmem>>, vector<1x16xf32>,
      %swap3A_2005 = arith.constant 12 : i32
      %swap3A_2006 = arith.index_cast %swap3A_2005 : i32 to index
      %swap3A_2007 = arith.constant 64 : index
      %swap3A_2008 = tpu.vector_load %arg21[%swap3A_2006, %swap3A_2007] {strides = array<i32>} : memref<16x128xf32, #tpu.memory_space<vmem>>, vector<1x16xf32>,
      %swap3A_2009 = vector.shape_cast %swap3A_2008 : vector<1x16xf32> to vector<16xf32>
      %swap3A_2010 = vector.shape_cast %broadcast_in_dim3A_1596 : vector<16xf32> to vector<1x16xf32>
      tpu.vector_store %arg21[%swap3A_2006, %swap3A_2007], %swap3A_2010 {strides = array<i32>} : memref<16x128xf32, #tpu.memory_space<vmem>>, vector<1x16xf32>,
      %swap3A_2011 = arith.constant 12 : i32
      %swap3A_2012 = arith.index_cast %swap3A_2011 : i32 to index
      %swap3A_2013 = arith.constant 80 : index
      %swap3A_2014 = tpu.vector_load %arg21[%swap3A_2012, %swap3A_2013] {strides = array<i32>} : memref<16x128xf32, #tpu.memory_space<vmem>>, vector<1x16xf32>,
      %swap3A_2015 = vector.shape_cast %swap3A_2014 : vector<1x16xf32> to vector<16xf32>
      %swap3A_2016 = vector.shape_cast %broadcast_in_dim3A_1596 : vector<16xf32> to vector<1x16xf32>
      tpu.vector_store %arg21[%swap3A_2012, %swap3A_2013], %swap3A_2016 {strides = array<i32>} : memref<16x128xf32, #tpu.memory_space<vmem>>, vector<1x16xf32>,
      %swap3A_2017 = arith.constant 12 : i32
      %swap3A_2018 = arith.index_cast %swap3A_2017 : i32 to index
      %swap3A_2019 = arith.constant 96 : index
      %swap3A_2020 = tpu.vector_load %arg21[%swap3A_2018, %swap3A_2019] {strides = array<i32>} : memref<16x128xf32, #tpu.memory_space<vmem>>, vector<1x16xf32>,
      %swap3A_2021 = vector.shape_cast %swap3A_2020 : vector<1x16xf32> to vector<16xf32>
      %swap3A_2022 = vector.shape_cast %broadcast_in_dim3A_1596 : vector<16xf32> to vector<1x16xf32>
      tpu.vector_store %arg21[%swap3A_2018, %swap3A_2019], %swap3A_2022 {strides = array<i32>} : memref<16x128xf32, #tpu.memory_space<vmem>>, vector<1x16xf32>,
      %swap3A_2023 = arith.constant 12 : i32
      %swap3A_2024 = arith.index_cast %swap3A_2023 : i32 to index
      %swap3A_2025 = arith.constant 112 : index
      %swap3A_2026 = tpu.vector_load %arg21[%swap3A_2024, %swap3A_2025] {strides = array<i32>} : memref<16x128xf32, #tpu.memory_space<vmem>>, vector<1x16xf32>,
      %swap3A_2027 = vector.shape_cast %swap3A_2026 : vector<1x16xf32> to vector<16xf32>
      %swap3A_2028 = vector.shape_cast %broadcast_in_dim3A_1596 : vector<16xf32> to vector<1x16xf32>
      tpu.vector_store %arg21[%swap3A_2024, %swap3A_2025], %swap3A_2028 {strides = array<i32>} : memref<16x128xf32, #tpu.memory_space<vmem>>, vector<1x16xf32>,
      %swap3A_2029 = arith.constant 13 : i32
      %swap3A_2030 = arith.index_cast %swap3A_2029 : i32 to index
      %swap3A_2031 = arith.constant 0 : index
      %swap3A_2032 = tpu.vector_load %arg21[%swap3A_2030, %swap3A_2031] {strides = array<i32>} : memref<16x128xf32, #tpu.memory_space<vmem>>, vector<1x16xf32>,
      %swap3A_2033 = vector.shape_cast %swap3A_2032 : vector<1x16xf32> to vector<16xf32>
      %swap3A_2034 = vector.shape_cast %broadcast_in_dim3A_1596 : vector<16xf32> to vector<1x16xf32>
      tpu.vector_store %arg21[%swap3A_2030, %swap3A_2031], %swap3A_2034 {strides = array<i32>} : memref<16x128xf32, #tpu.memory_space<vmem>>, vector<1x16xf32>,
      %swap3A_2035 = arith.constant 13 : i32
      %swap3A_2036 = arith.index_cast %swap3A_2035 : i32 to index
      %swap3A_2037 = arith.constant 16 : index
      %swap3A_2038 = tpu.vector_load %arg21[%swap3A_2036, %swap3A_2037] {strides = array<i32>} : memref<16x128xf32, #tpu.memory_space<vmem>>, vector<1x16xf32>,
      %swap3A_2039 = vector.shape_cast %swap3A_2038 : vector<1x16xf32> to vector<16xf32>
      %swap3A_2040 = vector.shape_cast %broadcast_in_dim3A_1596 : vector<16xf32> to vector<1x16xf32>
      tpu.vector_store %arg21[%swap3A_2036, %swap3A_2037], %swap3A_2040 {strides = array<i32>} : memref<16x128xf32, #tpu.memory_space<vmem>>, vector<1x16xf32>,
      %swap3A_2041 = arith.constant 13 : i32
      %swap3A_2042 = arith.index_cast %swap3A_2041 : i32 to index
      %swap3A_2043 = arith.constant 32 : index
      %swap3A_2044 = tpu.vector_load %arg21[%swap3A_2042, %swap3A_2043] {strides = array<i32>} : memref<16x128xf32, #tpu.memory_space<vmem>>, vector<1x16xf32>,
      %swap3A_2045 = vector.shape_cast %swap3A_2044 : vector<1x16xf32> to vector<16xf32>
      %swap3A_2046 = vector.shape_cast %broadcast_in_dim3A_1596 : vector<16xf32> to vector<1x16xf32>
      tpu.vector_store %arg21[%swap3A_2042, %swap3A_2043], %swap3A_2046 {strides = array<i32>} : memref<16x128xf32, #tpu.memory_space<vmem>>, vector<1x16xf32>,
      %swap3A_2047 = arith.constant 13 : i32
      %swap3A_2048 = arith.index_cast %swap3A_2047 : i32 to index
      %swap3A_2049 = arith.constant 48 : index
      %swap3A_2050 = tpu.vector_load %arg21[%swap3A_2048, %swap3A_2049] {strides = array<i32>} : memref<16x128xf32, #tpu.memory_space<vmem>>, vector<1x16xf32>,
      %swap3A_2051 = vector.shape_cast %swap3A_2050 : vector<1x16xf32> to vector<16xf32>
      %swap3A_2052 = vector.shape_cast %broadcast_in_dim3A_1596 : vector<16xf32> to vector<1x16xf32>
      tpu.vector_store %arg21[%swap3A_2048, %swap3A_2049], %swap3A_2052 {strides = array<i32>} : memref<16x128xf32, #tpu.memory_space<vmem>>, vector<1x16xf32>,
      %swap3A_2053 = arith.constant 13 : i32
      %swap3A_2054 = arith.index_cast %swap3A_2053 : i32 to index
      %swap3A_2055 = arith.constant 64 : index
      %swap3A_2056 = tpu.vector_load %arg21[%swap3A_2054, %swap3A_2055] {strides = array<i32>} : memref<16x128xf32, #tpu.memory_space<vmem>>, vector<1x16xf32>,
      %swap3A_2057 = vector.shape_cast %swap3A_2056 : vector<1x16xf32> to vector<16xf32>
      %swap3A_2058 = vector.shape_cast %broadcast_in_dim3A_1596 : vector<16xf32> to vector<1x16xf32>
      tpu.vector_store %arg21[%swap3A_2054, %swap3A_2055], %swap3A_2058 {strides = array<i32>} : memref<16x128xf32, #tpu.memory_space<vmem>>, vector<1x16xf32>,
      %swap3A_2059 = arith.constant 13 : i32
      %swap3A_2060 = arith.index_cast %swap3A_2059 : i32 to index
      %swap3A_2061 = arith.constant 80 : index
      %swap3A_2062 = tpu.vector_load %arg21[%swap3A_2060, %swap3A_2061] {strides = array<i32>} : memref<16x128xf32, #tpu.memory_space<vmem>>, vector<1x16xf32>,
      %swap3A_2063 = vector.shape_cast %swap3A_2062 : vector<1x16xf32> to vector<16xf32>
      %swap3A_2064 = vector.shape_cast %broadcast_in_dim3A_1596 : vector<16xf32> to vector<1x16xf32>
      tpu.vector_store %arg21[%swap3A_2060, %swap3A_2061], %swap3A_2064 {strides = array<i32>} : memref<16x128xf32, #tpu.memory_space<vmem>>, vector<1x16xf32>,
      %swap3A_2065 = arith.constant 13 : i32
      %swap3A_2066 = arith.index_cast %swap3A_2065 : i32 to index
      %swap3A_2067 = arith.constant 96 : index
      %swap3A_2068 = tpu.vector_load %arg21[%swap3A_2066, %swap3A_2067] {strides = array<i32>} : memref<16x128xf32, #tpu.memory_space<vmem>>, vector<1x16xf32>,
      %swap3A_2069 = vector.shape_cast %swap3A_2068 : vector<1x16xf32> to vector<16xf32>
      %swap3A_2070 = vector.shape_cast %broadcast_in_dim3A_1596 : vector<16xf32> to vector<1x16xf32>
      tpu.vector_store %arg21[%swap3A_2066, %swap3A_2067], %swap3A_2070 {strides = array<i32>} : memref<16x128xf32, #tpu.memory_space<vmem>>, vector<1x16xf32>,
      %swap3A_2071 = arith.constant 13 : i32
      %swap3A_2072 = arith.index_cast %swap3A_2071 : i32 to index
      %swap3A_2073 = arith.constant 112 : index
      %swap3A_2074 = tpu.vector_load %arg21[%swap3A_2072, %swap3A_2073] {strides = array<i32>} : memref<16x128xf32, #tpu.memory_space<vmem>>, vector<1x16xf32>,
      %swap3A_2075 = vector.shape_cast %swap3A_2074 : vector<1x16xf32> to vector<16xf32>
      %swap3A_2076 = vector.shape_cast %broadcast_in_dim3A_1596 : vector<16xf32> to vector<1x16xf32>
      tpu.vector_store %arg21[%swap3A_2072, %swap3A_2073], %swap3A_2076 {strides = array<i32>} : memref<16x128xf32, #tpu.memory_space<vmem>>, vector<1x16xf32>,
      %swap3A_2077 = arith.constant 14 : i32
      %swap3A_2078 = arith.index_cast %swap3A_2077 : i32 to index
      %swap3A_2079 = arith.constant 0 : index
      %swap3A_2080 = tpu.vector_load %arg21[%swap3A_2078, %swap3A_2079] {strides = array<i32>} : memref<16x128xf32, #tpu.memory_space<vmem>>, vector<1x16xf32>,
      %swap3A_2081 = vector.shape_cast %swap3A_2080 : vector<1x16xf32> to vector<16xf32>
      %swap3A_2082 = vector.shape_cast %broadcast_in_dim3A_1596 : vector<16xf32> to vector<1x16xf32>
      tpu.vector_store %arg21[%swap3A_2078, %swap3A_2079], %swap3A_2082 {strides = array<i32>} : memref<16x128xf32, #tpu.memory_space<vmem>>, vector<1x16xf32>,
      %swap3A_2083 = arith.constant 14 : i32
      %swap3A_2084 = arith.index_cast %swap3A_2083 : i32 to index
      %swap3A_2085 = arith.constant 16 : index
      %swap3A_2086 = tpu.vector_load %arg21[%swap3A_2084, %swap3A_2085] {strides = array<i32>} : memref<16x128xf32, #tpu.memory_space<vmem>>, vector<1x16xf32>,
      %swap3A_2087 = vector.shape_cast %swap3A_2086 : vector<1x16xf32> to vector<16xf32>
      %swap3A_2088 = vector.shape_cast %broadcast_in_dim3A_1596 : vector<16xf32> to vector<1x16xf32>
      tpu.vector_store %arg21[%swap3A_2084, %swap3A_2085], %swap3A_2088 {strides = array<i32>} : memref<16x128xf32, #tpu.memory_space<vmem>>, vector<1x16xf32>,
      %swap3A_2089 = arith.constant 14 : i32
      %swap3A_2090 = arith.index_cast %swap3A_2089 : i32 to index
      %swap3A_2091 = arith.constant 32 : index
      %swap3A_2092 = tpu.vector_load %arg21[%swap3A_2090, %swap3A_2091] {strides = array<i32>} : memref<16x128xf32, #tpu.memory_space<vmem>>, vector<1x16xf32>,
      %swap3A_2093 = vector.shape_cast %swap3A_2092 : vector<1x16xf32> to vector<16xf32>
      %swap3A_2094 = vector.shape_cast %broadcast_in_dim3A_1596 : vector<16xf32> to vector<1x16xf32>
      tpu.vector_store %arg21[%swap3A_2090, %swap3A_2091], %swap3A_2094 {strides = array<i32>} : memref<16x128xf32, #tpu.memory_space<vmem>>, vector<1x16xf32>,
      %swap3A_2095 = arith.constant 14 : i32
      %swap3A_2096 = arith.index_cast %swap3A_2095 : i32 to index
      %swap3A_2097 = arith.constant 48 : index
      %swap3A_2098 = tpu.vector_load %arg21[%swap3A_2096, %swap3A_2097] {strides = array<i32>} : memref<16x128xf32, #tpu.memory_space<vmem>>, vector<1x16xf32>,
      %swap3A_2099 = vector.shape_cast %swap3A_2098 : vector<1x16xf32> to vector<16xf32>
      %swap3A_2100 = vector.shape_cast %broadcast_in_dim3A_1596 : vector<16xf32> to vector<1x16xf32>
      tpu.vector_store %arg21[%swap3A_2096, %swap3A_2097], %swap3A_2100 {strides = array<i32>} : memref<16x128xf32, #tpu.memory_space<vmem>>, vector<1x16xf32>,
      %swap3A_2101 = arith.constant 14 : i32
      %swap3A_2102 = arith.index_cast %swap3A_2101 : i32 to index
      %swap3A_2103 = arith.constant 64 : index
      %swap3A_2104 = tpu.vector_load %arg21[%swap3A_2102, %swap3A_2103] {strides = array<i32>} : memref<16x128xf32, #tpu.memory_space<vmem>>, vector<1x16xf32>,
      %swap3A_2105 = vector.shape_cast %swap3A_2104 : vector<1x16xf32> to vector<16xf32>
      %swap3A_2106 = vector.shape_cast %broadcast_in_dim3A_1596 : vector<16xf32> to vector<1x16xf32>
      tpu.vector_store %arg21[%swap3A_2102, %swap3A_2103], %swap3A_2106 {strides = array<i32>} : memref<16x128xf32, #tpu.memory_space<vmem>>, vector<1x16xf32>,
      %swap3A_2107 = arith.constant 14 : i32
      %swap3A_2108 = arith.index_cast %swap3A_2107 : i32 to index
      %swap3A_2109 = arith.constant 80 : index
      %swap3A_2110 = tpu.vector_load %arg21[%swap3A_2108, %swap3A_2109] {strides = array<i32>} : memref<16x128xf32, #tpu.memory_space<vmem>>, vector<1x16xf32>,
      %swap3A_2111 = vector.shape_cast %swap3A_2110 : vector<1x16xf32> to vector<16xf32>
      %swap3A_2112 = vector.shape_cast %broadcast_in_dim3A_1596 : vector<16xf32> to vector<1x16xf32>
      tpu.vector_store %arg21[%swap3A_2108, %swap3A_2109], %swap3A_2112 {strides = array<i32>} : memref<16x128xf32, #tpu.memory_space<vmem>>, vector<1x16xf32>,
      %swap3A_2113 = arith.constant 14 : i32
      %swap3A_2114 = arith.index_cast %swap3A_2113 : i32 to index
      %swap3A_2115 = arith.constant 96 : index
      %swap3A_2116 = tpu.vector_load %arg21[%swap3A_2114, %swap3A_2115] {strides = array<i32>} : memref<16x128xf32, #tpu.memory_space<vmem>>, vector<1x16xf32>,
      %swap3A_2117 = vector.shape_cast %swap3A_2116 : vector<1x16xf32> to vector<16xf32>
      %swap3A_2118 = vector.shape_cast %broadcast_in_dim3A_1596 : vector<16xf32> to vector<1x16xf32>
      tpu.vector_store %arg21[%swap3A_2114, %swap3A_2115], %swap3A_2118 {strides = array<i32>} : memref<16x128xf32, #tpu.memory_space<vmem>>, vector<1x16xf32>,
      %swap3A_2119 = arith.constant 14 : i32
      %swap3A_2120 = arith.index_cast %swap3A_2119 : i32 to index
      %swap3A_2121 = arith.constant 112 : index
      %swap3A_2122 = tpu.vector_load %arg21[%swap3A_2120, %swap3A_2121] {strides = array<i32>} : memref<16x128xf32, #tpu.memory_space<vmem>>, vector<1x16xf32>,
      %swap3A_2123 = vector.shape_cast %swap3A_2122 : vector<1x16xf32> to vector<16xf32>
      %swap3A_2124 = vector.shape_cast %broadcast_in_dim3A_1596 : vector<16xf32> to vector<1x16xf32>
      tpu.vector_store %arg21[%swap3A_2120, %swap3A_2121], %swap3A_2124 {strides = array<i32>} : memref<16x128xf32, #tpu.memory_space<vmem>>, vector<1x16xf32>,
      %swap3A_2125 = arith.constant 15 : i32
      %swap3A_2126 = arith.index_cast %swap3A_2125 : i32 to index
      %swap3A_2127 = arith.constant 0 : index
      %swap3A_2128 = tpu.vector_load %arg21[%swap3A_2126, %swap3A_2127] {strides = array<i32>} : memref<16x128xf32, #tpu.memory_space<vmem>>, vector<1x16xf32>,
      %swap3A_2129 = vector.shape_cast %swap3A_2128 : vector<1x16xf32> to vector<16xf32>
      %swap3A_2130 = vector.shape_cast %broadcast_in_dim3A_1596 : vector<16xf32> to vector<1x16xf32>
      tpu.vector_store %arg21[%swap3A_2126, %swap3A_2127], %swap3A_2130 {strides = array<i32>} : memref<16x128xf32, #tpu.memory_space<vmem>>, vector<1x16xf32>,
      %swap3A_2131 = arith.constant 15 : i32
      %swap3A_2132 = arith.index_cast %swap3A_2131 : i32 to index
      %swap3A_2133 = arith.constant 16 : index
      %swap3A_2134 = tpu.vector_load %arg21[%swap3A_2132, %swap3A_2133] {strides = array<i32>} : memref<16x128xf32, #tpu.memory_space<vmem>>, vector<1x16xf32>,
      %swap3A_2135 = vector.shape_cast %swap3A_2134 : vector<1x16xf32> to vector<16xf32>
      %swap3A_2136 = vector.shape_cast %broadcast_in_dim3A_1596 : vector<16xf32> to vector<1x16xf32>
      tpu.vector_store %arg21[%swap3A_2132, %swap3A_2133], %swap3A_2136 {strides = array<i32>} : memref<16x128xf32, #tpu.memory_space<vmem>>, vector<1x16xf32>,
      %swap3A_2137 = arith.constant 15 : i32
      %swap3A_2138 = arith.index_cast %swap3A_2137 : i32 to index
      %swap3A_2139 = arith.constant 32 : index
      %swap3A_2140 = tpu.vector_load %arg21[%swap3A_2138, %swap3A_2139] {strides = array<i32>} : memref<16x128xf32, #tpu.memory_space<vmem>>, vector<1x16xf32>,
      %swap3A_2141 = vector.shape_cast %swap3A_2140 : vector<1x16xf32> to vector<16xf32>
      %swap3A_2142 = vector.shape_cast %broadcast_in_dim3A_1596 : vector<16xf32> to vector<1x16xf32>
      tpu.vector_store %arg21[%swap3A_2138, %swap3A_2139], %swap3A_2142 {strides = array<i32>} : memref<16x128xf32, #tpu.memory_space<vmem>>, vector<1x16xf32>,
      %swap3A_2143 = arith.constant 15 : i32
      %swap3A_2144 = arith.index_cast %swap3A_2143 : i32 to index
      %swap3A_2145 = arith.constant 48 : index
      %swap3A_2146 = tpu.vector_load %arg21[%swap3A_2144, %swap3A_2145] {strides = array<i32>} : memref<16x128xf32, #tpu.memory_space<vmem>>, vector<1x16xf32>,
      %swap3A_2147 = vector.shape_cast %swap3A_2146 : vector<1x16xf32> to vector<16xf32>
      %swap3A_2148 = vector.shape_cast %broadcast_in_dim3A_1596 : vector<16xf32> to vector<1x16xf32>
      tpu.vector_store %arg21[%swap3A_2144, %swap3A_2145], %swap3A_2148 {strides = array<i32>} : memref<16x128xf32, #tpu.memory_space<vmem>>, vector<1x16xf32>,
      %swap3A_2149 = arith.constant 15 : i32
      %swap3A_2150 = arith.index_cast %swap3A_2149 : i32 to index
      %swap3A_2151 = arith.constant 64 : index
      %swap3A_2152 = tpu.vector_load %arg21[%swap3A_2150, %swap3A_2151] {strides = array<i32>} : memref<16x128xf32, #tpu.memory_space<vmem>>, vector<1x16xf32>,
      %swap3A_2153 = vector.shape_cast %swap3A_2152 : vector<1x16xf32> to vector<16xf32>
      %swap3A_2154 = vector.shape_cast %broadcast_in_dim3A_1596 : vector<16xf32> to vector<1x16xf32>
      tpu.vector_store %arg21[%swap3A_2150, %swap3A_2151], %swap3A_2154 {strides = array<i32>} : memref<16x128xf32, #tpu.memory_space<vmem>>, vector<1x16xf32>,
      %swap3A_2155 = arith.constant 15 : i32
      %swap3A_2156 = arith.index_cast %swap3A_2155 : i32 to index
      %swap3A_2157 = arith.constant 80 : index
      %swap3A_2158 = tpu.vector_load %arg21[%swap3A_2156, %swap3A_2157] {strides = array<i32>} : memref<16x128xf32, #tpu.memory_space<vmem>>, vector<1x16xf32>,
      %swap3A_2159 = vector.shape_cast %swap3A_2158 : vector<1x16xf32> to vector<16xf32>
      %swap3A_2160 = vector.shape_cast %broadcast_in_dim3A_1596 : vector<16xf32> to vector<1x16xf32>
      tpu.vector_store %arg21[%swap3A_2156, %swap3A_2157], %swap3A_2160 {strides = array<i32>} : memref<16x128xf32, #tpu.memory_space<vmem>>, vector<1x16xf32>,
      %swap3A_2161 = arith.constant 15 : i32
      %swap3A_2162 = arith.index_cast %swap3A_2161 : i32 to index
      %swap3A_2163 = arith.constant 96 : index
      %swap3A_2164 = tpu.vector_load %arg21[%swap3A_2162, %swap3A_2163] {strides = array<i32>} : memref<16x128xf32, #tpu.memory_space<vmem>>, vector<1x16xf32>,
      %swap3A_2165 = vector.shape_cast %swap3A_2164 : vector<1x16xf32> to vector<16xf32>
      %swap3A_2166 = vector.shape_cast %broadcast_in_dim3A_1596 : vector<16xf32> to vector<1x16xf32>
      tpu.vector_store %arg21[%swap3A_2162, %swap3A_2163], %swap3A_2166 {strides = array<i32>} : memref<16x128xf32, #tpu.memory_space<vmem>>, vector<1x16xf32>,
      %swap3A_2167 = arith.constant 15 : i32
      %swap3A_2168 = arith.index_cast %swap3A_2167 : i32 to index
      %swap3A_2169 = arith.constant 112 : index
      %swap3A_2170 = tpu.vector_load %arg21[%swap3A_2168, %swap3A_2169] {strides = array<i32>} : memref<16x128xf32, #tpu.memory_space<vmem>>, vector<1x16xf32>,
      %swap3A_2171 = vector.shape_cast %swap3A_2170 : vector<1x16xf32> to vector<16xf32>
      %swap3A_2172 = vector.shape_cast %broadcast_in_dim3A_1596 : vector<16xf32> to vector<1x16xf32>
      tpu.vector_store %arg21[%swap3A_2168, %swap3A_2169], %swap3A_2172 {strides = array<i32>} : memref<16x128xf32, #tpu.memory_space<vmem>>, vector<1x16xf32>,
      %lt3A_2173 = arith.constant 4 : i32
      %lt3A_2174 = vector.broadcast %lt3A_2173 : i32 to vector<16xi32>
      %lt3A_2175 = arith.cmpi slt, %iota3A, %lt3A_2174 : vector<16xi32>
      %mul3A_2176 = arith.constant 4 : i32
      %mul3A_2177 = arith.muli %arg0, %mul3A_2176 : i32
      %add3A_2178 = vector.broadcast %mul3A_2177 : i32 to vector<16xi32>
      %add3A_2179 = arith.addi %iota3A, %add3A_2178 : vector<16xi32>
      %jit3A_2180 = arith.constant 0 : i32
      %broadcast_in_dim3A_2181 = vector.broadcast %jit3A_2180 : i32 to vector<16xi32>
      %select_n3A_2182 = arith.select %lt3A_2175, %add3A_2179, %broadcast_in_dim3A_2181 : vector<16xi1>, vector<16xi32>
      %lt3A_2183 = arith.constant 4 : i32
      %lt3A_2184 = vector.broadcast %lt3A_2183 : i32 to vector<16xi32>
      %lt3A_2185 = arith.cmpi slt, %iota3A, %lt3A_2184 : vector<16xi32>
      %reshape3A_2186 = vector.shape_cast %select_n3A_2182 : vector<16xi32> to vector<16x1xi32>
      %gather3A_2187 = vector.shape_cast %reshape3A_2186 : vector<16x1xi32> to vector<16xi32>
      %gather3A_2188 = tpu.dynamic_gather %select_n3A_113[%gather3A_2187] in [0] : vector<16xi32>, vector<16xi32> -> vector<16xi32>
      %jit3A_2189 = arith.constant 2048 : i32
      %broadcast_in_dim3A_2190 = vector.broadcast %jit3A_2189 : i32 to vector<16xi32>
      %select_n3A_2191 = arith.select %lt3A_2185, %gather3A_2188, %broadcast_in_dim3A_2190 : vector<16xi1>, vector<16xi32>
      %swap3A_2192 = arith.constant 0 : index
      %swap3A_2193 = tpu.vector_load %arg22[%swap3A_2192] {strides = array<i32>} : memref<16xi32, #tpu.memory_space<vmem>>, vector<16xi32>,
      %swap3A_2194 = vector.shape_cast %swap3A_2193 : vector<16xi32> to vector<16xi32>
      %swap3A_2195 = vector.shape_cast %select_n3A_2191 : vector<16xi32> to vector<16xi32>
      tpu.vector_store %arg22[%swap3A_2192], %swap3A_2195 {strides = array<i32>} : memref<16xi32, #tpu.memory_space<vmem>>, vector<16xi32>,
      %dma_start3A_2196 = arith.constant 0 : i32
      %dma_start3A_2197 = arith.constant 0 : i32
      %dma_start3A_2198 = tpu.memref_slice %arg7[%dma_start3A_2196, %dma_start3A_2197] : memref<2056x128xf32, #tpu.memory_space<hbm>> -> memref<2056x128xf32, #tpu.memory_space<hbm>>
      tpu.enqueue_indirect_dma source(%arg21 : memref<16x128xf32, #tpu.memory_space<vmem>>) target(%dma_start3A_2198 : memref<2056x128xf32, #tpu.memory_space<hbm>>) offsets(%arg22 : memref<16xi32, #tpu.memory_space<vmem>>) semaphore(%arg29 : memref<!tpu.dma_semaphore, #tpu.memory_space<semaphore_mem>>)
      %dma_wait3A_2199 = arith.constant 0 : i32
      %dma_wait3A_2200 = arith.constant 0 : i32
      %dma_wait3A_2201 = tpu.memref_slice %arg7[%dma_wait3A_2199, %dma_wait3A_2200] : memref<2056x128xf32, #tpu.memory_space<hbm>> -> memref<2056x128xf32, #tpu.memory_space<hbm>>
      tpu.wait_indirect_dma semaphore(%arg29 : memref<!tpu.dma_semaphore, #tpu.memory_space<semaphore_mem>>) src(%arg21 : memref<16x128xf32, #tpu.memory_space<vmem>>) dst(%dma_wait3A_2201 : memref<2056x128xf32, #tpu.memory_space<hbm>>)
    } else {
    }
    return
  }
}

</mosaic_0001>

<sc_bundles>
// kernel: kernel.3.cloned.1.call-start
scs
__scs_entry_jumppad:
0x0: {  	(pc) =	sbr.rel $0x88, $3  }
0x1: {  	(tag) =	ssettag $0x0;
	lr =	simm.s32 $0x1  }
0x2: {  	[smem:$0x3F9A] =	sst lr;
	_ =	strace $0xD0000000  }
0x3: {  	_ = 	snop  }
0x4: {  	_ = 	snop  }
0x5: {  	_ = 	snop  }
0x6: {  	_ = 	snop  }
0x7: {  	_ = 	snop  }
__scs_overlays_trampoline_lowered:
0x8: {  	[smem:$0x3FA9] =	sst s0  }
0x9: {  	[smem:$0x3FAA] =	sst s1  }
0xa: {  	[smem:$0x3FAB] =	sst s2  }
0xb: {  	[smem:$0x3FAC] =	sst s3  }
0xc: {  	[smem:$0x3FAD] =	sst s4  }
0xd: {  	[smem:$0x3FAE] =	sst s5  }
0xe: {  	[smem:$0x3FAF] =	sst s6  }
0xf: {  	[smem:$0x3FB0] =	sst s7  }
0x10: {  	[smem:$0x3FB1] =	sst s8  }
0x11: {  	[smem:$0x3FB2] =	sst s9;
	s0 =	simm.s32 @!p0 $0x0  }
0x12: {  	s1 =	sld [smem:$0x3F98];
	s0 =	simm.s32 @p0 $0x1  }
0x13: {  	[smem:$0x3FB3] =	sst s0;
	s0 =	simm.s32 @!p1 $0x0  }
0x14: {  	s2 =	sld [smem:$0x3F97];
	s0 =	simm.s32 @p1 $0x1  }
0x15: {  	[smem:$0x3FB4] =	sst s0;
	s0 =	simm.s32 @!p2 $0x0  }
0x16: {  	s3 =	sld [smem:$0x3FDB];
	s0 =	simm.s32 @p2 $0x1  }
0x17: {  	s4 =	simm.s32 $0x1BF5;
	[smem:$0x3FB6] =	sst s0  }
0x18: {  	s0 =	sld [smem:$0x3F99];
	_ =	swait.ge [sflag:s4], $0x0  }
0x19: {  	s7 =	sld [smem:$0x3F9A]  }
0x1a: {  	s8 =	sadd.s32 $0xFFFFE003, lr  }
0x1b: {  	s9 =	sadd.s32 $0xFFFFFEF7, lr;
	s5 =	simm.s32 $0xFFFFFFFF;
	p2 =	slt.u32 s8, $0xFFFFF086  }
0x1c: {  	p1 =	slt.u32 s9, $0xF7A;
	s5 =	simm.s32 @!p2 $0x0  }
0x1d: {  	s5 =	simm.s32 @p1 $0x1;
	p0 =	seq.s32 s7, s2  }
0x1e: {  	s7 =	smul.u32 @!p0 $0xF7A, s2;
	p2 =	seq.s32 @!p0 s5, $0x0  }
0x1f: {  	s9 =	smul.u32 $0xF7A, s1;
	s8 =	simm.s32 @!p0 $0x1BF5;
	p2 =	por !p2, p0  }
0x20: {  	[sflag:s8] =	ssyncset.s32 @!p0 $0xFFFFF086;
	s6 =	sadd.s32 @!p0 s3, s7;
	s7 =	simm.s32 @!p0 $0x108  }
0x21: {  	s3 =	sadd.s32 s3, s9;
	s6 =	sadd.s32 @!p0 $0x88, s6;
	s7 =	simm.s32 @p2 $0x1082  }
0x22: {  	[simem:s7], [sflag:s8] =	dma.local @!p0 [hbm:s6], $0xF7A  }
0x23: {  	s9 =	sor.u32 $0xD0000000, s2;
	s6 =	simm.s32 $0x108;
	_ =	swait.ge @!p0 [sflag:s8], $0x0  }
0x24: {  	s3 =	sadd.s32 $0x88, s3;
	s6 =	simm.s32 @!p1 $0x1082;
	[sflag:s4] =	ssyncset.s32 $0xFFFFF086  }
0x25: {  	[simem:s6], [sflag:s4] =	dma.local [hbm:s3], $0xF7A  }
0x26: {  	[smem:$0x3F9A] =	sst s1;
	(tag) =	ssettag s2;
	_ =	strace s9  }
0x27: {  	s1 =	sld [smem:$0x3FAA]  }
0x28: {  	s2 =	sld [smem:$0x3FAB]  }
0x29: {  	s4 =	sld [smem:$0x3FAD]  }
0x2a: {  	p0 =	seq.s32 s5, $0x0;
	s5 =	sld [smem:$0x3FAE]  }
0x2b: {  	s6 =	sld [smem:$0x3FAF]  }
0x2c: {  	s7 =	sld [smem:$0x3FB0]  }
0x2d: {  	s3 =	simm.s32 $0x108;
	s8 =	sld [smem:$0x3FB1]  }
0x2e: {  	s3 =	simm.s32 @!p0 $0x1082;
	s9 =	sld [smem:$0x3FB2]  }
0x2f: {  	lr =	sadd.s32 s0, s3;
	s0 =	sld [smem:$0x3FA9]  }
0x30: {  	s3 =	sld [smem:$0x3FAC]  }
0x31: {  	[smem:$0x3FB5] =	sst s10  }
0x32: {  	s10 =	sld [smem:$0x3FB3];
	_ =	sdelay $0x3  }
0x33: {  	p0 =	seq.s32 s10, $0x1;
	s10 =	sld [smem:$0x3FB5];
	_ =	sdelay $0x3  }
0x34: {  	[smem:$0x3FB5] =	sst s10  }
0x35: {  	s10 =	sld [smem:$0x3FB4];
	_ =	sdelay $0x3  }
0x36: {  	p1 =	seq.s32 s10, $0x1;
	s10 =	sld [smem:$0x3FB5];
	_ =	sdelay $0x3  }
0x37: {  	[smem:$0x3FB5] =	sst s10  }
0x38: {  	s10 =	sld [smem:$0x3FB6]  }
0x39: {  	_ = 	snop;
	(pc) =	sbr.ind lr, $3  }
0x3a: {  	_ = 	snop  }
0x3b: {  	_ = 	snop  }
0x3c: {  	p2 =	seq.s32 s10, $0x1;
	s10 =	sld [smem:$0x3FB5]  }
0x3d: {  	_ =	shalt  }
0x3e: {  	_ =	shalt  }
0x3f: {  	_ =	shalt  }
0x40: {  	_ =	shalt  }
0x41: {  	_ =	shalt  }
0x42: {  	_ =	shalt  }
0x43: {  	_ =	shalt  }
0x44: {  	_ =	shalt  }
0x45: {  	_ =	shalt  }
0x46: {  	_ =	shalt  }
0x47: {  	_ =	shalt  }
0x48: {  	_ =	shalt  }
0x49: {  	_ =	shalt  }
0x4a: {  	_ =	shalt  }
0x4b: {  	_ =	shalt  }
0x4c: {  	_ =	shalt  }
0x4d: {  	_ =	shalt  }
0x4e: {  	_ =	shalt  }
0x4f: {  	_ =	shalt  }
0x50: {  	_ =	shalt  }
0x51: {  	_ =	shalt  }
0x52: {  	_ =	shalt  }
0x53: {  	_ =	shalt  }
0x54: {  	_ =	shalt  }
0x55: {  	_ =	shalt  }
0x56: {  	_ =	shalt  }
0x57: {  	_ =	shalt  }
0x58: {  	_ =	shalt  }
0x59: {  	_ =	shalt  }
0x5a: {  	_ =	shalt  }
0x5b: {  	_ =	shalt  }
0x5c: {  	_ =	shalt  }
0x5d: {  	_ =	shalt  }
0x5e: {  	_ =	shalt  }
0x5f: {  	_ =	shalt  }
0x60: {  	_ =	shalt  }
0x61: {  	_ =	shalt  }
0x62: {  	_ =	shalt  }
0x63: {  	_ =	shalt  }
0x64: {  	_ =	shalt  }
0x65: {  	_ =	shalt  }
0x66: {  	_ =	shalt  }
0x67: {  	_ =	shalt  }
0x68: {  	_ =	shalt  }
0x69: {  	_ =	shalt  }
0x6a: {  	_ =	shalt  }
0x6b: {  	_ =	shalt  }
0x6c: {  	_ =	shalt  }
0x6d: {  	_ =	shalt  }
0x6e: {  	_ =	shalt  }
0x6f: {  	_ =	shalt  }
0x70: {  	_ =	shalt  }
0x71: {  	_ =	shalt  }
0x72: {  	_ =	shalt  }
0x73: {  	_ =	shalt  }
0x74: {  	_ =	shalt  }
0x75: {  	_ =	shalt  }
0x76: {  	_ =	shalt  }
0x77: {  	_ =	shalt  }
0x78: {  	_ =	shalt  }
0x79: {  	_ =	shalt  }
0x7a: {  	_ =	shalt  }
0x7b: {  	_ =	shalt  }
0x7c: {  	_ =	shalt  }
0x7d: {  	_ =	shalt  }
0x7e: {  	_ =	shalt  }
0x7f: {  	_ =	shalt  }
0x80: {  	_ =	shalt  }
0x81: {  	_ =	shalt  }
0x82: {  	_ =	shalt  }
0x83: {  	_ =	shalt  }
0x84: {  	_ =	shalt  }
0x85: {  	_ =	shalt  }
0x86: {  	_ =	shalt  }
0x87: {  	_ =	shalt  }
.Lfunc_end0:
.L_simem_size_0:
called_computation_lowered:
.L_overlay_start_0:
0x88: {  	s2 =	sld [smem:$0x3FD9]  }
0x89: {  	s3 =	sld [smem:$0x3FFE];
	_ =	sdelay $0x1  }
0x8a: {  	s1 =	srdreg.scid  }
0x8b: {  	s0 =	sand.u32 $0x1, s1  }
0x8c: {  	s17 =	sshll.u32 s0, $0xA;
	s2 =	sadd.s32 s3, s2  }
0x8d: {  	s2 =	sadd.s32 s2, s17  }
0x8e: {  	[smem:$0x3FC1] =	sst s2  }
0x8f: {  	_ = 	snop  }
0x90: {  	s2 =	sld [smem:$0x3FC9]  }
0x91: {  	s18 =	sld [smem:$0x3FC6]  }
0x92: {  	s4 =	sld [smem:$0x3FC5]  }
0x93: {  	s5 =	sld [smem:$0x3FC4]  }
0x94: {  	s6 =	sld [smem:$0x3FC3];
	(tm) =	ssettm $0x1  }
0x95: {  	s7 =	sld [smem:$0x3FFB];
	_ =	sdelay $0x3  }
0x96: {  	_ =	strace s7  }
0x97: {  	s7 =	sld [smem:$0x3FFC];
	_ =	sdelay $0x3  }
0x98: {  	_ =	strace s7  }
0x99: {  	s7 =	sld [smem:$0x3FFD];
	_ =	sdelay $0x3  }
0x9a: {  	_ =	strace s7  }
0x9b: {  	_ =	strace $0x8FFFFFFF  }
0x9c: {  	s19 =	sld [smem:$0x3FDB];
	_ =	sdelay $0x1  }
0x9d: {  	s8 =	simm.s32 $_scs_section_size  }
0x9e: {  	s9 =	simm.s32 $_size__tile_overlayer_lowered;
	s10 =	simm.s32 $_tile_overlayer_lowered  }
0x9f: {  	s22 =	simm.s32 $0x1BFF;
	s21 =	sshll.u32 s10, $0x1;
	s7 =	sadd.s32 s8, s19  }
0xa0: {  	s11 =	simm.s32 $0x0;
	s20 =	sshll.u32 s9, $0x1;
	s9 =	sadd.s32 s21, s7  }
0xa1: {  	[timem:s11], [sflag:s22] =	dma.local [hbm:s9], s20  }
0xa2: {  	_ =	swait.ge [sflag:s22], s20  }
0xa3: {  	s8 =	ssub.s32 $0x0, s20;
	[sflag:s22] =	ssyncset.done $0x0  }
0xa4: {  	[sflag:s22] =	ssyncadd.s32 s8;
	_ =	sdelay $0x1  }
0xa5: {  	s23 =	simm.s32 $0x1B8B  }
0xa6: {  	_ =	swait.ge [sflag:s23], $0x1  }
0xa7: {  	[sflag:s23] =	ssyncset.done $0x0  }
0xa8: {  	s25 =	simm.s32 $0x1B8E;
	s24 =	sld [smem:$0x3FFE];
	[sflag:s23] =	ssyncadd.s32 $0xFFFFFFFF  }
0xa9: {  	s26 =	simm.s32 $execute0_lowered;
	[smem:$0x3FD2] =	sst s25  }
0xaa: {  	s9 =	sshll.u32 s26, $0x1;
	_ =	strace $0x80000046;
	[dreg:$0x1] =	wrdreg $0xFFFFFFFF  }
0xab: {  	s28 =	simm.s32 $_size_execute0_lowered;
	s7 =	sadd.s32 s7, s9;
	[dreg:$0x0] =	wrdreg $0x0  }
0xac: {  	s9 =	sshll.u32 s28, $0x1;
	[dreg:$0x2] =	wrdreg s7  }
0xad: {  	[dreg:$0x3] =	wrdreg s9  }
0xae: {  	[dreg:$0x4] =	wrdreg $0xC0  }
0xaf: {  	_ =	task [dreg:s11], $0x5FFFF  }
0xb0: {  	[dreg:$0x1] =	wrdreg $0xFFFFFFFF  }
0xb1: {  	[dreg:$0x0] =	wrdreg $0x60  }
0xb2: {  	[dreg:$0x2] =	wrdreg s6  }
0xb3: {  	[dreg:$0x3] =	wrdreg s2  }
0xb4: {  	[dreg:$0x4] =	wrdreg s18  }
0xb5: {  	[dreg:$0x5] =	wrdreg s4  }
0xb6: {  	[dreg:$0x6] =	wrdreg s5  }
0xb7: {  	[dreg:$0x7] =	wrdreg s24  }
0xb8: {  	[dreg:$0x8] =	wrdreg $0x1A2000  }
0xb9: {  	[dreg:$0x9] =	wrdreg $0x9  }
0xba: {  	_ =	task.clear_ibuf [dreg:s11], $0xAFFFF;
	_ =	strace $0x90000046  }
0xbb: {  	s29 =	simm.s32 $0x9;
	_ =	strace $0x80000048  }
0xbc: {  	_ =	swait.ge [sflag:s29], $0x1  }
0xbd: {  	[sflag:s29] =	ssyncadd.s32 $0xFFFFFFFF  }
0xbe: {  	_ =	strace $0x90000048  }
0xbf: {  	_ =	sfence  }
0xc0: {  	s30 =	sld [smem:$0x0];
	_ =	sdelay $0x2  }
0xc1: {  	s31 =	sshll.u32 s1, $0xD;
	s1 =	sshrl.u32 s1, $0x2  }
0xc2: {  	s3 =	sand.u32 $0x4000, s31;
	s1 =	sadd.s32 s1, s30  }
0xc3: {  	s0 =	sor.u32 s3, s0;
	s1 =	sshll.u32 s1, $0x11  }
0xc4: {  	s0 =	sor.u32 s1, s0  }
0xc5: {  	s0 =	sadd.s32 $0x8F2B, s0  }
0xc6: {  	[sflag:s0] =	ssyncadd.remote.s32 $0x1  }
0xc7: {  	_ =	sfence.sel $0xFFFF  }
0xc8: {  	[dreg:$0x0] =	wrdreg $0xFFFFFFFF;
	(pc) =	sbr.abs _section_cstart, $3  }
0xc9: {  	[dreg:$0x1] =	wrdreg $0xFFFFFFFF  }
0xca: {  	_ =	task.clear_ibuf [dreg:s11], $0x2FFFF;
	_ =	strace $0x9FFFFFFF  }
0xcb: {  	(tm) =	ssettm $0x7FFFFFFF  }
tec
execute0_lowered:
.L_overlay_start_1:
0x0: {  	(tag) =	ssettag $0x1  }
0x1: {  	s0 =	rddreg [dreg:$0x0]  }
0x2: {  	s1 =	rddreg [dreg:$0x1]  }
0x3: {  	s2 =	rddreg [dreg:$0x3]  }
0x4: {  	s3 =	rddreg [dreg:$0x4]  }
0x5: {  	s5 =	rddreg [dreg:$0x5]  }
0x6: {  	s12 =	rddreg [dreg:$0x6]  }
0x7: {  	s6 =	srdreg.scid;
	s4 =	simm.s32 $0x0;
	s13 =	stileid.u32  }
0x8: {  	v3 =	vimm.s32 $0xFFEDCBA9;
	v6 =	vimm.s32 $0x87654321;
	s17 =	simm.s32 $0x3;
	s28 =	simm.s32 $0x11180;
	s30 =	simm.s32 $0x15180  }
0x9: {  	v7 =	vimm.s32 $0xFEDCBA98;
	v8 =	vimm.s32 $0x76543210;
	s31 =	simm.s32 $0x4;
	s16 =	simm.s32 $0x8;
	s29 =	simm.s32 $0xA  }
0xa: {  	v4 =	vlaneseq.u32;
	v13 =	vimm.s32 $0x32107654;
	v14 =	vimm.s32 $0xDCFE98BA;
	s14 =	simm.s32 $0x6;
	s6 =	sand.u32 $0x1, s6;
	[smem:$0x7FF] =	sst s4  }
0xb: {  	vm0 =	vmmov $0xf;
	v15 =	vimm.s32 $0x54761032;
	v16 =	vimm.s32 $0xEFCDAB89;
	s5 =	sadd.s32 $0x600, s5;
	s18 =	sshrl.u32 s13, $0x2;
	s9 =	sshll.u32 s13, $0x6  }
0xc: {  	v17 =	vimm.s32 $0x67452301;
	s10 =	sand.u32 $0x3, s13;
	s24 =	sshll.u32 s13, $0x7;
	v5 =	vunpack.c.l.s4.s8 v3;
	v6 =	vunpack.c.l.s4.s8 v6;
	p0 =	sne.s32 s13, $0x0  }
0xd: {  	v7 =	vunpack.c.l.s4.s8 v7;
	v8 =	vunpack.c.l.s4.s8 v8;
	v13 =	vunpack.c.l.s4.s8 v13;
	s13 =	simm.s32 $0x0;
	s7 =	ssub.s32 $0x2, s6;
	_ =	strace $0x80000047  }
0xe: {  	v14 =	vunpack.c.l.s4.s8 v14;
	v15 =	vunpack.c.l.s4.s8 v15;
	v16 =	vunpack.c.l.s4.s8 v16;
	[dreg:$0x8] =	wrdreg s5;
	s11 =	sshll.u32 s6, $0x2;
	s6 =	sshll.u32 s6, $0xA  }
0xf: {  	v17 =	vunpack.c.l.s4.s8 v17;
	s19 =	sshll.u32 s10, $0xB;
	s25 =	sadd.s32 s24, s12;
	s6 =	sor.u32 s9, s6;
	v10 =	vunpack.c.0.s8.s32 v7;
	v11 =	vunpack.c.0.s8.s32 v8  }
0x10: {  	s12 =	simm.s32 $0x80;
	s24 =	simm.s32 $0x9;
	v19 =	vunpack.c.0.s8.s32 v14;
	v15 =	vunpack.c.0.s8.s32 v15;
	s20 =	sor.u32 $0x10, s6;
	v0 =	vor.u32 s6, v4  }
0x11: {  	s8 =	sshrl.u32 s7, $0x1;
	v20 =	vunpack.c.0.s8.s32 v16;
	v17 =	vunpack.c.0.s8.s32 v17;
	s22 =	sor.u32 $0x20, s6;
	s23 =	sor.u32 $0x30, s6;
	v1 =	vor.u32 s20, v4;
	[tilespmem:$0x1FF70] =	vst v0  }
0x12: {  	s2 =	sadd.s32 s2, s19;
	s9 =	sor.u32 $0x2100, s19;
	[dreg:$0xc] =	wrdreg s25;
	v2 =	vor.u32 s22, v4;
	v3 =	vor.u32 s23, v4;
	v12 =	vand.u32 $0xF, v10;
	[tilespmem:$0x1FF80] =	vst v1  }
0x13: {  	s19 =	simm.s32 $0x100;
	s7 =	ssub.s32 s7, s8;
	s8 =	sor.u32 s18, s11;
	v4 =	vor.u32 s11, v4;
	v10 =	vcombine.low v12, v11;
	v12 =	vimm.s32 $0xBA98FEDC;
	[tilespmem:$0x1FF90] =	vst v2  }
0x14: {  	s25 =	simm.s32 $0xD180;
	s21 =	sshrl.u32 s6, $0x3;
	s8 =	sshll.u32 s8, $0x4;
	v14 =	vcombine.low v15, v19;
	v4 =	vnsel vm0, $0x0, v4;
	[tilespmem:$0x1FFA0] =	vst v3;
	v12 =	vunpack.c.l.s4.s8 v12  }
0x15: {  	v5 =	vunpack.c.0.s8.s32 v5;
	v6 =	vunpack.c.0.s8.s32 v6;
	s1 =	sadd.s32 s1, s21;
	s26 =	smax.u32 s7, $0x1;
	s20 =	simm.s32 $0x2;
	v16 =	vcombine.low v17, v20;
	[tilespmem:$0x1FF60] =	vst v4  }
.Ltmp0:
0x16: {  	vm1 =	vmmov $0xff;
	v13 =	vunpack.c.0.s8.s32 v13;
	s21 =	simm.s32 $0x5180;
	s23 =	simm.s32 $0x9180;
	[tilespmem:$0x1FFE0] =	vst v14;
	v18 =	vunpack.c.0.s8.s32 v12;
	(pc) =	sbr.rel .LBB2_1-.Ltmp0, $4  }
0x17: {  	vm2 =	vcmask $0x1F1C;
	v9 =	vimm.s32 $0x4;
	s22 =	simm.s32 $0xB;
	s3 =	sadd.s32 s3, s8;
	[dreg:$0xb] =	wrdreg s1;
	v4 =	vcombine.low v6, v5;
	[tilespmem:$0x1FFF0] =	vst v16  }
0x18: {  	v7 =	vimm.s32 $0x2;
	v8 =	vimm.s32 $0x3;
	s2 =	sadd.s32 s8, s2;
	[dreg:$0xd] =	wrdreg s26;
	s8 =	simm.s32 $0x40;
	[tilespmem:$0x1FFC0] =	vst v10;
	v12 =	vcombine.low v13, v18  }
0x19: {  	v15 =	vimm.s32 $0x7;
	s1 =	simm.s32 $0x7;
	v11 =	vimm.s32 $0x5;
	s26 =	simm.s32 $0xC;
	[dreg:$0x9] =	wrdreg s3;
	v5 =	vimm.s32 $0x0;
	[tilespmem:$0x1FFB0] =	vst v4  }
0x1a: {  	[dreg:$0xa] =	wrdreg s2;
	v6 =	vimm.s32 $0x1;
	s2 =	simm.s32 $0x1;
	s3 =	simm.s32 $0x5;
	v13 =	vimm.s32 $0x6;
	v18 =	vimm.f32 $0.0e+00;
	[tilespmem:$0x1FFD0] =	vst v12  }
.LBB2_41:
0x1b: {  	s13 =	sadd.s32 $0x1, s13;
	s5 =	rddreg [dreg:$0xd]  }
0x1c: {  	p1 =	sne.s32 s13, s5  }
.Ltmp1:
0x1d: {  	_ = 	snop;
	(pc) =	sbr.rel @!p1 .LBB2_42-.Ltmp1, $1  }
0x1e: {  	_ =	sdelay $0x3  }
.LBB2_1:
0x1f: {  	s5 =	rddreg [dreg:$0x9];
	s6 =	simm.s32 $0x400;
	s7 =	simm.s32 $0x2100  }
0x20: {  	[tilespmem:s7], [sflag:$0x1] =	stream.strided.gather [hbm4b:s5+s12], $0x2000, s6, s12, $0x38;
	[tilespmem:$0x1A280] =	vst v63  }
0x21: {  	s10 =	simm.s32 $0x4100;
	s7 =	rddreg [dreg:$0xa]  }
0x22: {  	[tilespmem:s10], [sflag:$0x2] =	stream.strided.gather [hbm4b:s7+s12], $0x800, s6, s12, $0x38;
	[tilespmem:$0x1A280] =	vst v63  }
0x23: {  	s11 =	rddreg [dreg:$0xb]  }
0x24: {  	[tilespmem:s4], [sflag:$0x3] =	stream.linear.gather [hbm4b:s11+s4], $0x40, $0x38;
	[tilespmem:$0x1A280] =	vst v63  }
0x25: {  	s15 =	rddreg [dreg:$0x2];
	s18 =	simm.s32 $0x5100  }
0x26: {  	[tilespmem:s18], [sflag:$0x4] =	stream.linear.gather [hbm4b:s15+s4], $0x8, $0x38;
	[tilespmem:$0x1A280] =	vst v63  }
0x27: {  	_ =	swait.ge [sflag:s17], $0x40  }
0x28: {  	[sflag:s17] =	ssyncset.done $0x0  }
0x29: {  	[sflag:s17] =	ssyncadd.s32 $0xFFFFFFC0  }
0x2a: {  	[tilespmem:s19], [sflag:$0x5] =	stream.indirect.gather [hbm4b:s0+s8], $0x80, s4, s8, $0xb8;
	[tilespmem:$0x1A280] =	vst v63  }
0x2b: {  	_ =	swait.ge [sflag:s20], $0x800  }
0x2c: {  	[sflag:s20] =	ssyncset.done $0x0  }
0x2d: {  	[sflag:s20] =	ssyncadd.s32 $0xFFFFF800  }
0x2e: {  	[tilespmem:s21], [sflag:$0x7] =	stream.indirect.gather [hbm4b:s0+s12], $0x80, s10, s12, $0xb8;
	[tilespmem:$0x1A280] =	vst v63  }
0x2f: {  	s8 =	simm.s32 $0x4180  }
0x30: {  	[tilespmem:s23], [sflag:$0x8] =	stream.indirect.gather [hbm4b:s0+s12], $0x80, s8, s12, $0xb8;
	[tilespmem:$0x1A280] =	vst v63  }
0x31: {  	s10 =	simm.s32 $0x4200  }
0x32: {  	[tilespmem:s25], [sflag:$0x9] =	stream.indirect.gather [hbm4b:s0+s12], $0x80, s10, s12, $0xb8;
	[tilespmem:$0x1A280] =	vst v63  }
0x33: {  	s11 =	simm.s32 $0x4280  }
0x34: {  	[tilespmem:s28], [sflag:$0xA] =	stream.indirect.gather [hbm4b:s0+s12], $0x80, s11, s12, $0xb8;
	[tilespmem:$0x1A280] =	vst v63  }
0x35: {  	s15 =	simm.s32 $0x4300  }
0x36: {  	[tilespmem:s30], [sflag:$0xB] =	stream.indirect.gather [hbm4b:s0+s12], $0x80, s15, s12, $0xb8;
	[tilespmem:$0x1A280] =	vst v63  }
0x37: {  	_ =	swait.ge [sflag:s31], $0x8  }
0x38: {  	[sflag:s31] =	ssyncset.done $0x0  }
0x39: {  	[sflag:s31] =	ssyncadd.s32 $0xFFFFFFF8  }
0x3a: {  	v19 =	vld [tilespmem:$0x5100];
	_ =	sdelay $0x4  }
0x3b: {  	v19 =	vnsel vm1, $0x800, v19  }
0x3c: {  	v20 =	vperm.xlane v19, v4;
	_ =	sdelay $0x1  }
0x3d: {  	vm3 =	vne.s32 v19, v20  }
0x3e: {  	vm3 =	vmor vm3, vm2  }
0x3f: {  	vm3 =	vmand vm3, vm1  }
0x40: {  	v17 =	vnsel vm3, $0x800, v19  }
0x41: {  	v20 =	vperm.xlane v17, v5;
	_ =	sdelay $0x1  }
0x42: {  	v21 =	vperm.xlane v17, v6;
	vm3 =	veq.s32 v0, v20  }
0x43: {  	v22 =	vsel vm3, $0x800, v0  }
0x44: {  	v23 =	vperm.xlane v17, v7;
	vm3 =	veq.s32 v22, v21  }
0x45: {  	v22 =	vsel vm3, $0x800, v22  }
0x46: {  	v24 =	vperm.xlane v17, v8;
	vm3 =	veq.s32 v22, v23  }
0x47: {  	v22 =	vsel vm3, $0x800, v22  }
0x48: {  	v25 =	vperm.xlane v17, v9;
	vm3 =	veq.s32 v22, v24  }
0x49: {  	v22 =	vsel vm3, $0x800, v22  }
0x4a: {  	v26 =	vperm.xlane v17, v11;
	vm3 =	veq.s32 v22, v25  }
0x4b: {  	v22 =	vsel vm3, $0x800, v22  }
0x4c: {  	v27 =	vperm.xlane v17, v13;
	vm3 =	veq.s32 v22, v26  }
0x4d: {  	v22 =	vsel vm3, $0x800, v22  }
0x4e: {  	v28 =	vperm.xlane v17, v15;
	vm3 =	veq.s32 v22, v27  }
0x4f: {  	v22 =	vsel vm3, $0x800, v22  }
0x50: {  	vm4 =	veq.s32 v1, v20;
	vm3 =	veq.s32 v22, v28  }
0x51: {  	v29 =	vsel vm4, $0x800, v1;
	v22 =	vsel vm3, $0x800, v22;
	vm3 =	veq.s32 v2, v20  }
0x52: {  	vm4 =	veq.s32 v29, v21;
	v30 =	vsel vm3, $0x800, v2;
	vm3 =	veq.s32 v3, v20  }
0x53: {  	v20 =	vsel vm4, $0x800, v29;
	vm9 =	veq.s32 v30, v21;
	v63 =	vsel vm3, $0x800, v3  }
0x54: {  	vm10 =	veq.s32 v20, v23;
	vm3 =	veq.s32 v63, v21;
	v21 =	vsel vm9, $0x800, v30  }
0x55: {  	v20 =	vsel vm10, $0x800, v20;
	v29 =	vsel vm3, $0x800, v63;
	vm3 =	veq.s32 v21, v23  }
0x56: {  	vm11 =	veq.s32 v29, v23;
	v21 =	vsel vm3, $0x800, v21;
	vm3 =	veq.s32 v20, v24  }
0x57: {  	v20 =	vsel vm3, $0x800, v20;
	v23 =	vsel vm11, $0x800, v29;
	vm3 =	veq.s32 v21, v24  }
0x58: {  	v21 =	vsel vm3, $0x800, v21;
	vm3 =	veq.s32 v20, v25;
	vm4 =	veq.s32 v23, v24  }
0x59: {  	v20 =	vsel vm3, $0x800, v20;
	vm3 =	veq.s32 v21, v25;
	v23 =	vsel vm4, $0x800, v23  }
0x5a: {  	vm12 =	veq.s32 v20, v26;
	v21 =	vsel vm3, $0x800, v21;
	vm3 =	veq.s32 v23, v25  }
0x5b: {  	v20 =	vsel vm12, $0x800, v20;
	vm13 =	veq.s32 v21, v26;
	v23 =	vsel vm3, $0x800, v23  }
0x5c: {  	vm3 =	veq.s32 v20, v27;
	v21 =	vsel vm13, $0x800, v21;
	vm14 =	veq.s32 v23, v26  }
0x5d: {  	v20 =	vsel vm3, $0x800, v20;
	vm3 =	veq.s32 v21, v27;
	v23 =	vsel vm14, $0x800, v23  }
0x5e: {  	vm15 =	veq.s32 v20, v28;
	v21 =	vsel vm3, $0x800, v21;
	vm3 =	veq.s32 v23, v27  }
0x5f: {  	[tilespmem:$0x80] =	vst v22;
	v20 =	vsel vm15, $0x800, v20;
	v22 =	vsel vm3, $0x800, v23;
	vm3 =	veq.s32 v21, v28  }
0x60: {  	[tilespmem:$0x90] =	vst v20;
	v20 =	vsel vm3, $0x800, v21;
	vm3 =	veq.s32 v22, v28  }
0x61: {  	[tilespmem:$0xA0] =	vst v20;
	v20 =	vsel vm3, $0x800, v22  }
0x62: {  	[tilespmem:$0xB0] =	vst v20  }
0x63: {  	_ =	swait.ge [sflag:s2], $0x2000  }
0x64: {  	[sflag:s2] =	ssyncset.done $0x0  }
0x65: {  	s18 =	simm.s32 $0x0;
	[sflag:s2] =	ssyncadd.s32 $0xFFFFE000  }
0x66: {  	s6 =	simm.s32 $0x40;
	v20 =	vimm.f32 $-Inf;
	v21 =	vld [tilespmem:s18+$0x2100]  }
.LBB2_2:
0x67: {  	p1 =	sne.s32 s6, $0x7FC0  }
.Ltmp2:
0x68: {  	_ = 	snop;
	(pc) =	sbr.rel @p1 .LBB2_2-.Ltmp2, $3  }
0x69: {  	_ =	sdelay $0x1  }
0x6a: {  	s7 =	sshra.s32 s6, $0x2;
	s6 =	sadd.s32 $0x40, s6;
	v20 =	vmax.f32 v20, v21  }
0x6b: {  	v21 =	vld [tilespmem:s7+$0x2100]  }
0x6c: {  	_ =	sdelay $0x3  }
0x6d: {  	v20 =	vmax.f32 v20, v21  }
0x6e: {  	v21 =	vperm.xlane v20, v10;
	_ =	sdelay $0x1  }
0x6f: {  	v20 =	vmax.f32 v20, v21  }
0x70: {  	v21 =	vperm.xlane v20, v12;
	_ =	sdelay $0x1  }
0x71: {  	v20 =	vmax.f32 v20, v21  }
0x72: {  	s6 =	simm.s32 $0x0;
	v21 =	vperm.xlane v20, v14  }
0x73: {  	v22 =	vld [tilespmem:s6+$0x2100]  }
0x74: {  	v20 =	vmax.f32 v20, v21  }
0x75: {  	s18 =	simm.s32 $0x10;
	v23 =	vperm.xlane v20, v16  }
0x76: {  	v21 =	vld [tilespmem:s18+$0x2100]  }
0x77: {  	v20 =	vmax.f32 v20, v23  }
0x78: {  	v22 =	vsub.f32 v22, v20;
	_ =	sdelay $0x1  }
0x79: {  	v22 =	vmul.f32 $1.442695020e+00, v22  }
0x7a: {  	v21 =	vsub.f32 v21, v20  }
0x7b: {  	(erf) = vpow2.f32 v22  }
0x7c: {  	v23 =	vmul.f32 $1.442695020e+00, v21  }
0x7d: {  	s7 =	simm.s32 $0x20  }
0x7e: {  	v22 =	vld [tilespmem:s7+$0x2100];
	(erf) = vpow2.f32 v23;
	_ =	sdelay $0x2  }
0x7f: {  	s6 =	simm.s32 $0xC0;
	v21 =	vimm.f32 $0.0e+00  }
.LBB2_4:
0x80: {  	p1 =	sne.s32 s6, $0x7FC0  }
.Ltmp3:
0x81: {  	s7 =	sshra.s32 s6, $0x2;
	s6 =	sadd.s32 $0x40, s6;
	v23 =	vsub.f32 v22, v20;
	(pc) =	sbr.rel @p1 .LBB2_4-.Ltmp3, $3  }
0x82: {  	v22 =	vld [tilespmem:s7+$0x2100];
	v24 =	vpop (erf)  }
0x83: {  	v23 =	vmul.f32 $1.442695020e+00, v23;
	v21 =	vadd.f32 v24, v21;
	_ =	sdelay $0x1  }
0x84: {  	(erf) = vpow2.f32 v23  }
0x85: {  	_ = 	snop  }
0x86: {  	v22 =	vsub.f32 v22, v20;
	_ =	sdelay $0x1  }
0x87: {  	v22 =	vmul.f32 $1.442695020e+00, v22;
	_ =	sdelay $0x1  }
0x88: {  	(erf) = vpow2.f32 v22;
	_ =	sdelay $0x4  }
0x89: {  	v22 =	vpop (erf)  }
0x8a: {  	v21 =	vadd.f32 v22, v21  }
0x8b: {  	v22 =	vpop (erf)  }
0x8c: {  	v21 =	vadd.f32 v22, v21  }
0x8d: {  	v22 =	vpop (erf)  }
0x8e: {  	v21 =	vadd.f32 v22, v21;
	_ =	sdelay $0x1  }
0x8f: {  	v22 =	vperm.xlane v21, v10;
	_ =	sdelay $0x1  }
0x90: {  	v21 =	vadd.f32 v22, v21;
	_ =	sdelay $0x1  }
0x91: {  	v22 =	vperm.xlane v21, v12  }
0x92: {  	s6 =	simm.s32 $0x0  }
0x93: {  	s15 =	simm.s32 $0x30;
	s7 =	sand.u32 $0x780, s6;
	v21 =	vadd.f32 v22, v21  }
0x94: {  	s15 =	sand.u32 $0x70, s15;
	s7 =	sadd.s32 s7, s9  }
0x95: {  	s18 =	simm.s32 $0x10;
	s6 =	sand.u32 $0x40, s6;
	s15 =	sadd.s32 s15, s7;
	v22 =	vperm.xlane v21, v14  }
0x96: {  	s18 =	sand.u32 $0x50, s18;
	s6 =	sadd.s32 s6, s7;
	v23 =	vld [tilespmem:s15+$0x0]  }
0x97: {  	s11 =	simm.s32 $0x20;
	s18 =	sadd.s32 s18, s7;
	v24 =	vld [tilespmem:s6+$0x0];
	v21 =	vadd.f32 v22, v21  }
0x98: {  	s15 =	sand.u32 $0x60, s11;
	v22 =	vld [tilespmem:s18+$0x0];
	s18 =	simm.s32 $0x40  }
0x99: {  	s6 =	sadd.s32 s15, s7;
	s5 =	sand.u32 $0x780, s18;
	v25 =	vperm.xlane v21, v16  }
0x9a: {  	s8 =	simm.s32 $0x70;
	v26 =	vld [tilespmem:s6+$0x0];
	s7 =	sand.u32 $0x40, s18;
	s6 =	sadd.s32 s5, s9  }
0x9b: {  	s15 =	sand.u32 $0x70, s8;
	v23 =	vsub.f32 v23, v20;
	s7 =	sadd.s32 s7, s6;
	v21 =	vadd.f32 v25, v21  }
0x9c: {  	s10 =	simm.s32 $0x50;
	v24 =	vsub.f32 v24, v20;
	s15 =	sadd.s32 s15, s6;
	v25 =	vld [tilespmem:s7+$0x0]  }
0x9d: {  	s8 =	simm.s32 $0x60;
	v23 =	vmul.f32 $1.442695020e+00, v23;
	s18 =	sand.u32 $0x50, s10;
	v22 =	vsub.f32 v22, v20;
	(erf) = vrcp.f32 v21;
	v21 =	vld [tilespmem:s15+$0x0]  }
0x9e: {  	s8 =	sand.u32 $0x60, s8;
	v24 =	vmul.f32 $1.442695020e+00, v24;
	s11 =	sadd.s32 s18, s6;
	s7 =	simm.s32 $0x80  }
0x9f: {  	v26 =	vsub.f32 v26, v20;
	s5 =	simm.s32 $0xB0;
	s6 =	sadd.s32 s8, s6;
	s18 =	sand.u32 $0x780, s7;
	(erf) = vpow2.f32 v23;
	v22 =	vmul.f32 $1.442695020e+00, v22;
	v23 =	vld [tilespmem:s11+$0x0]  }
0xa0: {  	s10 =	sand.u32 $0x70, s5;
	(erf) = vpow2.f32 v24;
	v24 =	vld [tilespmem:s6+$0x0];
	s6 =	sadd.s32 s18, s9  }
0xa1: {  	v26 =	vmul.f32 $1.442695020e+00, v26;
	(erf) = vpow2.f32 v22;
	s8 =	sadd.s32 s10, s6  }
0xa2: {  	s7 =	sand.u32 $0x40, s7;
	v25 =	vsub.f32 v25, v20;
	v22 =	vld [tilespmem:s8+$0x0];
	v21 =	vsub.f32 v21, v20  }
0xa3: {  	s11 =	simm.s32 $0x90;
	s7 =	sadd.s32 s7, s6;
	(erf) = vpow2.f32 v26  }
0xa4: {  	s15 =	sand.u32 $0x50, s11;
	v27 =	vld [tilespmem:s7+$0x0];
	v25 =	vmul.f32 $1.442695020e+00, v25;
	v23 =	vsub.f32 v23, v20;
	v26 =	vmul.f32 $1.442695020e+00, v21  }
0xa5: {  	s18 =	simm.s32 $0xA0;
	s8 =	sadd.s32 s15, s6  }
0xa6: {  	s5 =	sand.u32 $0x60, s18;
	v28 =	vld [tilespmem:s8+$0x0];
	v24 =	vsub.f32 v24, v20;
	v23 =	vmul.f32 $1.442695020e+00, v23;
	(erf) = vpow2.f32 v26  }
0xa7: {  	s6 =	sadd.s32 s5, s6;
	s7 =	simm.s32 $0xC0;
	v21 =	vpop (erf);
	v22 =	vsub.f32 v22, v20;
	(erf) = vpow2.f32 v25  }
0xa8: {  	s11 =	simm.s32 $0xF0;
	s10 =	sand.u32 $0x780, s7;
	v29 =	vld [tilespmem:s6+$0x0];
	v24 =	vmul.f32 $1.442695020e+00, v24;
	v25 =	vpop (erf);
	(erf) = vpow2.f32 v23  }
0xa9: {  	s5 =	sand.u32 $0x70, s11;
	s6 =	sadd.s32 s10, s9;
	s10 =	simm.s32 $0xD0;
	v26 =	vsub.f32 v27, v20;
	v23 =	vmul.f32 v25, v21;
	v25 =	vpop (erf);
	v27 =	vmul.f32 $1.442695020e+00, v22  }
0xaa: {  	s15 =	simm.s32 $0x4920;
	s8 =	sadd.s32 s5, s6;
	s18 =	sand.u32 $0x50, s10;
	v25 =	vmul.f32 v25, v21;
	v30 =	vpop (erf);
	(erf) = vpow2.f32 v24  }
0xab: {  	s7 =	sand.u32 $0x40, s7;
	s10 =	simm.s32 $0xE0;
	s11 =	sadd.s32 s18, s6;
	v31 =	vsub.f32 v28, v20;
	v22 =	vld [tilespmem:s8+$0x0];
	[tilespmem:s15+$0x10] =	vst v23;
	v30 =	vmul.f32 v30, v21  }
0xac: {  	s7 =	sadd.s32 s7, s6;
	s10 =	sand.u32 $0x60, s10;
	v26 =	vmul.f32 $1.442695020e+00, v26;
	v24 =	vld [tilespmem:s11+$0x0];
	v32 =	vpop (erf);
	(erf) = vpow2.f32 v27;
	[tilespmem:s15+$0xFFFFFFE0] =	vst v25  }
0xad: {  	s18 =	simm.s32 $0xC;
	v28 =	vsub.f32 v29, v20;
	v23 =	vld [tilespmem:s7+$0x0];
	s7 =	sadd.s32 s10, s6;
	s6 =	simm.s32 $0x100;
	v27 =	vmul.f32 $1.442695020e+00, v31;
	v25 =	vmul.f32 v32, v21;
	[tilespmem:s15+$0xFFFFFFF0] =	vst v30  }
.LBB2_6:
0xae: {  	s8 =	sand.u32 $0x780, s6  }
0xaf: {  	s10 =	sadd.s32 $0x30, s6;
	s18 =	sadd.s32 $0x4, s18;
	v29 =	vld [tilespmem:s7+$0x0];
	v28 =	vmul.f32 $1.442695020e+00, v28;
	(erf) = vpow2.f32 v26;
	v26 =	vpop (erf);
	s7 =	sadd.s32 s8, s9  }
0xb0: {  	s8 =	sand.u32 $0x70, s10;
	p1 =	slt.u32 s18, $0x7C;
	v30 =	vsub.f32 v22, v20;
	(erf) = vpow2.f32 v27;
	v26 =	vmul.f32 v26, v21;
	[tilespmem:s15+$0x0] =	vst v25;
	s10 =	sadd.s32 $0x10, s6  }
.Ltmp4:
0xb1: {  	s15 =	sadd.s32 $0x40, s15;
	s8 =	sadd.s32 s8, s7;
	(erf) = vpow2.f32 v28;
	v25 =	vpop (erf);
	(pc) =	sbr.rel @p1 .LBB2_6-.Ltmp4, $4  }
0xb2: {  	s11 =	sand.u32 $0x40, s6;
	s5 =	sadd.s32 $0x20, s6;
	s10 =	sand.u32 $0x50, s10;
	v22 =	vld [tilespmem:s8+$0x0];
	v27 =	vsub.f32 v23, v20;
	v30 =	vmul.f32 $1.442695020e+00, v30;
	v25 =	vmul.f32 v25, v21;
	[tilespmem:s15+$0x10] =	vst v26;
	v23 =	vpop (erf)  }
0xb3: {  	s5 =	sand.u32 $0x60, s5;
	s8 =	sadd.s32 s11, s7;
	s10 =	sadd.s32 s10, s7;
	v31 =	vsub.f32 v24, v20;
	v32 =	vmul.f32 v23, v21;
	v33 =	vpop (erf)  }
0xb4: {  	s7 =	sadd.s32 s5, s7;
	v23 =	vld [tilespmem:s8+$0x0];
	v26 =	vmul.f32 $1.442695020e+00, v27;
	v28 =	vsub.f32 v29, v20;
	(erf) = vpow2.f32 v30;
	[tilespmem:s15+$0xFFFFFFE0] =	vst v25  }
0xb5: {  	s6 =	sadd.s32 $0x40, s6;
	v25 =	vmul.f32 v33, v21;
	v24 =	vld [tilespmem:s10+$0x0];
	v27 =	vmul.f32 $1.442695020e+00, v31;
	[tilespmem:s15+$0xFFFFFFF0] =	vst v32  }
0xb6: {  	_ = 	snop  }
0xb7: {  	v29 =	vld [tilespmem:s7+$0x0];
	_ =	sdelay $0x1  }
0xb8: {  	v22 =	vsub.f32 v22, v20  }
0xb9: {  	v28 =	vmul.f32 $1.442695020e+00, v28;
	(erf) = vpow2.f32 v26;
	v24 =	vsub.f32 v24, v20  }
0xba: {  	(erf) = vpow2.f32 v27;
	v23 =	vsub.f32 v23, v20;
	v22 =	vmul.f32 $1.442695020e+00, v22  }
0xbb: {  	(erf) = vpow2.f32 v28;
	v20 =	vsub.f32 v29, v20  }
0xbc: {  	v23 =	vmul.f32 $1.442695020e+00, v23;
	(erf) = vpow2.f32 v22  }
0xbd: {  	v22 =	vmul.f32 $1.442695020e+00, v24;
	v20 =	vmul.f32 $1.442695020e+00, v20;
	v24 =	vpop (erf)  }
0xbe: {  	(erf) = vpow2.f32 v23;
	v23 =	vmul.f32 v24, v21;
	v24 =	vpop (erf)  }
0xbf: {  	s5 =	sadd.s32 $0x40, s15;
	(erf) = vpow2.f32 v22;
	v22 =	vmul.f32 v24, v21;
	v24 =	vpop (erf)  }
0xc0: {  	[tilespmem:s5+$0x10] =	vst v23;
	v23 =	vmul.f32 v24, v21  }
0xc1: {  	(erf) = vpow2.f32 v20  }
0xc2: {  	[tilespmem:s15+$0x0] =	vst v25;
	v20 =	vpop (erf)  }
0xc3: {  	v24 =	vpop (erf);
	[tilespmem:s5+$0xFFFFFFE0] =	vst v22;
	v20 =	vmul.f32 v20, v21  }
0xc4: {  	[tilespmem:s5+$0xFFFFFFF0] =	vst v23;
	v22 =	vmul.f32 v24, v21;
	v23 =	vpop (erf)  }
0xc5: {  	[tilespmem:s5+$0x0] =	vst v20;
	s5 =	sadd.s32 $0x40, s5;
	v20 =	vmul.f32 v23, v21;
	v23 =	vpop (erf)  }
0xc6: {  	[tilespmem:s5+$0x10] =	vst v22;
	v22 =	vmul.f32 v23, v21;
	v23 =	vpop (erf)  }
0xc7: {  	[tilespmem:s5+$0xFFFFFFE0] =	vst v20;
	v20 =	vmul.f32 v23, v21;
	v23 =	vpop (erf)  }
0xc8: {  	[tilespmem:s5+$0xFFFFFFF0] =	vst v22;
	v22 =	vmul.f32 v23, v21;
	v23 =	vpop (erf)  }
0xc9: {  	[tilespmem:s5+$0x0] =	vst v20;
	s5 =	sadd.s32 $0x40, s5;
	v20 =	vmul.f32 v23, v21;
	v23 =	vpop (erf)  }
0xca: {  	[tilespmem:s5+$0x10] =	vst v22;
	v22 =	vmul.f32 v23, v21;
	v23 =	vpop (erf)  }
0xcb: {  	[tilespmem:s5+$0xFFFFFFE0] =	vst v20;
	v20 =	vmul.f32 v23, v21  }
0xcc: {  	[tilespmem:s5+$0xFFFFFFF0] =	vst v22  }
0xcd: {  	[tilespmem:s5+$0x0] =	vst v20  }
0xce: {  	_ =	swait.ge [sflag:s3], $0x2000  }
0xcf: {  	[sflag:s3] =	ssyncset.done $0x0  }
0xd0: {  	s8 =	simm.s32 $0x40;
	s11 =	rddreg [dreg:$0x8];
	[sflag:s3] =	ssyncadd.s32 $0xFFFFE000  }
0xd1: {  	[hbm4b:s11+s8] =	stream.indirect.scatter [tilespmem:s19], [sflag:$0x6], $0x80, s12, s8, $0xb8;
	[tilespmem:$0x1A280] =	vst v63  }
0xd2: {  	_ =	swait.ge [sflag:s1], $0x4000  }
0xd3: {  	s15 =	simm.s32 $0x0;
	[sflag:s1] =	ssyncset.done $0x0  }
0xd4: {  	s6 =	sand.u32 $0x70, s15;
	[sflag:s1] =	ssyncadd.s32 $0xFFFFC000  }
0xd5: {  	v20 =	vld [tilespmem:s6+$0x4900]  }
0xd6: {  	s18 =	simm.s32 $0x51C0  }
0xd7: {  	v21 =	vld [tilespmem:s18+$0x30]  }
0xd8: {  	v22 =	vld [tilespmem:s18+$0xFFFFFFC0]  }
0xd9: {  	v23 =	vmov s15;
	v31 =	vld [tilespmem:s18+$0xFFFFFFD0]  }
0xda: {  	v26 =	vimm.f32 $0.0e+00;
	v32 =	vld [tilespmem:s18+$0xFFFFFFE0];
	v20 =	vperm.xlane v20, v23  }
0xdb: {  	v27 =	vimm.f32 $0.0e+00;
	v25 =	vimm.f32 $0.0e+00;
	v28 =	vimm.f32 $0.0e+00;
	v29 =	vld [tilespmem:s18+$0xFFFFFFF0]  }
0xdc: {  	v24 =	vimm.f32 $0.0e+00;
	s15 =	simm.s32 $0x1;
	v30 =	vld [tilespmem:s18+$0x0];
	v23 =	vimm.f32 $0.0e+00;
	v34 =	vmul.f32 v21, v20  }
0xdd: {  	s7 =	sand.u32 $0x70, s15;
	s6 =	simm.s32 $0x2;
	v33 =	vld [tilespmem:s18+$0x10];
	v35 =	vmul.f32 v22, v20;
	v22 =	vimm.f32 $0.0e+00;
	v21 =	vimm.f32 $0.0e+00  }
.LBB2_8:
0xde: {  	p1 =	sne.s32 s6, $0x7F;
	v36 =	vld [tilespmem:s7+$0x4900];
	v31 =	vmul.f32 v31, v20;
	v26 =	vadd.f32 v34, v26  }
0xdf: {  	v27 =	vadd.f32 v35, v27;
	v32 =	vmul.f32 v32, v20;
	v34 =	vld [tilespmem:s18+$0x20];
	s18 =	sadd.s32 $0x80, s18  }
0xe0: {  	v35 =	vld [tilespmem:s18+$0x30];
	v28 =	vadd.f32 v31, v28;
	v29 =	vmul.f32 v29, v20  }
0xe1: {  	v37 =	vld [tilespmem:s18+$0xFFFFFFC0];
	v25 =	vadd.f32 v32, v25;
	v30 =	vmul.f32 v30, v20  }
.Ltmp5:
0xe2: {  	v32 =	vmov s15;
	s15 =	smov.u32 s6;
	v31 =	vld [tilespmem:s18+$0xFFFFFFD0];
	v22 =	vadd.f32 v29, v22;
	v33 =	vmul.f32 v33, v20;
	(pc) =	sbr.rel @p1 .LBB2_8-.Ltmp5, $4  }
0xe3: {  	v36 =	vperm.xlane v36, v32;
	v32 =	vld [tilespmem:s18+$0xFFFFFFE0];
	v24 =	vadd.f32 v30, v24  }
0xe4: {  	v29 =	vld [tilespmem:s18+$0xFFFFFFF0];
	v23 =	vadd.f32 v33, v23;
	v38 =	vmul.f32 v34, v20  }
0xe5: {  	v30 =	vld [tilespmem:s18+$0x0];
	v34 =	vmul.f32 v35, v36;
	v20 =	vmov v36  }
0xe6: {  	s6 =	sadd.s32 $0x1, s6;
	s7 =	sand.u32 $0x70, s15;
	v35 =	vmul.f32 v37, v20;
	v33 =	vld [tilespmem:s18+$0x10];
	v21 =	vadd.f32 v38, v21  }
0xe7: {  	v36 =	vld [tilespmem:s7+$0x4900]  }
0xe8: {  	v37 =	vld [tilespmem:s18+$0x20];
	s5 =	sadd.s32 $0x80, s18  }
0xe9: {  	v38 =	vld [tilespmem:s5+$0x30]  }
0xea: {  	v39 =	vld [tilespmem:s5+$0xFFFFFFC0]  }
0xeb: {  	v40 =	vld [tilespmem:s5+$0xFFFFFFD0]  }
0xec: {  	v41 =	vld [tilespmem:s5+$0xFFFFFFE0]  }
0xed: {  	v42 =	vld [tilespmem:s5+$0xFFFFFFF0]  }
0xee: {  	v43 =	vld [tilespmem:s5+$0x0]  }
0xef: {  	v31 =	vmul.f32 v31, v20;
	s11 =	simm.s32 $0x4380;
	v44 =	vld [tilespmem:s5+$0x10]  }
0xf0: {  	v26 =	vadd.f32 v34, v26;
	v57 =	vld [tilespmem:s5+$0x20];
	[tilespmem:s21], [sflag:$0x7] =	stream.indirect.gather [hbm4b:s0+s12], $0x80, s11, s12, $0xb8  }
0xf1: {  	v27 =	vadd.f32 v35, v27;
	v32 =	vmul.f32 v32, v20;
	v31 =	vadd.f32 v31, v28;
	_ =	swait.ge [sflag:s16], $0x4000  }
0xf2: {  	s18 =	simm.s32 $0x0;
	v28 =	vmul.f32 v29, v20;
	v29 =	vmul.f32 v30, v20;
	v30 =	vmov s15;
	[sflag:s16] =	ssyncset.done $0x0  }
0xf3: {  	s6 =	sand.u32 $0x70, s18;
	v32 =	vadd.f32 v32, v25;
	v25 =	vmul.f32 v33, v20;
	[sflag:s16] =	ssyncadd.s32 $0xFFFFC000;
	v58 =	vperm.xlane v36, v30  }
0xf4: {  	v22 =	vadd.f32 v28, v22;
	v59 =	vadd.f32 v29, v24;
	v20 =	vmul.f32 v37, v20;
	v29 =	vld [tilespmem:s6+$0x4980]  }
0xf5: {  	s15 =	simm.s32 $0x91C0;
	v23 =	vadd.f32 v25, v23;
	v24 =	vmul.f32 v38, v58;
	v25 =	vmul.f32 v39, v58  }
0xf6: {  	v60 =	vld [tilespmem:s15+$0x30];
	v20 =	vadd.f32 v20, v21;
	v21 =	vmul.f32 v40, v58;
	v30 =	vmul.f32 v41, v58  }
0xf7: {  	v61 =	vld [tilespmem:s15+$0xFFFFFFC0];
	v63 =	vmul.f32 v44, v58;
	v28 =	vadd.f32 v24, v26;
	v24 =	vadd.f32 v25, v27  }
0xf8: {  	v25 =	vadd.f32 v21, v31;
	v21 =	vadd.f32 v30, v32;
	v30 =	vld [tilespmem:s15+$0xFFFFFFD0];
	v27 =	vmov s18  }
0xf9: {  	v34 =	vmul.f32 v57, v58;
	v31 =	vld [tilespmem:s15+$0xFFFFFFE0];
	v27 =	vperm.xlane v29, v27  }
0xfa: {  	v62 =	vmul.f32 v43, v58;
	v26 =	vmul.f32 v42, v58;
	v29 =	vld [tilespmem:s15+$0xFFFFFFF0]  }
0xfb: {  	v23 =	vadd.f32 v63, v23;
	s18 =	simm.s32 $0x1;
	v32 =	vld [tilespmem:s15+$0x0];
	v20 =	vadd.f32 v34, v20;
	v34 =	vmul.f32 v60, v27  }
0xfc: {  	s6 =	simm.s32 $0x2;
	v33 =	vld [tilespmem:s15+$0x10];
	s7 =	sand.u32 $0x70, s18;
	v22 =	vadd.f32 v26, v22;
	v26 =	vadd.f32 v62, v59;
	v35 =	vmul.f32 v61, v27  }
.LBB2_10:
0xfd: {  	p1 =	sne.s32 s6, $0x7F;
	v36 =	vld [tilespmem:s7+$0x4980];
	v30 =	vmul.f32 v30, v27;
	v28 =	vadd.f32 v34, v28  }
0xfe: {  	v24 =	vadd.f32 v35, v24;
	v31 =	vmul.f32 v31, v27;
	v34 =	vld [tilespmem:s15+$0x20];
	s15 =	sadd.s32 $0x80, s15  }
0xff: {  	v35 =	vld [tilespmem:s15+$0x30];
	v25 =	vadd.f32 v30, v25;
	v29 =	vmul.f32 v29, v27  }
0x100: {  	v37 =	vld [tilespmem:s15+$0xFFFFFFC0];
	v21 =	vadd.f32 v31, v21;
	v32 =	vmul.f32 v32, v27  }
.Ltmp6:
0x101: {  	v31 =	vmov s18;
	s18 =	smov.u32 s6;
	v30 =	vld [tilespmem:s15+$0xFFFFFFD0];
	v22 =	vadd.f32 v29, v22;
	v33 =	vmul.f32 v33, v27;
	(pc) =	sbr.rel @p1 .LBB2_10-.Ltmp6, $4  }
0x102: {  	v36 =	vperm.xlane v36, v31;
	v31 =	vld [tilespmem:s15+$0xFFFFFFE0];
	v26 =	vadd.f32 v32, v26  }
0x103: {  	v29 =	vld [tilespmem:s15+$0xFFFFFFF0];
	v23 =	vadd.f32 v33, v23;
	v38 =	vmul.f32 v34, v27  }
0x104: {  	v32 =	vld [tilespmem:s15+$0x0];
	v34 =	vmul.f32 v35, v36;
	v27 =	vmov v36  }
0x105: {  	s6 =	sadd.s32 $0x1, s6;
	s7 =	sand.u32 $0x70, s18;
	v35 =	vmul.f32 v37, v27;
	v33 =	vld [tilespmem:s15+$0x10];
	v20 =	vadd.f32 v38, v20  }
0x106: {  	v36 =	vld [tilespmem:s7+$0x4980]  }
0x107: {  	v37 =	vld [tilespmem:s15+$0x20];
	s5 =	sadd.s32 $0x80, s15  }
0x108: {  	v38 =	vld [tilespmem:s5+$0x30]  }
0x109: {  	v39 =	vld [tilespmem:s5+$0xFFFFFFC0]  }
0x10a: {  	v40 =	vld [tilespmem:s5+$0xFFFFFFD0]  }
0x10b: {  	v41 =	vld [tilespmem:s5+$0xFFFFFFE0]  }
0x10c: {  	v42 =	vld [tilespmem:s5+$0xFFFFFFF0]  }
0x10d: {  	v43 =	vld [tilespmem:s5+$0x0]  }
0x10e: {  	v30 =	vmul.f32 v30, v27;
	s15 =	simm.s32 $0x4400;
	v44 =	vld [tilespmem:s5+$0x10]  }
0x10f: {  	v28 =	vadd.f32 v34, v28;
	v57 =	vld [tilespmem:s5+$0x20];
	v31 =	vmul.f32 v31, v27;
	[tilespmem:s23], [sflag:$0x8] =	stream.indirect.gather [hbm4b:s0+s12], $0x80, s15, s12, $0xb8  }
0x110: {  	v58 =	vmov s18;
	v25 =	vadd.f32 v30, v25;
	v29 =	vmul.f32 v29, v27;
	_ =	swait.ge [sflag:s24], $0x4000  }
0x111: {  	s18 =	simm.s32 $0x0;
	v30 =	vmul.f32 v32, v27;
	v21 =	vadd.f32 v31, v21;
	[sflag:s24] =	ssyncset.done $0x0;
	v31 =	vmul.f32 v33, v27  }
0x112: {  	v24 =	vadd.f32 v35, v24;
	s6 =	sand.u32 $0x70, s18;
	[sflag:s24] =	ssyncadd.s32 $0xFFFFC000;
	v32 =	vperm.xlane v36, v58;
	v27 =	vmul.f32 v37, v27  }
0x113: {  	v22 =	vadd.f32 v29, v22;
	v26 =	vadd.f32 v30, v26;
	v59 =	vld [tilespmem:s6+$0x4A00]  }
0x114: {  	s15 =	simm.s32 $0xD1C0;
	v29 =	vmul.f32 v38, v32;
	v20 =	vadd.f32 v27, v20;
	v27 =	vmul.f32 v40, v32  }
0x115: {  	v60 =	vld [tilespmem:s15+$0x30];
	v23 =	vadd.f32 v31, v23;
	v30 =	vmul.f32 v39, v32;
	v31 =	vmul.f32 v41, v32  }
0x116: {  	v61 =	vld [tilespmem:s15+$0xFFFFFFC0];
	v34 =	vmul.f32 v57, v32;
	v25 =	vadd.f32 v27, v25;
	v27 =	vmul.f32 v42, v32  }
0x117: {  	v28 =	vadd.f32 v29, v28;
	v24 =	vadd.f32 v30, v24;
	v30 =	vld [tilespmem:s15+$0xFFFFFFD0];
	v29 =	vmov s18  }
0x118: {  	v21 =	vadd.f32 v31, v21;
	v31 =	vld [tilespmem:s15+$0xFFFFFFE0];
	v22 =	vadd.f32 v27, v22;
	v27 =	vperm.xlane v59, v29  }
0x119: {  	v62 =	vmul.f32 v43, v32;
	v63 =	vmul.f32 v44, v32;
	v29 =	vld [tilespmem:s15+$0xFFFFFFF0]  }
0x11a: {  	s18 =	simm.s32 $0x1;
	v32 =	vld [tilespmem:s15+$0x0];
	v20 =	vadd.f32 v34, v20;
	v34 =	vmul.f32 v60, v27  }
0x11b: {  	s6 =	simm.s32 $0x2;
	v33 =	vld [tilespmem:s15+$0x10];
	v26 =	vadd.f32 v62, v26;
	v23 =	vadd.f32 v63, v23;
	s7 =	sand.u32 $0x70, s18;
	v35 =	vmul.f32 v61, v27  }
.LBB2_12:
0x11c: {  	p1 =	sne.s32 s6, $0x7F;
	v36 =	vld [tilespmem:s7+$0x4A00];
	v30 =	vmul.f32 v30, v27;
	v28 =	vadd.f32 v34, v28  }
0x11d: {  	v24 =	vadd.f32 v35, v24;
	v31 =	vmul.f32 v31, v27;
	v34 =	vld [tilespmem:s15+$0x20];
	s15 =	sadd.s32 $0x80, s15  }
0x11e: {  	v35 =	vld [tilespmem:s15+$0x30];
	v25 =	vadd.f32 v30, v25;
	v29 =	vmul.f32 v29, v27  }
0x11f: {  	v37 =	vld [tilespmem:s15+$0xFFFFFFC0];
	v21 =	vadd.f32 v31, v21;
	v32 =	vmul.f32 v32, v27  }
.Ltmp7:
0x120: {  	v31 =	vmov s18;
	s18 =	smov.u32 s6;
	v30 =	vld [tilespmem:s15+$0xFFFFFFD0];
	v22 =	vadd.f32 v29, v22;
	v33 =	vmul.f32 v33, v27;
	(pc) =	sbr.rel @p1 .LBB2_12-.Ltmp7, $4  }
0x121: {  	v36 =	vperm.xlane v36, v31;
	v31 =	vld [tilespmem:s15+$0xFFFFFFE0];
	v26 =	vadd.f32 v32, v26  }
0x122: {  	v29 =	vld [tilespmem:s15+$0xFFFFFFF0];
	v23 =	vadd.f32 v33, v23;
	v38 =	vmul.f32 v34, v27  }
0x123: {  	v32 =	vld [tilespmem:s15+$0x0];
	v34 =	vmul.f32 v35, v36;
	v27 =	vmov v36  }
0x124: {  	s6 =	sadd.s32 $0x1, s6;
	s7 =	sand.u32 $0x70, s18;
	v35 =	vmul.f32 v37, v27;
	v33 =	vld [tilespmem:s15+$0x10];
	v20 =	vadd.f32 v38, v20  }
0x125: {  	v36 =	vld [tilespmem:s7+$0x4A00]  }
0x126: {  	v37 =	vld [tilespmem:s15+$0x20];
	s5 =	sadd.s32 $0x80, s15  }
0x127: {  	v38 =	vld [tilespmem:s5+$0x30]  }
0x128: {  	v39 =	vld [tilespmem:s5+$0xFFFFFFC0]  }
0x129: {  	v40 =	vld [tilespmem:s5+$0xFFFFFFD0]  }
0x12a: {  	v41 =	vld [tilespmem:s5+$0xFFFFFFE0]  }
0x12b: {  	v42 =	vld [tilespmem:s5+$0xFFFFFFF0]  }
0x12c: {  	v43 =	vld [tilespmem:s5+$0x0]  }
0x12d: {  	v30 =	vmul.f32 v30, v27;
	s15 =	simm.s32 $0x4480;
	v44 =	vld [tilespmem:s5+$0x10]  }
0x12e: {  	v28 =	vadd.f32 v34, v28;
	v57 =	vld [tilespmem:s5+$0x20];
	v31 =	vmul.f32 v31, v27;
	[tilespmem:s25], [sflag:$0x9] =	stream.indirect.gather [hbm4b:s0+s12], $0x80, s15, s12, $0xb8  }
0x12f: {  	v58 =	vmov s18;
	v25 =	vadd.f32 v30, v25;
	v29 =	vmul.f32 v29, v27;
	_ =	swait.ge [sflag:s29], $0x4000  }
0x130: {  	s18 =	simm.s32 $0x0;
	v30 =	vmul.f32 v32, v27;
	v21 =	vadd.f32 v31, v21;
	[sflag:s29] =	ssyncset.done $0x0;
	v31 =	vmul.f32 v33, v27  }
0x131: {  	v24 =	vadd.f32 v35, v24;
	s6 =	sand.u32 $0x70, s18;
	[sflag:s29] =	ssyncadd.s32 $0xFFFFC000;
	v32 =	vperm.xlane v36, v58;
	v27 =	vmul.f32 v37, v27  }
0x132: {  	v22 =	vadd.f32 v29, v22;
	v26 =	vadd.f32 v30, v26;
	v59 =	vld [tilespmem:s6+$0x4A80]  }
0x133: {  	s15 =	simm.s32 $0x111C0;
	v29 =	vmul.f32 v38, v32;
	v20 =	vadd.f32 v27, v20;
	v27 =	vmul.f32 v40, v32  }
0x134: {  	v60 =	vld [tilespmem:s15+$0x30];
	v23 =	vadd.f32 v31, v23;
	v30 =	vmul.f32 v39, v32;
	v31 =	vmul.f32 v41, v32  }
0x135: {  	v61 =	vld [tilespmem:s15+$0xFFFFFFC0];
	v34 =	vmul.f32 v57, v32;
	v25 =	vadd.f32 v27, v25;
	v27 =	vmul.f32 v42, v32  }
0x136: {  	v28 =	vadd.f32 v29, v28;
	v24 =	vadd.f32 v30, v24;
	v30 =	vld [tilespmem:s15+$0xFFFFFFD0];
	v29 =	vmov s18  }
0x137: {  	v21 =	vadd.f32 v31, v21;
	v31 =	vld [tilespmem:s15+$0xFFFFFFE0];
	v22 =	vadd.f32 v27, v22;
	v27 =	vperm.xlane v59, v29  }
0x138: {  	v62 =	vmul.f32 v43, v32;
	v63 =	vmul.f32 v44, v32;
	v29 =	vld [tilespmem:s15+$0xFFFFFFF0]  }
0x139: {  	s18 =	simm.s32 $0x1;
	v32 =	vld [tilespmem:s15+$0x0];
	v20 =	vadd.f32 v34, v20;
	v34 =	vmul.f32 v60, v27  }
0x13a: {  	s6 =	simm.s32 $0x2;
	v33 =	vld [tilespmem:s15+$0x10];
	v26 =	vadd.f32 v62, v26;
	v23 =	vadd.f32 v63, v23;
	s7 =	sand.u32 $0x70, s18;
	v35 =	vmul.f32 v61, v27  }
.LBB2_14:
0x13b: {  	p1 =	sne.s32 s6, $0x7F;
	v36 =	vld [tilespmem:s7+$0x4A80];
	v30 =	vmul.f32 v30, v27;
	v28 =	vadd.f32 v34, v28  }
0x13c: {  	v24 =	vadd.f32 v35, v24;
	v31 =	vmul.f32 v31, v27;
	v34 =	vld [tilespmem:s15+$0x20];
	s15 =	sadd.s32 $0x80, s15  }
0x13d: {  	v35 =	vld [tilespmem:s15+$0x30];
	v25 =	vadd.f32 v30, v25;
	v29 =	vmul.f32 v29, v27  }
0x13e: {  	v37 =	vld [tilespmem:s15+$0xFFFFFFC0];
	v21 =	vadd.f32 v31, v21;
	v32 =	vmul.f32 v32, v27  }
.Ltmp8:
0x13f: {  	v31 =	vmov s18;
	s18 =	smov.u32 s6;
	v30 =	vld [tilespmem:s15+$0xFFFFFFD0];
	v22 =	vadd.f32 v29, v22;
	v33 =	vmul.f32 v33, v27;
	(pc) =	sbr.rel @p1 .LBB2_14-.Ltmp8, $4  }
0x140: {  	v36 =	vperm.xlane v36, v31;
	v31 =	vld [tilespmem:s15+$0xFFFFFFE0];
	v26 =	vadd.f32 v32, v26  }
0x141: {  	v29 =	vld [tilespmem:s15+$0xFFFFFFF0];
	v23 =	vadd.f32 v33, v23;
	v38 =	vmul.f32 v34, v27  }
0x142: {  	v32 =	vld [tilespmem:s15+$0x0];
	v34 =	vmul.f32 v35, v36;
	v27 =	vmov v36  }
0x143: {  	s6 =	sadd.s32 $0x1, s6;
	s7 =	sand.u32 $0x70, s18;
	v35 =	vmul.f32 v37, v27;
	v33 =	vld [tilespmem:s15+$0x10];
	v20 =	vadd.f32 v38, v20  }
0x144: {  	v36 =	vld [tilespmem:s7+$0x4A80]  }
0x145: {  	v37 =	vld [tilespmem:s15+$0x20];
	s5 =	sadd.s32 $0x80, s15  }
0x146: {  	v38 =	vld [tilespmem:s5+$0x30]  }
0x147: {  	v39 =	vld [tilespmem:s5+$0xFFFFFFC0]  }
0x148: {  	v40 =	vld [tilespmem:s5+$0xFFFFFFD0]  }
0x149: {  	v41 =	vld [tilespmem:s5+$0xFFFFFFE0]  }
0x14a: {  	v42 =	vld [tilespmem:s5+$0xFFFFFFF0]  }
0x14b: {  	v43 =	vld [tilespmem:s5+$0x0]  }
0x14c: {  	v30 =	vmul.f32 v30, v27;
	s15 =	simm.s32 $0x4500;
	v44 =	vld [tilespmem:s5+$0x10]  }
0x14d: {  	v28 =	vadd.f32 v34, v28;
	v57 =	vld [tilespmem:s5+$0x20];
	v31 =	vmul.f32 v31, v27;
	[tilespmem:s28], [sflag:$0xA] =	stream.indirect.gather [hbm4b:s0+s12], $0x80, s15, s12, $0xb8  }
0x14e: {  	v58 =	vmov s18;
	v25 =	vadd.f32 v30, v25;
	v29 =	vmul.f32 v29, v27;
	_ =	swait.ge [sflag:s22], $0x4000  }
0x14f: {  	s18 =	simm.s32 $0x0;
	v30 =	vmul.f32 v32, v27;
	v21 =	vadd.f32 v31, v21;
	[sflag:s22] =	ssyncset.done $0x0;
	v31 =	vmul.f32 v33, v27  }
0x150: {  	v24 =	vadd.f32 v35, v24;
	s6 =	sand.u32 $0x70, s18;
	[sflag:s22] =	ssyncadd.s32 $0xFFFFC000;
	v32 =	vperm.xlane v36, v58;
	v27 =	vmul.f32 v37, v27  }
0x151: {  	v22 =	vadd.f32 v29, v22;
	v26 =	vadd.f32 v30, v26;
	v59 =	vld [tilespmem:s6+$0x4B00]  }
0x152: {  	s15 =	simm.s32 $0x151C0;
	v29 =	vmul.f32 v38, v32;
	v20 =	vadd.f32 v27, v20;
	v27 =	vmul.f32 v40, v32  }
0x153: {  	v60 =	vld [tilespmem:s15+$0x30];
	v23 =	vadd.f32 v31, v23;
	v30 =	vmul.f32 v39, v32;
	v31 =	vmul.f32 v41, v32  }
0x154: {  	v61 =	vld [tilespmem:s15+$0xFFFFFFC0];
	v34 =	vmul.f32 v57, v32;
	v25 =	vadd.f32 v27, v25;
	v27 =	vmul.f32 v42, v32  }
0x155: {  	v28 =	vadd.f32 v29, v28;
	v24 =	vadd.f32 v30, v24;
	v30 =	vld [tilespmem:s15+$0xFFFFFFD0];
	v29 =	vmov s18  }
0x156: {  	v21 =	vadd.f32 v31, v21;
	v31 =	vld [tilespmem:s15+$0xFFFFFFE0];
	v22 =	vadd.f32 v27, v22;
	v27 =	vperm.xlane v59, v29  }
0x157: {  	v62 =	vmul.f32 v43, v32;
	v63 =	vmul.f32 v44, v32;
	v29 =	vld [tilespmem:s15+$0xFFFFFFF0]  }
0x158: {  	s18 =	simm.s32 $0x1;
	v32 =	vld [tilespmem:s15+$0x0];
	v20 =	vadd.f32 v34, v20;
	v34 =	vmul.f32 v60, v27  }
0x159: {  	s6 =	simm.s32 $0x2;
	v33 =	vld [tilespmem:s15+$0x10];
	v26 =	vadd.f32 v62, v26;
	v23 =	vadd.f32 v63, v23;
	s7 =	sand.u32 $0x70, s18;
	v35 =	vmul.f32 v61, v27  }
.LBB2_16:
0x15a: {  	p1 =	sne.s32 s6, $0x7F;
	v36 =	vld [tilespmem:s7+$0x4B00];
	v30 =	vmul.f32 v30, v27;
	v28 =	vadd.f32 v34, v28  }
0x15b: {  	v24 =	vadd.f32 v35, v24;
	v31 =	vmul.f32 v31, v27;
	v34 =	vld [tilespmem:s15+$0x20];
	s15 =	sadd.s32 $0x80, s15  }
0x15c: {  	v35 =	vld [tilespmem:s15+$0x30];
	v25 =	vadd.f32 v30, v25;
	v29 =	vmul.f32 v29, v27  }
0x15d: {  	v37 =	vld [tilespmem:s15+$0xFFFFFFC0];
	v21 =	vadd.f32 v31, v21;
	v32 =	vmul.f32 v32, v27  }
.Ltmp9:
0x15e: {  	v31 =	vmov s18;
	s18 =	smov.u32 s6;
	v30 =	vld [tilespmem:s15+$0xFFFFFFD0];
	v22 =	vadd.f32 v29, v22;
	v33 =	vmul.f32 v33, v27;
	(pc) =	sbr.rel @p1 .LBB2_16-.Ltmp9, $4  }
0x15f: {  	v36 =	vperm.xlane v36, v31;
	v31 =	vld [tilespmem:s15+$0xFFFFFFE0];
	v26 =	vadd.f32 v32, v26  }
0x160: {  	v29 =	vld [tilespmem:s15+$0xFFFFFFF0];
	v23 =	vadd.f32 v33, v23;
	v38 =	vmul.f32 v34, v27  }
0x161: {  	v32 =	vld [tilespmem:s15+$0x0];
	v34 =	vmul.f32 v35, v36;
	v27 =	vmov v36  }
0x162: {  	s6 =	sadd.s32 $0x1, s6;
	s7 =	sand.u32 $0x70, s18;
	v35 =	vmul.f32 v37, v27;
	v33 =	vld [tilespmem:s15+$0x10];
	v20 =	vadd.f32 v38, v20  }
0x163: {  	v36 =	vld [tilespmem:s7+$0x4B00]  }
0x164: {  	v37 =	vld [tilespmem:s15+$0x20];
	s5 =	sadd.s32 $0x80, s15  }
0x165: {  	v38 =	vld [tilespmem:s5+$0x30]  }
0x166: {  	v39 =	vld [tilespmem:s5+$0xFFFFFFC0]  }
0x167: {  	v40 =	vld [tilespmem:s5+$0xFFFFFFD0]  }
0x168: {  	v41 =	vld [tilespmem:s5+$0xFFFFFFE0]  }
0x169: {  	v42 =	vld [tilespmem:s5+$0xFFFFFFF0]  }
0x16a: {  	v43 =	vld [tilespmem:s5+$0x0]  }
0x16b: {  	v30 =	vmul.f32 v30, v27;
	s15 =	simm.s32 $0x4580;
	v44 =	vld [tilespmem:s5+$0x10]  }
0x16c: {  	v28 =	vadd.f32 v34, v28;
	v57 =	vld [tilespmem:s5+$0x20];
	v31 =	vmul.f32 v31, v27;
	[tilespmem:s30], [sflag:$0xB] =	stream.indirect.gather [hbm4b:s0+s12], $0x80, s15, s12, $0xb8  }
0x16d: {  	v58 =	vmov s18;
	v25 =	vadd.f32 v30, v25;
	v29 =	vmul.f32 v29, v27;
	_ =	swait.ge [sflag:s1], $0x4000  }
0x16e: {  	s18 =	simm.s32 $0x0;
	v30 =	vmul.f32 v32, v27;
	v21 =	vadd.f32 v31, v21;
	[sflag:s1] =	ssyncset.done $0x0;
	v31 =	vmul.f32 v33, v27  }
0x16f: {  	v24 =	vadd.f32 v35, v24;
	s6 =	sand.u32 $0x70, s18;
	[sflag:s1] =	ssyncadd.s32 $0xFFFFC000;
	v32 =	vperm.xlane v36, v58;
	v27 =	vmul.f32 v37, v27  }
0x170: {  	v22 =	vadd.f32 v29, v22;
	v26 =	vadd.f32 v30, v26;
	v59 =	vld [tilespmem:s6+$0x4B80]  }
0x171: {  	s15 =	simm.s32 $0x51C0;
	v29 =	vmul.f32 v38, v32;
	v20 =	vadd.f32 v27, v20;
	v27 =	vmul.f32 v40, v32  }
0x172: {  	v60 =	vld [tilespmem:s15+$0x30];
	v23 =	vadd.f32 v31, v23;
	v30 =	vmul.f32 v39, v32;
	v31 =	vmul.f32 v41, v32  }
0x173: {  	v61 =	vld [tilespmem:s15+$0xFFFFFFC0];
	v34 =	vmul.f32 v57, v32;
	v25 =	vadd.f32 v27, v25;
	v27 =	vmul.f32 v42, v32  }
0x174: {  	v28 =	vadd.f32 v29, v28;
	v24 =	vadd.f32 v30, v24;
	v30 =	vld [tilespmem:s15+$0xFFFFFFD0];
	v29 =	vmov s18  }
0x175: {  	v21 =	vadd.f32 v31, v21;
	v31 =	vld [tilespmem:s15+$0xFFFFFFE0];
	v22 =	vadd.f32 v27, v22;
	v27 =	vperm.xlane v59, v29  }
0x176: {  	v62 =	vmul.f32 v43, v32;
	v63 =	vmul.f32 v44, v32;
	v29 =	vld [tilespmem:s15+$0xFFFFFFF0]  }
0x177: {  	s18 =	simm.s32 $0x1;
	v32 =	vld [tilespmem:s15+$0x0];
	v20 =	vadd.f32 v34, v20;
	v34 =	vmul.f32 v60, v27  }
0x178: {  	s6 =	simm.s32 $0x2;
	v33 =	vld [tilespmem:s15+$0x10];
	v26 =	vadd.f32 v62, v26;
	v23 =	vadd.f32 v63, v23;
	s7 =	sand.u32 $0x70, s18;
	v35 =	vmul.f32 v61, v27  }
.LBB2_18:
0x179: {  	p1 =	sne.s32 s6, $0x7F;
	v36 =	vld [tilespmem:s7+$0x4B80];
	v30 =	vmul.f32 v30, v27;
	v28 =	vadd.f32 v34, v28  }
0x17a: {  	v24 =	vadd.f32 v35, v24;
	v31 =	vmul.f32 v31, v27;
	v34 =	vld [tilespmem:s15+$0x20];
	s15 =	sadd.s32 $0x80, s15  }
0x17b: {  	v35 =	vld [tilespmem:s15+$0x30];
	v25 =	vadd.f32 v30, v25;
	v29 =	vmul.f32 v29, v27  }
0x17c: {  	v37 =	vld [tilespmem:s15+$0xFFFFFFC0];
	v21 =	vadd.f32 v31, v21;
	v32 =	vmul.f32 v32, v27  }
.Ltmp10:
0x17d: {  	v31 =	vmov s18;
	s18 =	smov.u32 s6;
	v30 =	vld [tilespmem:s15+$0xFFFFFFD0];
	v22 =	vadd.f32 v29, v22;
	v33 =	vmul.f32 v33, v27;
	(pc) =	sbr.rel @p1 .LBB2_18-.Ltmp10, $4  }
0x17e: {  	v36 =	vperm.xlane v36, v31;
	v31 =	vld [tilespmem:s15+$0xFFFFFFE0];
	v26 =	vadd.f32 v32, v26  }
0x17f: {  	v29 =	vld [tilespmem:s15+$0xFFFFFFF0];
	v23 =	vadd.f32 v33, v23;
	v38 =	vmul.f32 v34, v27  }
0x180: {  	v32 =	vld [tilespmem:s15+$0x0];
	v34 =	vmul.f32 v35, v36;
	v27 =	vmov v36  }
0x181: {  	s6 =	sadd.s32 $0x1, s6;
	s7 =	sand.u32 $0x70, s18;
	v35 =	vmul.f32 v37, v27;
	v33 =	vld [tilespmem:s15+$0x10];
	v20 =	vadd.f32 v38, v20  }
0x182: {  	v36 =	vld [tilespmem:s7+$0x4B80]  }
0x183: {  	v37 =	vld [tilespmem:s15+$0x20];
	s5 =	sadd.s32 $0x80, s15  }
0x184: {  	v38 =	vld [tilespmem:s5+$0x30]  }
0x185: {  	v39 =	vld [tilespmem:s5+$0xFFFFFFC0]  }
0x186: {  	v40 =	vld [tilespmem:s5+$0xFFFFFFD0]  }
0x187: {  	v41 =	vld [tilespmem:s5+$0xFFFFFFE0]  }
0x188: {  	v42 =	vld [tilespmem:s5+$0xFFFFFFF0]  }
0x189: {  	v43 =	vld [tilespmem:s5+$0x0]  }
0x18a: {  	v30 =	vmul.f32 v30, v27;
	s15 =	simm.s32 $0x4600;
	v44 =	vld [tilespmem:s5+$0x10]  }
0x18b: {  	v28 =	vadd.f32 v34, v28;
	v57 =	vld [tilespmem:s5+$0x20];
	v31 =	vmul.f32 v31, v27;
	[tilespmem:s21], [sflag:$0x7] =	stream.indirect.gather [hbm4b:s0+s12], $0x80, s15, s12, $0xb8  }
0x18c: {  	v58 =	vmov s18;
	v25 =	vadd.f32 v30, v25;
	v29 =	vmul.f32 v29, v27;
	_ =	swait.ge [sflag:s16], $0x4000  }
0x18d: {  	s18 =	simm.s32 $0x0;
	v30 =	vmul.f32 v32, v27;
	v21 =	vadd.f32 v31, v21;
	[sflag:s16] =	ssyncset.done $0x0;
	v31 =	vmul.f32 v33, v27  }
0x18e: {  	v24 =	vadd.f32 v35, v24;
	s6 =	sand.u32 $0x70, s18;
	[sflag:s16] =	ssyncadd.s32 $0xFFFFC000;
	v32 =	vperm.xlane v36, v58;
	v27 =	vmul.f32 v37, v27  }
0x18f: {  	v22 =	vadd.f32 v29, v22;
	v26 =	vadd.f32 v30, v26;
	v59 =	vld [tilespmem:s6+$0x4C00]  }
0x190: {  	s15 =	simm.s32 $0x91C0;
	v29 =	vmul.f32 v38, v32;
	v20 =	vadd.f32 v27, v20;
	v27 =	vmul.f32 v40, v32  }
0x191: {  	v60 =	vld [tilespmem:s15+$0x30];
	v23 =	vadd.f32 v31, v23;
	v30 =	vmul.f32 v39, v32;
	v31 =	vmul.f32 v41, v32  }
0x192: {  	v61 =	vld [tilespmem:s15+$0xFFFFFFC0];
	v34 =	vmul.f32 v57, v32;
	v25 =	vadd.f32 v27, v25;
	v27 =	vmul.f32 v42, v32  }
0x193: {  	v28 =	vadd.f32 v29, v28;
	v24 =	vadd.f32 v30, v24;
	v30 =	vld [tilespmem:s15+$0xFFFFFFD0];
	v29 =	vmov s18  }
0x194: {  	v21 =	vadd.f32 v31, v21;
	v31 =	vld [tilespmem:s15+$0xFFFFFFE0];
	v22 =	vadd.f32 v27, v22;
	v27 =	vperm.xlane v59, v29  }
0x195: {  	v62 =	vmul.f32 v43, v32;
	v63 =	vmul.f32 v44, v32;
	v29 =	vld [tilespmem:s15+$0xFFFFFFF0]  }
0x196: {  	s18 =	simm.s32 $0x1;
	v32 =	vld [tilespmem:s15+$0x0];
	v20 =	vadd.f32 v34, v20;
	v34 =	vmul.f32 v60, v27  }
0x197: {  	s6 =	simm.s32 $0x2;
	v33 =	vld [tilespmem:s15+$0x10];
	v26 =	vadd.f32 v62, v26;
	v23 =	vadd.f32 v63, v23;
	s7 =	sand.u32 $0x70, s18;
	v35 =	vmul.f32 v61, v27  }
.LBB2_20:
0x198: {  	p1 =	sne.s32 s6, $0x7F;
	v36 =	vld [tilespmem:s7+$0x4C00];
	v30 =	vmul.f32 v30, v27;
	v28 =	vadd.f32 v34, v28  }
0x199: {  	v24 =	vadd.f32 v35, v24;
	v31 =	vmul.f32 v31, v27;
	v34 =	vld [tilespmem:s15+$0x20];
	s15 =	sadd.s32 $0x80, s15  }
0x19a: {  	v35 =	vld [tilespmem:s15+$0x30];
	v25 =	vadd.f32 v30, v25;
	v29 =	vmul.f32 v29, v27  }
0x19b: {  	v37 =	vld [tilespmem:s15+$0xFFFFFFC0];
	v21 =	vadd.f32 v31, v21;
	v32 =	vmul.f32 v32, v27  }
.Ltmp11:
0x19c: {  	v31 =	vmov s18;
	s18 =	smov.u32 s6;
	v30 =	vld [tilespmem:s15+$0xFFFFFFD0];
	v22 =	vadd.f32 v29, v22;
	v33 =	vmul.f32 v33, v27;
	(pc) =	sbr.rel @p1 .LBB2_20-.Ltmp11, $4  }
0x19d: {  	v36 =	vperm.xlane v36, v31;
	v31 =	vld [tilespmem:s15+$0xFFFFFFE0];
	v26 =	vadd.f32 v32, v26  }
0x19e: {  	v29 =	vld [tilespmem:s15+$0xFFFFFFF0];
	v23 =	vadd.f32 v33, v23;
	v38 =	vmul.f32 v34, v27  }
0x19f: {  	v32 =	vld [tilespmem:s15+$0x0];
	v34 =	vmul.f32 v35, v36;
	v27 =	vmov v36  }
0x1a0: {  	s6 =	sadd.s32 $0x1, s6;
	s7 =	sand.u32 $0x70, s18;
	v35 =	vmul.f32 v37, v27;
	v33 =	vld [tilespmem:s15+$0x10];
	v20 =	vadd.f32 v38, v20  }
0x1a1: {  	v36 =	vld [tilespmem:s7+$0x4C00]  }
0x1a2: {  	v37 =	vld [tilespmem:s15+$0x20];
	s5 =	sadd.s32 $0x80, s15  }
0x1a3: {  	v38 =	vld [tilespmem:s5+$0x30]  }
0x1a4: {  	v39 =	vld [tilespmem:s5+$0xFFFFFFC0]  }
0x1a5: {  	v40 =	vld [tilespmem:s5+$0xFFFFFFD0]  }
0x1a6: {  	v41 =	vld [tilespmem:s5+$0xFFFFFFE0]  }
0x1a7: {  	v42 =	vld [tilespmem:s5+$0xFFFFFFF0]  }
0x1a8: {  	v43 =	vld [tilespmem:s5+$0x0]  }
0x1a9: {  	v30 =	vmul.f32 v30, v27;
	s15 =	simm.s32 $0x4680;
	v44 =	vld [tilespmem:s5+$0x10]  }
0x1aa: {  	v28 =	vadd.f32 v34, v28;
	v57 =	vld [tilespmem:s5+$0x20];
	v31 =	vmul.f32 v31, v27;
	[tilespmem:s23], [sflag:$0x8] =	stream.indirect.gather [hbm4b:s0+s12], $0x80, s15, s12, $0xb8  }
0x1ab: {  	v58 =	vmov s18;
	v25 =	vadd.f32 v30, v25;
	v29 =	vmul.f32 v29, v27;
	_ =	swait.ge [sflag:s24], $0x4000  }
0x1ac: {  	s18 =	simm.s32 $0x0;
	v30 =	vmul.f32 v32, v27;
	v21 =	vadd.f32 v31, v21;
	[sflag:s24] =	ssyncset.done $0x0;
	v31 =	vmul.f32 v33, v27  }
0x1ad: {  	v24 =	vadd.f32 v35, v24;
	s6 =	sand.u32 $0x70, s18;
	[sflag:s24] =	ssyncadd.s32 $0xFFFFC000;
	v32 =	vperm.xlane v36, v58;
	v27 =	vmul.f32 v37, v27  }
0x1ae: {  	v22 =	vadd.f32 v29, v22;
	v26 =	vadd.f32 v30, v26;
	v59 =	vld [tilespmem:s6+$0x4C80]  }
0x1af: {  	s15 =	simm.s32 $0xD1C0;
	v29 =	vmul.f32 v38, v32;
	v20 =	vadd.f32 v27, v20;
	v27 =	vmul.f32 v40, v32  }
0x1b0: {  	v60 =	vld [tilespmem:s15+$0x30];
	v23 =	vadd.f32 v31, v23;
	v30 =	vmul.f32 v39, v32;
	v31 =	vmul.f32 v41, v32  }
0x1b1: {  	v61 =	vld [tilespmem:s15+$0xFFFFFFC0];
	v34 =	vmul.f32 v57, v32;
	v25 =	vadd.f32 v27, v25;
	v27 =	vmul.f32 v42, v32  }
0x1b2: {  	v28 =	vadd.f32 v29, v28;
	v24 =	vadd.f32 v30, v24;
	v30 =	vld [tilespmem:s15+$0xFFFFFFD0];
	v29 =	vmov s18  }
0x1b3: {  	v21 =	vadd.f32 v31, v21;
	v31 =	vld [tilespmem:s15+$0xFFFFFFE0];
	v22 =	vadd.f32 v27, v22;
	v27 =	vperm.xlane v59, v29  }
0x1b4: {  	v62 =	vmul.f32 v43, v32;
	v63 =	vmul.f32 v44, v32;
	v29 =	vld [tilespmem:s15+$0xFFFFFFF0]  }
0x1b5: {  	s18 =	simm.s32 $0x1;
	v32 =	vld [tilespmem:s15+$0x0];
	v20 =	vadd.f32 v34, v20;
	v34 =	vmul.f32 v60, v27  }
0x1b6: {  	s6 =	simm.s32 $0x2;
	v33 =	vld [tilespmem:s15+$0x10];
	v26 =	vadd.f32 v62, v26;
	v23 =	vadd.f32 v63, v23;
	s7 =	sand.u32 $0x70, s18;
	v35 =	vmul.f32 v61, v27  }
.LBB2_22:
0x1b7: {  	p1 =	sne.s32 s6, $0x7F;
	v36 =	vld [tilespmem:s7+$0x4C80];
	v30 =	vmul.f32 v30, v27;
	v28 =	vadd.f32 v34, v28  }
0x1b8: {  	v24 =	vadd.f32 v35, v24;
	v31 =	vmul.f32 v31, v27;
	v34 =	vld [tilespmem:s15+$0x20];
	s15 =	sadd.s32 $0x80, s15  }
0x1b9: {  	v35 =	vld [tilespmem:s15+$0x30];
	v25 =	vadd.f32 v30, v25;
	v29 =	vmul.f32 v29, v27  }
0x1ba: {  	v37 =	vld [tilespmem:s15+$0xFFFFFFC0];
	v21 =	vadd.f32 v31, v21;
	v32 =	vmul.f32 v32, v27  }
.Ltmp12:
0x1bb: {  	v31 =	vmov s18;
	s18 =	smov.u32 s6;
	v30 =	vld [tilespmem:s15+$0xFFFFFFD0];
	v22 =	vadd.f32 v29, v22;
	v33 =	vmul.f32 v33, v27;
	(pc) =	sbr.rel @p1 .LBB2_22-.Ltmp12, $4  }
0x1bc: {  	v36 =	vperm.xlane v36, v31;
	v31 =	vld [tilespmem:s15+$0xFFFFFFE0];
	v26 =	vadd.f32 v32, v26  }
0x1bd: {  	v29 =	vld [tilespmem:s15+$0xFFFFFFF0];
	v23 =	vadd.f32 v33, v23;
	v38 =	vmul.f32 v34, v27  }
0x1be: {  	v32 =	vld [tilespmem:s15+$0x0];
	v34 =	vmul.f32 v35, v36;
	v27 =	vmov v36  }
0x1bf: {  	s6 =	sadd.s32 $0x1, s6;
	s7 =	sand.u32 $0x70, s18;
	v35 =	vmul.f32 v37, v27;
	v33 =	vld [tilespmem:s15+$0x10];
	v20 =	vadd.f32 v38, v20  }
0x1c0: {  	v36 =	vld [tilespmem:s7+$0x4C80]  }
0x1c1: {  	v37 =	vld [tilespmem:s15+$0x20];
	s5 =	sadd.s32 $0x80, s15  }
0x1c2: {  	v38 =	vld [tilespmem:s5+$0x30]  }
0x1c3: {  	v39 =	vld [tilespmem:s5+$0xFFFFFFC0]  }
0x1c4: {  	v40 =	vld [tilespmem:s5+$0xFFFFFFD0]  }
0x1c5: {  	v41 =	vld [tilespmem:s5+$0xFFFFFFE0]  }
0x1c6: {  	v42 =	vld [tilespmem:s5+$0xFFFFFFF0]  }
0x1c7: {  	v43 =	vld [tilespmem:s5+$0x0]  }
0x1c8: {  	v30 =	vmul.f32 v30, v27;
	s15 =	simm.s32 $0x4700;
	v44 =	vld [tilespmem:s5+$0x10]  }
0x1c9: {  	v28 =	vadd.f32 v34, v28;
	v57 =	vld [tilespmem:s5+$0x20];
	v31 =	vmul.f32 v31, v27;
	[tilespmem:s25], [sflag:$0x9] =	stream.indirect.gather [hbm4b:s0+s12], $0x80, s15, s12, $0xb8  }
0x1ca: {  	v58 =	vmov s18;
	v25 =	vadd.f32 v30, v25;
	v29 =	vmul.f32 v29, v27;
	_ =	swait.ge [sflag:s29], $0x4000  }
0x1cb: {  	s18 =	simm.s32 $0x0;
	v30 =	vmul.f32 v32, v27;
	v21 =	vadd.f32 v31, v21;
	[sflag:s29] =	ssyncset.done $0x0;
	v31 =	vmul.f32 v33, v27  }
0x1cc: {  	v24 =	vadd.f32 v35, v24;
	s6 =	sand.u32 $0x70, s18;
	[sflag:s29] =	ssyncadd.s32 $0xFFFFC000;
	v32 =	vperm.xlane v36, v58;
	v27 =	vmul.f32 v37, v27  }
0x1cd: {  	v22 =	vadd.f32 v29, v22;
	v26 =	vadd.f32 v30, v26;
	v59 =	vld [tilespmem:s6+$0x4D00]  }
0x1ce: {  	s15 =	simm.s32 $0x111C0;
	v29 =	vmul.f32 v38, v32;
	v20 =	vadd.f32 v27, v20;
	v27 =	vmul.f32 v40, v32  }
0x1cf: {  	v60 =	vld [tilespmem:s15+$0x30];
	v23 =	vadd.f32 v31, v23;
	v30 =	vmul.f32 v39, v32;
	v31 =	vmul.f32 v41, v32  }
0x1d0: {  	v61 =	vld [tilespmem:s15+$0xFFFFFFC0];
	v34 =	vmul.f32 v57, v32;
	v25 =	vadd.f32 v27, v25;
	v27 =	vmul.f32 v42, v32  }
0x1d1: {  	v28 =	vadd.f32 v29, v28;
	v24 =	vadd.f32 v30, v24;
	v30 =	vld [tilespmem:s15+$0xFFFFFFD0];
	v29 =	vmov s18  }
0x1d2: {  	v21 =	vadd.f32 v31, v21;
	v31 =	vld [tilespmem:s15+$0xFFFFFFE0];
	v22 =	vadd.f32 v27, v22;
	v27 =	vperm.xlane v59, v29  }
0x1d3: {  	v62 =	vmul.f32 v43, v32;
	v63 =	vmul.f32 v44, v32;
	v29 =	vld [tilespmem:s15+$0xFFFFFFF0]  }
0x1d4: {  	s18 =	simm.s32 $0x1;
	v32 =	vld [tilespmem:s15+$0x0];
	v20 =	vadd.f32 v34, v20;
	v34 =	vmul.f32 v60, v27  }
0x1d5: {  	s6 =	simm.s32 $0x2;
	v33 =	vld [tilespmem:s15+$0x10];
	v26 =	vadd.f32 v62, v26;
	v23 =	vadd.f32 v63, v23;
	s7 =	sand.u32 $0x70, s18;
	v35 =	vmul.f32 v61, v27  }
.LBB2_24:
0x1d6: {  	p1 =	sne.s32 s6, $0x7F;
	v36 =	vld [tilespmem:s7+$0x4D00];
	v30 =	vmul.f32 v30, v27;
	v28 =	vadd.f32 v34, v28  }
0x1d7: {  	v24 =	vadd.f32 v35, v24;
	v31 =	vmul.f32 v31, v27;
	v34 =	vld [tilespmem:s15+$0x20];
	s15 =	sadd.s32 $0x80, s15  }
0x1d8: {  	v35 =	vld [tilespmem:s15+$0x30];
	v25 =	vadd.f32 v30, v25;
	v29 =	vmul.f32 v29, v27  }
0x1d9: {  	v37 =	vld [tilespmem:s15+$0xFFFFFFC0];
	v21 =	vadd.f32 v31, v21;
	v32 =	vmul.f32 v32, v27  }
.Ltmp13:
0x1da: {  	v31 =	vmov s18;
	s18 =	smov.u32 s6;
	v30 =	vld [tilespmem:s15+$0xFFFFFFD0];
	v22 =	vadd.f32 v29, v22;
	v33 =	vmul.f32 v33, v27;
	(pc) =	sbr.rel @p1 .LBB2_24-.Ltmp13, $4  }
0x1db: {  	v36 =	vperm.xlane v36, v31;
	v31 =	vld [tilespmem:s15+$0xFFFFFFE0];
	v26 =	vadd.f32 v32, v26  }
0x1dc: {  	v29 =	vld [tilespmem:s15+$0xFFFFFFF0];
	v23 =	vadd.f32 v33, v23;
	v38 =	vmul.f32 v34, v27  }
0x1dd: {  	v32 =	vld [tilespmem:s15+$0x0];
	v34 =	vmul.f32 v35, v36;
	v27 =	vmov v36  }
0x1de: {  	s6 =	sadd.s32 $0x1, s6;
	s7 =	sand.u32 $0x70, s18;
	v35 =	vmul.f32 v37, v27;
	v33 =	vld [tilespmem:s15+$0x10];
	v20 =	vadd.f32 v38, v20  }
0x1df: {  	v36 =	vld [tilespmem:s7+$0x4D00]  }
0x1e0: {  	v37 =	vld [tilespmem:s15+$0x20];
	s5 =	sadd.s32 $0x80, s15  }
0x1e1: {  	v38 =	vld [tilespmem:s5+$0x30]  }
0x1e2: {  	v39 =	vld [tilespmem:s5+$0xFFFFFFC0]  }
0x1e3: {  	v40 =	vld [tilespmem:s5+$0xFFFFFFD0]  }
0x1e4: {  	v41 =	vld [tilespmem:s5+$0xFFFFFFE0]  }
0x1e5: {  	v42 =	vld [tilespmem:s5+$0xFFFFFFF0]  }
0x1e6: {  	v43 =	vld [tilespmem:s5+$0x0]  }
0x1e7: {  	v30 =	vmul.f32 v30, v27;
	s15 =	simm.s32 $0x4780;
	v44 =	vld [tilespmem:s5+$0x10]  }
0x1e8: {  	v28 =	vadd.f32 v34, v28;
	v57 =	vld [tilespmem:s5+$0x20];
	v31 =	vmul.f32 v31, v27;
	[tilespmem:s28], [sflag:$0xA] =	stream.indirect.gather [hbm4b:s0+s12], $0x80, s15, s12, $0xb8  }
0x1e9: {  	v58 =	vmov s18;
	v25 =	vadd.f32 v30, v25;
	v29 =	vmul.f32 v29, v27;
	_ =	swait.ge [sflag:s22], $0x4000  }
0x1ea: {  	s18 =	simm.s32 $0x0;
	v30 =	vmul.f32 v32, v27;
	v21 =	vadd.f32 v31, v21;
	[sflag:s22] =	ssyncset.done $0x0;
	v31 =	vmul.f32 v33, v27  }
0x1eb: {  	v24 =	vadd.f32 v35, v24;
	s6 =	sand.u32 $0x70, s18;
	[sflag:s22] =	ssyncadd.s32 $0xFFFFC000;
	v32 =	vperm.xlane v36, v58;
	v27 =	vmul.f32 v37, v27  }
0x1ec: {  	v22 =	vadd.f32 v29, v22;
	v26 =	vadd.f32 v30, v26;
	v59 =	vld [tilespmem:s6+$0x4D80]  }
0x1ed: {  	s15 =	simm.s32 $0x151C0;
	v29 =	vmul.f32 v38, v32;
	v20 =	vadd.f32 v27, v20;
	v27 =	vmul.f32 v40, v32  }
0x1ee: {  	v60 =	vld [tilespmem:s15+$0x30];
	v23 =	vadd.f32 v31, v23;
	v30 =	vmul.f32 v39, v32;
	v31 =	vmul.f32 v41, v32  }
0x1ef: {  	v61 =	vld [tilespmem:s15+$0xFFFFFFC0];
	v34 =	vmul.f32 v57, v32;
	v25 =	vadd.f32 v27, v25;
	v27 =	vmul.f32 v42, v32  }
0x1f0: {  	v28 =	vadd.f32 v29, v28;
	v24 =	vadd.f32 v30, v24;
	v30 =	vld [tilespmem:s15+$0xFFFFFFD0];
	v29 =	vmov s18  }
0x1f1: {  	v21 =	vadd.f32 v31, v21;
	v31 =	vld [tilespmem:s15+$0xFFFFFFE0];
	v22 =	vadd.f32 v27, v22;
	v27 =	vperm.xlane v59, v29  }
0x1f2: {  	v62 =	vmul.f32 v43, v32;
	v63 =	vmul.f32 v44, v32;
	v29 =	vld [tilespmem:s15+$0xFFFFFFF0]  }
0x1f3: {  	s18 =	simm.s32 $0x1;
	v32 =	vld [tilespmem:s15+$0x0];
	v20 =	vadd.f32 v34, v20;
	v34 =	vmul.f32 v60, v27  }
0x1f4: {  	s6 =	simm.s32 $0x2;
	v33 =	vld [tilespmem:s15+$0x10];
	v26 =	vadd.f32 v62, v26;
	v23 =	vadd.f32 v63, v23;
	s7 =	sand.u32 $0x70, s18;
	v35 =	vmul.f32 v61, v27  }
.LBB2_26:
0x1f5: {  	p1 =	sne.s32 s6, $0x7F;
	v36 =	vld [tilespmem:s7+$0x4D80];
	v30 =	vmul.f32 v30, v27;
	v28 =	vadd.f32 v34, v28  }
0x1f6: {  	v24 =	vadd.f32 v35, v24;
	v31 =	vmul.f32 v31, v27;
	v34 =	vld [tilespmem:s15+$0x20];
	s15 =	sadd.s32 $0x80, s15  }
0x1f7: {  	v35 =	vld [tilespmem:s15+$0x30];
	v25 =	vadd.f32 v30, v25;
	v29 =	vmul.f32 v29, v27  }
0x1f8: {  	v37 =	vld [tilespmem:s15+$0xFFFFFFC0];
	v21 =	vadd.f32 v31, v21;
	v32 =	vmul.f32 v32, v27  }
.Ltmp14:
0x1f9: {  	v31 =	vmov s18;
	s18 =	smov.u32 s6;
	v30 =	vld [tilespmem:s15+$0xFFFFFFD0];
	v22 =	vadd.f32 v29, v22;
	v33 =	vmul.f32 v33, v27;
	(pc) =	sbr.rel @p1 .LBB2_26-.Ltmp14, $4  }
0x1fa: {  	v36 =	vperm.xlane v36, v31;
	v31 =	vld [tilespmem:s15+$0xFFFFFFE0];
	v26 =	vadd.f32 v32, v26  }
0x1fb: {  	v29 =	vld [tilespmem:s15+$0xFFFFFFF0];
	v23 =	vadd.f32 v33, v23;
	v38 =	vmul.f32 v34, v27  }
0x1fc: {  	v32 =	vld [tilespmem:s15+$0x0];
	v34 =	vmul.f32 v35, v36;
	v27 =	vmov v36  }
0x1fd: {  	s6 =	sadd.s32 $0x1, s6;
	s7 =	sand.u32 $0x70, s18;
	v35 =	vmul.f32 v37, v27;
	v33 =	vld [tilespmem:s15+$0x10];
	v20 =	vadd.f32 v38, v20  }
0x1fe: {  	v36 =	vld [tilespmem:s7+$0x4D80]  }
0x1ff: {  	v37 =	vld [tilespmem:s15+$0x20];
	s5 =	sadd.s32 $0x80, s15  }
0x200: {  	v38 =	vld [tilespmem:s5+$0x30]  }
0x201: {  	v39 =	vld [tilespmem:s5+$0xFFFFFFC0]  }
0x202: {  	v40 =	vld [tilespmem:s5+$0xFFFFFFD0]  }
0x203: {  	v41 =	vld [tilespmem:s5+$0xFFFFFFE0]  }
0x204: {  	v42 =	vld [tilespmem:s5+$0xFFFFFFF0]  }
0x205: {  	v43 =	vld [tilespmem:s5+$0x0]  }
0x206: {  	v30 =	vmul.f32 v30, v27;
	s15 =	simm.s32 $0x4800;
	v44 =	vld [tilespmem:s5+$0x10]  }
0x207: {  	v28 =	vadd.f32 v34, v28;
	v57 =	vld [tilespmem:s5+$0x20];
	v31 =	vmul.f32 v31, v27;
	[tilespmem:s30], [sflag:$0xB] =	stream.indirect.gather [hbm4b:s0+s12], $0x80, s15, s12, $0xb8  }
0x208: {  	v58 =	vmov s18;
	v25 =	vadd.f32 v30, v25;
	v29 =	vmul.f32 v29, v27;
	_ =	swait.ge [sflag:s1], $0x4000  }
0x209: {  	s18 =	simm.s32 $0x0;
	v30 =	vmul.f32 v32, v27;
	v21 =	vadd.f32 v31, v21;
	[sflag:s1] =	ssyncset.done $0x0;
	v31 =	vmul.f32 v33, v27  }
0x20a: {  	v24 =	vadd.f32 v35, v24;
	s6 =	sand.u32 $0x70, s18;
	[sflag:s1] =	ssyncadd.s32 $0xFFFFC000;
	v32 =	vperm.xlane v36, v58;
	v27 =	vmul.f32 v37, v27  }
0x20b: {  	v22 =	vadd.f32 v29, v22;
	v26 =	vadd.f32 v30, v26;
	v59 =	vld [tilespmem:s6+$0x4E00]  }
0x20c: {  	s15 =	simm.s32 $0x51C0;
	v29 =	vmul.f32 v38, v32;
	v20 =	vadd.f32 v27, v20;
	v27 =	vmul.f32 v40, v32  }
0x20d: {  	v60 =	vld [tilespmem:s15+$0x30];
	v23 =	vadd.f32 v31, v23;
	v30 =	vmul.f32 v39, v32;
	v31 =	vmul.f32 v41, v32  }
0x20e: {  	v61 =	vld [tilespmem:s15+$0xFFFFFFC0];
	v34 =	vmul.f32 v57, v32;
	v25 =	vadd.f32 v27, v25;
	v27 =	vmul.f32 v42, v32  }
0x20f: {  	v28 =	vadd.f32 v29, v28;
	v24 =	vadd.f32 v30, v24;
	v30 =	vld [tilespmem:s15+$0xFFFFFFD0];
	v29 =	vmov s18  }
0x210: {  	v21 =	vadd.f32 v31, v21;
	v31 =	vld [tilespmem:s15+$0xFFFFFFE0];
	v22 =	vadd.f32 v27, v22;
	v27 =	vperm.xlane v59, v29  }
0x211: {  	v62 =	vmul.f32 v43, v32;
	v63 =	vmul.f32 v44, v32;
	v29 =	vld [tilespmem:s15+$0xFFFFFFF0]  }
0x212: {  	s18 =	simm.s32 $0x1;
	v32 =	vld [tilespmem:s15+$0x0];
	v20 =	vadd.f32 v34, v20;
	v34 =	vmul.f32 v60, v27  }
0x213: {  	s6 =	simm.s32 $0x2;
	v33 =	vld [tilespmem:s15+$0x10];
	v26 =	vadd.f32 v62, v26;
	v23 =	vadd.f32 v63, v23;
	s7 =	sand.u32 $0x70, s18;
	v35 =	vmul.f32 v61, v27  }
.LBB2_28:
0x214: {  	p1 =	sne.s32 s6, $0x7F;
	v36 =	vld [tilespmem:s7+$0x4E00];
	v30 =	vmul.f32 v30, v27;
	v28 =	vadd.f32 v34, v28  }
0x215: {  	v24 =	vadd.f32 v35, v24;
	v31 =	vmul.f32 v31, v27;
	v34 =	vld [tilespmem:s15+$0x20];
	s15 =	sadd.s32 $0x80, s15  }
0x216: {  	v35 =	vld [tilespmem:s15+$0x30];
	v25 =	vadd.f32 v30, v25;
	v29 =	vmul.f32 v29, v27  }
0x217: {  	v37 =	vld [tilespmem:s15+$0xFFFFFFC0];
	v21 =	vadd.f32 v31, v21;
	v32 =	vmul.f32 v32, v27  }
.Ltmp15:
0x218: {  	v31 =	vmov s18;
	s18 =	smov.u32 s6;
	v30 =	vld [tilespmem:s15+$0xFFFFFFD0];
	v22 =	vadd.f32 v29, v22;
	v33 =	vmul.f32 v33, v27;
	(pc) =	sbr.rel @p1 .LBB2_28-.Ltmp15, $4  }
0x219: {  	v36 =	vperm.xlane v36, v31;
	v31 =	vld [tilespmem:s15+$0xFFFFFFE0];
	v26 =	vadd.f32 v32, v26  }
0x21a: {  	v29 =	vld [tilespmem:s15+$0xFFFFFFF0];
	v23 =	vadd.f32 v33, v23;
	v38 =	vmul.f32 v34, v27  }
0x21b: {  	v32 =	vld [tilespmem:s15+$0x0];
	v34 =	vmul.f32 v35, v36;
	v27 =	vmov v36  }
0x21c: {  	s6 =	sadd.s32 $0x1, s6;
	s7 =	sand.u32 $0x70, s18;
	v35 =	vmul.f32 v37, v27;
	v33 =	vld [tilespmem:s15+$0x10];
	v20 =	vadd.f32 v38, v20  }
0x21d: {  	v36 =	vld [tilespmem:s7+$0x4E00]  }
0x21e: {  	v37 =	vld [tilespmem:s15+$0x20];
	s5 =	sadd.s32 $0x80, s15  }
0x21f: {  	v38 =	vld [tilespmem:s5+$0x30]  }
0x220: {  	v39 =	vld [tilespmem:s5+$0xFFFFFFC0]  }
0x221: {  	v40 =	vld [tilespmem:s5+$0xFFFFFFD0]  }
0x222: {  	v41 =	vld [tilespmem:s5+$0xFFFFFFE0]  }
0x223: {  	v42 =	vld [tilespmem:s5+$0xFFFFFFF0]  }
0x224: {  	v43 =	vld [tilespmem:s5+$0x0]  }
0x225: {  	v30 =	vmul.f32 v30, v27;
	s15 =	simm.s32 $0x4880;
	v44 =	vld [tilespmem:s5+$0x10]  }
0x226: {  	v28 =	vadd.f32 v34, v28;
	v57 =	vld [tilespmem:s5+$0x20];
	v31 =	vmul.f32 v31, v27;
	[tilespmem:s21], [sflag:$0x7] =	stream.indirect.gather [hbm4b:s0+s12], $0x80, s15, s12, $0xb8  }
0x227: {  	v58 =	vmov s18;
	v25 =	vadd.f32 v30, v25;
	v29 =	vmul.f32 v29, v27;
	_ =	swait.ge [sflag:s16], $0x4000  }
0x228: {  	s18 =	simm.s32 $0x0;
	v30 =	vmul.f32 v32, v27;
	v21 =	vadd.f32 v31, v21;
	[sflag:s16] =	ssyncset.done $0x0;
	v31 =	vmul.f32 v33, v27  }
0x229: {  	v24 =	vadd.f32 v35, v24;
	s6 =	sand.u32 $0x70, s18;
	[sflag:s16] =	ssyncadd.s32 $0xFFFFC000;
	v32 =	vperm.xlane v36, v58;
	v27 =	vmul.f32 v37, v27  }
0x22a: {  	v22 =	vadd.f32 v29, v22;
	v26 =	vadd.f32 v30, v26;
	v59 =	vld [tilespmem:s6+$0x4E80]  }
0x22b: {  	s15 =	simm.s32 $0x91C0;
	v29 =	vmul.f32 v38, v32;
	v20 =	vadd.f32 v27, v20;
	v27 =	vmul.f32 v40, v32  }
0x22c: {  	v60 =	vld [tilespmem:s15+$0x30];
	v23 =	vadd.f32 v31, v23;
	v30 =	vmul.f32 v39, v32;
	v31 =	vmul.f32 v41, v32  }
0x22d: {  	v61 =	vld [tilespmem:s15+$0xFFFFFFC0];
	v34 =	vmul.f32 v57, v32;
	v25 =	vadd.f32 v27, v25;
	v27 =	vmul.f32 v42, v32  }
0x22e: {  	v28 =	vadd.f32 v29, v28;
	v24 =	vadd.f32 v30, v24;
	v30 =	vld [tilespmem:s15+$0xFFFFFFD0];
	v29 =	vmov s18  }
0x22f: {  	v21 =	vadd.f32 v31, v21;
	v31 =	vld [tilespmem:s15+$0xFFFFFFE0];
	v22 =	vadd.f32 v27, v22;
	v27 =	vperm.xlane v59, v29  }
0x230: {  	v62 =	vmul.f32 v43, v32;
	v63 =	vmul.f32 v44, v32;
	v29 =	vld [tilespmem:s15+$0xFFFFFFF0]  }
0x231: {  	s18 =	simm.s32 $0x1;
	v32 =	vld [tilespmem:s15+$0x0];
	v20 =	vadd.f32 v34, v20;
	v34 =	vmul.f32 v60, v27  }
0x232: {  	s6 =	simm.s32 $0x2;
	v33 =	vld [tilespmem:s15+$0x10];
	v26 =	vadd.f32 v62, v26;
	v23 =	vadd.f32 v63, v23;
	s7 =	sand.u32 $0x70, s18;
	v35 =	vmul.f32 v61, v27  }
.LBB2_30:
0x233: {  	p1 =	sne.s32 s6, $0x7F;
	v36 =	vld [tilespmem:s7+$0x4E80];
	v30 =	vmul.f32 v30, v27;
	v28 =	vadd.f32 v34, v28  }
0x234: {  	v24 =	vadd.f32 v35, v24;
	v31 =	vmul.f32 v31, v27;
	v34 =	vld [tilespmem:s15+$0x20];
	s15 =	sadd.s32 $0x80, s15  }
0x235: {  	v35 =	vld [tilespmem:s15+$0x30];
	v25 =	vadd.f32 v30, v25;
	v29 =	vmul.f32 v29, v27  }
0x236: {  	v37 =	vld [tilespmem:s15+$0xFFFFFFC0];
	v21 =	vadd.f32 v31, v21;
	v32 =	vmul.f32 v32, v27  }
.Ltmp16:
0x237: {  	v31 =	vmov s18;
	s18 =	smov.u32 s6;
	v30 =	vld [tilespmem:s15+$0xFFFFFFD0];
	v22 =	vadd.f32 v29, v22;
	v33 =	vmul.f32 v33, v27;
	(pc) =	sbr.rel @p1 .LBB2_30-.Ltmp16, $4  }
0x238: {  	v36 =	vperm.xlane v36, v31;
	v31 =	vld [tilespmem:s15+$0xFFFFFFE0];
	v26 =	vadd.f32 v32, v26  }
0x239: {  	v29 =	vld [tilespmem:s15+$0xFFFFFFF0];
	v23 =	vadd.f32 v33, v23;
	v38 =	vmul.f32 v34, v27  }
0x23a: {  	v32 =	vld [tilespmem:s15+$0x0];
	v34 =	vmul.f32 v35, v36;
	v27 =	vmov v36  }
0x23b: {  	s6 =	sadd.s32 $0x1, s6;
	s7 =	sand.u32 $0x70, s18;
	v35 =	vmul.f32 v37, v27;
	v33 =	vld [tilespmem:s15+$0x10];
	v20 =	vadd.f32 v38, v20  }
0x23c: {  	v36 =	vld [tilespmem:s7+$0x4E80]  }
0x23d: {  	v37 =	vld [tilespmem:s15+$0x20];
	s5 =	sadd.s32 $0x80, s15  }
0x23e: {  	v38 =	vld [tilespmem:s5+$0x30]  }
0x23f: {  	v39 =	vld [tilespmem:s5+$0xFFFFFFC0]  }
0x240: {  	v40 =	vld [tilespmem:s5+$0xFFFFFFD0]  }
0x241: {  	v41 =	vld [tilespmem:s5+$0xFFFFFFE0]  }
0x242: {  	v42 =	vld [tilespmem:s5+$0xFFFFFFF0]  }
0x243: {  	v30 =	vmul.f32 v30, v27;
	v43 =	vld [tilespmem:s5+$0x0]  }
0x244: {  	v28 =	vadd.f32 v34, v28;
	v57 =	vld [tilespmem:s5+$0x10];
	v31 =	vmul.f32 v31, v27  }
0x245: {  	v59 =	vmov s18;
	v58 =	vld [tilespmem:s5+$0x20];
	_ =	swait.ge [sflag:s24], $0x4000;
	v25 =	vadd.f32 v30, v25;
	v29 =	vmul.f32 v29, v27  }
0x246: {  	s18 =	simm.s32 $0x0;
	[sflag:s24] =	ssyncset.done $0x0;
	v30 =	vmul.f32 v32, v27;
	v21 =	vadd.f32 v31, v21;
	v31 =	vmul.f32 v33, v27  }
0x247: {  	v24 =	vadd.f32 v35, v24;
	s6 =	sand.u32 $0x70, s18;
	[sflag:s24] =	ssyncadd.s32 $0xFFFFC000;
	v32 =	vperm.xlane v36, v59;
	v27 =	vmul.f32 v37, v27  }
0x248: {  	v22 =	vadd.f32 v29, v22;
	v60 =	vld [tilespmem:s6+$0x4F00];
	v26 =	vadd.f32 v30, v26  }
0x249: {  	s15 =	simm.s32 $0xD1C0;
	v29 =	vmul.f32 v38, v32;
	v20 =	vadd.f32 v27, v20;
	v27 =	vmul.f32 v40, v32  }
0x24a: {  	v61 =	vld [tilespmem:s15+$0x30];
	v23 =	vadd.f32 v31, v23;
	v30 =	vmul.f32 v39, v32;
	v31 =	vmul.f32 v41, v32  }
0x24b: {  	v62 =	vld [tilespmem:s15+$0xFFFFFFC0];
	v34 =	vmul.f32 v57, v32;
	v25 =	vadd.f32 v27, v25;
	v27 =	vmul.f32 v42, v32  }
0x24c: {  	v28 =	vadd.f32 v29, v28;
	v24 =	vadd.f32 v30, v24;
	v30 =	vld [tilespmem:s15+$0xFFFFFFD0];
	v29 =	vmov s18  }
0x24d: {  	v21 =	vadd.f32 v31, v21;
	v31 =	vld [tilespmem:s15+$0xFFFFFFE0];
	v22 =	vadd.f32 v27, v22;
	v27 =	vperm.xlane v60, v29  }
0x24e: {  	v63 =	vmul.f32 v43, v32;
	v35 =	vmul.f32 v58, v32;
	v29 =	vld [tilespmem:s15+$0xFFFFFFF0]  }
0x24f: {  	v23 =	vadd.f32 v34, v23;
	s18 =	simm.s32 $0x1;
	v32 =	vld [tilespmem:s15+$0x0];
	v34 =	vmul.f32 v61, v27  }
0x250: {  	s6 =	simm.s32 $0x2;
	v33 =	vld [tilespmem:s15+$0x10];
	v26 =	vadd.f32 v63, v26;
	v20 =	vadd.f32 v35, v20;
	s7 =	sand.u32 $0x70, s18;
	v35 =	vmul.f32 v62, v27  }
.LBB2_32:
0x251: {  	p1 =	sne.s32 s6, $0x7F;
	v36 =	vld [tilespmem:s7+$0x4F00];
	v30 =	vmul.f32 v30, v27;
	v28 =	vadd.f32 v34, v28  }
0x252: {  	v24 =	vadd.f32 v35, v24;
	v31 =	vmul.f32 v31, v27;
	v34 =	vld [tilespmem:s15+$0x20];
	s15 =	sadd.s32 $0x80, s15  }
0x253: {  	v35 =	vld [tilespmem:s15+$0x30];
	v25 =	vadd.f32 v30, v25;
	v29 =	vmul.f32 v29, v27  }
0x254: {  	v37 =	vld [tilespmem:s15+$0xFFFFFFC0];
	v21 =	vadd.f32 v31, v21;
	v32 =	vmul.f32 v32, v27  }
.Ltmp17:
0x255: {  	v31 =	vmov s18;
	s18 =	smov.u32 s6;
	v30 =	vld [tilespmem:s15+$0xFFFFFFD0];
	v22 =	vadd.f32 v29, v22;
	v33 =	vmul.f32 v33, v27;
	(pc) =	sbr.rel @p1 .LBB2_32-.Ltmp17, $4  }
0x256: {  	v36 =	vperm.xlane v36, v31;
	v31 =	vld [tilespmem:s15+$0xFFFFFFE0];
	v26 =	vadd.f32 v32, v26  }
0x257: {  	v29 =	vld [tilespmem:s15+$0xFFFFFFF0];
	v23 =	vadd.f32 v33, v23;
	v38 =	vmul.f32 v34, v27  }
0x258: {  	v32 =	vld [tilespmem:s15+$0x0];
	v34 =	vmul.f32 v35, v36;
	v27 =	vmov v36  }
0x259: {  	s6 =	sadd.s32 $0x1, s6;
	s7 =	sand.u32 $0x70, s18;
	v35 =	vmul.f32 v37, v27;
	v33 =	vld [tilespmem:s15+$0x10];
	v20 =	vadd.f32 v38, v20  }
0x25a: {  	v36 =	vld [tilespmem:s7+$0x4F00]  }
0x25b: {  	v37 =	vld [tilespmem:s15+$0x20];
	s5 =	sadd.s32 $0x80, s15  }
0x25c: {  	v38 =	vld [tilespmem:s5+$0x30]  }
0x25d: {  	v39 =	vld [tilespmem:s5+$0xFFFFFFC0]  }
0x25e: {  	v40 =	vld [tilespmem:s5+$0xFFFFFFD0]  }
0x25f: {  	v41 =	vld [tilespmem:s5+$0xFFFFFFE0]  }
0x260: {  	v42 =	vld [tilespmem:s5+$0xFFFFFFF0]  }
0x261: {  	v30 =	vmul.f32 v30, v27;
	v43 =	vld [tilespmem:s5+$0x0]  }
0x262: {  	v28 =	vadd.f32 v34, v28;
	v57 =	vld [tilespmem:s5+$0x10];
	v31 =	vmul.f32 v31, v27  }
0x263: {  	v59 =	vmov s18;
	v58 =	vld [tilespmem:s5+$0x20];
	_ =	swait.ge [sflag:s29], $0x4000;
	v25 =	vadd.f32 v30, v25;
	v29 =	vmul.f32 v29, v27  }
0x264: {  	s18 =	simm.s32 $0x0;
	[sflag:s29] =	ssyncset.done $0x0;
	v30 =	vmul.f32 v32, v27;
	v21 =	vadd.f32 v31, v21;
	v31 =	vmul.f32 v33, v27  }
0x265: {  	v24 =	vadd.f32 v35, v24;
	s6 =	sand.u32 $0x70, s18;
	[sflag:s29] =	ssyncadd.s32 $0xFFFFC000;
	v32 =	vperm.xlane v36, v59;
	v27 =	vmul.f32 v37, v27  }
0x266: {  	v22 =	vadd.f32 v29, v22;
	v60 =	vld [tilespmem:s6+$0x4F80];
	v26 =	vadd.f32 v30, v26  }
0x267: {  	s15 =	simm.s32 $0x111C0;
	v29 =	vmul.f32 v38, v32;
	v20 =	vadd.f32 v27, v20;
	v27 =	vmul.f32 v40, v32  }
0x268: {  	v61 =	vld [tilespmem:s15+$0x30];
	v23 =	vadd.f32 v31, v23;
	v30 =	vmul.f32 v39, v32;
	v31 =	vmul.f32 v41, v32  }
0x269: {  	v62 =	vld [tilespmem:s15+$0xFFFFFFC0];
	v34 =	vmul.f32 v57, v32;
	v25 =	vadd.f32 v27, v25;
	v27 =	vmul.f32 v42, v32  }
0x26a: {  	v28 =	vadd.f32 v29, v28;
	v24 =	vadd.f32 v30, v24;
	v30 =	vld [tilespmem:s15+$0xFFFFFFD0];
	v29 =	vmov s18  }
0x26b: {  	v21 =	vadd.f32 v31, v21;
	v31 =	vld [tilespmem:s15+$0xFFFFFFE0];
	v22 =	vadd.f32 v27, v22;
	v27 =	vperm.xlane v60, v29  }
0x26c: {  	v63 =	vmul.f32 v43, v32;
	v35 =	vmul.f32 v58, v32;
	v29 =	vld [tilespmem:s15+$0xFFFFFFF0]  }
0x26d: {  	v23 =	vadd.f32 v34, v23;
	s18 =	simm.s32 $0x1;
	v32 =	vld [tilespmem:s15+$0x0];
	v34 =	vmul.f32 v61, v27  }
0x26e: {  	s6 =	simm.s32 $0x2;
	v33 =	vld [tilespmem:s15+$0x10];
	v26 =	vadd.f32 v63, v26;
	v20 =	vadd.f32 v35, v20;
	s7 =	sand.u32 $0x70, s18;
	v35 =	vmul.f32 v62, v27  }
.LBB2_34:
0x26f: {  	p1 =	sne.s32 s6, $0x7F;
	v36 =	vld [tilespmem:s7+$0x4F80];
	v30 =	vmul.f32 v30, v27;
	v28 =	vadd.f32 v34, v28  }
0x270: {  	v24 =	vadd.f32 v35, v24;
	v31 =	vmul.f32 v31, v27;
	v34 =	vld [tilespmem:s15+$0x20];
	s15 =	sadd.s32 $0x80, s15  }
0x271: {  	v35 =	vld [tilespmem:s15+$0x30];
	v25 =	vadd.f32 v30, v25;
	v29 =	vmul.f32 v29, v27  }
0x272: {  	v37 =	vld [tilespmem:s15+$0xFFFFFFC0];
	v21 =	vadd.f32 v31, v21;
	v32 =	vmul.f32 v32, v27  }
.Ltmp18:
0x273: {  	v31 =	vmov s18;
	s18 =	smov.u32 s6;
	v30 =	vld [tilespmem:s15+$0xFFFFFFD0];
	v22 =	vadd.f32 v29, v22;
	v33 =	vmul.f32 v33, v27;
	(pc) =	sbr.rel @p1 .LBB2_34-.Ltmp18, $4  }
0x274: {  	v36 =	vperm.xlane v36, v31;
	v31 =	vld [tilespmem:s15+$0xFFFFFFE0];
	v26 =	vadd.f32 v32, v26  }
0x275: {  	v29 =	vld [tilespmem:s15+$0xFFFFFFF0];
	v23 =	vadd.f32 v33, v23;
	v38 =	vmul.f32 v34, v27  }
0x276: {  	v32 =	vld [tilespmem:s15+$0x0];
	v34 =	vmul.f32 v35, v36;
	v27 =	vmov v36  }
0x277: {  	s6 =	sadd.s32 $0x1, s6;
	s7 =	sand.u32 $0x70, s18;
	v35 =	vmul.f32 v37, v27;
	v33 =	vld [tilespmem:s15+$0x10];
	v20 =	vadd.f32 v38, v20  }
0x278: {  	v36 =	vld [tilespmem:s7+$0x4F80]  }
0x279: {  	v37 =	vld [tilespmem:s15+$0x20];
	s5 =	sadd.s32 $0x80, s15  }
0x27a: {  	v38 =	vld [tilespmem:s5+$0x30]  }
0x27b: {  	v39 =	vld [tilespmem:s5+$0xFFFFFFC0]  }
0x27c: {  	v40 =	vld [tilespmem:s5+$0xFFFFFFD0]  }
0x27d: {  	v41 =	vld [tilespmem:s5+$0xFFFFFFE0]  }
0x27e: {  	v42 =	vld [tilespmem:s5+$0xFFFFFFF0]  }
0x27f: {  	v30 =	vmul.f32 v30, v27;
	v43 =	vld [tilespmem:s5+$0x0]  }
0x280: {  	v28 =	vadd.f32 v34, v28;
	v57 =	vld [tilespmem:s5+$0x10];
	v31 =	vmul.f32 v31, v27  }
0x281: {  	v59 =	vmov s18;
	v58 =	vld [tilespmem:s5+$0x20];
	_ =	swait.ge [sflag:s22], $0x4000;
	v25 =	vadd.f32 v30, v25;
	v29 =	vmul.f32 v29, v27  }
0x282: {  	s18 =	simm.s32 $0x0;
	[sflag:s22] =	ssyncset.done $0x0;
	v30 =	vmul.f32 v32, v27;
	v21 =	vadd.f32 v31, v21;
	v31 =	vmul.f32 v33, v27  }
0x283: {  	v24 =	vadd.f32 v35, v24;
	s6 =	sand.u32 $0x70, s18;
	[sflag:s22] =	ssyncadd.s32 $0xFFFFC000;
	v32 =	vperm.xlane v36, v59;
	v27 =	vmul.f32 v37, v27  }
0x284: {  	v22 =	vadd.f32 v29, v22;
	v60 =	vld [tilespmem:s6+$0x5000];
	v26 =	vadd.f32 v30, v26  }
0x285: {  	s15 =	simm.s32 $0x151C0;
	v29 =	vmul.f32 v38, v32;
	v20 =	vadd.f32 v27, v20;
	v27 =	vmul.f32 v40, v32  }
0x286: {  	v61 =	vld [tilespmem:s15+$0x30];
	v23 =	vadd.f32 v31, v23;
	v30 =	vmul.f32 v39, v32;
	v31 =	vmul.f32 v41, v32  }
0x287: {  	v62 =	vld [tilespmem:s15+$0xFFFFFFC0];
	v34 =	vmul.f32 v57, v32;
	v25 =	vadd.f32 v27, v25;
	v27 =	vmul.f32 v42, v32  }
0x288: {  	v28 =	vadd.f32 v29, v28;
	v24 =	vadd.f32 v30, v24;
	v30 =	vld [tilespmem:s15+$0xFFFFFFD0];
	v29 =	vmov s18  }
0x289: {  	v21 =	vadd.f32 v31, v21;
	v31 =	vld [tilespmem:s15+$0xFFFFFFE0];
	v22 =	vadd.f32 v27, v22;
	v27 =	vperm.xlane v60, v29  }
0x28a: {  	v63 =	vmul.f32 v43, v32;
	v35 =	vmul.f32 v58, v32;
	v29 =	vld [tilespmem:s15+$0xFFFFFFF0]  }
0x28b: {  	v23 =	vadd.f32 v34, v23;
	s18 =	simm.s32 $0x1;
	v32 =	vld [tilespmem:s15+$0x0];
	v34 =	vmul.f32 v61, v27  }
0x28c: {  	s6 =	simm.s32 $0x2;
	v33 =	vld [tilespmem:s15+$0x10];
	v26 =	vadd.f32 v63, v26;
	v20 =	vadd.f32 v35, v20;
	s7 =	sand.u32 $0x70, s18;
	v35 =	vmul.f32 v62, v27  }
.LBB2_36:
0x28d: {  	p1 =	sne.s32 s6, $0x7F;
	v36 =	vld [tilespmem:s7+$0x5000];
	v30 =	vmul.f32 v30, v27;
	v28 =	vadd.f32 v34, v28  }
0x28e: {  	v24 =	vadd.f32 v35, v24;
	v31 =	vmul.f32 v31, v27;
	v34 =	vld [tilespmem:s15+$0x20];
	s15 =	sadd.s32 $0x80, s15  }
0x28f: {  	v35 =	vld [tilespmem:s15+$0x30];
	v25 =	vadd.f32 v30, v25;
	v29 =	vmul.f32 v29, v27  }
0x290: {  	v37 =	vld [tilespmem:s15+$0xFFFFFFC0];
	v21 =	vadd.f32 v31, v21;
	v32 =	vmul.f32 v32, v27  }
.Ltmp19:
0x291: {  	v31 =	vmov s18;
	s18 =	smov.u32 s6;
	v30 =	vld [tilespmem:s15+$0xFFFFFFD0];
	v22 =	vadd.f32 v29, v22;
	v33 =	vmul.f32 v33, v27;
	(pc) =	sbr.rel @p1 .LBB2_36-.Ltmp19, $4  }
0x292: {  	v36 =	vperm.xlane v36, v31;
	v31 =	vld [tilespmem:s15+$0xFFFFFFE0];
	v26 =	vadd.f32 v32, v26  }
0x293: {  	v29 =	vld [tilespmem:s15+$0xFFFFFFF0];
	v23 =	vadd.f32 v33, v23;
	v38 =	vmul.f32 v34, v27  }
0x294: {  	v32 =	vld [tilespmem:s15+$0x0];
	v34 =	vmul.f32 v35, v36;
	v27 =	vmov v36  }
0x295: {  	s6 =	sadd.s32 $0x1, s6;
	s7 =	sand.u32 $0x70, s18;
	v35 =	vmul.f32 v37, v27;
	v33 =	vld [tilespmem:s15+$0x10];
	v20 =	vadd.f32 v38, v20  }
0x296: {  	v36 =	vld [tilespmem:s7+$0x5000]  }
0x297: {  	v37 =	vld [tilespmem:s15+$0x20];
	s5 =	sadd.s32 $0x80, s15  }
0x298: {  	v38 =	vld [tilespmem:s5+$0x30]  }
0x299: {  	v39 =	vld [tilespmem:s5+$0xFFFFFFC0]  }
0x29a: {  	v40 =	vld [tilespmem:s5+$0xFFFFFFD0]  }
0x29b: {  	v41 =	vld [tilespmem:s5+$0xFFFFFFE0]  }
0x29c: {  	v42 =	vld [tilespmem:s5+$0xFFFFFFF0]  }
0x29d: {  	v30 =	vmul.f32 v30, v27;
	v43 =	vld [tilespmem:s5+$0x0]  }
0x29e: {  	v58 =	vmov s18;
	v57 =	vld [tilespmem:s5+$0x10];
	v24 =	vadd.f32 v35, v24;
	v31 =	vmul.f32 v31, v27  }
0x29f: {  	v25 =	vadd.f32 v30, v25;
	v30 =	vld [tilespmem:s5+$0x20];
	v29 =	vmul.f32 v29, v27;
	_ =	swait.ge [sflag:s1], $0x4000;
	v32 =	vmul.f32 v32, v27  }
0x2a0: {  	s18 =	simm.s32 $0x0;
	v21 =	vadd.f32 v31, v21;
	[sflag:s1] =	ssyncset.done $0x0;
	v31 =	vmul.f32 v33, v27;
	v35 =	vperm.xlane v36, v58  }
0x2a1: {  	s6 =	sand.u32 $0x70, s18;
	v22 =	vadd.f32 v29, v22;
	[sflag:s1] =	ssyncadd.s32 $0xFFFFC000;
	v29 =	vadd.f32 v32, v26  }
0x2a2: {  	v26 =	vmul.f32 v37, v27;
	v60 =	vld [tilespmem:s6+$0x5080];
	v59 =	vadd.f32 v31, v23;
	v23 =	vmul.f32 v38, v35  }
0x2a3: {  	v28 =	vadd.f32 v34, v28;
	s15 =	simm.s32 $0x51C0;
	v27 =	vmul.f32 v39, v35;
	v31 =	vmul.f32 v40, v35  }
0x2a4: {  	v62 =	vld [tilespmem:s15+$0x30];
	v37 =	vadd.f32 v26, v20;
	v61 =	vmul.f32 v41, v35;
	v34 =	vmul.f32 v57, v35  }
0x2a5: {  	v63 =	vld [tilespmem:s15+$0xFFFFFFC0];
	v20 =	vadd.f32 v23, v28;
	v26 =	vadd.f32 v27, v24;
	v23 =	vmul.f32 v42, v35  }
0x2a6: {  	v25 =	vadd.f32 v31, v25;
	v24 =	vadd.f32 v61, v21;
	v31 =	vld [tilespmem:s15+$0xFFFFFFD0];
	v28 =	vmov s18  }
0x2a7: {  	v32 =	vld [tilespmem:s15+$0xFFFFFFE0];
	v21 =	vmul.f32 v43, v35;
	v27 =	vadd.f32 v23, v22;
	v23 =	vperm.xlane v60, v28  }
0x2a8: {  	v33 =	vld [tilespmem:s15+$0xFFFFFFF0];
	v30 =	vmul.f32 v30, v35  }
0x2a9: {  	s6 =	simm.s32 $0x1;
	v28 =	vadd.f32 v21, v29;
	v22 =	vadd.f32 v34, v59;
	v34 =	vld [tilespmem:s15+$0x0];
	v29 =	vmul.f32 v62, v23  }
0x2aa: {  	s7 =	sand.u32 $0x70, s6;
	s18 =	simm.s32 $0x2;
	v21 =	vadd.f32 v30, v37;
	v30 =	vld [tilespmem:s15+$0x10];
	v35 =	vmul.f32 v63, v23  }
.LBB2_38:
0x2ab: {  	p1 =	sne.s32 s18, $0x7F;
	v36 =	vld [tilespmem:s7+$0x5080];
	v31 =	vmul.f32 v31, v23;
	v20 =	vadd.f32 v29, v20  }
0x2ac: {  	v26 =	vadd.f32 v35, v26;
	v29 =	vmul.f32 v32, v23;
	v35 =	vld [tilespmem:s15+$0x20];
	s15 =	sadd.s32 $0x80, s15  }
0x2ad: {  	v37 =	vld [tilespmem:s15+$0x30];
	v25 =	vadd.f32 v31, v25;
	v32 =	vmul.f32 v33, v23  }
0x2ae: {  	v38 =	vld [tilespmem:s15+$0xFFFFFFC0];
	v24 =	vadd.f32 v29, v24;
	v29 =	vmul.f32 v34, v23  }
.Ltmp20:
0x2af: {  	v33 =	vmov s6;
	s6 =	smov.u32 s18;
	v31 =	vld [tilespmem:s15+$0xFFFFFFD0];
	v27 =	vadd.f32 v32, v27;
	v30 =	vmul.f32 v30, v23;
	(pc) =	sbr.rel @p1 .LBB2_38-.Ltmp20, $4  }
0x2b0: {  	v36 =	vperm.xlane v36, v33;
	v32 =	vld [tilespmem:s15+$0xFFFFFFE0];
	v28 =	vadd.f32 v29, v28  }
0x2b1: {  	v33 =	vld [tilespmem:s15+$0xFFFFFFF0];
	v22 =	vadd.f32 v30, v22;
	v39 =	vmul.f32 v35, v23  }
0x2b2: {  	v34 =	vld [tilespmem:s15+$0x0];
	v29 =	vmul.f32 v37, v36;
	v23 =	vmov v36  }
0x2b3: {  	s18 =	sadd.s32 $0x1, s18;
	s7 =	sand.u32 $0x70, s6;
	v35 =	vmul.f32 v38, v23;
	v30 =	vld [tilespmem:s15+$0x10];
	v21 =	vadd.f32 v39, v21  }
0x2b4: {  	v36 =	vld [tilespmem:s7+$0x5080]  }
0x2b5: {  	v37 =	vld [tilespmem:s15+$0x20];
	s5 =	sadd.s32 $0x80, s15  }
0x2b6: {  	v38 =	vld [tilespmem:s5+$0x30]  }
0x2b7: {  	v39 =	vld [tilespmem:s5+$0xFFFFFFC0]  }
0x2b8: {  	v40 =	vld [tilespmem:s5+$0xFFFFFFD0]  }
0x2b9: {  	v42 =	vmov s6;
	v41 =	vld [tilespmem:s5+$0xFFFFFFE0]  }
0x2ba: {  	v31 =	vmul.f32 v31, v23;
	v43 =	vld [tilespmem:s5+$0xFFFFFFF0];
	v36 =	vperm.xlane v36, v42  }
0x2bb: {  	v49 =	vld [tilespmem:s5+$0x0];
	v26 =	vadd.f32 v35, v26;
	v32 =	vmul.f32 v32, v23;
	v33 =	vmul.f32 v33, v23  }
0x2bc: {  	v50 =	vld [tilespmem:s5+$0x10];
	v25 =	vadd.f32 v31, v25;
	v51 =	vmul.f32 v34, v23;
	v52 =	vmul.f32 v39, v36  }
0x2bd: {  	v53 =	vld [tilespmem:s5+$0x20];
	_ =	swait.ge [sflag:s14], $0x2000;
	v24 =	vadd.f32 v32, v24;
	v27 =	vadd.f32 v33, v27;
	v54 =	vmul.f32 v40, v36  }
0x2be: {  	[sflag:s14] =	ssyncset.done $0x0;
	v30 =	vmul.f32 v30, v23;
	v55 =	vmul.f32 v41, v36;
	v26 =	vadd.f32 v52, v26  }
0x2bf: {  	[sflag:s14] =	ssyncadd.s32 $0xFFFFE000;
	v28 =	vadd.f32 v51, v28;
	v56 =	vmul.f32 v43, v36;
	v25 =	vadd.f32 v54, v25  }
0x2c0: {  	v57 =	vmul.f32 v37, v23;
	v58 =	vmul.f32 v49, v36;
	v24 =	vadd.f32 v55, v24;
	[tilespmem:$0x100] =	vst v26  }
0x2c1: {  	v22 =	vadd.f32 v30, v22;
	v60 =	vmul.f32 v50, v36;
	v59 =	vadd.f32 v56, v27;
	[tilespmem:$0x110] =	vst v25  }
0x2c2: {  	v21 =	vadd.f32 v57, v21;
	v62 =	vmul.f32 v53, v36;
	v61 =	vadd.f32 v58, v28;
	[tilespmem:$0x120] =	vst v24  }
0x2c3: {  	v20 =	vadd.f32 v29, v20;
	v63 =	vmul.f32 v38, v36;
	v22 =	vadd.f32 v60, v22;
	[tilespmem:$0x130] =	vst v59  }
0x2c4: {  	v21 =	vadd.f32 v62, v21;
	[tilespmem:$0x140] =	vst v61  }
0x2c5: {  	v20 =	vadd.f32 v63, v20;
	[tilespmem:$0x150] =	vst v22  }
0x2c6: {  	[tilespmem:$0x160] =	vst v21  }
0x2c7: {  	s18 =	rddreg [dreg:$0xc];
	[tilespmem:$0x170] =	vst v20  }
0x2c8: {  	[spmem:s18] =	stream.linear.scatter [tilespmem:s19], [sflag:$0xC], $0x80, $0x38;
	[tilespmem:$0x1A280] =	vst v63  }
.Ltmp21:
0x2c9: {  	_ =	swait.ge [sflag:s26], $0x80;
	(pc) =	sbr.rel @p0 .LBB2_41-.Ltmp21, $3  }
0x2ca: {  	[sflag:s26] =	ssyncset.done $0x0  }
0x2cb: {  	[sflag:s26] =	ssyncadd.s32 $0xFFFFFF80  }
0x2cc: {  	[bflag:$0x0] =	sbarrier.arrive $0xFFFF;
	_ =	sdelay $0x1  }
0x2cd: {  	s5 =	rddreg [dreg:$0x6];
	s6 =	simm.s32 $0x19180  }
0x2ce: {  	[tilespmem:s6], [sflag:$0xC] =	stream.linear.gather [spmem:s5], $0x800, $0x38;
	[tilespmem:$0x1A280] =	vst v63  }
0x2cf: {  	_ =	swait.ge [sflag:s26], $0x800  }
0x2d0: {  	[sflag:s26] =	ssyncset.done $0x0  }
0x2d1: {  	[sflag:s26] =	ssyncadd.s32 $0xFFFFF800  }
0x2d2: {  	v20 =	vld [tilespmem:$0x19180]  }
0x2d3: {  	v21 =	vld [tilespmem:$0x19200]  }
0x2d4: {  	v22 =	vld [tilespmem:$0x19280]  }
0x2d5: {  	v23 =	vld [tilespmem:$0x19300]  }
0x2d6: {  	v24 =	vld [tilespmem:$0x19190]  }
0x2d7: {  	v25 =	vld [tilespmem:$0x19210]  }
0x2d8: {  	v26 =	vld [tilespmem:$0x19290]  }
0x2d9: {  	v27 =	vld [tilespmem:$0x19310]  }
0x2da: {  	[tilespmem:$0x1FF50] =	vst v17;
	v28 =	vld [tilespmem:$0x191A0]  }
0x2db: {  	v29 =	vld [tilespmem:$0x19220];
	[tilespmem:$0x19B80] =	vst v18  }
0x2dc: {  	v30 =	vld [tilespmem:$0x192A0];
	[tilespmem:$0x19B90] =	vst v18  }
0x2dd: {  	v31 =	vld [tilespmem:$0x19320];
	[tilespmem:$0x19BA0] =	vst v18  }
0x2de: {  	v32 =	vld [tilespmem:$0x191B0];
	[tilespmem:$0x19BB0] =	vst v18  }
0x2df: {  	v33 =	vld [tilespmem:$0x19230];
	[tilespmem:$0x19BC0] =	vst v18  }
0x2e0: {  	v34 =	vld [tilespmem:$0x192B0];
	[tilespmem:$0x19BD0] =	vst v18  }
0x2e1: {  	v35 =	vld [tilespmem:$0x19330];
	[tilespmem:$0x19BE0] =	vst v18  }
0x2e2: {  	v36 =	vld [tilespmem:$0x191C0];
	[tilespmem:$0x19BF0] =	vst v18  }
0x2e3: {  	v37 =	vld [tilespmem:$0x19240];
	[tilespmem:$0x19C00] =	vst v18  }
0x2e4: {  	v38 =	vld [tilespmem:$0x192C0];
	[tilespmem:$0x19C10] =	vst v18  }
0x2e5: {  	v39 =	vld [tilespmem:$0x19340];
	[tilespmem:$0x19C20] =	vst v18  }
0x2e6: {  	v40 =	vld [tilespmem:$0x191D0];
	[tilespmem:$0x19C30] =	vst v18  }
0x2e7: {  	v41 =	vld [tilespmem:$0x19250];
	[tilespmem:$0x19C40] =	vst v18  }
0x2e8: {  	v42 =	vld [tilespmem:$0x192D0];
	[tilespmem:$0x19C50] =	vst v18  }
0x2e9: {  	v43 =	vld [tilespmem:$0x19350];
	[tilespmem:$0x19C60] =	vst v18  }
0x2ea: {  	v44 =	vld [tilespmem:$0x191E0];
	[tilespmem:$0x19C70] =	vst v18  }
0x2eb: {  	v45 =	vld [tilespmem:$0x19260];
	[tilespmem:$0x19C80] =	vst v18  }
0x2ec: {  	v46 =	vld [tilespmem:$0x192E0];
	[tilespmem:$0x19C90] =	vst v18  }
0x2ed: {  	v1 =	vld [tilespmem:$0x19600];
	[tilespmem:$0x19CA0] =	vst v18  }
0x2ee: {  	v47 =	vld [tilespmem:$0x19360];
	[tilespmem:$0x19CB0] =	vst v18  }
0x2ef: {  	v48 =	vld [tilespmem:$0x191F0];
	[tilespmem:$0x19CC0] =	vst v18  }
0x2f0: {  	v49 =	vld [tilespmem:$0x19270];
	[tilespmem:$0x19CD0] =	vst v18  }
0x2f1: {  	v50 =	vld [tilespmem:$0x192F0];
	[tilespmem:$0x19CE0] =	vst v18  }
0x2f2: {  	[tilespmem:$0x1FE40] =	vst v1;
	v1 =	vld [tilespmem:$0x19680]  }
0x2f3: {  	v51 =	vld [tilespmem:$0x19370];
	[tilespmem:$0x19CF0] =	vst v18  }
0x2f4: {  	v52 =	vld [tilespmem:$0x19380];
	[tilespmem:$0x19D00] =	vst v18  }
0x2f5: {  	v53 =	vld [tilespmem:$0x19400];
	[tilespmem:$0x19D10] =	vst v18  }
0x2f6: {  	v54 =	vld [tilespmem:$0x19480];
	[tilespmem:$0x19D20] =	vst v18  }
0x2f7: {  	[tilespmem:$0x1FE70] =	vst v1;
	v1 =	vld [tilespmem:$0x19700]  }
0x2f8: {  	v55 =	vld [tilespmem:$0x19500];
	[tilespmem:$0x19D30] =	vst v18  }
0x2f9: {  	v56 =	vld [tilespmem:$0x19390];
	[tilespmem:$0x19D40] =	vst v18  }
0x2fa: {  	v57 =	vld [tilespmem:$0x19410];
	[tilespmem:$0x19D50] =	vst v18  }
0x2fb: {  	v58 =	vld [tilespmem:$0x19490];
	[tilespmem:$0x19D60] =	vst v18  }
0x2fc: {  	[tilespmem:$0x1FEC0] =	vst v1;
	v1 =	vld [tilespmem:$0x19590]  }
0x2fd: {  	v59 =	vld [tilespmem:$0x19510];
	[tilespmem:$0x19D70] =	vst v18  }
0x2fe: {  	v60 =	vld [tilespmem:$0x193A0];
	[tilespmem:$0x19D80] =	vst v18  }
0x2ff: {  	v61 =	vld [tilespmem:$0x19420];
	[tilespmem:$0x19D90] =	vst v18  }
0x300: {  	v62 =	vld [tilespmem:$0x194A0];
	[tilespmem:$0x19DA0] =	vst v18  }
0x301: {  	[tilespmem:$0x1FE60] =	vst v1;
	v1 =	vld [tilespmem:$0x19690]  }
0x302: {  	v63 =	vld [tilespmem:$0x19520];
	[tilespmem:$0x19DB0] =	vst v18  }
0x303: {  	v4 =	vld [tilespmem:$0x193B0];
	[tilespmem:$0x19DC0] =	vst v18  }
0x304: {  	v6 =	vld [tilespmem:$0x19430];
	[tilespmem:$0x19DD0] =	vst v18  }
0x305: {  	v7 =	vld [tilespmem:$0x194B0];
	[tilespmem:$0x19DE0] =	vst v18  }
0x306: {  	[tilespmem:$0x1FE90] =	vst v1;
	v1 =	vld [tilespmem:$0x19710]  }
0x307: {  	v8 =	vld [tilespmem:$0x19530];
	[tilespmem:$0x19DF0] =	vst v18  }
0x308: {  	v9 =	vld [tilespmem:$0x193C0];
	[tilespmem:$0x19E00] =	vst v18  }
0x309: {  	v10 =	vld [tilespmem:$0x19440];
	[tilespmem:$0x19E10] =	vst v18  }
0x30a: {  	v12 =	vld [tilespmem:$0x194C0];
	[tilespmem:$0x19E20] =	vst v18  }
0x30b: {  	[tilespmem:$0x1FEE0] =	vst v1;
	v1 =	vld [tilespmem:$0x195A0]  }
0x30c: {  	v5 =	vld [tilespmem:$0x19540];
	[tilespmem:$0x19E30] =	vst v18  }
0x30d: {  	v16 =	vld [tilespmem:$0x193D0];
	[tilespmem:$0x19E40] =	vst v18  }
0x30e: {  	v0 =	vld [tilespmem:$0x194D0];
	[tilespmem:$0x19E50] =	vst v18  }
0x30f: {  	v11 =	vld [tilespmem:$0x19550];
	[tilespmem:$0x19E60] =	vst v18  }
0x310: {  	[tilespmem:$0x1FE80] =	vst v1;
	v1 =	vld [tilespmem:$0x196A0]  }
0x311: {  	v2 =	vld [tilespmem:$0x193E0];
	[tilespmem:$0x19E70] =	vst v18  }
0x312: {  	v3 =	vld [tilespmem:$0x19460];
	[tilespmem:$0x19E80] =	vst v18  }
0x313: {  	v13 =	vld [tilespmem:$0x19560];
	[tilespmem:$0x19E90] =	vst v18  }
0x314: {  	v15 =	vld [tilespmem:$0x193F0];
	[tilespmem:$0x19EA0] =	vst v18  }
0x315: {  	[tilespmem:$0x1FED0] =	vst v1;
	v1 =	vld [tilespmem:$0x19720]  }
0x316: {  	v17 =	vld [tilespmem:$0x19470];
	[tilespmem:$0x19EB0] =	vst v18  }
0x317: {  	v19 =	vld [tilespmem:$0x194F0];
	[tilespmem:$0x19EC0] =	vst v18  }
0x318: {  	v14 =	vld [tilespmem:$0x19620];
	[tilespmem:$0x19ED0] =	vst v18  }
0x319: {  	[tilespmem:$0x1FE00] =	vst v5;
	v5 =	vld [tilespmem:$0x19450]  }
0x31a: {  	[tilespmem:$0x1FF00] =	vst v1;
	v1 =	vld [tilespmem:$0x195B0]  }
0x31b: {  	[tilespmem:$0x1FE10] =	vst v11;
	v11 =	vld [tilespmem:$0x194E0]  }
0x31c: {  	[tilespmem:$0x1FE20] =	vst v13;
	v13 =	vld [tilespmem:$0x19570]  }
0x31d: {  	[tilespmem:$0x19EE0] =	vst v18;
	v20 =	vadd.f32 v21, v20;
	v21 =	vld [tilespmem:$0x19740]  }
0x31e: {  	[tilespmem:$0x19EF0] =	vst v18;
	v24 =	vadd.f32 v25, v24;
	v25 =	vld [tilespmem:$0x195D0]  }
0x31f: {  	[tilespmem:$0x1FEA0] =	vst v1;
	v1 =	vld [tilespmem:$0x19630]  }
0x320: {  	[tilespmem:$0x19F00] =	vst v18;
	v4 =	vadd.f32 v6, v4;
	v6 =	vld [tilespmem:$0x19880]  }
0x321: {  	[tilespmem:$0x19F10] =	vst v18;
	v9 =	vadd.f32 v10, v9;
	v10 =	vld [tilespmem:$0x19810]  }
0x322: {  	[tilespmem:$0x19F20] =	vst v18;
	v2 =	vadd.f32 v3, v2;
	v3 =	vld [tilespmem:$0x19910]  }
0x323: {  	[tilespmem:$0x19F30] =	vst v18;
	v49 =	vadd.f32 v49, v48;
	v48 =	vld [tilespmem:$0x198B0]  }
0x324: {  	v33 =	vadd.f32 v33, v32;
	[tilespmem:$0x1FEB0] =	vst v1;
	v1 =	vld [tilespmem:$0x196B0]  }
0x325: {  	[tilespmem:$0x19F40] =	vst v18;
	v20 =	vadd.f32 v22, v20;
	v22 =	vadd.f32 v29, v28;
	v28 =	vld [tilespmem:$0x19650]  }
0x326: {  	[tilespmem:$0x19F50] =	vst v18;
	v41 =	vadd.f32 v41, v40;
	v29 =	vld [tilespmem:$0x196D0]  }
0x327: {  	[tilespmem:$0x19F60] =	vst v18;
	v24 =	vadd.f32 v26, v24;
	v26 =	vadd.f32 v34, v33;
	v33 =	vld [tilespmem:$0x196E0]  }
0x328: {  	[tilespmem:$0x19F70] =	vst v18;
	v45 =	vadd.f32 v45, v44;
	v32 =	vadd.f32 v42, v41;
	v41 =	vld [tilespmem:$0x19770]  }
0x329: {  	[tilespmem:$0x1FEF0] =	vst v1;
	v1 =	vld [tilespmem:$0x19730]  }
0x32a: {  	[tilespmem:$0x19F80] =	vst v18;
	v34 =	vadd.f32 v46, v45;
	v45 =	vld [tilespmem:$0x19800]  }
0x32b: {  	[tilespmem:$0x19F90] =	vst v18;
	v46 =	vld [tilespmem:$0x19900]  }
0x32c: {  	[tilespmem:$0x19FA0] =	vst v18;
	v4 =	vadd.f32 v7, v4;
	v7 =	vld [tilespmem:$0x19790]  }
0x32d: {  	[tilespmem:$0x19FB0] =	vst v18;
	v53 =	vadd.f32 v53, v52;
	v9 =	vadd.f32 v12, v9;
	v12 =	vld [tilespmem:$0x197A0]  }
0x32e: {  	v57 =	vadd.f32 v57, v56;
	[tilespmem:$0x1FF30] =	vst v1;
	v1 =	vld [tilespmem:$0x195C0]  }
0x32f: {  	[tilespmem:$0x19FC0] =	vst v18;
	v61 =	vadd.f32 v61, v60;
	v40 =	vadd.f32 v54, v53;
	v54 =	vld [tilespmem:$0x197C0]  }
0x330: {  	[tilespmem:$0x19FD0] =	vst v18;
	v42 =	vadd.f32 v58, v57;
	v58 =	vld [tilespmem:$0x19840]  }
0x331: {  	[tilespmem:$0x19FE0] =	vst v18;
	v44 =	vadd.f32 v62, v61;
	v61 =	vld [tilespmem:$0x197D0]  }
0x332: {  	[tilespmem:$0x19FF0] =	vst v18;
	v62 =	vld [tilespmem:$0x19850]  }
0x333: {  	[tilespmem:$0x1FF10] =	vst v1;
	v1 =	vld [tilespmem:$0x19640]  }
0x334: {  	[tilespmem:$0x1A000] =	vst v18;
	v20 =	vadd.f32 v23, v20;
	v23 =	vld [tilespmem:$0x19750]  }
0x335: {  	[tilespmem:$0x1A010] =	vst v18;
	v37 =	vadd.f32 v37, v36;
	v24 =	vadd.f32 v27, v24;
	v27 =	vld [tilespmem:$0x195E0]  }
0x336: {  	[tilespmem:$0x1A020] =	vst v18;
	v26 =	vadd.f32 v35, v26;
	v35 =	vld [tilespmem:$0x19760]  }
0x337: {  	[tilespmem:$0x1A030] =	vst v18;
	v22 =	vadd.f32 v30, v22;
	v30 =	vadd.f32 v38, v37;
	v37 =	vld [tilespmem:$0x195F0]  }
0x338: {  	v5 =	vadd.f32 v5, v16;
	[tilespmem:$0x1FF20] =	vst v1;
	v1 =	vld [tilespmem:$0x196C0]  }
0x339: {  	[tilespmem:$0x1FE50] =	vst v13;
	v13 =	vld [tilespmem:$0x19580]  }
0x33a: {  	[tilespmem:$0x1A040] =	vst v18;
	v0 =	vadd.f32 v0, v5;
	v5 =	vadd.f32 v17, v15;
	v17 =	vld [tilespmem:$0x1FE50]  }
0x33b: {  	[tilespmem:$0x1A050] =	vst v18;
	v38 =	vld [tilespmem:$0x19670]  }
0x33c: {  	[tilespmem:$0x1A060] =	vst v18;
	v32 =	vadd.f32 v43, v32;
	v43 =	vld [tilespmem:$0x19780]  }
0x33d: {  	v5 =	vadd.f32 v19, v5;
	[tilespmem:$0x1FF40] =	vst v1;
	v1 =	vld [tilespmem:$0x1FE00]  }
0x33e: {  	[tilespmem:$0x1FE30] =	vst v13;
	v13 =	vld [tilespmem:$0x19610]  }
0x33f: {  	[tilespmem:$0x1A070] =	vst v18;
	v5 =	vadd.f32 v17, v5;
	v17 =	vld [tilespmem:$0x1FE60]  }
0x340: {  	[tilespmem:$0x1A080] =	vst v18;
	v4 =	vadd.f32 v8, v4;
	v8 =	vld [tilespmem:$0x19890]  }
0x341: {  	[tilespmem:$0x19980] =	vst v20;
	v20 =	vld [tilespmem:$0x1FE90]  }
0x342: {  	[tilespmem:$0x1A090] =	vst v18;
	v9 =	vadd.f32 v1, v9;
	v1 =	vld [tilespmem:$0x1FE10]  }
0x343: {  	[tilespmem:$0x1A0A0] =	vst v18;
	v16 =	vld [tilespmem:$0x1FE40]  }
0x344: {  	[tilespmem:$0x1A0B0] =	vst v18;
	v22 =	vadd.f32 v31, v22;
	v31 =	vld [tilespmem:$0x19660];
	v13 =	vadd.f32 v13, v17  }
0x345: {  	[tilespmem:$0x1A0C0] =	vst v18;
	v19 =	vld [tilespmem:$0x1FE70]  }
0x346: {  	[tilespmem:$0x1A0D0] =	vst v18;
	v13 =	vadd.f32 v20, v13;
	v20 =	vld [tilespmem:$0x1FEA0]  }
0x347: {  	[tilespmem:$0x1A0E0] =	vst v18;
	v0 =	vadd.f32 v1, v0;
	v1 =	vld [tilespmem:$0x1FE20]  }
0x348: {  	[tilespmem:$0x1A0F0] =	vst v18;
	v34 =	vadd.f32 v47, v34;
	v47 =	vld [tilespmem:$0x1FEB0]  }
0x349: {  	[tilespmem:$0x1A100] =	vst v18;
	v53 =	vld [tilespmem:$0x1FEF0]  }
0x34a: {  	[tilespmem:$0x1A110] =	vst v18;
	v2 =	vadd.f32 v11, v2;
	v56 =	vld [tilespmem:$0x1FF10]  }
0x34b: {  	[tilespmem:$0x1A120] =	vst v18;
	v57 =	vld [tilespmem:$0x1FF20]  }
0x34c: {  	[tilespmem:$0x1A130] =	vst v18;
	v36 =	vadd.f32 v50, v49;
	v2 =	vadd.f32 v1, v2;
	v1 =	vld [tilespmem:$0x1FE30]  }
0x34d: {  	[tilespmem:$0x19A40] =	vst v9;
	v9 =	vld [tilespmem:$0x1FF40]  }
0x34e: {  	v36 =	vadd.f32 v51, v36;
	v30 =	vadd.f32 v39, v30;
	[tilespmem:$0x19A30] =	vst v4;
	v4 =	vld [tilespmem:$0x1FF30]  }
0x34f: {  	[tilespmem:$0x1A140] =	vst v18;
	v42 =	vadd.f32 v59, v42;
	v51 =	vld [tilespmem:$0x19930];
	v20 =	vadd.f32 v47, v20  }
0x350: {  	v7 =	vadd.f32 v10, v7;
	[tilespmem:$0x199C0] =	vst v30;
	v49 =	vld [tilespmem:$0x1FEC0];
	v30 =	vadd.f32 v57, v56  }
0x351: {  	[tilespmem:$0x1A150] =	vst v18;
	v59 =	vld [tilespmem:$0x198C0];
	v20 =	vadd.f32 v53, v20;
	v1 =	vadd.f32 v16, v1  }
0x352: {  	[tilespmem:$0x1A160] =	vst v18;
	v11 =	vld [tilespmem:$0x19820];
	v27 =	vadd.f32 v31, v27;
	v9 =	vadd.f32 v9, v30  }
0x353: {  	[tilespmem:$0x1A170] =	vst v18;
	v4 =	vadd.f32 v4, v20;
	v1 =	vadd.f32 v19, v1;
	v19 =	vld [tilespmem:$0x1FE80]  }
0x354: {  	v39 =	vld [tilespmem:$0x196F0];
	v20 =	vadd.f32 v28, v25;
	[tilespmem:$0x19A60] =	vst v2;
	v2 =	vadd.f32 v21, v9  }
0x355: {  	v15 =	vld [tilespmem:$0x198A0];
	[tilespmem:$0x19AB0] =	vst v4;
	v9 =	vadd.f32 v33, v27;
	v1 =	vadd.f32 v49, v1  }
0x356: {  	v10 =	vld [tilespmem:$0x197E0];
	v4 =	vadd.f32 v8, v7;
	[tilespmem:$0x19A50] =	vst v0;
	v0 =	vadd.f32 v29, v20  }
0x357: {  	v17 =	vld [tilespmem:$0x197B0];
	v20 =	vadd.f32 v38, v37;
	[tilespmem:$0x19A80] =	vst v1;
	v1 =	vadd.f32 v35, v9  }
0x358: {  	[tilespmem:$0x19990] =	vst v24;
	v9 =	vadd.f32 v45, v43;
	v14 =	vadd.f32 v14, v19;
	v19 =	vld [tilespmem:$0x19830]  }
0x359: {  	[tilespmem:$0x19A70] =	vst v5;
	v0 =	vadd.f32 v23, v0;
	v5 =	vadd.f32 v39, v20;
	v16 =	vld [tilespmem:$0x19920]  }
0x35a: {  	[tilespmem:$0x199B0] =	vst v26;
	v8 =	vld [tilespmem:$0x197F0];
	v6 =	vadd.f32 v6, v9;
	v9 =	vadd.f32 v11, v12  }
0x35b: {  	v44 =	vadd.f32 v63, v44;
	v20 =	vld [tilespmem:$0x198D0];
	v5 =	vadd.f32 v41, v5;
	[tilespmem:$0x19AD0] =	vst v0  }
0x35c: {  	[tilespmem:$0x19AC0] =	vst v2;
	v11 =	vld [tilespmem:$0x19860];
	v2 =	vadd.f32 v46, v6;
	v6 =	vadd.f32 v15, v9  }
0x35d: {  	v0 =	vadd.f32 v3, v4;
	[tilespmem:$0x19AF0] =	vst v5;
	v9 =	vld [tilespmem:$0x19870];
	v7 =	vadd.f32 v19, v17  }
0x35e: {  	v63 =	vld [tilespmem:$0x19950];
	v5 =	vadd.f32 v62, v61;
	[tilespmem:$0x19AE0] =	vst v1;
	v1 =	vadd.f32 v16, v6  }
0x35f: {  	[tilespmem:$0x199D0] =	vst v32;
	v6 =	vadd.f32 v58, v54;
	v3 =	vadd.f32 v48, v7;
	v7 =	vld [tilespmem:$0x198F0]  }
0x360: {  	v50 =	vld [tilespmem:$0x1FED0];
	[tilespmem:$0x19B10] =	vst v0;
	v0 =	vadd.f32 v20, v5  }
0x361: {  	[tilespmem:$0x19B00] =	vst v2;
	v2 =	vadd.f32 v59, v6;
	v6 =	vadd.f32 v11, v10;
	v10 =	vld [tilespmem:$0x19970]  }
0x362: {  	v60 =	vld [tilespmem:$0x19940];
	[tilespmem:$0x199E0] =	vst v34;
	v5 =	vadd.f32 v9, v8;
	v3 =	vadd.f32 v51, v3  }
0x363: {  	v40 =	vadd.f32 v55, v40;
	[tilespmem:$0x199F0] =	vst v36;
	v55 =	vld [tilespmem:$0x1FF00]  }
0x364: {  	v52 =	vld [tilespmem:$0x1FEE0];
	v0 =	vadd.f32 v63, v0;
	[tilespmem:$0x19B30] =	vst v3;
	v3 =	vadd.f32 v7, v5  }
0x365: {  	[tilespmem:$0x19A00] =	vst v40;
	v4 =	vld [tilespmem:$0x198E0]  }
0x366: {  	[tilespmem:$0x19B50] =	vst v0;
	v12 =	vld [tilespmem:$0x19960];
	v14 =	vadd.f32 v50, v14;
	v0 =	vadd.f32 v10, v3  }
0x367: {  	[tilespmem:$0x19A10] =	vst v42;
	v17 =	vld [tilespmem:$0x1FF50]  }
0x368: {  	v14 =	vadd.f32 v55, v14;
	[tilespmem:$0x19B70] =	vst v0;
	v0 =	vld [tilespmem:$0x1FF60]  }
0x369: {  	[tilespmem:$0x19A20] =	vst v44  }
0x36a: {  	v16 =	vld [tilespmem:$0x1FFF0];
	[tilespmem:$0x19AA0] =	vst v14  }
0x36b: {  	v14 =	vld [tilespmem:$0x1FFE0];
	[tilespmem:$0x19B20] =	vst v1;
	v1 =	vadd.f32 v60, v2;
	v2 =	vadd.f32 v4, v6  }
0x36c: {  	[tilespmem:$0x199A0] =	vst v22;
	v13 =	vadd.f32 v52, v13;
	v4 =	vld [tilespmem:$0x1FFB0]  }
0x36d: {  	[tilespmem:$0x19B40] =	vst v1;
	v1 =	vadd.f32 v12, v2;
	v12 =	vld [tilespmem:$0x1FFD0];
	v0 =	vperm.xlane v17, v0  }
0x36e: {  	[tilespmem:$0x19A90] =	vst v13;
	v2 =	vld [tilespmem:$0x1FF90]  }
0x36f: {  	s18 =	simm.s32 $0x10;
	s7 =	simm.s32 $0x1A180;
	[tilespmem:$0x19B60] =	vst v1;
	v1 =	vld [tilespmem:$0x1FF80];
	v0 =	vnsel vm0, $0x800, v0  }
.Ltmp22:
0x370: {  	s10 =	simm.s32 $0x19980;
	s15 =	rddreg [dreg:$0x8];
	v10 =	vld [tilespmem:$0x1FFC0];
	[tilespmem:$0x1A180] =	vst v0;
	(pc) =	sbr.rel .LBB2_41-.Ltmp22, $4  }
0x371: {  	v3 =	vld [tilespmem:$0x1FFA0];
	[hbm4b:s15+s18] =	stream.indirect.scatter [tilespmem:s10], [sflag:$0x6], $0x80, s7, s18, $0xb8  }
0x372: {  	v13 =	vimm.s32 $0x6;
	v15 =	vimm.s32 $0x7;
	v0 =	vld [tilespmem:$0x1FF70];
	_ =	swait.ge [sflag:s14], $0x800  }
0x373: {  	v11 =	vimm.s32 $0x5;
	v9 =	vimm.s32 $0x4;
	v8 =	vimm.s32 $0x3;
	[sflag:s14] =	ssyncset.done $0x0  }
0x374: {  	v6 =	vimm.s32 $0x1;
	v7 =	vimm.s32 $0x2;
	v5 =	vimm.s32 $0x0;
	[sflag:s14] =	ssyncadd.s32 $0xFFFFF800  }
.LBB2_42:
0x375: {  	_ =	sfence.sel $0x180000  }
0x376: {  	[bflag:$0x0] =	sbarrier.arrive $0xFFFF  }
0x377: {  	_ =	strace $0x90000047  }
0x378: {  	[bflag:$0x2] =	sbarrier.arrive $0xFFFF  }
0x379: {  	s0 =	rddreg [dreg:$0x7]  }
0x37a: {  	s0 =	sadd.s32 @!p0 $0x100000, s0  }
0x37b: {  	[sflag:s0] =	ssyncadd.tile.s32 @!p0 $0x1;
	_ =	shalt  }
.Lfunc_end2:
_tile_overlayer_lowered:
.L_overlay_start_2:
0x37c: {  	(tag) =	ssettag $0x2  }
0x37d: {  	s0 =	rddreg [dreg:$0x0];
	s2 =	stileid.u32  }
0x37e: {  	s1 =	rddreg [dreg:$0x1];
	p0 =	sne.s32 s2, $0x0  }
0x37f: {  	s3 =	rddreg [dreg:$0x2];
	[bflag:$0x3] =	sbarrier.arrive $0xFFFF;
	s2 =	simm.s32 @!p0 $0x1C0C  }
0x380: {  	[timem:s3], [sflag:s2] =	dma.local @!p0 [hbm:s0], s1  }
0x381: {  	s0 =	simm.s32 @!p0 $0xC  }
0x382: {  	_ =	swait.ge @!p0 [sflag:s0], s1  }
0x383: {  	s1 =	ssub.s32 @!p0 $0x0, s1;
	[sflag:s0] =	ssyncset.done @!p0 $0x0  }
0x384: {  	[sflag:s0] =	ssyncadd.s32 @!p0 s1  }
0x385: {  	[bflag:$0x3] =	sbarrier.arrive $0xFFFF  }
0x386: {  	_ =	shalt  }

</sc_bundles>
